<compile_context>
chip_gen: v7x
topology: tpu7x:2x2x1
jax: 0.10.2.dev20260603
libtpu: 0.0.44.dev20260713+nightly
codegen_flags: <defaults>
</compile_context>

<pallas_src>
import jax
import jax.numpy as jnp
from jax import lax
from jax.experimental import pallas as pl
from jax.experimental.pallas import tpu as pltpu
from jax.experimental.pallas import tpu_sc as plsc

N = 10000
E = 320000
D = 128
NC, NS, L = 2, 16, 16
NW = NC * NS
NPAD = 10240
CH = 128
EPAD = NW * 80 * CH
NROWS = EPAD // CH
NREAL = E // CH
SL = NPAD // NS
RPS = NPAD // NS
SHIFT = 14
MASK = (1 << SHIFT) - 1


def _rsqrt_newton(d):
    yi = jnp.int32(0x5F3759DF) - lax.shift_right_logical(
        lax.bitcast_convert_type(d, jnp.int32), 1)
    y = lax.bitcast_convert_type(yi, jnp.float32)
    for _ in range(3):
        y = y * (1.5 - 0.5 * d * y * y)
    return y


_DROWS = NROWS // NS
_DFIRE = 8


def _deg_body(epk_hbm, norm_hbm, epk_v, idx_v, ones_v, slice_v, deg_sh, sem):
    c = lax.axis_index("c")
    s = lax.axis_index("s")
    for j in range(CH // L):
        ones_v[pl.ds(j * L, L)] = jnp.ones((L,), jnp.float32)
    for j in range(SL // L):
        slice_v[pl.ds(j * L, L)] = jnp.zeros((L,), jnp.float32)
    pltpu.sync_copy(slice_v, deg_sh.at[pl.ds(s * SL, SL)])
    pltpu.sync_copy(epk_hbm.at[pl.ds(s * _DROWS, _DROWS)], epk_v)
    sh = SHIFT * (1 - c)

    def unpack(i, carry):
        for j in range(CH // L):
            e = epk_v[i, pl.ds(j * L, L)]
            idx_v[i, pl.ds(j * L, L)] = (
                lax.shift_right_logical(e, sh) & MASK)
        return carry

    lax.fori_loop(0, _DROWS, unpack, 0)
    plsc.subcore_barrier()

    def body(i, carry):
        r0 = i * _DFIRE
        for j in range(_DFIRE):
            @pl.when(s * _DROWS + r0 + j < NREAL)
            def _():
                pltpu.async_copy(ones_v, deg_sh.at[idx_v.at[r0 + j]], sem,
                                 add=True)
        for j in range(_DFIRE):
            @pl.when(s * _DROWS + r0 + j < NREAL)
            def _():
                pltpu.make_async_copy(
                    ones_v, deg_sh.at[idx_v.at[r0 + j]], sem).wait()
        return carry

    lax.fori_loop(0, _DROWS // _DFIRE, body, 0)
    plsc.subcore_barrier()

    pltpu.sync_copy(deg_sh.at[pl.ds(s * SL, SL)], slice_v)

    def rs(i, carry):
        d = jnp.maximum(slice_v[pl.ds(i * L, L)], 1.0)
        slice_v[pl.ds(i * L, L)] = _rsqrt_newton(d)
        return carry

    lax.fori_loop(0, SL // L, rs, 0)
    pltpu.sync_copy(slice_v, norm_hbm.at[pl.ds(c * NPAD + s * SL, SL)])


_deg_call = pl.kernel(
    _deg_body,
    out_type=jax.ShapeDtypeStruct((NC * NPAD,), jnp.float32),
    mesh=plsc.VectorSubcoreMesh(core_axis_name="c", subcore_axis_name="s"),
    scratch_types=[
        pltpu.VMEM((_DROWS, CH), jnp.int32),
        pltpu.VMEM((_DROWS, CH), jnp.int32),
        pltpu.VMEM((CH,), jnp.float32),
        pltpu.VMEM((SL,), jnp.float32),
        pltpu.VMEM_SHARED((NPAD,), jnp.float32),
        pltpu.SemaphoreType.DMA,
    ],
)


_AROWS = NROWS // NW
GCH = 64
_NCHK = _AROWS * CH // GCH
_NBUF = 4


def _agg_body(feat_hbm, epk_hbm, part_hbm,
              epk_v, si_v, di_v, bufs, acc_sh, sems):
    c = lax.axis_index("c")
    s = lax.axis_index("s")
    w = c * NS + s

    def zrow(i, carry):
        for j in range(D // L):
            bufs[0, i, pl.ds(j * L, L)] = jnp.zeros((L,), jnp.float32)
        return carry

    lax.fori_loop(0, GCH, zrow, 0)
    for k in range(RPS // GCH):
        pltpu.sync_copy(bufs.at[0], acc_sh.at[pl.ds(s * RPS + k * GCH, GCH)])
    pltpu.sync_copy(epk_hbm.at[pl.ds(w * _AROWS, _AROWS)], epk_v)

    def unpack_src(row, off, slot):
        for j in range(GCH // L):
            e = epk_v[row, pl.ds(off + j * L, L)]
            si_v[slot, pl.ds(j * L, L)] = lax.shift_right_logical(e, SHIFT)

    def unpack_dst(row, off):
        for j in range(GCH // L):
            e = epk_v[row, pl.ds(off + j * L, L)]
            di_v[pl.ds(j * L, L)] = e & MASK

    def fire(slot):
        pltpu.async_copy(feat_hbm.at[si_v.at[slot]], bufs.at[slot],
                         sems.at[slot])

    def wait(slot):
        pltpu.make_async_copy(feat_hbm.at[si_v.at[slot]], bufs.at[slot],
                              sems.at[slot]).wait()

    plsc.subcore_barrier()

    for k in range(_NBUF - 1):
        unpack_src(k // 2, (k % 2) * GCH, k)
        fire(k)

    def body(i4, carry):
        for k in range(_NBUF):
            wait(k)

            @pl.when(4 * i4 + k + 3 < _NCHK)
            def _():
                k3 = k + 3
                unpack_src(2 * i4 + k3 // 2, (k3 % 2) * GCH, (k + 3) % _NBUF)
                fire((k + 3) % _NBUF)

            unpack_dst(2 * i4 + k // 2, (k % 2) * GCH)
            pltpu.sync_copy(bufs.at[k], acc_sh.at[di_v], add=True)
        return carry

    lax.fori_loop(0, _NCHK // _NBUF, body, 0)
    plsc.subcore_barrier()

    nw_ = RPS // GCH
    pltpu.sync_copy(acc_sh.at[pl.ds(s * RPS, GCH)], bufs.at[0])
    for k in range(nw_):
        r0 = s * RPS + k * GCH
        wd = pltpu.async_copy(bufs.at[k % 2], part_hbm.at[c, pl.ds(r0, GCH)],
                              sems.at[_NBUF])
        if k + 1 < nw_:
            pltpu.sync_copy(acc_sh.at[pl.ds(r0 + GCH, GCH)],
                            bufs.at[(k + 1) % 2])
        wd.wait()


_agg_call = pl.kernel(
    _agg_body,
    out_type=jax.ShapeDtypeStruct((NC, NPAD, D), jnp.float32),
    mesh=plsc.VectorSubcoreMesh(core_axis_name="c", subcore_axis_name="s"),
    scratch_types=[
        pltpu.VMEM((_AROWS, CH), jnp.int32),
        pltpu.VMEM((_NBUF, GCH), jnp.int32),
        pltpu.VMEM((GCH,), jnp.int32),
        pltpu.VMEM((_NBUF, GCH, D), jnp.float32),
        pltpu.VMEM_SHARED((NPAD, D), jnp.float32),
        pltpu.SemaphoreType.DMA((_NBUF + 1,)),
    ],
)


_RB = 2000


def _prep_body(x_ref, n_ref, o_ref):
    o_ref[...] = x_ref[...] * n_ref[...]


_prep_call = pl.pallas_call(
    _prep_body,
    grid=(N // _RB,),
    in_specs=[
        pl.BlockSpec((_RB, D), lambda i: (i, 0)),
        pl.BlockSpec((_RB, 1), lambda i: (i, 0)),
    ],
    out_specs=pl.BlockSpec((_RB, D), lambda i: (i, 0)),
    out_shape=jax.ShapeDtypeStruct((N, D), jnp.float32),
)


def _final_body(p_ref, n_ref, w_ref, b_ref, o_ref):
    acc = (p_ref[0] + p_ref[1]) * n_ref[...]
    o_ref[...] = jnp.dot(acc, w_ref[...],
                         preferred_element_type=jnp.float32) + b_ref[...]


_final_call = pl.pallas_call(
    _final_body,
    grid=(N // _RB,),
    in_specs=[
        pl.BlockSpec((NC, _RB, D), lambda i: (0, i, 0)),
        pl.BlockSpec((_RB, 1), lambda i: (i, 0)),
        pl.BlockSpec((D, D), lambda i: (0, 0)),
        pl.BlockSpec((1, D), lambda i: (0, 0)),
    ],
    out_specs=pl.BlockSpec((_RB, D), lambda i: (i, 0)),
    out_shape=jax.ShapeDtypeStruct((N, D), jnp.float32),
)


def kernel(x, edge_index, weight, bias):
    npad = EPAD - E
    pad_src = jnp.arange(npad, dtype=jnp.int32) % N
    pad_dst = N + jnp.arange(npad, dtype=jnp.int32) % (NPAD - N)
    srcp = jnp.concatenate([edge_index[0], pad_src])
    dstp = jnp.concatenate([edge_index[1], pad_dst])
    epk = ((srcp << SHIFT) | dstp).reshape(NROWS, CH)
    norms = _deg_call(epk)
    n_src = norms[0:N].reshape(N, 1)
    n_dst = norms[NPAD:NPAD + N].reshape(N, 1)
    feat = _prep_call(x, n_src)
    parts = _agg_call(feat, epk)
    return _final_call(parts, n_dst, weight, bias.reshape(1, D))

# --- scband reference (transcript-rebuilt; emitter-appended) ---
"""Pipeline reference for scband-graph-conv-4028679324256 (READ-ONLY COPY).

The authoritative reference and input builder live on the scoring server;
editing this copy changes nothing except your own understanding.
"""

import jax, jax.numpy as jnp
import numpy as np

N_NODES = 10000
N_EDGES = 320000
D_IN = 128
D_OUT = 128


def setup_inputs(seed: int = 0) -> dict:
    key = jax.random.key(seed)
    k1, k2, k3 = jax.random.split(key, 3)
    x = jax.random.normal(k1, (N_NODES, D_IN), dtype=jnp.float32)
    edge_index = jax.random.randint(k2, (2, N_EDGES), 0, N_NODES, dtype=jnp.int32)
    # Glorot/Xavier uniform init for weight [D_IN, D_OUT], zeros for bias
    limit = float(np.sqrt(6.0 / (D_IN + D_OUT)))
    weight = jax.random.uniform(k3, (D_IN, D_OUT), dtype=jnp.float32, minval=-limit, maxval=limit)
    bias = jnp.zeros((D_OUT,), dtype=jnp.float32)
    return {"x": x, "edge_index": edge_index, "weight": weight, "bias": bias}


def reference(x, edge_index, weight, bias):
    # DGL GraphConv with norm='both', in_feats == out_feats so aggregate-first path
    src = edge_index[0]
    dst = edge_index[1]
    n = x.shape[0]
    ones = jnp.ones((src.shape[0],), dtype=jnp.float32)
    # source-side normalization: out-degree ** -0.5 (clamped to >= 1)
    out_deg = jnp.zeros((n,), dtype=jnp.float32).at[src].add(ones)
    out_deg = jnp.clip(out_deg, 1.0, None)
    norm_src = jnp.power(out_deg, -0.5)
    feat_src = x * norm_src[:, None]
    # message passing: gather from src, scatter-add (segment sum) to dst
    msgs = jnp.take(feat_src, src, axis=0)
    rst = jax.ops.segment_sum(msgs, dst, num_segments=n)
    # destination-side normalization: in-degree ** -0.5 (clamped to >= 1)
    in_deg = jnp.zeros((n,), dtype=jnp.float32).at[dst].add(ones)
    in_deg = jnp.clip(in_deg, 1.0, None)
    norm_dst = jnp.power(in_deg, -0.5)
    rst = rst * norm_dst[:, None]
    # linear transform after aggregation (in_feats <= out_feats) + bias
    rst = rst @ weight + bias
    return rst

if __name__ == "__main__":
    import jax
    _d = setup_inputs()
    print(jax.jit(kernel)(*tuple(_d.values())))

</pallas_src>

<mosaic_0001>
#map = affine_map<(d0, d1) -> (0, 0)>
#map1 = affine_map<(d0, d1) -> (0)>
module attributes {stable_mosaic.version = 14 : i64} {
  func.func @_deg_body(%arg0: i32, %arg1: i32, %arg2: memref<2560x128xi32, #tpu.memory_space<hbm>>, %arg3: memref<20480xf32, #tpu.memory_space<hbm>>, %arg4: memref<160x128xi32, #tpu.memory_space<vmem>>, %arg5: memref<160x128xi32, #tpu.memory_space<vmem>>, %arg6: memref<128xf32, #tpu.memory_space<vmem>>, %arg7: memref<640xf32, #tpu.memory_space<vmem>>, %arg8: memref<10240xf32, #tpu.memory_space<vmem_shared>>, %arg9: memref<!tpu.dma_semaphore, #tpu.memory_space<semaphore_mem>>) attributes {dimension_semantics = [#tpu.dimension_semantics<core_parallel>, #tpu.dimension_semantics<subcore_parallel>], iteration_bounds = array<i64: 2, 16>, scalar_prefetch = 0 : i64, scratch_operands = 6 : i64, tpu.core_type = #tpu.core_type<sc_vector_subcore>, window_params = [{transform_indices = #map}, {transform_indices = #map1}]} {
    %broadcast_in_dim3A = arith.constant 1.000000e+00 : f32
    %broadcast_in_dim3A_0 = vector.broadcast %broadcast_in_dim3A : f32 to vector<16xf32>
    %swap3A = arith.constant 0 : index
    %swap3A_1 = tpu.vector_load %arg6[%swap3A] {strides = array<i32>} : memref<128xf32, #tpu.memory_space<vmem>>, vector<16xf32>,
    %swap3A_2 = vector.shape_cast %swap3A_1 : vector<16xf32> to vector<16xf32>
    %swap3A_3 = vector.shape_cast %broadcast_in_dim3A_0 : vector<16xf32> to vector<16xf32>
    tpu.vector_store %arg6[%swap3A], %swap3A_3 {strides = array<i32>} : memref<128xf32, #tpu.memory_space<vmem>>, vector<16xf32>,
    %broadcast_in_dim3A_4 = arith.constant 1.000000e+00 : f32
    %broadcast_in_dim3A_5 = vector.broadcast %broadcast_in_dim3A_4 : f32 to vector<16xf32>
    %swap3A_6 = arith.constant 16 : index
    %swap3A_7 = tpu.vector_load %arg6[%swap3A_6] {strides = array<i32>} : memref<128xf32, #tpu.memory_space<vmem>>, vector<16xf32>,
    %swap3A_8 = vector.shape_cast %swap3A_7 : vector<16xf32> to vector<16xf32>
    %swap3A_9 = vector.shape_cast %broadcast_in_dim3A_5 : vector<16xf32> to vector<16xf32>
    tpu.vector_store %arg6[%swap3A_6], %swap3A_9 {strides = array<i32>} : memref<128xf32, #tpu.memory_space<vmem>>, vector<16xf32>,
    %broadcast_in_dim3A_10 = arith.constant 1.000000e+00 : f32
    %broadcast_in_dim3A_11 = vector.broadcast %broadcast_in_dim3A_10 : f32 to vector<16xf32>
    %swap3A_12 = arith.constant 32 : index
    %swap3A_13 = tpu.vector_load %arg6[%swap3A_12] {strides = array<i32>} : memref<128xf32, #tpu.memory_space<vmem>>, vector<16xf32>,
    %swap3A_14 = vector.shape_cast %swap3A_13 : vector<16xf32> to vector<16xf32>
    %swap3A_15 = vector.shape_cast %broadcast_in_dim3A_11 : vector<16xf32> to vector<16xf32>
    tpu.vector_store %arg6[%swap3A_12], %swap3A_15 {strides = array<i32>} : memref<128xf32, #tpu.memory_space<vmem>>, vector<16xf32>,
    %broadcast_in_dim3A_16 = arith.constant 1.000000e+00 : f32
    %broadcast_in_dim3A_17 = vector.broadcast %broadcast_in_dim3A_16 : f32 to vector<16xf32>
    %swap3A_18 = arith.constant 48 : index
    %swap3A_19 = tpu.vector_load %arg6[%swap3A_18] {strides = array<i32>} : memref<128xf32, #tpu.memory_space<vmem>>, vector<16xf32>,
    %swap3A_20 = vector.shape_cast %swap3A_19 : vector<16xf32> to vector<16xf32>
    %swap3A_21 = vector.shape_cast %broadcast_in_dim3A_17 : vector<16xf32> to vector<16xf32>
    tpu.vector_store %arg6[%swap3A_18], %swap3A_21 {strides = array<i32>} : memref<128xf32, #tpu.memory_space<vmem>>, vector<16xf32>,
    %broadcast_in_dim3A_22 = arith.constant 1.000000e+00 : f32
    %broadcast_in_dim3A_23 = vector.broadcast %broadcast_in_dim3A_22 : f32 to vector<16xf32>
    %swap3A_24 = arith.constant 64 : index
    %swap3A_25 = tpu.vector_load %arg6[%swap3A_24] {strides = array<i32>} : memref<128xf32, #tpu.memory_space<vmem>>, vector<16xf32>,
    %swap3A_26 = vector.shape_cast %swap3A_25 : vector<16xf32> to vector<16xf32>
    %swap3A_27 = vector.shape_cast %broadcast_in_dim3A_23 : vector<16xf32> to vector<16xf32>
    tpu.vector_store %arg6[%swap3A_24], %swap3A_27 {strides = array<i32>} : memref<128xf32, #tpu.memory_space<vmem>>, vector<16xf32>,
    %broadcast_in_dim3A_28 = arith.constant 1.000000e+00 : f32
    %broadcast_in_dim3A_29 = vector.broadcast %broadcast_in_dim3A_28 : f32 to vector<16xf32>
    %swap3A_30 = arith.constant 80 : index
    %swap3A_31 = tpu.vector_load %arg6[%swap3A_30] {strides = array<i32>} : memref<128xf32, #tpu.memory_space<vmem>>, vector<16xf32>,
    %swap3A_32 = vector.shape_cast %swap3A_31 : vector<16xf32> to vector<16xf32>
    %swap3A_33 = vector.shape_cast %broadcast_in_dim3A_29 : vector<16xf32> to vector<16xf32>
    tpu.vector_store %arg6[%swap3A_30], %swap3A_33 {strides = array<i32>} : memref<128xf32, #tpu.memory_space<vmem>>, vector<16xf32>,
    %broadcast_in_dim3A_34 = arith.constant 1.000000e+00 : f32
    %broadcast_in_dim3A_35 = vector.broadcast %broadcast_in_dim3A_34 : f32 to vector<16xf32>
    %swap3A_36 = arith.constant 96 : index
    %swap3A_37 = tpu.vector_load %arg6[%swap3A_36] {strides = array<i32>} : memref<128xf32, #tpu.memory_space<vmem>>, vector<16xf32>,
    %swap3A_38 = vector.shape_cast %swap3A_37 : vector<16xf32> to vector<16xf32>
    %swap3A_39 = vector.shape_cast %broadcast_in_dim3A_35 : vector<16xf32> to vector<16xf32>
    tpu.vector_store %arg6[%swap3A_36], %swap3A_39 {strides = array<i32>} : memref<128xf32, #tpu.memory_space<vmem>>, vector<16xf32>,
    %broadcast_in_dim3A_40 = arith.constant 1.000000e+00 : f32
    %broadcast_in_dim3A_41 = vector.broadcast %broadcast_in_dim3A_40 : f32 to vector<16xf32>
    %swap3A_42 = arith.constant 112 : index
    %swap3A_43 = tpu.vector_load %arg6[%swap3A_42] {strides = array<i32>} : memref<128xf32, #tpu.memory_space<vmem>>, vector<16xf32>,
    %swap3A_44 = vector.shape_cast %swap3A_43 : vector<16xf32> to vector<16xf32>
    %swap3A_45 = vector.shape_cast %broadcast_in_dim3A_41 : vector<16xf32> to vector<16xf32>
    tpu.vector_store %arg6[%swap3A_42], %swap3A_45 {strides = array<i32>} : memref<128xf32, #tpu.memory_space<vmem>>, vector<16xf32>,
    %broadcast_in_dim3A_46 = arith.constant 0.000000e+00 : f32
    %broadcast_in_dim3A_47 = vector.broadcast %broadcast_in_dim3A_46 : f32 to vector<16xf32>
    %swap3A_48 = arith.constant 0 : index
    %swap3A_49 = tpu.vector_load %arg7[%swap3A_48] {strides = array<i32>} : memref<640xf32, #tpu.memory_space<vmem>>, vector<16xf32>,
    %swap3A_50 = vector.shape_cast %swap3A_49 : vector<16xf32> to vector<16xf32>
    %swap3A_51 = vector.shape_cast %broadcast_in_dim3A_47 : vector<16xf32> to vector<16xf32>
    tpu.vector_store %arg7[%swap3A_48], %swap3A_51 {strides = array<i32>} : memref<640xf32, #tpu.memory_space<vmem>>, vector<16xf32>,
    %broadcast_in_dim3A_52 = arith.constant 0.000000e+00 : f32
    %broadcast_in_dim3A_53 = vector.broadcast %broadcast_in_dim3A_52 : f32 to vector<16xf32>
    %swap3A_54 = arith.constant 16 : index
    %swap3A_55 = tpu.vector_load %arg7[%swap3A_54] {strides = array<i32>} : memref<640xf32, #tpu.memory_space<vmem>>, vector<16xf32>,
    %swap3A_56 = vector.shape_cast %swap3A_55 : vector<16xf32> to vector<16xf32>
    %swap3A_57 = vector.shape_cast %broadcast_in_dim3A_53 : vector<16xf32> to vector<16xf32>
    tpu.vector_store %arg7[%swap3A_54], %swap3A_57 {strides = array<i32>} : memref<640xf32, #tpu.memory_space<vmem>>, vector<16xf32>,
    %broadcast_in_dim3A_58 = arith.constant 0.000000e+00 : f32
    %broadcast_in_dim3A_59 = vector.broadcast %broadcast_in_dim3A_58 : f32 to vector<16xf32>
    %swap3A_60 = arith.constant 32 : index
    %swap3A_61 = tpu.vector_load %arg7[%swap3A_60] {strides = array<i32>} : memref<640xf32, #tpu.memory_space<vmem>>, vector<16xf32>,
    %swap3A_62 = vector.shape_cast %swap3A_61 : vector<16xf32> to vector<16xf32>
    %swap3A_63 = vector.shape_cast %broadcast_in_dim3A_59 : vector<16xf32> to vector<16xf32>
    tpu.vector_store %arg7[%swap3A_60], %swap3A_63 {strides = array<i32>} : memref<640xf32, #tpu.memory_space<vmem>>, vector<16xf32>,
    %broadcast_in_dim3A_64 = arith.constant 0.000000e+00 : f32
    %broadcast_in_dim3A_65 = vector.broadcast %broadcast_in_dim3A_64 : f32 to vector<16xf32>
    %swap3A_66 = arith.constant 48 : index
    %swap3A_67 = tpu.vector_load %arg7[%swap3A_66] {strides = array<i32>} : memref<640xf32, #tpu.memory_space<vmem>>, vector<16xf32>,
    %swap3A_68 = vector.shape_cast %swap3A_67 : vector<16xf32> to vector<16xf32>
    %swap3A_69 = vector.shape_cast %broadcast_in_dim3A_65 : vector<16xf32> to vector<16xf32>
    tpu.vector_store %arg7[%swap3A_66], %swap3A_69 {strides = array<i32>} : memref<640xf32, #tpu.memory_space<vmem>>, vector<16xf32>,
    %broadcast_in_dim3A_70 = arith.constant 0.000000e+00 : f32
    %broadcast_in_dim3A_71 = vector.broadcast %broadcast_in_dim3A_70 : f32 to vector<16xf32>
    %swap3A_72 = arith.constant 64 : index
    %swap3A_73 = tpu.vector_load %arg7[%swap3A_72] {strides = array<i32>} : memref<640xf32, #tpu.memory_space<vmem>>, vector<16xf32>,
    %swap3A_74 = vector.shape_cast %swap3A_73 : vector<16xf32> to vector<16xf32>
    %swap3A_75 = vector.shape_cast %broadcast_in_dim3A_71 : vector<16xf32> to vector<16xf32>
    tpu.vector_store %arg7[%swap3A_72], %swap3A_75 {strides = array<i32>} : memref<640xf32, #tpu.memory_space<vmem>>, vector<16xf32>,
    %broadcast_in_dim3A_76 = arith.constant 0.000000e+00 : f32
    %broadcast_in_dim3A_77 = vector.broadcast %broadcast_in_dim3A_76 : f32 to vector<16xf32>
    %swap3A_78 = arith.constant 80 : index
    %swap3A_79 = tpu.vector_load %arg7[%swap3A_78] {strides = array<i32>} : memref<640xf32, #tpu.memory_space<vmem>>, vector<16xf32>,
    %swap3A_80 = vector.shape_cast %swap3A_79 : vector<16xf32> to vector<16xf32>
    %swap3A_81 = vector.shape_cast %broadcast_in_dim3A_77 : vector<16xf32> to vector<16xf32>
    tpu.vector_store %arg7[%swap3A_78], %swap3A_81 {strides = array<i32>} : memref<640xf32, #tpu.memory_space<vmem>>, vector<16xf32>,
    %broadcast_in_dim3A_82 = arith.constant 0.000000e+00 : f32
    %broadcast_in_dim3A_83 = vector.broadcast %broadcast_in_dim3A_82 : f32 to vector<16xf32>
    %swap3A_84 = arith.constant 96 : index
    %swap3A_85 = tpu.vector_load %arg7[%swap3A_84] {strides = array<i32>} : memref<640xf32, #tpu.memory_space<vmem>>, vector<16xf32>,
    %swap3A_86 = vector.shape_cast %swap3A_85 : vector<16xf32> to vector<16xf32>
    %swap3A_87 = vector.shape_cast %broadcast_in_dim3A_83 : vector<16xf32> to vector<16xf32>
    tpu.vector_store %arg7[%swap3A_84], %swap3A_87 {strides = array<i32>} : memref<640xf32, #tpu.memory_space<vmem>>, vector<16xf32>,
    %broadcast_in_dim3A_88 = arith.constant 0.000000e+00 : f32
    %broadcast_in_dim3A_89 = vector.broadcast %broadcast_in_dim3A_88 : f32 to vector<16xf32>
    %swap3A_90 = arith.constant 112 : index
    %swap3A_91 = tpu.vector_load %arg7[%swap3A_90] {strides = array<i32>} : memref<640xf32, #tpu.memory_space<vmem>>, vector<16xf32>,
    %swap3A_92 = vector.shape_cast %swap3A_91 : vector<16xf32> to vector<16xf32>
    %swap3A_93 = vector.shape_cast %broadcast_in_dim3A_89 : vector<16xf32> to vector<16xf32>
    tpu.vector_store %arg7[%swap3A_90], %swap3A_93 {strides = array<i32>} : memref<640xf32, #tpu.memory_space<vmem>>, vector<16xf32>,
    %broadcast_in_dim3A_94 = arith.constant 0.000000e+00 : f32
    %broadcast_in_dim3A_95 = vector.broadcast %broadcast_in_dim3A_94 : f32 to vector<16xf32>
    %swap3A_96 = arith.constant 128 : index
    %swap3A_97 = tpu.vector_load %arg7[%swap3A_96] {strides = array<i32>} : memref<640xf32, #tpu.memory_space<vmem>>, vector<16xf32>,
    %swap3A_98 = vector.shape_cast %swap3A_97 : vector<16xf32> to vector<16xf32>
    %swap3A_99 = vector.shape_cast %broadcast_in_dim3A_95 : vector<16xf32> to vector<16xf32>
    tpu.vector_store %arg7[%swap3A_96], %swap3A_99 {strides = array<i32>} : memref<640xf32, #tpu.memory_space<vmem>>, vector<16xf32>,
    %broadcast_in_dim3A_100 = arith.constant 0.000000e+00 : f32
    %broadcast_in_dim3A_101 = vector.broadcast %broadcast_in_dim3A_100 : f32 to vector<16xf32>
    %swap3A_102 = arith.constant 144 : index
    %swap3A_103 = tpu.vector_load %arg7[%swap3A_102] {strides = array<i32>} : memref<640xf32, #tpu.memory_space<vmem>>, vector<16xf32>,
    %swap3A_104 = vector.shape_cast %swap3A_103 : vector<16xf32> to vector<16xf32>
    %swap3A_105 = vector.shape_cast %broadcast_in_dim3A_101 : vector<16xf32> to vector<16xf32>
    tpu.vector_store %arg7[%swap3A_102], %swap3A_105 {strides = array<i32>} : memref<640xf32, #tpu.memory_space<vmem>>, vector<16xf32>,
    %broadcast_in_dim3A_106 = arith.constant 0.000000e+00 : f32
    %broadcast_in_dim3A_107 = vector.broadcast %broadcast_in_dim3A_106 : f32 to vector<16xf32>
    %swap3A_108 = arith.constant 160 : index
    %swap3A_109 = tpu.vector_load %arg7[%swap3A_108] {strides = array<i32>} : memref<640xf32, #tpu.memory_space<vmem>>, vector<16xf32>,
    %swap3A_110 = vector.shape_cast %swap3A_109 : vector<16xf32> to vector<16xf32>
    %swap3A_111 = vector.shape_cast %broadcast_in_dim3A_107 : vector<16xf32> to vector<16xf32>
    tpu.vector_store %arg7[%swap3A_108], %swap3A_111 {strides = array<i32>} : memref<640xf32, #tpu.memory_space<vmem>>, vector<16xf32>,
    %broadcast_in_dim3A_112 = arith.constant 0.000000e+00 : f32
    %broadcast_in_dim3A_113 = vector.broadcast %broadcast_in_dim3A_112 : f32 to vector<16xf32>
    %swap3A_114 = arith.constant 176 : index
    %swap3A_115 = tpu.vector_load %arg7[%swap3A_114] {strides = array<i32>} : memref<640xf32, #tpu.memory_space<vmem>>, vector<16xf32>,
    %swap3A_116 = vector.shape_cast %swap3A_115 : vector<16xf32> to vector<16xf32>
    %swap3A_117 = vector.shape_cast %broadcast_in_dim3A_113 : vector<16xf32> to vector<16xf32>
    tpu.vector_store %arg7[%swap3A_114], %swap3A_117 {strides = array<i32>} : memref<640xf32, #tpu.memory_space<vmem>>, vector<16xf32>,
    %broadcast_in_dim3A_118 = arith.constant 0.000000e+00 : f32
    %broadcast_in_dim3A_119 = vector.broadcast %broadcast_in_dim3A_118 : f32 to vector<16xf32>
    %swap3A_120 = arith.constant 192 : index
    %swap3A_121 = tpu.vector_load %arg7[%swap3A_120] {strides = array<i32>} : memref<640xf32, #tpu.memory_space<vmem>>, vector<16xf32>,
    %swap3A_122 = vector.shape_cast %swap3A_121 : vector<16xf32> to vector<16xf32>
    %swap3A_123 = vector.shape_cast %broadcast_in_dim3A_119 : vector<16xf32> to vector<16xf32>
    tpu.vector_store %arg7[%swap3A_120], %swap3A_123 {strides = array<i32>} : memref<640xf32, #tpu.memory_space<vmem>>, vector<16xf32>,
    %broadcast_in_dim3A_124 = arith.constant 0.000000e+00 : f32
    %broadcast_in_dim3A_125 = vector.broadcast %broadcast_in_dim3A_124 : f32 to vector<16xf32>
    %swap3A_126 = arith.constant 208 : index
    %swap3A_127 = tpu.vector_load %arg7[%swap3A_126] {strides = array<i32>} : memref<640xf32, #tpu.memory_space<vmem>>, vector<16xf32>,
    %swap3A_128 = vector.shape_cast %swap3A_127 : vector<16xf32> to vector<16xf32>
    %swap3A_129 = vector.shape_cast %broadcast_in_dim3A_125 : vector<16xf32> to vector<16xf32>
    tpu.vector_store %arg7[%swap3A_126], %swap3A_129 {strides = array<i32>} : memref<640xf32, #tpu.memory_space<vmem>>, vector<16xf32>,
    %broadcast_in_dim3A_130 = arith.constant 0.000000e+00 : f32
    %broadcast_in_dim3A_131 = vector.broadcast %broadcast_in_dim3A_130 : f32 to vector<16xf32>
    %swap3A_132 = arith.constant 224 : index
    %swap3A_133 = tpu.vector_load %arg7[%swap3A_132] {strides = array<i32>} : memref<640xf32, #tpu.memory_space<vmem>>, vector<16xf32>,
    %swap3A_134 = vector.shape_cast %swap3A_133 : vector<16xf32> to vector<16xf32>
    %swap3A_135 = vector.shape_cast %broadcast_in_dim3A_131 : vector<16xf32> to vector<16xf32>
    tpu.vector_store %arg7[%swap3A_132], %swap3A_135 {strides = array<i32>} : memref<640xf32, #tpu.memory_space<vmem>>, vector<16xf32>,
    %broadcast_in_dim3A_136 = arith.constant 0.000000e+00 : f32
    %broadcast_in_dim3A_137 = vector.broadcast %broadcast_in_dim3A_136 : f32 to vector<16xf32>
    %swap3A_138 = arith.constant 240 : index
    %swap3A_139 = tpu.vector_load %arg7[%swap3A_138] {strides = array<i32>} : memref<640xf32, #tpu.memory_space<vmem>>, vector<16xf32>,
    %swap3A_140 = vector.shape_cast %swap3A_139 : vector<16xf32> to vector<16xf32>
    %swap3A_141 = vector.shape_cast %broadcast_in_dim3A_137 : vector<16xf32> to vector<16xf32>
    tpu.vector_store %arg7[%swap3A_138], %swap3A_141 {strides = array<i32>} : memref<640xf32, #tpu.memory_space<vmem>>, vector<16xf32>,
    %broadcast_in_dim3A_142 = arith.constant 0.000000e+00 : f32
    %broadcast_in_dim3A_143 = vector.broadcast %broadcast_in_dim3A_142 : f32 to vector<16xf32>
    %swap3A_144 = arith.constant 256 : index
    %swap3A_145 = tpu.vector_load %arg7[%swap3A_144] {strides = array<i32>} : memref<640xf32, #tpu.memory_space<vmem>>, vector<16xf32>,
    %swap3A_146 = vector.shape_cast %swap3A_145 : vector<16xf32> to vector<16xf32>
    %swap3A_147 = vector.shape_cast %broadcast_in_dim3A_143 : vector<16xf32> to vector<16xf32>
    tpu.vector_store %arg7[%swap3A_144], %swap3A_147 {strides = array<i32>} : memref<640xf32, #tpu.memory_space<vmem>>, vector<16xf32>,
    %broadcast_in_dim3A_148 = arith.constant 0.000000e+00 : f32
    %broadcast_in_dim3A_149 = vector.broadcast %broadcast_in_dim3A_148 : f32 to vector<16xf32>
    %swap3A_150 = arith.constant 272 : index
    %swap3A_151 = tpu.vector_load %arg7[%swap3A_150] {strides = array<i32>} : memref<640xf32, #tpu.memory_space<vmem>>, vector<16xf32>,
    %swap3A_152 = vector.shape_cast %swap3A_151 : vector<16xf32> to vector<16xf32>
    %swap3A_153 = vector.shape_cast %broadcast_in_dim3A_149 : vector<16xf32> to vector<16xf32>
    tpu.vector_store %arg7[%swap3A_150], %swap3A_153 {strides = array<i32>} : memref<640xf32, #tpu.memory_space<vmem>>, vector<16xf32>,
    %broadcast_in_dim3A_154 = arith.constant 0.000000e+00 : f32
    %broadcast_in_dim3A_155 = vector.broadcast %broadcast_in_dim3A_154 : f32 to vector<16xf32>
    %swap3A_156 = arith.constant 288 : index
    %swap3A_157 = tpu.vector_load %arg7[%swap3A_156] {strides = array<i32>} : memref<640xf32, #tpu.memory_space<vmem>>, vector<16xf32>,
    %swap3A_158 = vector.shape_cast %swap3A_157 : vector<16xf32> to vector<16xf32>
    %swap3A_159 = vector.shape_cast %broadcast_in_dim3A_155 : vector<16xf32> to vector<16xf32>
    tpu.vector_store %arg7[%swap3A_156], %swap3A_159 {strides = array<i32>} : memref<640xf32, #tpu.memory_space<vmem>>, vector<16xf32>,
    %broadcast_in_dim3A_160 = arith.constant 0.000000e+00 : f32
    %broadcast_in_dim3A_161 = vector.broadcast %broadcast_in_dim3A_160 : f32 to vector<16xf32>
    %swap3A_162 = arith.constant 304 : index
    %swap3A_163 = tpu.vector_load %arg7[%swap3A_162] {strides = array<i32>} : memref<640xf32, #tpu.memory_space<vmem>>, vector<16xf32>,
    %swap3A_164 = vector.shape_cast %swap3A_163 : vector<16xf32> to vector<16xf32>
    %swap3A_165 = vector.shape_cast %broadcast_in_dim3A_161 : vector<16xf32> to vector<16xf32>
    tpu.vector_store %arg7[%swap3A_162], %swap3A_165 {strides = array<i32>} : memref<640xf32, #tpu.memory_space<vmem>>, vector<16xf32>,
    %broadcast_in_dim3A_166 = arith.constant 0.000000e+00 : f32
    %broadcast_in_dim3A_167 = vector.broadcast %broadcast_in_dim3A_166 : f32 to vector<16xf32>
    %swap3A_168 = arith.constant 320 : index
    %swap3A_169 = tpu.vector_load %arg7[%swap3A_168] {strides = array<i32>} : memref<640xf32, #tpu.memory_space<vmem>>, vector<16xf32>,
    %swap3A_170 = vector.shape_cast %swap3A_169 : vector<16xf32> to vector<16xf32>
    %swap3A_171 = vector.shape_cast %broadcast_in_dim3A_167 : vector<16xf32> to vector<16xf32>
    tpu.vector_store %arg7[%swap3A_168], %swap3A_171 {strides = array<i32>} : memref<640xf32, #tpu.memory_space<vmem>>, vector<16xf32>,
    %broadcast_in_dim3A_172 = arith.constant 0.000000e+00 : f32
    %broadcast_in_dim3A_173 = vector.broadcast %broadcast_in_dim3A_172 : f32 to vector<16xf32>
    %swap3A_174 = arith.constant 336 : index
    %swap3A_175 = tpu.vector_load %arg7[%swap3A_174] {strides = array<i32>} : memref<640xf32, #tpu.memory_space<vmem>>, vector<16xf32>,
    %swap3A_176 = vector.shape_cast %swap3A_175 : vector<16xf32> to vector<16xf32>
    %swap3A_177 = vector.shape_cast %broadcast_in_dim3A_173 : vector<16xf32> to vector<16xf32>
    tpu.vector_store %arg7[%swap3A_174], %swap3A_177 {strides = array<i32>} : memref<640xf32, #tpu.memory_space<vmem>>, vector<16xf32>,
    %broadcast_in_dim3A_178 = arith.constant 0.000000e+00 : f32
    %broadcast_in_dim3A_179 = vector.broadcast %broadcast_in_dim3A_178 : f32 to vector<16xf32>
    %swap3A_180 = arith.constant 352 : index
    %swap3A_181 = tpu.vector_load %arg7[%swap3A_180] {strides = array<i32>} : memref<640xf32, #tpu.memory_space<vmem>>, vector<16xf32>,
    %swap3A_182 = vector.shape_cast %swap3A_181 : vector<16xf32> to vector<16xf32>
    %swap3A_183 = vector.shape_cast %broadcast_in_dim3A_179 : vector<16xf32> to vector<16xf32>
    tpu.vector_store %arg7[%swap3A_180], %swap3A_183 {strides = array<i32>} : memref<640xf32, #tpu.memory_space<vmem>>, vector<16xf32>,
    %broadcast_in_dim3A_184 = arith.constant 0.000000e+00 : f32
    %broadcast_in_dim3A_185 = vector.broadcast %broadcast_in_dim3A_184 : f32 to vector<16xf32>
    %swap3A_186 = arith.constant 368 : index
    %swap3A_187 = tpu.vector_load %arg7[%swap3A_186] {strides = array<i32>} : memref<640xf32, #tpu.memory_space<vmem>>, vector<16xf32>,
    %swap3A_188 = vector.shape_cast %swap3A_187 : vector<16xf32> to vector<16xf32>
    %swap3A_189 = vector.shape_cast %broadcast_in_dim3A_185 : vector<16xf32> to vector<16xf32>
    tpu.vector_store %arg7[%swap3A_186], %swap3A_189 {strides = array<i32>} : memref<640xf32, #tpu.memory_space<vmem>>, vector<16xf32>,
    %broadcast_in_dim3A_190 = arith.constant 0.000000e+00 : f32
    %broadcast_in_dim3A_191 = vector.broadcast %broadcast_in_dim3A_190 : f32 to vector<16xf32>
    %swap3A_192 = arith.constant 384 : index
    %swap3A_193 = tpu.vector_load %arg7[%swap3A_192] {strides = array<i32>} : memref<640xf32, #tpu.memory_space<vmem>>, vector<16xf32>,
    %swap3A_194 = vector.shape_cast %swap3A_193 : vector<16xf32> to vector<16xf32>
    %swap3A_195 = vector.shape_cast %broadcast_in_dim3A_191 : vector<16xf32> to vector<16xf32>
    tpu.vector_store %arg7[%swap3A_192], %swap3A_195 {strides = array<i32>} : memref<640xf32, #tpu.memory_space<vmem>>, vector<16xf32>,
    %broadcast_in_dim3A_196 = arith.constant 0.000000e+00 : f32
    %broadcast_in_dim3A_197 = vector.broadcast %broadcast_in_dim3A_196 : f32 to vector<16xf32>
    %swap3A_198 = arith.constant 400 : index
    %swap3A_199 = tpu.vector_load %arg7[%swap3A_198] {strides = array<i32>} : memref<640xf32, #tpu.memory_space<vmem>>, vector<16xf32>,
    %swap3A_200 = vector.shape_cast %swap3A_199 : vector<16xf32> to vector<16xf32>
    %swap3A_201 = vector.shape_cast %broadcast_in_dim3A_197 : vector<16xf32> to vector<16xf32>
    tpu.vector_store %arg7[%swap3A_198], %swap3A_201 {strides = array<i32>} : memref<640xf32, #tpu.memory_space<vmem>>, vector<16xf32>,
    %broadcast_in_dim3A_202 = arith.constant 0.000000e+00 : f32
    %broadcast_in_dim3A_203 = vector.broadcast %broadcast_in_dim3A_202 : f32 to vector<16xf32>
    %swap3A_204 = arith.constant 416 : index
    %swap3A_205 = tpu.vector_load %arg7[%swap3A_204] {strides = array<i32>} : memref<640xf32, #tpu.memory_space<vmem>>, vector<16xf32>,
    %swap3A_206 = vector.shape_cast %swap3A_205 : vector<16xf32> to vector<16xf32>
    %swap3A_207 = vector.shape_cast %broadcast_in_dim3A_203 : vector<16xf32> to vector<16xf32>
    tpu.vector_store %arg7[%swap3A_204], %swap3A_207 {strides = array<i32>} : memref<640xf32, #tpu.memory_space<vmem>>, vector<16xf32>,
    %broadcast_in_dim3A_208 = arith.constant 0.000000e+00 : f32
    %broadcast_in_dim3A_209 = vector.broadcast %broadcast_in_dim3A_208 : f32 to vector<16xf32>
    %swap3A_210 = arith.constant 432 : index
    %swap3A_211 = tpu.vector_load %arg7[%swap3A_210] {strides = array<i32>} : memref<640xf32, #tpu.memory_space<vmem>>, vector<16xf32>,
    %swap3A_212 = vector.shape_cast %swap3A_211 : vector<16xf32> to vector<16xf32>
    %swap3A_213 = vector.shape_cast %broadcast_in_dim3A_209 : vector<16xf32> to vector<16xf32>
    tpu.vector_store %arg7[%swap3A_210], %swap3A_213 {strides = array<i32>} : memref<640xf32, #tpu.memory_space<vmem>>, vector<16xf32>,
    %broadcast_in_dim3A_214 = arith.constant 0.000000e+00 : f32
    %broadcast_in_dim3A_215 = vector.broadcast %broadcast_in_dim3A_214 : f32 to vector<16xf32>
    %swap3A_216 = arith.constant 448 : index
    %swap3A_217 = tpu.vector_load %arg7[%swap3A_216] {strides = array<i32>} : memref<640xf32, #tpu.memory_space<vmem>>, vector<16xf32>,
    %swap3A_218 = vector.shape_cast %swap3A_217 : vector<16xf32> to vector<16xf32>
    %swap3A_219 = vector.shape_cast %broadcast_in_dim3A_215 : vector<16xf32> to vector<16xf32>
    tpu.vector_store %arg7[%swap3A_216], %swap3A_219 {strides = array<i32>} : memref<640xf32, #tpu.memory_space<vmem>>, vector<16xf32>,
    %broadcast_in_dim3A_220 = arith.constant 0.000000e+00 : f32
    %broadcast_in_dim3A_221 = vector.broadcast %broadcast_in_dim3A_220 : f32 to vector<16xf32>
    %swap3A_222 = arith.constant 464 : index
    %swap3A_223 = tpu.vector_load %arg7[%swap3A_222] {strides = array<i32>} : memref<640xf32, #tpu.memory_space<vmem>>, vector<16xf32>,
    %swap3A_224 = vector.shape_cast %swap3A_223 : vector<16xf32> to vector<16xf32>
    %swap3A_225 = vector.shape_cast %broadcast_in_dim3A_221 : vector<16xf32> to vector<16xf32>
    tpu.vector_store %arg7[%swap3A_222], %swap3A_225 {strides = array<i32>} : memref<640xf32, #tpu.memory_space<vmem>>, vector<16xf32>,
    %broadcast_in_dim3A_226 = arith.constant 0.000000e+00 : f32
    %broadcast_in_dim3A_227 = vector.broadcast %broadcast_in_dim3A_226 : f32 to vector<16xf32>
    %swap3A_228 = arith.constant 480 : index
    %swap3A_229 = tpu.vector_load %arg7[%swap3A_228] {strides = array<i32>} : memref<640xf32, #tpu.memory_space<vmem>>, vector<16xf32>,
    %swap3A_230 = vector.shape_cast %swap3A_229 : vector<16xf32> to vector<16xf32>
    %swap3A_231 = vector.shape_cast %broadcast_in_dim3A_227 : vector<16xf32> to vector<16xf32>
    tpu.vector_store %arg7[%swap3A_228], %swap3A_231 {strides = array<i32>} : memref<640xf32, #tpu.memory_space<vmem>>, vector<16xf32>,
    %broadcast_in_dim3A_232 = arith.constant 0.000000e+00 : f32
    %broadcast_in_dim3A_233 = vector.broadcast %broadcast_in_dim3A_232 : f32 to vector<16xf32>
    %swap3A_234 = arith.constant 496 : index
    %swap3A_235 = tpu.vector_load %arg7[%swap3A_234] {strides = array<i32>} : memref<640xf32, #tpu.memory_space<vmem>>, vector<16xf32>,
    %swap3A_236 = vector.shape_cast %swap3A_235 : vector<16xf32> to vector<16xf32>
    %swap3A_237 = vector.shape_cast %broadcast_in_dim3A_233 : vector<16xf32> to vector<16xf32>
    tpu.vector_store %arg7[%swap3A_234], %swap3A_237 {strides = array<i32>} : memref<640xf32, #tpu.memory_space<vmem>>, vector<16xf32>,
    %broadcast_in_dim3A_238 = arith.constant 0.000000e+00 : f32
    %broadcast_in_dim3A_239 = vector.broadcast %broadcast_in_dim3A_238 : f32 to vector<16xf32>
    %swap3A_240 = arith.constant 512 : index
    %swap3A_241 = tpu.vector_load %arg7[%swap3A_240] {strides = array<i32>} : memref<640xf32, #tpu.memory_space<vmem>>, vector<16xf32>,
    %swap3A_242 = vector.shape_cast %swap3A_241 : vector<16xf32> to vector<16xf32>
    %swap3A_243 = vector.shape_cast %broadcast_in_dim3A_239 : vector<16xf32> to vector<16xf32>
    tpu.vector_store %arg7[%swap3A_240], %swap3A_243 {strides = array<i32>} : memref<640xf32, #tpu.memory_space<vmem>>, vector<16xf32>,
    %broadcast_in_dim3A_244 = arith.constant 0.000000e+00 : f32
    %broadcast_in_dim3A_245 = vector.broadcast %broadcast_in_dim3A_244 : f32 to vector<16xf32>
    %swap3A_246 = arith.constant 528 : index
    %swap3A_247 = tpu.vector_load %arg7[%swap3A_246] {strides = array<i32>} : memref<640xf32, #tpu.memory_space<vmem>>, vector<16xf32>,
    %swap3A_248 = vector.shape_cast %swap3A_247 : vector<16xf32> to vector<16xf32>
    %swap3A_249 = vector.shape_cast %broadcast_in_dim3A_245 : vector<16xf32> to vector<16xf32>
    tpu.vector_store %arg7[%swap3A_246], %swap3A_249 {strides = array<i32>} : memref<640xf32, #tpu.memory_space<vmem>>, vector<16xf32>,
    %broadcast_in_dim3A_250 = arith.constant 0.000000e+00 : f32
    %broadcast_in_dim3A_251 = vector.broadcast %broadcast_in_dim3A_250 : f32 to vector<16xf32>
    %swap3A_252 = arith.constant 544 : index
    %swap3A_253 = tpu.vector_load %arg7[%swap3A_252] {strides = array<i32>} : memref<640xf32, #tpu.memory_space<vmem>>, vector<16xf32>,
    %swap3A_254 = vector.shape_cast %swap3A_253 : vector<16xf32> to vector<16xf32>
    %swap3A_255 = vector.shape_cast %broadcast_in_dim3A_251 : vector<16xf32> to vector<16xf32>
    tpu.vector_store %arg7[%swap3A_252], %swap3A_255 {strides = array<i32>} : memref<640xf32, #tpu.memory_space<vmem>>, vector<16xf32>,
    %broadcast_in_dim3A_256 = arith.constant 0.000000e+00 : f32
    %broadcast_in_dim3A_257 = vector.broadcast %broadcast_in_dim3A_256 : f32 to vector<16xf32>
    %swap3A_258 = arith.constant 560 : index
    %swap3A_259 = tpu.vector_load %arg7[%swap3A_258] {strides = array<i32>} : memref<640xf32, #tpu.memory_space<vmem>>, vector<16xf32>,
    %swap3A_260 = vector.shape_cast %swap3A_259 : vector<16xf32> to vector<16xf32>
    %swap3A_261 = vector.shape_cast %broadcast_in_dim3A_257 : vector<16xf32> to vector<16xf32>
    tpu.vector_store %arg7[%swap3A_258], %swap3A_261 {strides = array<i32>} : memref<640xf32, #tpu.memory_space<vmem>>, vector<16xf32>,
    %broadcast_in_dim3A_262 = arith.constant 0.000000e+00 : f32
    %broadcast_in_dim3A_263 = vector.broadcast %broadcast_in_dim3A_262 : f32 to vector<16xf32>
    %swap3A_264 = arith.constant 576 : index
    %swap3A_265 = tpu.vector_load %arg7[%swap3A_264] {strides = array<i32>} : memref<640xf32, #tpu.memory_space<vmem>>, vector<16xf32>,
    %swap3A_266 = vector.shape_cast %swap3A_265 : vector<16xf32> to vector<16xf32>
    %swap3A_267 = vector.shape_cast %broadcast_in_dim3A_263 : vector<16xf32> to vector<16xf32>
    tpu.vector_store %arg7[%swap3A_264], %swap3A_267 {strides = array<i32>} : memref<640xf32, #tpu.memory_space<vmem>>, vector<16xf32>,
    %broadcast_in_dim3A_268 = arith.constant 0.000000e+00 : f32
    %broadcast_in_dim3A_269 = vector.broadcast %broadcast_in_dim3A_268 : f32 to vector<16xf32>
    %swap3A_270 = arith.constant 592 : index
    %swap3A_271 = tpu.vector_load %arg7[%swap3A_270] {strides = array<i32>} : memref<640xf32, #tpu.memory_space<vmem>>, vector<16xf32>,
    %swap3A_272 = vector.shape_cast %swap3A_271 : vector<16xf32> to vector<16xf32>
    %swap3A_273 = vector.shape_cast %broadcast_in_dim3A_269 : vector<16xf32> to vector<16xf32>
    tpu.vector_store %arg7[%swap3A_270], %swap3A_273 {strides = array<i32>} : memref<640xf32, #tpu.memory_space<vmem>>, vector<16xf32>,
    %broadcast_in_dim3A_274 = arith.constant 0.000000e+00 : f32
    %broadcast_in_dim3A_275 = vector.broadcast %broadcast_in_dim3A_274 : f32 to vector<16xf32>
    %swap3A_276 = arith.constant 608 : index
    %swap3A_277 = tpu.vector_load %arg7[%swap3A_276] {strides = array<i32>} : memref<640xf32, #tpu.memory_space<vmem>>, vector<16xf32>,
    %swap3A_278 = vector.shape_cast %swap3A_277 : vector<16xf32> to vector<16xf32>
    %swap3A_279 = vector.shape_cast %broadcast_in_dim3A_275 : vector<16xf32> to vector<16xf32>
    tpu.vector_store %arg7[%swap3A_276], %swap3A_279 {strides = array<i32>} : memref<640xf32, #tpu.memory_space<vmem>>, vector<16xf32>,
    %broadcast_in_dim3A_280 = arith.constant 0.000000e+00 : f32
    %broadcast_in_dim3A_281 = vector.broadcast %broadcast_in_dim3A_280 : f32 to vector<16xf32>
    %swap3A_282 = arith.constant 624 : index
    %swap3A_283 = tpu.vector_load %arg7[%swap3A_282] {strides = array<i32>} : memref<640xf32, #tpu.memory_space<vmem>>, vector<16xf32>,
    %swap3A_284 = vector.shape_cast %swap3A_283 : vector<16xf32> to vector<16xf32>
    %swap3A_285 = vector.shape_cast %broadcast_in_dim3A_281 : vector<16xf32> to vector<16xf32>
    tpu.vector_store %arg7[%swap3A_282], %swap3A_285 {strides = array<i32>} : memref<640xf32, #tpu.memory_space<vmem>>, vector<16xf32>,
    %mul3A = arith.constant 640 : i32
    %mul3A_286 = arith.muli %arg1, %mul3A : i32
    "tpu.region"() ({
      %run_scoped3A = tpu.sem_alloc : memref<!tpu.dma_semaphore, #tpu.memory_space<semaphore_mem>>
      %dma_start3A = tpu.memref_slice %arg8[%mul3A_286] : memref<10240xf32, #tpu.memory_space<vmem_shared>> -> memref<640xf32, #tpu.memory_space<vmem_shared>>
      %dma_start3A_316 = tpu.memref_slice %arg8[%mul3A_286] : memref<10240xf32, #tpu.memory_space<vmem_shared>> -> memref<640xf32, #tpu.memory_space<vmem_shared>>
      tpu.enqueue_dma source(%arg7 : memref<640xf32, #tpu.memory_space<vmem>>) target(%dma_start3A_316 : memref<640xf32, #tpu.memory_space<vmem_shared>>) target_semaphore(%run_scoped3A : memref<!tpu.dma_semaphore, #tpu.memory_space<semaphore_mem>>)
      %dma_wait3A = tpu.memref_slice %arg8[%mul3A_286] : memref<10240xf32, #tpu.memory_space<vmem_shared>> -> memref<640xf32, #tpu.memory_space<vmem_shared>>
      %dma_wait3A_317 = tpu.memref_slice %arg8[%mul3A_286] : memref<10240xf32, #tpu.memory_space<vmem_shared>> -> memref<640xf32, #tpu.memory_space<vmem_shared>>
      tpu.wait_dma2 semaphore(%run_scoped3A : memref<!tpu.dma_semaphore, #tpu.memory_space<semaphore_mem>>) src(%arg7 : memref<640xf32, #tpu.memory_space<vmem>>) dst(%dma_wait3A_317 : memref<640xf32, #tpu.memory_space<vmem_shared>>)
      tpu.yield
    }) : () -> ()
    %mul3A_287 = arith.constant 160 : i32
    %mul3A_288 = arith.muli %arg1, %mul3A_287 : i32
    "tpu.region"() ({
      %run_scoped3A = tpu.sem_alloc : memref<!tpu.dma_semaphore, #tpu.memory_space<semaphore_mem>>
      %dma_start3A = arith.constant 0 : i32
      %dma_start3A_316 = tpu.memref_slice %arg2[%mul3A_288, %dma_start3A] : memref<2560x128xi32, #tpu.memory_space<hbm>> -> memref<160x128xi32, #tpu.memory_space<hbm>>
      %dma_start3A_317 = arith.constant 0 : i32
      %dma_start3A_318 = tpu.memref_slice %arg2[%mul3A_288, %dma_start3A_317] : memref<2560x128xi32, #tpu.memory_space<hbm>> -> memref<160x128xi32, #tpu.memory_space<hbm>>
      tpu.enqueue_dma source(%dma_start3A_318 : memref<160x128xi32, #tpu.memory_space<hbm>>) target(%arg4 : memref<160x128xi32, #tpu.memory_space<vmem>>) target_semaphore(%run_scoped3A : memref<!tpu.dma_semaphore, #tpu.memory_space<semaphore_mem>>)
      %dma_wait3A = arith.constant 0 : i32
      %dma_wait3A_319 = tpu.memref_slice %arg2[%mul3A_288, %dma_wait3A] : memref<2560x128xi32, #tpu.memory_space<hbm>> -> memref<160x128xi32, #tpu.memory_space<hbm>>
      %dma_wait3A_320 = arith.constant 0 : i32
      %dma_wait3A_321 = tpu.memref_slice %arg2[%mul3A_288, %dma_wait3A_320] : memref<2560x128xi32, #tpu.memory_space<hbm>> -> memref<160x128xi32, #tpu.memory_space<hbm>>
      tpu.wait_dma2 semaphore(%run_scoped3A : memref<!tpu.dma_semaphore, #tpu.memory_space<semaphore_mem>>) src(%dma_wait3A_321 : memref<160x128xi32, #tpu.memory_space<hbm>>) dst(%arg4 : memref<160x128xi32, #tpu.memory_space<vmem>>)
      tpu.yield
    }) : () -> ()
    %sub3A = arith.constant 1 : i32
    %sub3A_289 = arith.subi %sub3A, %arg0 : i32
    %mul3A_290 = arith.constant 14 : i32
    %mul3A_291 = arith.muli %mul3A_290, %sub3A_289 : i32
    %scan3A = arith.constant 0 : i32
    %scan3A_292 = arith.constant 0 : i32
    %scan3A_293 = arith.constant 160 : i32
    %scan3A_294 = arith.addi %scan3A_292, %scan3A_293 : i32
    %scan3A_295 = arith.constant 1 : i32
    scf.for %scan3A_316 = %scan3A_292 to %scan3A_294 step %scan3A_295  : i32 {
      %get3A = arith.index_cast %scan3A_316 : i32 to index
      %get3A_317 = arith.constant 0 : index
      %get3A_318 = tpu.vector_load %arg4[%get3A, %get3A_317] {strides = array<i32>} : memref<160x128xi32, #tpu.memory_space<vmem>>, vector<1x16xi32>,
      %get3A_319 = vector.shape_cast %get3A_318 : vector<1x16xi32> to vector<16xi32>
      %shift_right_logical3A = vector.broadcast %mul3A_291 : i32 to vector<16xi32>
      %shift_right_logical3A_320 = arith.shrui %get3A_319, %shift_right_logical3A : vector<16xi32>
      %and3A = arith.constant 16383 : i32
      %and3A_321 = vector.broadcast %and3A : i32 to vector<16xi32>
      %and3A_322 = arith.andi %shift_right_logical3A_320, %and3A_321 : vector<16xi32>
      %swap3A_323 = arith.index_cast %scan3A_316 : i32 to index
      %swap3A_324 = arith.constant 0 : index
      %swap3A_325 = tpu.vector_load %arg5[%swap3A_323, %swap3A_324] {strides = array<i32>} : memref<160x128xi32, #tpu.memory_space<vmem>>, vector<1x16xi32>,
      %swap3A_326 = vector.shape_cast %swap3A_325 : vector<1x16xi32> to vector<16xi32>
      %swap3A_327 = vector.shape_cast %and3A_322 : vector<16xi32> to vector<1x16xi32>
      tpu.vector_store %arg5[%swap3A_323, %swap3A_324], %swap3A_327 {strides = array<i32>} : memref<160x128xi32, #tpu.memory_space<vmem>>, vector<1x16xi32>,
      %get3A_328 = arith.index_cast %scan3A_316 : i32 to index
      %get3A_329 = arith.constant 16 : index
      %get3A_330 = tpu.vector_load %arg4[%get3A_328, %get3A_329] {strides = array<i32>} : memref<160x128xi32, #tpu.memory_space<vmem>>, vector<1x16xi32>,
      %get3A_331 = vector.shape_cast %get3A_330 : vector<1x16xi32> to vector<16xi32>
      %shift_right_logical3A_332 = vector.broadcast %mul3A_291 : i32 to vector<16xi32>
      %shift_right_logical3A_333 = arith.shrui %get3A_331, %shift_right_logical3A_332 : vector<16xi32>
      %and3A_334 = arith.constant 16383 : i32
      %and3A_335 = vector.broadcast %and3A_334 : i32 to vector<16xi32>
      %and3A_336 = arith.andi %shift_right_logical3A_333, %and3A_335 : vector<16xi32>
      %swap3A_337 = arith.index_cast %scan3A_316 : i32 to index
      %swap3A_338 = arith.constant 16 : index
      %swap3A_339 = tpu.vector_load %arg5[%swap3A_337, %swap3A_338] {strides = array<i32>} : memref<160x128xi32, #tpu.memory_space<vmem>>, vector<1x16xi32>,
      %swap3A_340 = vector.shape_cast %swap3A_339 : vector<1x16xi32> to vector<16xi32>
      %swap3A_341 = vector.shape_cast %and3A_336 : vector<16xi32> to vector<1x16xi32>
      tpu.vector_store %arg5[%swap3A_337, %swap3A_338], %swap3A_341 {strides = array<i32>} : memref<160x128xi32, #tpu.memory_space<vmem>>, vector<1x16xi32>,
      %get3A_342 = arith.index_cast %scan3A_316 : i32 to index
      %get3A_343 = arith.constant 32 : index
      %get3A_344 = tpu.vector_load %arg4[%get3A_342, %get3A_343] {strides = array<i32>} : memref<160x128xi32, #tpu.memory_space<vmem>>, vector<1x16xi32>,
      %get3A_345 = vector.shape_cast %get3A_344 : vector<1x16xi32> to vector<16xi32>
      %shift_right_logical3A_346 = vector.broadcast %mul3A_291 : i32 to vector<16xi32>
      %shift_right_logical3A_347 = arith.shrui %get3A_345, %shift_right_logical3A_346 : vector<16xi32>
      %and3A_348 = arith.constant 16383 : i32
      %and3A_349 = vector.broadcast %and3A_348 : i32 to vector<16xi32>
      %and3A_350 = arith.andi %shift_right_logical3A_347, %and3A_349 : vector<16xi32>
      %swap3A_351 = arith.index_cast %scan3A_316 : i32 to index
      %swap3A_352 = arith.constant 32 : index
      %swap3A_353 = tpu.vector_load %arg5[%swap3A_351, %swap3A_352] {strides = array<i32>} : memref<160x128xi32, #tpu.memory_space<vmem>>, vector<1x16xi32>,
      %swap3A_354 = vector.shape_cast %swap3A_353 : vector<1x16xi32> to vector<16xi32>
      %swap3A_355 = vector.shape_cast %and3A_350 : vector<16xi32> to vector<1x16xi32>
      tpu.vector_store %arg5[%swap3A_351, %swap3A_352], %swap3A_355 {strides = array<i32>} : memref<160x128xi32, #tpu.memory_space<vmem>>, vector<1x16xi32>,
      %get3A_356 = arith.index_cast %scan3A_316 : i32 to index
      %get3A_357 = arith.constant 48 : index
      %get3A_358 = tpu.vector_load %arg4[%get3A_356, %get3A_357] {strides = array<i32>} : memref<160x128xi32, #tpu.memory_space<vmem>>, vector<1x16xi32>,
      %get3A_359 = vector.shape_cast %get3A_358 : vector<1x16xi32> to vector<16xi32>
      %shift_right_logical3A_360 = vector.broadcast %mul3A_291 : i32 to vector<16xi32>
      %shift_right_logical3A_361 = arith.shrui %get3A_359, %shift_right_logical3A_360 : vector<16xi32>
      %and3A_362 = arith.constant 16383 : i32
      %and3A_363 = vector.broadcast %and3A_362 : i32 to vector<16xi32>
      %and3A_364 = arith.andi %shift_right_logical3A_361, %and3A_363 : vector<16xi32>
      %swap3A_365 = arith.index_cast %scan3A_316 : i32 to index
      %swap3A_366 = arith.constant 48 : index
      %swap3A_367 = tpu.vector_load %arg5[%swap3A_365, %swap3A_366] {strides = array<i32>} : memref<160x128xi32, #tpu.memory_space<vmem>>, vector<1x16xi32>,
      %swap3A_368 = vector.shape_cast %swap3A_367 : vector<1x16xi32> to vector<16xi32>
      %swap3A_369 = vector.shape_cast %and3A_364 : vector<16xi32> to vector<1x16xi32>
      tpu.vector_store %arg5[%swap3A_365, %swap3A_366], %swap3A_369 {strides = array<i32>} : memref<160x128xi32, #tpu.memory_space<vmem>>, vector<1x16xi32>,
      %get3A_370 = arith.index_cast %scan3A_316 : i32 to index
      %get3A_371 = arith.constant 64 : index
      %get3A_372 = tpu.vector_load %arg4[%get3A_370, %get3A_371] {strides = array<i32>} : memref<160x128xi32, #tpu.memory_space<vmem>>, vector<1x16xi32>,
      %get3A_373 = vector.shape_cast %get3A_372 : vector<1x16xi32> to vector<16xi32>
      %shift_right_logical3A_374 = vector.broadcast %mul3A_291 : i32 to vector<16xi32>
      %shift_right_logical3A_375 = arith.shrui %get3A_373, %shift_right_logical3A_374 : vector<16xi32>
      %and3A_376 = arith.constant 16383 : i32
      %and3A_377 = vector.broadcast %and3A_376 : i32 to vector<16xi32>
      %and3A_378 = arith.andi %shift_right_logical3A_375, %and3A_377 : vector<16xi32>
      %swap3A_379 = arith.index_cast %scan3A_316 : i32 to index
      %swap3A_380 = arith.constant 64 : index
      %swap3A_381 = tpu.vector_load %arg5[%swap3A_379, %swap3A_380] {strides = array<i32>} : memref<160x128xi32, #tpu.memory_space<vmem>>, vector<1x16xi32>,
      %swap3A_382 = vector.shape_cast %swap3A_381 : vector<1x16xi32> to vector<16xi32>
      %swap3A_383 = vector.shape_cast %and3A_378 : vector<16xi32> to vector<1x16xi32>
      tpu.vector_store %arg5[%swap3A_379, %swap3A_380], %swap3A_383 {strides = array<i32>} : memref<160x128xi32, #tpu.memory_space<vmem>>, vector<1x16xi32>,
      %get3A_384 = arith.index_cast %scan3A_316 : i32 to index
      %get3A_385 = arith.constant 80 : index
      %get3A_386 = tpu.vector_load %arg4[%get3A_384, %get3A_385] {strides = array<i32>} : memref<160x128xi32, #tpu.memory_space<vmem>>, vector<1x16xi32>,
      %get3A_387 = vector.shape_cast %get3A_386 : vector<1x16xi32> to vector<16xi32>
      %shift_right_logical3A_388 = vector.broadcast %mul3A_291 : i32 to vector<16xi32>
      %shift_right_logical3A_389 = arith.shrui %get3A_387, %shift_right_logical3A_388 : vector<16xi32>
      %and3A_390 = arith.constant 16383 : i32
      %and3A_391 = vector.broadcast %and3A_390 : i32 to vector<16xi32>
      %and3A_392 = arith.andi %shift_right_logical3A_389, %and3A_391 : vector<16xi32>
      %swap3A_393 = arith.index_cast %scan3A_316 : i32 to index
      %swap3A_394 = arith.constant 80 : index
      %swap3A_395 = tpu.vector_load %arg5[%swap3A_393, %swap3A_394] {strides = array<i32>} : memref<160x128xi32, #tpu.memory_space<vmem>>, vector<1x16xi32>,
      %swap3A_396 = vector.shape_cast %swap3A_395 : vector<1x16xi32> to vector<16xi32>
      %swap3A_397 = vector.shape_cast %and3A_392 : vector<16xi32> to vector<1x16xi32>
      tpu.vector_store %arg5[%swap3A_393, %swap3A_394], %swap3A_397 {strides = array<i32>} : memref<160x128xi32, #tpu.memory_space<vmem>>, vector<1x16xi32>,
      %get3A_398 = arith.index_cast %scan3A_316 : i32 to index
      %get3A_399 = arith.constant 96 : index
      %get3A_400 = tpu.vector_load %arg4[%get3A_398, %get3A_399] {strides = array<i32>} : memref<160x128xi32, #tpu.memory_space<vmem>>, vector<1x16xi32>,
      %get3A_401 = vector.shape_cast %get3A_400 : vector<1x16xi32> to vector<16xi32>
      %shift_right_logical3A_402 = vector.broadcast %mul3A_291 : i32 to vector<16xi32>
      %shift_right_logical3A_403 = arith.shrui %get3A_401, %shift_right_logical3A_402 : vector<16xi32>
      %and3A_404 = arith.constant 16383 : i32
      %and3A_405 = vector.broadcast %and3A_404 : i32 to vector<16xi32>
      %and3A_406 = arith.andi %shift_right_logical3A_403, %and3A_405 : vector<16xi32>
      %swap3A_407 = arith.index_cast %scan3A_316 : i32 to index
      %swap3A_408 = arith.constant 96 : index
      %swap3A_409 = tpu.vector_load %arg5[%swap3A_407, %swap3A_408] {strides = array<i32>} : memref<160x128xi32, #tpu.memory_space<vmem>>, vector<1x16xi32>,
      %swap3A_410 = vector.shape_cast %swap3A_409 : vector<1x16xi32> to vector<16xi32>
      %swap3A_411 = vector.shape_cast %and3A_406 : vector<16xi32> to vector<1x16xi32>
      tpu.vector_store %arg5[%swap3A_407, %swap3A_408], %swap3A_411 {strides = array<i32>} : memref<160x128xi32, #tpu.memory_space<vmem>>, vector<1x16xi32>,
      %get3A_412 = arith.index_cast %scan3A_316 : i32 to index
      %get3A_413 = arith.constant 112 : index
      %get3A_414 = tpu.vector_load %arg4[%get3A_412, %get3A_413] {strides = array<i32>} : memref<160x128xi32, #tpu.memory_space<vmem>>, vector<1x16xi32>,
      %get3A_415 = vector.shape_cast %get3A_414 : vector<1x16xi32> to vector<16xi32>
      %shift_right_logical3A_416 = vector.broadcast %mul3A_291 : i32 to vector<16xi32>
      %shift_right_logical3A_417 = arith.shrui %get3A_415, %shift_right_logical3A_416 : vector<16xi32>
      %and3A_418 = arith.constant 16383 : i32
      %and3A_419 = vector.broadcast %and3A_418 : i32 to vector<16xi32>
      %and3A_420 = arith.andi %shift_right_logical3A_417, %and3A_419 : vector<16xi32>
      %swap3A_421 = arith.index_cast %scan3A_316 : i32 to index
      %swap3A_422 = arith.constant 112 : index
      %swap3A_423 = tpu.vector_load %arg5[%swap3A_421, %swap3A_422] {strides = array<i32>} : memref<160x128xi32, #tpu.memory_space<vmem>>, vector<1x16xi32>,
      %swap3A_424 = vector.shape_cast %swap3A_423 : vector<1x16xi32> to vector<16xi32>
      %swap3A_425 = vector.shape_cast %and3A_420 : vector<16xi32> to vector<1x16xi32>
      tpu.vector_store %arg5[%swap3A_421, %swap3A_422], %swap3A_425 {strides = array<i32>} : memref<160x128xi32, #tpu.memory_space<vmem>>, vector<1x16xi32>,
    }
    %scan3A_296 = arith.constant 160 : i32
    %barrier3A = arith.constant 0 : index
    tpu.barrier barrier_id(%barrier3A)
    %scan3A_297 = arith.constant 0 : i32
    %scan3A_298 = arith.constant 0 : i32
    %scan3A_299 = arith.constant 20 : i32
    %scan3A_300 = arith.addi %scan3A_298, %scan3A_299 : i32
    %scan3A_301 = arith.constant 1 : i32
    scf.for %scan3A_316 = %scan3A_298 to %scan3A_300 step %scan3A_301  : i32 {
      %mul3A_317 = arith.constant 8 : i32
      %mul3A_318 = arith.muli %scan3A_316, %mul3A_317 : i32
      %mul3A_319 = arith.constant 160 : i32
      %mul3A_320 = arith.muli %arg1, %mul3A_319 : i32
      %add3A_321 = arith.addi %mul3A_320, %mul3A_318 : i32
      %add3A_322 = arith.constant 0 : i32
      %add3A_323 = arith.addi %add3A_321, %add3A_322 : i32
      %lt3A = arith.constant 2500 : i32
      %lt3A_324 = arith.cmpi slt, %add3A_323, %lt3A : i32
      %convert_element_type3A = arith.extui %lt3A_324 : i1 to i32
      %cond3A = arith.constant 0 : i32
      %cond3A_325 = arith.cmpi ne, %convert_element_type3A, %cond3A : i32
      scf.if %cond3A_325 {
        %add3A_476 = arith.constant 0 : i32
        %add3A_477 = arith.addi %mul3A_318, %add3A_476 : i32
        %dma_start3A = arith.constant 0 : i32
        %dma_start3A_478 = tpu.memref_slice %arg5[%add3A_477, %dma_start3A] : memref<160x128xi32, #tpu.memory_space<vmem>> -> memref<1x128xi32, #tpu.memory_space<vmem>>
        %dma_start3A_479 = tpu.memref_squeeze %dma_start3A_478 : memref<1x128xi32, #tpu.memory_space<vmem>> -> memref<128xi32, #tpu.memory_space<vmem>>
        %dma_start3A_480 = arith.constant 0 : i32
        %dma_start3A_481 = tpu.memref_slice %arg8[%dma_start3A_480] : memref<10240xf32, #tpu.memory_space<vmem_shared>> -> memref<10240xf32, #tpu.memory_space<vmem_shared>>
        tpu.enqueue_indirect_dma source(%arg6 : memref<128xf32, #tpu.memory_space<vmem>>) target(%dma_start3A_481 : memref<10240xf32, #tpu.memory_space<vmem_shared>>) offsets(%dma_start3A_479 : memref<128xi32, #tpu.memory_space<vmem>>) semaphore(%arg9 : memref<!tpu.dma_semaphore, #tpu.memory_space<semaphore_mem>>) {add = true}
      } else {
      }
      %mul3A_326 = arith.constant 160 : i32
      %mul3A_327 = arith.muli %arg1, %mul3A_326 : i32
      %add3A_328 = arith.addi %mul3A_327, %mul3A_318 : i32
      %add3A_329 = arith.constant 1 : i32
      %add3A_330 = arith.addi %add3A_328, %add3A_329 : i32
      %lt3A_331 = arith.constant 2500 : i32
      %lt3A_332 = arith.cmpi slt, %add3A_330, %lt3A_331 : i32
      %convert_element_type3A_333 = arith.extui %lt3A_332 : i1 to i32
      %cond3A_334 = arith.constant 0 : i32
      %cond3A_335 = arith.cmpi ne, %convert_element_type3A_333, %cond3A_334 : i32
      scf.if %cond3A_335 {
        %add3A_476 = arith.constant 1 : i32
        %add3A_477 = arith.addi %mul3A_318, %add3A_476 : i32
        %dma_start3A = arith.constant 0 : i32
        %dma_start3A_478 = tpu.memref_slice %arg5[%add3A_477, %dma_start3A] : memref<160x128xi32, #tpu.memory_space<vmem>> -> memref<1x128xi32, #tpu.memory_space<vmem>>
        %dma_start3A_479 = tpu.memref_squeeze %dma_start3A_478 : memref<1x128xi32, #tpu.memory_space<vmem>> -> memref<128xi32, #tpu.memory_space<vmem>>
        %dma_start3A_480 = arith.constant 0 : i32
        %dma_start3A_481 = tpu.memref_slice %arg8[%dma_start3A_480] : memref<10240xf32, #tpu.memory_space<vmem_shared>> -> memref<10240xf32, #tpu.memory_space<vmem_shared>>
        tpu.enqueue_indirect_dma source(%arg6 : memref<128xf32, #tpu.memory_space<vmem>>) target(%dma_start3A_481 : memref<10240xf32, #tpu.memory_space<vmem_shared>>) offsets(%dma_start3A_479 : memref<128xi32, #tpu.memory_space<vmem>>) semaphore(%arg9 : memref<!tpu.dma_semaphore, #tpu.memory_space<semaphore_mem>>) {add = true}
      } else {
      }
      %mul3A_336 = arith.constant 160 : i32
      %mul3A_337 = arith.muli %arg1, %mul3A_336 : i32
      %add3A_338 = arith.addi %mul3A_337, %mul3A_318 : i32
      %add3A_339 = arith.constant 2 : i32
      %add3A_340 = arith.addi %add3A_338, %add3A_339 : i32
      %lt3A_341 = arith.constant 2500 : i32
      %lt3A_342 = arith.cmpi slt, %add3A_340, %lt3A_341 : i32
      %convert_element_type3A_343 = arith.extui %lt3A_342 : i1 to i32
      %cond3A_344 = arith.constant 0 : i32
      %cond3A_345 = arith.cmpi ne, %convert_element_type3A_343, %cond3A_344 : i32
      scf.if %cond3A_345 {
        %add3A_476 = arith.constant 2 : i32
        %add3A_477 = arith.addi %mul3A_318, %add3A_476 : i32
        %dma_start3A = arith.constant 0 : i32
        %dma_start3A_478 = tpu.memref_slice %arg5[%add3A_477, %dma_start3A] : memref<160x128xi32, #tpu.memory_space<vmem>> -> memref<1x128xi32, #tpu.memory_space<vmem>>
        %dma_start3A_479 = tpu.memref_squeeze %dma_start3A_478 : memref<1x128xi32, #tpu.memory_space<vmem>> -> memref<128xi32, #tpu.memory_space<vmem>>
        %dma_start3A_480 = arith.constant 0 : i32
        %dma_start3A_481 = tpu.memref_slice %arg8[%dma_start3A_480] : memref<10240xf32, #tpu.memory_space<vmem_shared>> -> memref<10240xf32, #tpu.memory_space<vmem_shared>>
        tpu.enqueue_indirect_dma source(%arg6 : memref<128xf32, #tpu.memory_space<vmem>>) target(%dma_start3A_481 : memref<10240xf32, #tpu.memory_space<vmem_shared>>) offsets(%dma_start3A_479 : memref<128xi32, #tpu.memory_space<vmem>>) semaphore(%arg9 : memref<!tpu.dma_semaphore, #tpu.memory_space<semaphore_mem>>) {add = true}
      } else {
      }
      %mul3A_346 = arith.constant 160 : i32
      %mul3A_347 = arith.muli %arg1, %mul3A_346 : i32
      %add3A_348 = arith.addi %mul3A_347, %mul3A_318 : i32
      %add3A_349 = arith.constant 3 : i32
      %add3A_350 = arith.addi %add3A_348, %add3A_349 : i32
      %lt3A_351 = arith.constant 2500 : i32
      %lt3A_352 = arith.cmpi slt, %add3A_350, %lt3A_351 : i32
      %convert_element_type3A_353 = arith.extui %lt3A_352 : i1 to i32
      %cond3A_354 = arith.constant 0 : i32
      %cond3A_355 = arith.cmpi ne, %convert_element_type3A_353, %cond3A_354 : i32
      scf.if %cond3A_355 {
        %add3A_476 = arith.constant 3 : i32
        %add3A_477 = arith.addi %mul3A_318, %add3A_476 : i32
        %dma_start3A = arith.constant 0 : i32
        %dma_start3A_478 = tpu.memref_slice %arg5[%add3A_477, %dma_start3A] : memref<160x128xi32, #tpu.memory_space<vmem>> -> memref<1x128xi32, #tpu.memory_space<vmem>>
        %dma_start3A_479 = tpu.memref_squeeze %dma_start3A_478 : memref<1x128xi32, #tpu.memory_space<vmem>> -> memref<128xi32, #tpu.memory_space<vmem>>
        %dma_start3A_480 = arith.constant 0 : i32
        %dma_start3A_481 = tpu.memref_slice %arg8[%dma_start3A_480] : memref<10240xf32, #tpu.memory_space<vmem_shared>> -> memref<10240xf32, #tpu.memory_space<vmem_shared>>
        tpu.enqueue_indirect_dma source(%arg6 : memref<128xf32, #tpu.memory_space<vmem>>) target(%dma_start3A_481 : memref<10240xf32, #tpu.memory_space<vmem_shared>>) offsets(%dma_start3A_479 : memref<128xi32, #tpu.memory_space<vmem>>) semaphore(%arg9 : memref<!tpu.dma_semaphore, #tpu.memory_space<semaphore_mem>>) {add = true}
      } else {
      }
      %mul3A_356 = arith.constant 160 : i32
      %mul3A_357 = arith.muli %arg1, %mul3A_356 : i32
      %add3A_358 = arith.addi %mul3A_357, %mul3A_318 : i32
      %add3A_359 = arith.constant 4 : i32
      %add3A_360 = arith.addi %add3A_358, %add3A_359 : i32
      %lt3A_361 = arith.constant 2500 : i32
      %lt3A_362 = arith.cmpi slt, %add3A_360, %lt3A_361 : i32
      %convert_element_type3A_363 = arith.extui %lt3A_362 : i1 to i32
      %cond3A_364 = arith.constant 0 : i32
      %cond3A_365 = arith.cmpi ne, %convert_element_type3A_363, %cond3A_364 : i32
      scf.if %cond3A_365 {
        %add3A_476 = arith.constant 4 : i32
        %add3A_477 = arith.addi %mul3A_318, %add3A_476 : i32
        %dma_start3A = arith.constant 0 : i32
        %dma_start3A_478 = tpu.memref_slice %arg5[%add3A_477, %dma_start3A] : memref<160x128xi32, #tpu.memory_space<vmem>> -> memref<1x128xi32, #tpu.memory_space<vmem>>
        %dma_start3A_479 = tpu.memref_squeeze %dma_start3A_478 : memref<1x128xi32, #tpu.memory_space<vmem>> -> memref<128xi32, #tpu.memory_space<vmem>>
        %dma_start3A_480 = arith.constant 0 : i32
        %dma_start3A_481 = tpu.memref_slice %arg8[%dma_start3A_480] : memref<10240xf32, #tpu.memory_space<vmem_shared>> -> memref<10240xf32, #tpu.memory_space<vmem_shared>>
        tpu.enqueue_indirect_dma source(%arg6 : memref<128xf32, #tpu.memory_space<vmem>>) target(%dma_start3A_481 : memref<10240xf32, #tpu.memory_space<vmem_shared>>) offsets(%dma_start3A_479 : memref<128xi32, #tpu.memory_space<vmem>>) semaphore(%arg9 : memref<!tpu.dma_semaphore, #tpu.memory_space<semaphore_mem>>) {add = true}
      } else {
      }
      %mul3A_366 = arith.constant 160 : i32
      %mul3A_367 = arith.muli %arg1, %mul3A_366 : i32
      %add3A_368 = arith.addi %mul3A_367, %mul3A_318 : i32
      %add3A_369 = arith.constant 5 : i32
      %add3A_370 = arith.addi %add3A_368, %add3A_369 : i32
      %lt3A_371 = arith.constant 2500 : i32
      %lt3A_372 = arith.cmpi slt, %add3A_370, %lt3A_371 : i32
      %convert_element_type3A_373 = arith.extui %lt3A_372 : i1 to i32
      %cond3A_374 = arith.constant 0 : i32
      %cond3A_375 = arith.cmpi ne, %convert_element_type3A_373, %cond3A_374 : i32
      scf.if %cond3A_375 {
        %add3A_476 = arith.constant 5 : i32
        %add3A_477 = arith.addi %mul3A_318, %add3A_476 : i32
        %dma_start3A = arith.constant 0 : i32
        %dma_start3A_478 = tpu.memref_slice %arg5[%add3A_477, %dma_start3A] : memref<160x128xi32, #tpu.memory_space<vmem>> -> memref<1x128xi32, #tpu.memory_space<vmem>>
        %dma_start3A_479 = tpu.memref_squeeze %dma_start3A_478 : memref<1x128xi32, #tpu.memory_space<vmem>> -> memref<128xi32, #tpu.memory_space<vmem>>
        %dma_start3A_480 = arith.constant 0 : i32
        %dma_start3A_481 = tpu.memref_slice %arg8[%dma_start3A_480] : memref<10240xf32, #tpu.memory_space<vmem_shared>> -> memref<10240xf32, #tpu.memory_space<vmem_shared>>
        tpu.enqueue_indirect_dma source(%arg6 : memref<128xf32, #tpu.memory_space<vmem>>) target(%dma_start3A_481 : memref<10240xf32, #tpu.memory_space<vmem_shared>>) offsets(%dma_start3A_479 : memref<128xi32, #tpu.memory_space<vmem>>) semaphore(%arg9 : memref<!tpu.dma_semaphore, #tpu.memory_space<semaphore_mem>>) {add = true}
      } else {
      }
      %mul3A_376 = arith.constant 160 : i32
      %mul3A_377 = arith.muli %arg1, %mul3A_376 : i32
      %add3A_378 = arith.addi %mul3A_377, %mul3A_318 : i32
      %add3A_379 = arith.constant 6 : i32
      %add3A_380 = arith.addi %add3A_378, %add3A_379 : i32
      %lt3A_381 = arith.constant 2500 : i32
      %lt3A_382 = arith.cmpi slt, %add3A_380, %lt3A_381 : i32
      %convert_element_type3A_383 = arith.extui %lt3A_382 : i1 to i32
      %cond3A_384 = arith.constant 0 : i32
      %cond3A_385 = arith.cmpi ne, %convert_element_type3A_383, %cond3A_384 : i32
      scf.if %cond3A_385 {
        %add3A_476 = arith.constant 6 : i32
        %add3A_477 = arith.addi %mul3A_318, %add3A_476 : i32
        %dma_start3A = arith.constant 0 : i32
        %dma_start3A_478 = tpu.memref_slice %arg5[%add3A_477, %dma_start3A] : memref<160x128xi32, #tpu.memory_space<vmem>> -> memref<1x128xi32, #tpu.memory_space<vmem>>
        %dma_start3A_479 = tpu.memref_squeeze %dma_start3A_478 : memref<1x128xi32, #tpu.memory_space<vmem>> -> memref<128xi32, #tpu.memory_space<vmem>>
        %dma_start3A_480 = arith.constant 0 : i32
        %dma_start3A_481 = tpu.memref_slice %arg8[%dma_start3A_480] : memref<10240xf32, #tpu.memory_space<vmem_shared>> -> memref<10240xf32, #tpu.memory_space<vmem_shared>>
        tpu.enqueue_indirect_dma source(%arg6 : memref<128xf32, #tpu.memory_space<vmem>>) target(%dma_start3A_481 : memref<10240xf32, #tpu.memory_space<vmem_shared>>) offsets(%dma_start3A_479 : memref<128xi32, #tpu.memory_space<vmem>>) semaphore(%arg9 : memref<!tpu.dma_semaphore, #tpu.memory_space<semaphore_mem>>) {add = true}
      } else {
      }
      %mul3A_386 = arith.constant 160 : i32
      %mul3A_387 = arith.muli %arg1, %mul3A_386 : i32
      %add3A_388 = arith.addi %mul3A_387, %mul3A_318 : i32
      %add3A_389 = arith.constant 7 : i32
      %add3A_390 = arith.addi %add3A_388, %add3A_389 : i32
      %lt3A_391 = arith.constant 2500 : i32
      %lt3A_392 = arith.cmpi slt, %add3A_390, %lt3A_391 : i32
      %convert_element_type3A_393 = arith.extui %lt3A_392 : i1 to i32
      %cond3A_394 = arith.constant 0 : i32
      %cond3A_395 = arith.cmpi ne, %convert_element_type3A_393, %cond3A_394 : i32
      scf.if %cond3A_395 {
        %add3A_476 = arith.constant 7 : i32
        %add3A_477 = arith.addi %mul3A_318, %add3A_476 : i32
        %dma_start3A = arith.constant 0 : i32
        %dma_start3A_478 = tpu.memref_slice %arg5[%add3A_477, %dma_start3A] : memref<160x128xi32, #tpu.memory_space<vmem>> -> memref<1x128xi32, #tpu.memory_space<vmem>>
        %dma_start3A_479 = tpu.memref_squeeze %dma_start3A_478 : memref<1x128xi32, #tpu.memory_space<vmem>> -> memref<128xi32, #tpu.memory_space<vmem>>
        %dma_start3A_480 = arith.constant 0 : i32
        %dma_start3A_481 = tpu.memref_slice %arg8[%dma_start3A_480] : memref<10240xf32, #tpu.memory_space<vmem_shared>> -> memref<10240xf32, #tpu.memory_space<vmem_shared>>
        tpu.enqueue_indirect_dma source(%arg6 : memref<128xf32, #tpu.memory_space<vmem>>) target(%dma_start3A_481 : memref<10240xf32, #tpu.memory_space<vmem_shared>>) offsets(%dma_start3A_479 : memref<128xi32, #tpu.memory_space<vmem>>) semaphore(%arg9 : memref<!tpu.dma_semaphore, #tpu.memory_space<semaphore_mem>>) {add = true}
      } else {
      }
      %mul3A_396 = arith.constant 160 : i32
      %mul3A_397 = arith.muli %arg1, %mul3A_396 : i32
      %add3A_398 = arith.addi %mul3A_397, %mul3A_318 : i32
      %add3A_399 = arith.constant 0 : i32
      %add3A_400 = arith.addi %add3A_398, %add3A_399 : i32
      %lt3A_401 = arith.constant 2500 : i32
      %lt3A_402 = arith.cmpi slt, %add3A_400, %lt3A_401 : i32
      %convert_element_type3A_403 = arith.extui %lt3A_402 : i1 to i32
      %cond3A_404 = arith.constant 0 : i32
      %cond3A_405 = arith.cmpi ne, %convert_element_type3A_403, %cond3A_404 : i32
      scf.if %cond3A_405 {
        %add3A_476 = arith.constant 0 : i32
        %add3A_477 = arith.addi %mul3A_318, %add3A_476 : i32
        %dma_wait3A = arith.constant 0 : i32
        %dma_wait3A_478 = tpu.memref_slice %arg5[%add3A_477, %dma_wait3A] : memref<160x128xi32, #tpu.memory_space<vmem>> -> memref<1x128xi32, #tpu.memory_space<vmem>>
        %dma_wait3A_479 = tpu.memref_squeeze %dma_wait3A_478 : memref<1x128xi32, #tpu.memory_space<vmem>> -> memref<128xi32, #tpu.memory_space<vmem>>
        %dma_wait3A_480 = arith.constant 0 : i32
        %dma_wait3A_481 = tpu.memref_slice %arg8[%dma_wait3A_480] : memref<10240xf32, #tpu.memory_space<vmem_shared>> -> memref<10240xf32, #tpu.memory_space<vmem_shared>>
        tpu.wait_indirect_dma semaphore(%arg9 : memref<!tpu.dma_semaphore, #tpu.memory_space<semaphore_mem>>) src(%arg6 : memref<128xf32, #tpu.memory_space<vmem>>) dst(%dma_wait3A_481 : memref<10240xf32, #tpu.memory_space<vmem_shared>>)
      } else {
      }
      %mul3A_406 = arith.constant 160 : i32
      %mul3A_407 = arith.muli %arg1, %mul3A_406 : i32
      %add3A_408 = arith.addi %mul3A_407, %mul3A_318 : i32
      %add3A_409 = arith.constant 1 : i32
      %add3A_410 = arith.addi %add3A_408, %add3A_409 : i32
      %lt3A_411 = arith.constant 2500 : i32
      %lt3A_412 = arith.cmpi slt, %add3A_410, %lt3A_411 : i32
      %convert_element_type3A_413 = arith.extui %lt3A_412 : i1 to i32
      %cond3A_414 = arith.constant 0 : i32
      %cond3A_415 = arith.cmpi ne, %convert_element_type3A_413, %cond3A_414 : i32
      scf.if %cond3A_415 {
        %add3A_476 = arith.constant 1 : i32
        %add3A_477 = arith.addi %mul3A_318, %add3A_476 : i32
        %dma_wait3A = arith.constant 0 : i32
        %dma_wait3A_478 = tpu.memref_slice %arg5[%add3A_477, %dma_wait3A] : memref<160x128xi32, #tpu.memory_space<vmem>> -> memref<1x128xi32, #tpu.memory_space<vmem>>
        %dma_wait3A_479 = tpu.memref_squeeze %dma_wait3A_478 : memref<1x128xi32, #tpu.memory_space<vmem>> -> memref<128xi32, #tpu.memory_space<vmem>>
        %dma_wait3A_480 = arith.constant 0 : i32
        %dma_wait3A_481 = tpu.memref_slice %arg8[%dma_wait3A_480] : memref<10240xf32, #tpu.memory_space<vmem_shared>> -> memref<10240xf32, #tpu.memory_space<vmem_shared>>
        tpu.wait_indirect_dma semaphore(%arg9 : memref<!tpu.dma_semaphore, #tpu.memory_space<semaphore_mem>>) src(%arg6 : memref<128xf32, #tpu.memory_space<vmem>>) dst(%dma_wait3A_481 : memref<10240xf32, #tpu.memory_space<vmem_shared>>)
      } else {
      }
      %mul3A_416 = arith.constant 160 : i32
      %mul3A_417 = arith.muli %arg1, %mul3A_416 : i32
      %add3A_418 = arith.addi %mul3A_417, %mul3A_318 : i32
      %add3A_419 = arith.constant 2 : i32
      %add3A_420 = arith.addi %add3A_418, %add3A_419 : i32
      %lt3A_421 = arith.constant 2500 : i32
      %lt3A_422 = arith.cmpi slt, %add3A_420, %lt3A_421 : i32
      %convert_element_type3A_423 = arith.extui %lt3A_422 : i1 to i32
      %cond3A_424 = arith.constant 0 : i32
      %cond3A_425 = arith.cmpi ne, %convert_element_type3A_423, %cond3A_424 : i32
      scf.if %cond3A_425 {
        %add3A_476 = arith.constant 2 : i32
        %add3A_477 = arith.addi %mul3A_318, %add3A_476 : i32
        %dma_wait3A = arith.constant 0 : i32
        %dma_wait3A_478 = tpu.memref_slice %arg5[%add3A_477, %dma_wait3A] : memref<160x128xi32, #tpu.memory_space<vmem>> -> memref<1x128xi32, #tpu.memory_space<vmem>>
        %dma_wait3A_479 = tpu.memref_squeeze %dma_wait3A_478 : memref<1x128xi32, #tpu.memory_space<vmem>> -> memref<128xi32, #tpu.memory_space<vmem>>
        %dma_wait3A_480 = arith.constant 0 : i32
        %dma_wait3A_481 = tpu.memref_slice %arg8[%dma_wait3A_480] : memref<10240xf32, #tpu.memory_space<vmem_shared>> -> memref<10240xf32, #tpu.memory_space<vmem_shared>>
        tpu.wait_indirect_dma semaphore(%arg9 : memref<!tpu.dma_semaphore, #tpu.memory_space<semaphore_mem>>) src(%arg6 : memref<128xf32, #tpu.memory_space<vmem>>) dst(%dma_wait3A_481 : memref<10240xf32, #tpu.memory_space<vmem_shared>>)
      } else {
      }
      %mul3A_426 = arith.constant 160 : i32
      %mul3A_427 = arith.muli %arg1, %mul3A_426 : i32
      %add3A_428 = arith.addi %mul3A_427, %mul3A_318 : i32
      %add3A_429 = arith.constant 3 : i32
      %add3A_430 = arith.addi %add3A_428, %add3A_429 : i32
      %lt3A_431 = arith.constant 2500 : i32
      %lt3A_432 = arith.cmpi slt, %add3A_430, %lt3A_431 : i32
      %convert_element_type3A_433 = arith.extui %lt3A_432 : i1 to i32
      %cond3A_434 = arith.constant 0 : i32
      %cond3A_435 = arith.cmpi ne, %convert_element_type3A_433, %cond3A_434 : i32
      scf.if %cond3A_435 {
        %add3A_476 = arith.constant 3 : i32
        %add3A_477 = arith.addi %mul3A_318, %add3A_476 : i32
        %dma_wait3A = arith.constant 0 : i32
        %dma_wait3A_478 = tpu.memref_slice %arg5[%add3A_477, %dma_wait3A] : memref<160x128xi32, #tpu.memory_space<vmem>> -> memref<1x128xi32, #tpu.memory_space<vmem>>
        %dma_wait3A_479 = tpu.memref_squeeze %dma_wait3A_478 : memref<1x128xi32, #tpu.memory_space<vmem>> -> memref<128xi32, #tpu.memory_space<vmem>>
        %dma_wait3A_480 = arith.constant 0 : i32
        %dma_wait3A_481 = tpu.memref_slice %arg8[%dma_wait3A_480] : memref<10240xf32, #tpu.memory_space<vmem_shared>> -> memref<10240xf32, #tpu.memory_space<vmem_shared>>
        tpu.wait_indirect_dma semaphore(%arg9 : memref<!tpu.dma_semaphore, #tpu.memory_space<semaphore_mem>>) src(%arg6 : memref<128xf32, #tpu.memory_space<vmem>>) dst(%dma_wait3A_481 : memref<10240xf32, #tpu.memory_space<vmem_shared>>)
      } else {
      }
      %mul3A_436 = arith.constant 160 : i32
      %mul3A_437 = arith.muli %arg1, %mul3A_436 : i32
      %add3A_438 = arith.addi %mul3A_437, %mul3A_318 : i32
      %add3A_439 = arith.constant 4 : i32
      %add3A_440 = arith.addi %add3A_438, %add3A_439 : i32
      %lt3A_441 = arith.constant 2500 : i32
      %lt3A_442 = arith.cmpi slt, %add3A_440, %lt3A_441 : i32
      %convert_element_type3A_443 = arith.extui %lt3A_442 : i1 to i32
      %cond3A_444 = arith.constant 0 : i32
      %cond3A_445 = arith.cmpi ne, %convert_element_type3A_443, %cond3A_444 : i32
      scf.if %cond3A_445 {
        %add3A_476 = arith.constant 4 : i32
        %add3A_477 = arith.addi %mul3A_318, %add3A_476 : i32
        %dma_wait3A = arith.constant 0 : i32
        %dma_wait3A_478 = tpu.memref_slice %arg5[%add3A_477, %dma_wait3A] : memref<160x128xi32, #tpu.memory_space<vmem>> -> memref<1x128xi32, #tpu.memory_space<vmem>>
        %dma_wait3A_479 = tpu.memref_squeeze %dma_wait3A_478 : memref<1x128xi32, #tpu.memory_space<vmem>> -> memref<128xi32, #tpu.memory_space<vmem>>
        %dma_wait3A_480 = arith.constant 0 : i32
        %dma_wait3A_481 = tpu.memref_slice %arg8[%dma_wait3A_480] : memref<10240xf32, #tpu.memory_space<vmem_shared>> -> memref<10240xf32, #tpu.memory_space<vmem_shared>>
        tpu.wait_indirect_dma semaphore(%arg9 : memref<!tpu.dma_semaphore, #tpu.memory_space<semaphore_mem>>) src(%arg6 : memref<128xf32, #tpu.memory_space<vmem>>) dst(%dma_wait3A_481 : memref<10240xf32, #tpu.memory_space<vmem_shared>>)
      } else {
      }
      %mul3A_446 = arith.constant 160 : i32
      %mul3A_447 = arith.muli %arg1, %mul3A_446 : i32
      %add3A_448 = arith.addi %mul3A_447, %mul3A_318 : i32
      %add3A_449 = arith.constant 5 : i32
      %add3A_450 = arith.addi %add3A_448, %add3A_449 : i32
      %lt3A_451 = arith.constant 2500 : i32
      %lt3A_452 = arith.cmpi slt, %add3A_450, %lt3A_451 : i32
      %convert_element_type3A_453 = arith.extui %lt3A_452 : i1 to i32
      %cond3A_454 = arith.constant 0 : i32
      %cond3A_455 = arith.cmpi ne, %convert_element_type3A_453, %cond3A_454 : i32
      scf.if %cond3A_455 {
        %add3A_476 = arith.constant 5 : i32
        %add3A_477 = arith.addi %mul3A_318, %add3A_476 : i32
        %dma_wait3A = arith.constant 0 : i32
        %dma_wait3A_478 = tpu.memref_slice %arg5[%add3A_477, %dma_wait3A] : memref<160x128xi32, #tpu.memory_space<vmem>> -> memref<1x128xi32, #tpu.memory_space<vmem>>
        %dma_wait3A_479 = tpu.memref_squeeze %dma_wait3A_478 : memref<1x128xi32, #tpu.memory_space<vmem>> -> memref<128xi32, #tpu.memory_space<vmem>>
        %dma_wait3A_480 = arith.constant 0 : i32
        %dma_wait3A_481 = tpu.memref_slice %arg8[%dma_wait3A_480] : memref<10240xf32, #tpu.memory_space<vmem_shared>> -> memref<10240xf32, #tpu.memory_space<vmem_shared>>
        tpu.wait_indirect_dma semaphore(%arg9 : memref<!tpu.dma_semaphore, #tpu.memory_space<semaphore_mem>>) src(%arg6 : memref<128xf32, #tpu.memory_space<vmem>>) dst(%dma_wait3A_481 : memref<10240xf32, #tpu.memory_space<vmem_shared>>)
      } else {
      }
      %mul3A_456 = arith.constant 160 : i32
      %mul3A_457 = arith.muli %arg1, %mul3A_456 : i32
      %add3A_458 = arith.addi %mul3A_457, %mul3A_318 : i32
      %add3A_459 = arith.constant 6 : i32
      %add3A_460 = arith.addi %add3A_458, %add3A_459 : i32
      %lt3A_461 = arith.constant 2500 : i32
      %lt3A_462 = arith.cmpi slt, %add3A_460, %lt3A_461 : i32
      %convert_element_type3A_463 = arith.extui %lt3A_462 : i1 to i32
      %cond3A_464 = arith.constant 0 : i32
      %cond3A_465 = arith.cmpi ne, %convert_element_type3A_463, %cond3A_464 : i32
      scf.if %cond3A_465 {
        %add3A_476 = arith.constant 6 : i32
        %add3A_477 = arith.addi %mul3A_318, %add3A_476 : i32
        %dma_wait3A = arith.constant 0 : i32
        %dma_wait3A_478 = tpu.memref_slice %arg5[%add3A_477, %dma_wait3A] : memref<160x128xi32, #tpu.memory_space<vmem>> -> memref<1x128xi32, #tpu.memory_space<vmem>>
        %dma_wait3A_479 = tpu.memref_squeeze %dma_wait3A_478 : memref<1x128xi32, #tpu.memory_space<vmem>> -> memref<128xi32, #tpu.memory_space<vmem>>
        %dma_wait3A_480 = arith.constant 0 : i32
        %dma_wait3A_481 = tpu.memref_slice %arg8[%dma_wait3A_480] : memref<10240xf32, #tpu.memory_space<vmem_shared>> -> memref<10240xf32, #tpu.memory_space<vmem_shared>>
        tpu.wait_indirect_dma semaphore(%arg9 : memref<!tpu.dma_semaphore, #tpu.memory_space<semaphore_mem>>) src(%arg6 : memref<128xf32, #tpu.memory_space<vmem>>) dst(%dma_wait3A_481 : memref<10240xf32, #tpu.memory_space<vmem_shared>>)
      } else {
      }
      %mul3A_466 = arith.constant 160 : i32
      %mul3A_467 = arith.muli %arg1, %mul3A_466 : i32
      %add3A_468 = arith.addi %mul3A_467, %mul3A_318 : i32
      %add3A_469 = arith.constant 7 : i32
      %add3A_470 = arith.addi %add3A_468, %add3A_469 : i32
      %lt3A_471 = arith.constant 2500 : i32
      %lt3A_472 = arith.cmpi slt, %add3A_470, %lt3A_471 : i32
      %convert_element_type3A_473 = arith.extui %lt3A_472 : i1 to i32
      %cond3A_474 = arith.constant 0 : i32
      %cond3A_475 = arith.cmpi ne, %convert_element_type3A_473, %cond3A_474 : i32
      scf.if %cond3A_475 {
        %add3A_476 = arith.constant 7 : i32
        %add3A_477 = arith.addi %mul3A_318, %add3A_476 : i32
        %dma_wait3A = arith.constant 0 : i32
        %dma_wait3A_478 = tpu.memref_slice %arg5[%add3A_477, %dma_wait3A] : memref<160x128xi32, #tpu.memory_space<vmem>> -> memref<1x128xi32, #tpu.memory_space<vmem>>
        %dma_wait3A_479 = tpu.memref_squeeze %dma_wait3A_478 : memref<1x128xi32, #tpu.memory_space<vmem>> -> memref<128xi32, #tpu.memory_space<vmem>>
        %dma_wait3A_480 = arith.constant 0 : i32
        %dma_wait3A_481 = tpu.memref_slice %arg8[%dma_wait3A_480] : memref<10240xf32, #tpu.memory_space<vmem_shared>> -> memref<10240xf32, #tpu.memory_space<vmem_shared>>
        tpu.wait_indirect_dma semaphore(%arg9 : memref<!tpu.dma_semaphore, #tpu.memory_space<semaphore_mem>>) src(%arg6 : memref<128xf32, #tpu.memory_space<vmem>>) dst(%dma_wait3A_481 : memref<10240xf32, #tpu.memory_space<vmem_shared>>)
      } else {
      }
    }
    %scan3A_302 = arith.constant 20 : i32
    %barrier3A_303 = arith.constant 0 : index
    tpu.barrier barrier_id(%barrier3A_303)
    %mul3A_304 = arith.constant 640 : i32
    %mul3A_305 = arith.muli %arg1, %mul3A_304 : i32
    "tpu.region"() ({
      %run_scoped3A = tpu.sem_alloc : memref<!tpu.dma_semaphore, #tpu.memory_space<semaphore_mem>>
      %dma_start3A = tpu.memref_slice %arg8[%mul3A_305] : memref<10240xf32, #tpu.memory_space<vmem_shared>> -> memref<640xf32, #tpu.memory_space<vmem_shared>>
      %dma_start3A_316 = tpu.memref_slice %arg8[%mul3A_305] : memref<10240xf32, #tpu.memory_space<vmem_shared>> -> memref<640xf32, #tpu.memory_space<vmem_shared>>
      tpu.enqueue_dma source(%dma_start3A_316 : memref<640xf32, #tpu.memory_space<vmem_shared>>) target(%arg7 : memref<640xf32, #tpu.memory_space<vmem>>) target_semaphore(%run_scoped3A : memref<!tpu.dma_semaphore, #tpu.memory_space<semaphore_mem>>)
      %dma_wait3A = tpu.memref_slice %arg8[%mul3A_305] : memref<10240xf32, #tpu.memory_space<vmem_shared>> -> memref<640xf32, #tpu.memory_space<vmem_shared>>
      %dma_wait3A_317 = tpu.memref_slice %arg8[%mul3A_305] : memref<10240xf32, #tpu.memory_space<vmem_shared>> -> memref<640xf32, #tpu.memory_space<vmem_shared>>
      tpu.wait_dma2 semaphore(%run_scoped3A : memref<!tpu.dma_semaphore, #tpu.memory_space<semaphore_mem>>) src(%dma_wait3A_317 : memref<640xf32, #tpu.memory_space<vmem_shared>>) dst(%arg7 : memref<640xf32, #tpu.memory_space<vmem>>)
      tpu.yield
    }) : () -> ()
    %scan3A_306 = arith.constant 0 : i32
    %scan3A_307 = arith.constant 0 : i32
    %scan3A_308 = arith.constant 40 : i32
    %scan3A_309 = arith.addi %scan3A_307, %scan3A_308 : i32
    %scan3A_310 = arith.constant 1 : i32
    scf.for %scan3A_316 = %scan3A_307 to %scan3A_309 step %scan3A_310  : i32 {
      %mul3A_317 = arith.constant 16 : i32
      %mul3A_318 = arith.muli %scan3A_316, %mul3A_317 : i32
      %get3A = arith.index_cast %mul3A_318 : i32 to index
      %get3A_319 = tpu.vector_load %arg7[%get3A] {strides = array<i32>} : memref<640xf32, #tpu.memory_space<vmem>>, vector<16xf32>,
      %get3A_320 = vector.shape_cast %get3A_319 : vector<16xf32> to vector<16xf32>
      %max3A = arith.constant 1.000000e+00 : f32
      %max3A_321 = vector.broadcast %max3A : f32 to vector<16xf32>
      %max3A_322 = arith.maximumf %get3A_320, %max3A_321 : vector<16xf32>
      %bitcast_convert_type3A = tpu.bitcast %max3A_322 : vector<16xf32> -> vector<16xi32>
      %shift_right_logical3A = arith.constant 1 : i32
      %shift_right_logical3A_323 = vector.broadcast %shift_right_logical3A : i32 to vector<16xi32>
      %shift_right_logical3A_324 = arith.shrui %bitcast_convert_type3A, %shift_right_logical3A_323 : vector<16xi32>
      %sub3A_325 = arith.constant 1597463007 : i32
      %sub3A_326 = vector.broadcast %sub3A_325 : i32 to vector<16xi32>
      %sub3A_327 = arith.subi %sub3A_326, %shift_right_logical3A_324 : vector<16xi32>
      %bitcast_convert_type3A_328 = tpu.bitcast %sub3A_327 : vector<16xi32> -> vector<16xf32>
      %mul3A_329 = arith.constant 5.000000e-01 : f32
      %mul3A_330 = vector.broadcast %mul3A_329 : f32 to vector<16xf32>
      %mul3A_331 = arith.mulf %mul3A_330, %max3A_322 : vector<16xf32>
      %mul3A_332 = arith.mulf %mul3A_331, %bitcast_convert_type3A_328 : vector<16xf32>
      %mul3A_333 = arith.mulf %mul3A_332, %bitcast_convert_type3A_328 : vector<16xf32>
      %sub3A_334 = arith.constant 1.500000e+00 : f32
      %sub3A_335 = vector.broadcast %sub3A_334 : f32 to vector<16xf32>
      %sub3A_336 = arith.subf %sub3A_335, %mul3A_333 : vector<16xf32>
      %mul3A_337 = arith.mulf %bitcast_convert_type3A_328, %sub3A_336 : vector<16xf32>
      %mul3A_338 = arith.constant 5.000000e-01 : f32
      %mul3A_339 = vector.broadcast %mul3A_338 : f32 to vector<16xf32>
      %mul3A_340 = arith.mulf %mul3A_339, %max3A_322 : vector<16xf32>
      %mul3A_341 = arith.mulf %mul3A_340, %mul3A_337 : vector<16xf32>
      %mul3A_342 = arith.mulf %mul3A_341, %mul3A_337 : vector<16xf32>
      %sub3A_343 = arith.constant 1.500000e+00 : f32
      %sub3A_344 = vector.broadcast %sub3A_343 : f32 to vector<16xf32>
      %sub3A_345 = arith.subf %sub3A_344, %mul3A_342 : vector<16xf32>
      %mul3A_346 = arith.mulf %mul3A_337, %sub3A_345 : vector<16xf32>
      %mul3A_347 = arith.constant 5.000000e-01 : f32
      %mul3A_348 = vector.broadcast %mul3A_347 : f32 to vector<16xf32>
      %mul3A_349 = arith.mulf %mul3A_348, %max3A_322 : vector<16xf32>
      %mul3A_350 = arith.mulf %mul3A_349, %mul3A_346 : vector<16xf32>
      %mul3A_351 = arith.mulf %mul3A_350, %mul3A_346 : vector<16xf32>
      %sub3A_352 = arith.constant 1.500000e+00 : f32
      %sub3A_353 = vector.broadcast %sub3A_352 : f32 to vector<16xf32>
      %sub3A_354 = arith.subf %sub3A_353, %mul3A_351 : vector<16xf32>
      %mul3A_355 = arith.mulf %mul3A_346, %sub3A_354 : vector<16xf32>
      %mul3A_356 = arith.constant 16 : i32
      %mul3A_357 = arith.muli %scan3A_316, %mul3A_356 : i32
      %swap3A_358 = arith.index_cast %mul3A_357 : i32 to index
      %swap3A_359 = tpu.vector_load %arg7[%swap3A_358] {strides = array<i32>} : memref<640xf32, #tpu.memory_space<vmem>>, vector<16xf32>,
      %swap3A_360 = vector.shape_cast %swap3A_359 : vector<16xf32> to vector<16xf32>
      %swap3A_361 = vector.shape_cast %mul3A_355 : vector<16xf32> to vector<16xf32>
      tpu.vector_store %arg7[%swap3A_358], %swap3A_361 {strides = array<i32>} : memref<640xf32, #tpu.memory_space<vmem>>, vector<16xf32>,
    }
    %scan3A_311 = arith.constant 40 : i32
    %mul3A_312 = arith.constant 10240 : i32
    %mul3A_313 = arith.muli %arg0, %mul3A_312 : i32
    %mul3A_314 = arith.constant 640 : i32
    %mul3A_315 = arith.muli %arg1, %mul3A_314 : i32
    %add3A = arith.addi %mul3A_313, %mul3A_315 : i32
    "tpu.region"() ({
      %run_scoped3A = tpu.sem_alloc : memref<!tpu.dma_semaphore, #tpu.memory_space<semaphore_mem>>
      %dma_start3A = tpu.memref_slice %arg3[%add3A] : memref<20480xf32, #tpu.memory_space<hbm>> -> memref<640xf32, #tpu.memory_space<hbm>>
      %dma_start3A_316 = tpu.memref_slice %arg3[%add3A] : memref<20480xf32, #tpu.memory_space<hbm>> -> memref<640xf32, #tpu.memory_space<hbm>>
      tpu.enqueue_dma source(%arg7 : memref<640xf32, #tpu.memory_space<vmem>>) target(%dma_start3A_316 : memref<640xf32, #tpu.memory_space<hbm>>) target_semaphore(%run_scoped3A : memref<!tpu.dma_semaphore, #tpu.memory_space<semaphore_mem>>)
      %dma_wait3A = tpu.memref_slice %arg3[%add3A] : memref<20480xf32, #tpu.memory_space<hbm>> -> memref<640xf32, #tpu.memory_space<hbm>>
      %dma_wait3A_317 = tpu.memref_slice %arg3[%add3A] : memref<20480xf32, #tpu.memory_space<hbm>> -> memref<640xf32, #tpu.memory_space<hbm>>
      tpu.wait_dma2 semaphore(%run_scoped3A : memref<!tpu.dma_semaphore, #tpu.memory_space<semaphore_mem>>) src(%arg7 : memref<640xf32, #tpu.memory_space<vmem>>) dst(%dma_wait3A_317 : memref<640xf32, #tpu.memory_space<hbm>>)
      tpu.yield
    }) : () -> ()
    return
  }
}

#map = affine_map<(d0, d1) -> (0, 0)>
#map1 = affine_map<(d0, d1) -> (0, 0, 0)>
module attributes {stable_mosaic.version = 14 : i64} {
  func.func @_agg_body(%arg0: i32, %arg1: i32, %arg2: memref<10000x128xf32, #tpu.memory_space<hbm>>, %arg3: memref<2560x128xi32, #tpu.memory_space<hbm>>, %arg4: memref<2x10240x128xf32, #tpu.memory_space<hbm>>, %arg5: memref<80x128xi32, #tpu.memory_space<vmem>>, %arg6: memref<4x64xi32, #tpu.memory_space<vmem>>, %arg7: memref<64xi32, #tpu.memory_space<vmem>>, %arg8: memref<4x64x128xf32, #tpu.memory_space<vmem>>, %arg9: memref<10240x128xf32, #tpu.memory_space<vmem_shared>>, %arg10: memref<5x!tpu.dma_semaphore, #tpu.memory_space<semaphore_mem>>) attributes {dimension_semantics = [#tpu.dimension_semantics<core_parallel>, #tpu.dimension_semantics<subcore_parallel>], iteration_bounds = array<i64: 2, 16>, scalar_prefetch = 0 : i64, scratch_operands = 6 : i64, tpu.core_type = #tpu.core_type<sc_vector_subcore>, window_params = [{transform_indices = #map}, {transform_indices = #map}, {transform_indices = #map1}]} {
    %mul3A = arith.constant 16 : i32
    %mul3A_0 = arith.muli %arg0, %mul3A : i32
    %add3A = arith.addi %mul3A_0, %arg1 : i32
    %scan3A = arith.constant 0 : i32
    %scan3A_1 = arith.constant 0 : i32
    %scan3A_2 = arith.constant 64 : i32
    %scan3A_3 = arith.addi %scan3A_1, %scan3A_2 : i32
    %scan3A_4 = arith.constant 1 : i32
    scf.for %scan3A_702 = %scan3A_1 to %scan3A_3 step %scan3A_4  : i32 {
      %broadcast_in_dim3A = arith.constant 0.000000e+00 : f32
      %broadcast_in_dim3A_703 = vector.broadcast %broadcast_in_dim3A : f32 to vector<16xf32>
      %swap3A_704 = arith.constant 0 : i32
      %swap3A_705 = arith.index_cast %swap3A_704 : i32 to index
      %swap3A_706 = arith.index_cast %scan3A_702 : i32 to index
      %swap3A_707 = arith.constant 0 : index
      %swap3A_708 = tpu.vector_load %arg8[%swap3A_705, %swap3A_706, %swap3A_707] {strides = array<i32>} : memref<4x64x128xf32, #tpu.memory_space<vmem>>, vector<1x1x16xf32>,
      %swap3A_709 = vector.shape_cast %swap3A_708 : vector<1x1x16xf32> to vector<16xf32>
      %swap3A_710 = vector.shape_cast %broadcast_in_dim3A_703 : vector<16xf32> to vector<1x1x16xf32>
      tpu.vector_store %arg8[%swap3A_705, %swap3A_706, %swap3A_707], %swap3A_710 {strides = array<i32>} : memref<4x64x128xf32, #tpu.memory_space<vmem>>, vector<1x1x16xf32>,
      %broadcast_in_dim3A_711 = arith.constant 0.000000e+00 : f32
      %broadcast_in_dim3A_712 = vector.broadcast %broadcast_in_dim3A_711 : f32 to vector<16xf32>
      %swap3A_713 = arith.constant 0 : i32
      %swap3A_714 = arith.index_cast %swap3A_713 : i32 to index
      %swap3A_715 = arith.index_cast %scan3A_702 : i32 to index
      %swap3A_716 = arith.constant 16 : index
      %swap3A_717 = tpu.vector_load %arg8[%swap3A_714, %swap3A_715, %swap3A_716] {strides = array<i32>} : memref<4x64x128xf32, #tpu.memory_space<vmem>>, vector<1x1x16xf32>,
      %swap3A_718 = vector.shape_cast %swap3A_717 : vector<1x1x16xf32> to vector<16xf32>
      %swap3A_719 = vector.shape_cast %broadcast_in_dim3A_712 : vector<16xf32> to vector<1x1x16xf32>
      tpu.vector_store %arg8[%swap3A_714, %swap3A_715, %swap3A_716], %swap3A_719 {strides = array<i32>} : memref<4x64x128xf32, #tpu.memory_space<vmem>>, vector<1x1x16xf32>,
      %broadcast_in_dim3A_720 = arith.constant 0.000000e+00 : f32
      %broadcast_in_dim3A_721 = vector.broadcast %broadcast_in_dim3A_720 : f32 to vector<16xf32>
      %swap3A_722 = arith.constant 0 : i32
      %swap3A_723 = arith.index_cast %swap3A_722 : i32 to index
      %swap3A_724 = arith.index_cast %scan3A_702 : i32 to index
      %swap3A_725 = arith.constant 32 : index
      %swap3A_726 = tpu.vector_load %arg8[%swap3A_723, %swap3A_724, %swap3A_725] {strides = array<i32>} : memref<4x64x128xf32, #tpu.memory_space<vmem>>, vector<1x1x16xf32>,
      %swap3A_727 = vector.shape_cast %swap3A_726 : vector<1x1x16xf32> to vector<16xf32>
      %swap3A_728 = vector.shape_cast %broadcast_in_dim3A_721 : vector<16xf32> to vector<1x1x16xf32>
      tpu.vector_store %arg8[%swap3A_723, %swap3A_724, %swap3A_725], %swap3A_728 {strides = array<i32>} : memref<4x64x128xf32, #tpu.memory_space<vmem>>, vector<1x1x16xf32>,
      %broadcast_in_dim3A_729 = arith.constant 0.000000e+00 : f32
      %broadcast_in_dim3A_730 = vector.broadcast %broadcast_in_dim3A_729 : f32 to vector<16xf32>
      %swap3A_731 = arith.constant 0 : i32
      %swap3A_732 = arith.index_cast %swap3A_731 : i32 to index
      %swap3A_733 = arith.index_cast %scan3A_702 : i32 to index
      %swap3A_734 = arith.constant 48 : index
      %swap3A_735 = tpu.vector_load %arg8[%swap3A_732, %swap3A_733, %swap3A_734] {strides = array<i32>} : memref<4x64x128xf32, #tpu.memory_space<vmem>>, vector<1x1x16xf32>,
      %swap3A_736 = vector.shape_cast %swap3A_735 : vector<1x1x16xf32> to vector<16xf32>
      %swap3A_737 = vector.shape_cast %broadcast_in_dim3A_730 : vector<16xf32> to vector<1x1x16xf32>
      tpu.vector_store %arg8[%swap3A_732, %swap3A_733, %swap3A_734], %swap3A_737 {strides = array<i32>} : memref<4x64x128xf32, #tpu.memory_space<vmem>>, vector<1x1x16xf32>,
      %broadcast_in_dim3A_738 = arith.constant 0.000000e+00 : f32
      %broadcast_in_dim3A_739 = vector.broadcast %broadcast_in_dim3A_738 : f32 to vector<16xf32>
      %swap3A_740 = arith.constant 0 : i32
      %swap3A_741 = arith.index_cast %swap3A_740 : i32 to index
      %swap3A_742 = arith.index_cast %scan3A_702 : i32 to index
      %swap3A_743 = arith.constant 64 : index
      %swap3A_744 = tpu.vector_load %arg8[%swap3A_741, %swap3A_742, %swap3A_743] {strides = array<i32>} : memref<4x64x128xf32, #tpu.memory_space<vmem>>, vector<1x1x16xf32>,
      %swap3A_745 = vector.shape_cast %swap3A_744 : vector<1x1x16xf32> to vector<16xf32>
      %swap3A_746 = vector.shape_cast %broadcast_in_dim3A_739 : vector<16xf32> to vector<1x1x16xf32>
      tpu.vector_store %arg8[%swap3A_741, %swap3A_742, %swap3A_743], %swap3A_746 {strides = array<i32>} : memref<4x64x128xf32, #tpu.memory_space<vmem>>, vector<1x1x16xf32>,
      %broadcast_in_dim3A_747 = arith.constant 0.000000e+00 : f32
      %broadcast_in_dim3A_748 = vector.broadcast %broadcast_in_dim3A_747 : f32 to vector<16xf32>
      %swap3A_749 = arith.constant 0 : i32
      %swap3A_750 = arith.index_cast %swap3A_749 : i32 to index
      %swap3A_751 = arith.index_cast %scan3A_702 : i32 to index
      %swap3A_752 = arith.constant 80 : index
      %swap3A_753 = tpu.vector_load %arg8[%swap3A_750, %swap3A_751, %swap3A_752] {strides = array<i32>} : memref<4x64x128xf32, #tpu.memory_space<vmem>>, vector<1x1x16xf32>,
      %swap3A_754 = vector.shape_cast %swap3A_753 : vector<1x1x16xf32> to vector<16xf32>
      %swap3A_755 = vector.shape_cast %broadcast_in_dim3A_748 : vector<16xf32> to vector<1x1x16xf32>
      tpu.vector_store %arg8[%swap3A_750, %swap3A_751, %swap3A_752], %swap3A_755 {strides = array<i32>} : memref<4x64x128xf32, #tpu.memory_space<vmem>>, vector<1x1x16xf32>,
      %broadcast_in_dim3A_756 = arith.constant 0.000000e+00 : f32
      %broadcast_in_dim3A_757 = vector.broadcast %broadcast_in_dim3A_756 : f32 to vector<16xf32>
      %swap3A_758 = arith.constant 0 : i32
      %swap3A_759 = arith.index_cast %swap3A_758 : i32 to index
      %swap3A_760 = arith.index_cast %scan3A_702 : i32 to index
      %swap3A_761 = arith.constant 96 : index
      %swap3A_762 = tpu.vector_load %arg8[%swap3A_759, %swap3A_760, %swap3A_761] {strides = array<i32>} : memref<4x64x128xf32, #tpu.memory_space<vmem>>, vector<1x1x16xf32>,
      %swap3A_763 = vector.shape_cast %swap3A_762 : vector<1x1x16xf32> to vector<16xf32>
      %swap3A_764 = vector.shape_cast %broadcast_in_dim3A_757 : vector<16xf32> to vector<1x1x16xf32>
      tpu.vector_store %arg8[%swap3A_759, %swap3A_760, %swap3A_761], %swap3A_764 {strides = array<i32>} : memref<4x64x128xf32, #tpu.memory_space<vmem>>, vector<1x1x16xf32>,
      %broadcast_in_dim3A_765 = arith.constant 0.000000e+00 : f32
      %broadcast_in_dim3A_766 = vector.broadcast %broadcast_in_dim3A_765 : f32 to vector<16xf32>
      %swap3A_767 = arith.constant 0 : i32
      %swap3A_768 = arith.index_cast %swap3A_767 : i32 to index
      %swap3A_769 = arith.index_cast %scan3A_702 : i32 to index
      %swap3A_770 = arith.constant 112 : index
      %swap3A_771 = tpu.vector_load %arg8[%swap3A_768, %swap3A_769, %swap3A_770] {strides = array<i32>} : memref<4x64x128xf32, #tpu.memory_space<vmem>>, vector<1x1x16xf32>,
      %swap3A_772 = vector.shape_cast %swap3A_771 : vector<1x1x16xf32> to vector<16xf32>
      %swap3A_773 = vector.shape_cast %broadcast_in_dim3A_766 : vector<16xf32> to vector<1x1x16xf32>
      tpu.vector_store %arg8[%swap3A_768, %swap3A_769, %swap3A_770], %swap3A_773 {strides = array<i32>} : memref<4x64x128xf32, #tpu.memory_space<vmem>>, vector<1x1x16xf32>,
    }
    %scan3A_5 = arith.constant 64 : i32
    %mul3A_6 = arith.constant 640 : i32
    %mul3A_7 = arith.muli %arg1, %mul3A_6 : i32
    %add3A_8 = arith.constant 0 : i32
    %add3A_9 = arith.addi %mul3A_7, %add3A_8 : i32
    %run_scoped3A = arith.constant 0 : i32
    "tpu.region"() ({
      %run_scoped3A_702 = tpu.sem_alloc : memref<!tpu.dma_semaphore, #tpu.memory_space<semaphore_mem>>
      %dma_start3A_703 = arith.constant 0 : i32
      %dma_start3A_704 = arith.constant 0 : i32
      %dma_start3A_705 = tpu.memref_slice %arg8[%run_scoped3A, %dma_start3A_703, %dma_start3A_704] : memref<4x64x128xf32, #tpu.memory_space<vmem>> -> memref<1x64x128xf32, #tpu.memory_space<vmem>>
      %dma_start3A_706 = tpu.memref_squeeze %dma_start3A_705 : memref<1x64x128xf32, #tpu.memory_space<vmem>> -> memref<64x128xf32, #tpu.memory_space<vmem>>
      %dma_start3A_707 = arith.constant 0 : i32
      %dma_start3A_708 = tpu.memref_slice %arg9[%add3A_9, %dma_start3A_707] : memref<10240x128xf32, #tpu.memory_space<vmem_shared>> -> memref<64x128xf32, #tpu.memory_space<vmem_shared>>
      %dma_start3A_709 = arith.constant 0 : i32
      %dma_start3A_710 = tpu.memref_slice %arg9[%add3A_9, %dma_start3A_709] : memref<10240x128xf32, #tpu.memory_space<vmem_shared>> -> memref<64x128xf32, #tpu.memory_space<vmem_shared>>
      %dma_start3A_711 = arith.constant 0 : i32
      %dma_start3A_712 = arith.constant 0 : i32
      %dma_start3A_713 = tpu.memref_slice %arg8[%run_scoped3A, %dma_start3A_711, %dma_start3A_712] : memref<4x64x128xf32, #tpu.memory_space<vmem>> -> memref<1x64x128xf32, #tpu.memory_space<vmem>>
      %dma_start3A_714 = tpu.memref_squeeze %dma_start3A_713 : memref<1x64x128xf32, #tpu.memory_space<vmem>> -> memref<64x128xf32, #tpu.memory_space<vmem>>
      tpu.enqueue_dma source(%dma_start3A_714 : memref<64x128xf32, #tpu.memory_space<vmem>>) target(%dma_start3A_710 : memref<64x128xf32, #tpu.memory_space<vmem_shared>>) target_semaphore(%run_scoped3A_702 : memref<!tpu.dma_semaphore, #tpu.memory_space<semaphore_mem>>)
      %dma_wait3A_715 = arith.constant 0 : i32
      %dma_wait3A_716 = arith.constant 0 : i32
      %dma_wait3A_717 = tpu.memref_slice %arg8[%run_scoped3A, %dma_wait3A_715, %dma_wait3A_716] : memref<4x64x128xf32, #tpu.memory_space<vmem>> -> memref<1x64x128xf32, #tpu.memory_space<vmem>>
      %dma_wait3A_718 = tpu.memref_squeeze %dma_wait3A_717 : memref<1x64x128xf32, #tpu.memory_space<vmem>> -> memref<64x128xf32, #tpu.memory_space<vmem>>
      %dma_wait3A_719 = arith.constant 0 : i32
      %dma_wait3A_720 = tpu.memref_slice %arg9[%add3A_9, %dma_wait3A_719] : memref<10240x128xf32, #tpu.memory_space<vmem_shared>> -> memref<64x128xf32, #tpu.memory_space<vmem_shared>>
      %dma_wait3A_721 = arith.constant 0 : i32
      %dma_wait3A_722 = tpu.memref_slice %arg9[%add3A_9, %dma_wait3A_721] : memref<10240x128xf32, #tpu.memory_space<vmem_shared>> -> memref<64x128xf32, #tpu.memory_space<vmem_shared>>
      %dma_wait3A_723 = arith.constant 0 : i32
      %dma_wait3A_724 = arith.constant 0 : i32
      %dma_wait3A_725 = tpu.memref_slice %arg8[%run_scoped3A, %dma_wait3A_723, %dma_wait3A_724] : memref<4x64x128xf32, #tpu.memory_space<vmem>> -> memref<1x64x128xf32, #tpu.memory_space<vmem>>
      %dma_wait3A_726 = tpu.memref_squeeze %dma_wait3A_725 : memref<1x64x128xf32, #tpu.memory_space<vmem>> -> memref<64x128xf32, #tpu.memory_space<vmem>>
      tpu.wait_dma2 semaphore(%run_scoped3A_702 : memref<!tpu.dma_semaphore, #tpu.memory_space<semaphore_mem>>) src(%dma_wait3A_726 : memref<64x128xf32, #tpu.memory_space<vmem>>) dst(%dma_wait3A_722 : memref<64x128xf32, #tpu.memory_space<vmem_shared>>)
      tpu.yield
    }) : () -> ()
    %mul3A_10 = arith.constant 640 : i32
    %mul3A_11 = arith.muli %arg1, %mul3A_10 : i32
    %add3A_12 = arith.constant 64 : i32
    %add3A_13 = arith.addi %mul3A_11, %add3A_12 : i32
    %run_scoped3A_14 = arith.constant 0 : i32
    "tpu.region"() ({
      %run_scoped3A_702 = tpu.sem_alloc : memref<!tpu.dma_semaphore, #tpu.memory_space<semaphore_mem>>
      %dma_start3A_703 = arith.constant 0 : i32
      %dma_start3A_704 = arith.constant 0 : i32
      %dma_start3A_705 = tpu.memref_slice %arg8[%run_scoped3A_14, %dma_start3A_703, %dma_start3A_704] : memref<4x64x128xf32, #tpu.memory_space<vmem>> -> memref<1x64x128xf32, #tpu.memory_space<vmem>>
      %dma_start3A_706 = tpu.memref_squeeze %dma_start3A_705 : memref<1x64x128xf32, #tpu.memory_space<vmem>> -> memref<64x128xf32, #tpu.memory_space<vmem>>
      %dma_start3A_707 = arith.constant 0 : i32
      %dma_start3A_708 = tpu.memref_slice %arg9[%add3A_13, %dma_start3A_707] : memref<10240x128xf32, #tpu.memory_space<vmem_shared>> -> memref<64x128xf32, #tpu.memory_space<vmem_shared>>
      %dma_start3A_709 = arith.constant 0 : i32
      %dma_start3A_710 = tpu.memref_slice %arg9[%add3A_13, %dma_start3A_709] : memref<10240x128xf32, #tpu.memory_space<vmem_shared>> -> memref<64x128xf32, #tpu.memory_space<vmem_shared>>
      %dma_start3A_711 = arith.constant 0 : i32
      %dma_start3A_712 = arith.constant 0 : i32
      %dma_start3A_713 = tpu.memref_slice %arg8[%run_scoped3A_14, %dma_start3A_711, %dma_start3A_712] : memref<4x64x128xf32, #tpu.memory_space<vmem>> -> memref<1x64x128xf32, #tpu.memory_space<vmem>>
      %dma_start3A_714 = tpu.memref_squeeze %dma_start3A_713 : memref<1x64x128xf32, #tpu.memory_space<vmem>> -> memref<64x128xf32, #tpu.memory_space<vmem>>
      tpu.enqueue_dma source(%dma_start3A_714 : memref<64x128xf32, #tpu.memory_space<vmem>>) target(%dma_start3A_710 : memref<64x128xf32, #tpu.memory_space<vmem_shared>>) target_semaphore(%run_scoped3A_702 : memref<!tpu.dma_semaphore, #tpu.memory_space<semaphore_mem>>)
      %dma_wait3A_715 = arith.constant 0 : i32
      %dma_wait3A_716 = arith.constant 0 : i32
      %dma_wait3A_717 = tpu.memref_slice %arg8[%run_scoped3A_14, %dma_wait3A_715, %dma_wait3A_716] : memref<4x64x128xf32, #tpu.memory_space<vmem>> -> memref<1x64x128xf32, #tpu.memory_space<vmem>>
      %dma_wait3A_718 = tpu.memref_squeeze %dma_wait3A_717 : memref<1x64x128xf32, #tpu.memory_space<vmem>> -> memref<64x128xf32, #tpu.memory_space<vmem>>
      %dma_wait3A_719 = arith.constant 0 : i32
      %dma_wait3A_720 = tpu.memref_slice %arg9[%add3A_13, %dma_wait3A_719] : memref<10240x128xf32, #tpu.memory_space<vmem_shared>> -> memref<64x128xf32, #tpu.memory_space<vmem_shared>>
      %dma_wait3A_721 = arith.constant 0 : i32
      %dma_wait3A_722 = tpu.memref_slice %arg9[%add3A_13, %dma_wait3A_721] : memref<10240x128xf32, #tpu.memory_space<vmem_shared>> -> memref<64x128xf32, #tpu.memory_space<vmem_shared>>
      %dma_wait3A_723 = arith.constant 0 : i32
      %dma_wait3A_724 = arith.constant 0 : i32
      %dma_wait3A_725 = tpu.memref_slice %arg8[%run_scoped3A_14, %dma_wait3A_723, %dma_wait3A_724] : memref<4x64x128xf32, #tpu.memory_space<vmem>> -> memref<1x64x128xf32, #tpu.memory_space<vmem>>
      %dma_wait3A_726 = tpu.memref_squeeze %dma_wait3A_725 : memref<1x64x128xf32, #tpu.memory_space<vmem>> -> memref<64x128xf32, #tpu.memory_space<vmem>>
      tpu.wait_dma2 semaphore(%run_scoped3A_702 : memref<!tpu.dma_semaphore, #tpu.memory_space<semaphore_mem>>) src(%dma_wait3A_726 : memref<64x128xf32, #tpu.memory_space<vmem>>) dst(%dma_wait3A_722 : memref<64x128xf32, #tpu.memory_space<vmem_shared>>)
      tpu.yield
    }) : () -> ()
    %mul3A_15 = arith.constant 640 : i32
    %mul3A_16 = arith.muli %arg1, %mul3A_15 : i32
    %add3A_17 = arith.constant 128 : i32
    %add3A_18 = arith.addi %mul3A_16, %add3A_17 : i32
    %run_scoped3A_19 = arith.constant 0 : i32
    "tpu.region"() ({
      %run_scoped3A_702 = tpu.sem_alloc : memref<!tpu.dma_semaphore, #tpu.memory_space<semaphore_mem>>
      %dma_start3A_703 = arith.constant 0 : i32
      %dma_start3A_704 = arith.constant 0 : i32
      %dma_start3A_705 = tpu.memref_slice %arg8[%run_scoped3A_19, %dma_start3A_703, %dma_start3A_704] : memref<4x64x128xf32, #tpu.memory_space<vmem>> -> memref<1x64x128xf32, #tpu.memory_space<vmem>>
      %dma_start3A_706 = tpu.memref_squeeze %dma_start3A_705 : memref<1x64x128xf32, #tpu.memory_space<vmem>> -> memref<64x128xf32, #tpu.memory_space<vmem>>
      %dma_start3A_707 = arith.constant 0 : i32
      %dma_start3A_708 = tpu.memref_slice %arg9[%add3A_18, %dma_start3A_707] : memref<10240x128xf32, #tpu.memory_space<vmem_shared>> -> memref<64x128xf32, #tpu.memory_space<vmem_shared>>
      %dma_start3A_709 = arith.constant 0 : i32
      %dma_start3A_710 = tpu.memref_slice %arg9[%add3A_18, %dma_start3A_709] : memref<10240x128xf32, #tpu.memory_space<vmem_shared>> -> memref<64x128xf32, #tpu.memory_space<vmem_shared>>
      %dma_start3A_711 = arith.constant 0 : i32
      %dma_start3A_712 = arith.constant 0 : i32
      %dma_start3A_713 = tpu.memref_slice %arg8[%run_scoped3A_19, %dma_start3A_711, %dma_start3A_712] : memref<4x64x128xf32, #tpu.memory_space<vmem>> -> memref<1x64x128xf32, #tpu.memory_space<vmem>>
      %dma_start3A_714 = tpu.memref_squeeze %dma_start3A_713 : memref<1x64x128xf32, #tpu.memory_space<vmem>> -> memref<64x128xf32, #tpu.memory_space<vmem>>
      tpu.enqueue_dma source(%dma_start3A_714 : memref<64x128xf32, #tpu.memory_space<vmem>>) target(%dma_start3A_710 : memref<64x128xf32, #tpu.memory_space<vmem_shared>>) target_semaphore(%run_scoped3A_702 : memref<!tpu.dma_semaphore, #tpu.memory_space<semaphore_mem>>)
      %dma_wait3A_715 = arith.constant 0 : i32
      %dma_wait3A_716 = arith.constant 0 : i32
      %dma_wait3A_717 = tpu.memref_slice %arg8[%run_scoped3A_19, %dma_wait3A_715, %dma_wait3A_716] : memref<4x64x128xf32, #tpu.memory_space<vmem>> -> memref<1x64x128xf32, #tpu.memory_space<vmem>>
      %dma_wait3A_718 = tpu.memref_squeeze %dma_wait3A_717 : memref<1x64x128xf32, #tpu.memory_space<vmem>> -> memref<64x128xf32, #tpu.memory_space<vmem>>
      %dma_wait3A_719 = arith.constant 0 : i32
      %dma_wait3A_720 = tpu.memref_slice %arg9[%add3A_18, %dma_wait3A_719] : memref<10240x128xf32, #tpu.memory_space<vmem_shared>> -> memref<64x128xf32, #tpu.memory_space<vmem_shared>>
      %dma_wait3A_721 = arith.constant 0 : i32
      %dma_wait3A_722 = tpu.memref_slice %arg9[%add3A_18, %dma_wait3A_721] : memref<10240x128xf32, #tpu.memory_space<vmem_shared>> -> memref<64x128xf32, #tpu.memory_space<vmem_shared>>
      %dma_wait3A_723 = arith.constant 0 : i32
      %dma_wait3A_724 = arith.constant 0 : i32
      %dma_wait3A_725 = tpu.memref_slice %arg8[%run_scoped3A_19, %dma_wait3A_723, %dma_wait3A_724] : memref<4x64x128xf32, #tpu.memory_space<vmem>> -> memref<1x64x128xf32, #tpu.memory_space<vmem>>
      %dma_wait3A_726 = tpu.memref_squeeze %dma_wait3A_725 : memref<1x64x128xf32, #tpu.memory_space<vmem>> -> memref<64x128xf32, #tpu.memory_space<vmem>>
      tpu.wait_dma2 semaphore(%run_scoped3A_702 : memref<!tpu.dma_semaphore, #tpu.memory_space<semaphore_mem>>) src(%dma_wait3A_726 : memref<64x128xf32, #tpu.memory_space<vmem>>) dst(%dma_wait3A_722 : memref<64x128xf32, #tpu.memory_space<vmem_shared>>)
      tpu.yield
    }) : () -> ()
    %mul3A_20 = arith.constant 640 : i32
    %mul3A_21 = arith.muli %arg1, %mul3A_20 : i32
    %add3A_22 = arith.constant 192 : i32
    %add3A_23 = arith.addi %mul3A_21, %add3A_22 : i32
    %run_scoped3A_24 = arith.constant 0 : i32
    "tpu.region"() ({
      %run_scoped3A_702 = tpu.sem_alloc : memref<!tpu.dma_semaphore, #tpu.memory_space<semaphore_mem>>
      %dma_start3A_703 = arith.constant 0 : i32
      %dma_start3A_704 = arith.constant 0 : i32
      %dma_start3A_705 = tpu.memref_slice %arg8[%run_scoped3A_24, %dma_start3A_703, %dma_start3A_704] : memref<4x64x128xf32, #tpu.memory_space<vmem>> -> memref<1x64x128xf32, #tpu.memory_space<vmem>>
      %dma_start3A_706 = tpu.memref_squeeze %dma_start3A_705 : memref<1x64x128xf32, #tpu.memory_space<vmem>> -> memref<64x128xf32, #tpu.memory_space<vmem>>
      %dma_start3A_707 = arith.constant 0 : i32
      %dma_start3A_708 = tpu.memref_slice %arg9[%add3A_23, %dma_start3A_707] : memref<10240x128xf32, #tpu.memory_space<vmem_shared>> -> memref<64x128xf32, #tpu.memory_space<vmem_shared>>
      %dma_start3A_709 = arith.constant 0 : i32
      %dma_start3A_710 = tpu.memref_slice %arg9[%add3A_23, %dma_start3A_709] : memref<10240x128xf32, #tpu.memory_space<vmem_shared>> -> memref<64x128xf32, #tpu.memory_space<vmem_shared>>
      %dma_start3A_711 = arith.constant 0 : i32
      %dma_start3A_712 = arith.constant 0 : i32
      %dma_start3A_713 = tpu.memref_slice %arg8[%run_scoped3A_24, %dma_start3A_711, %dma_start3A_712] : memref<4x64x128xf32, #tpu.memory_space<vmem>> -> memref<1x64x128xf32, #tpu.memory_space<vmem>>
      %dma_start3A_714 = tpu.memref_squeeze %dma_start3A_713 : memref<1x64x128xf32, #tpu.memory_space<vmem>> -> memref<64x128xf32, #tpu.memory_space<vmem>>
      tpu.enqueue_dma source(%dma_start3A_714 : memref<64x128xf32, #tpu.memory_space<vmem>>) target(%dma_start3A_710 : memref<64x128xf32, #tpu.memory_space<vmem_shared>>) target_semaphore(%run_scoped3A_702 : memref<!tpu.dma_semaphore, #tpu.memory_space<semaphore_mem>>)
      %dma_wait3A_715 = arith.constant 0 : i32
      %dma_wait3A_716 = arith.constant 0 : i32
      %dma_wait3A_717 = tpu.memref_slice %arg8[%run_scoped3A_24, %dma_wait3A_715, %dma_wait3A_716] : memref<4x64x128xf32, #tpu.memory_space<vmem>> -> memref<1x64x128xf32, #tpu.memory_space<vmem>>
      %dma_wait3A_718 = tpu.memref_squeeze %dma_wait3A_717 : memref<1x64x128xf32, #tpu.memory_space<vmem>> -> memref<64x128xf32, #tpu.memory_space<vmem>>
      %dma_wait3A_719 = arith.constant 0 : i32
      %dma_wait3A_720 = tpu.memref_slice %arg9[%add3A_23, %dma_wait3A_719] : memref<10240x128xf32, #tpu.memory_space<vmem_shared>> -> memref<64x128xf32, #tpu.memory_space<vmem_shared>>
      %dma_wait3A_721 = arith.constant 0 : i32
      %dma_wait3A_722 = tpu.memref_slice %arg9[%add3A_23, %dma_wait3A_721] : memref<10240x128xf32, #tpu.memory_space<vmem_shared>> -> memref<64x128xf32, #tpu.memory_space<vmem_shared>>
      %dma_wait3A_723 = arith.constant 0 : i32
      %dma_wait3A_724 = arith.constant 0 : i32
      %dma_wait3A_725 = tpu.memref_slice %arg8[%run_scoped3A_24, %dma_wait3A_723, %dma_wait3A_724] : memref<4x64x128xf32, #tpu.memory_space<vmem>> -> memref<1x64x128xf32, #tpu.memory_space<vmem>>
      %dma_wait3A_726 = tpu.memref_squeeze %dma_wait3A_725 : memref<1x64x128xf32, #tpu.memory_space<vmem>> -> memref<64x128xf32, #tpu.memory_space<vmem>>
      tpu.wait_dma2 semaphore(%run_scoped3A_702 : memref<!tpu.dma_semaphore, #tpu.memory_space<semaphore_mem>>) src(%dma_wait3A_726 : memref<64x128xf32, #tpu.memory_space<vmem>>) dst(%dma_wait3A_722 : memref<64x128xf32, #tpu.memory_space<vmem_shared>>)
      tpu.yield
    }) : () -> ()
    %mul3A_25 = arith.constant 640 : i32
    %mul3A_26 = arith.muli %arg1, %mul3A_25 : i32
    %add3A_27 = arith.constant 256 : i32
    %add3A_28 = arith.addi %mul3A_26, %add3A_27 : i32
    %run_scoped3A_29 = arith.constant 0 : i32
    "tpu.region"() ({
      %run_scoped3A_702 = tpu.sem_alloc : memref<!tpu.dma_semaphore, #tpu.memory_space<semaphore_mem>>
      %dma_start3A_703 = arith.constant 0 : i32
      %dma_start3A_704 = arith.constant 0 : i32
      %dma_start3A_705 = tpu.memref_slice %arg8[%run_scoped3A_29, %dma_start3A_703, %dma_start3A_704] : memref<4x64x128xf32, #tpu.memory_space<vmem>> -> memref<1x64x128xf32, #tpu.memory_space<vmem>>
      %dma_start3A_706 = tpu.memref_squeeze %dma_start3A_705 : memref<1x64x128xf32, #tpu.memory_space<vmem>> -> memref<64x128xf32, #tpu.memory_space<vmem>>
      %dma_start3A_707 = arith.constant 0 : i32
      %dma_start3A_708 = tpu.memref_slice %arg9[%add3A_28, %dma_start3A_707] : memref<10240x128xf32, #tpu.memory_space<vmem_shared>> -> memref<64x128xf32, #tpu.memory_space<vmem_shared>>
      %dma_start3A_709 = arith.constant 0 : i32
      %dma_start3A_710 = tpu.memref_slice %arg9[%add3A_28, %dma_start3A_709] : memref<10240x128xf32, #tpu.memory_space<vmem_shared>> -> memref<64x128xf32, #tpu.memory_space<vmem_shared>>
      %dma_start3A_711 = arith.constant 0 : i32
      %dma_start3A_712 = arith.constant 0 : i32
      %dma_start3A_713 = tpu.memref_slice %arg8[%run_scoped3A_29, %dma_start3A_711, %dma_start3A_712] : memref<4x64x128xf32, #tpu.memory_space<vmem>> -> memref<1x64x128xf32, #tpu.memory_space<vmem>>
      %dma_start3A_714 = tpu.memref_squeeze %dma_start3A_713 : memref<1x64x128xf32, #tpu.memory_space<vmem>> -> memref<64x128xf32, #tpu.memory_space<vmem>>
      tpu.enqueue_dma source(%dma_start3A_714 : memref<64x128xf32, #tpu.memory_space<vmem>>) target(%dma_start3A_710 : memref<64x128xf32, #tpu.memory_space<vmem_shared>>) target_semaphore(%run_scoped3A_702 : memref<!tpu.dma_semaphore, #tpu.memory_space<semaphore_mem>>)
      %dma_wait3A_715 = arith.constant 0 : i32
      %dma_wait3A_716 = arith.constant 0 : i32
      %dma_wait3A_717 = tpu.memref_slice %arg8[%run_scoped3A_29, %dma_wait3A_715, %dma_wait3A_716] : memref<4x64x128xf32, #tpu.memory_space<vmem>> -> memref<1x64x128xf32, #tpu.memory_space<vmem>>
      %dma_wait3A_718 = tpu.memref_squeeze %dma_wait3A_717 : memref<1x64x128xf32, #tpu.memory_space<vmem>> -> memref<64x128xf32, #tpu.memory_space<vmem>>
      %dma_wait3A_719 = arith.constant 0 : i32
      %dma_wait3A_720 = tpu.memref_slice %arg9[%add3A_28, %dma_wait3A_719] : memref<10240x128xf32, #tpu.memory_space<vmem_shared>> -> memref<64x128xf32, #tpu.memory_space<vmem_shared>>
      %dma_wait3A_721 = arith.constant 0 : i32
      %dma_wait3A_722 = tpu.memref_slice %arg9[%add3A_28, %dma_wait3A_721] : memref<10240x128xf32, #tpu.memory_space<vmem_shared>> -> memref<64x128xf32, #tpu.memory_space<vmem_shared>>
      %dma_wait3A_723 = arith.constant 0 : i32
      %dma_wait3A_724 = arith.constant 0 : i32
      %dma_wait3A_725 = tpu.memref_slice %arg8[%run_scoped3A_29, %dma_wait3A_723, %dma_wait3A_724] : memref<4x64x128xf32, #tpu.memory_space<vmem>> -> memref<1x64x128xf32, #tpu.memory_space<vmem>>
      %dma_wait3A_726 = tpu.memref_squeeze %dma_wait3A_725 : memref<1x64x128xf32, #tpu.memory_space<vmem>> -> memref<64x128xf32, #tpu.memory_space<vmem>>
      tpu.wait_dma2 semaphore(%run_scoped3A_702 : memref<!tpu.dma_semaphore, #tpu.memory_space<semaphore_mem>>) src(%dma_wait3A_726 : memref<64x128xf32, #tpu.memory_space<vmem>>) dst(%dma_wait3A_722 : memref<64x128xf32, #tpu.memory_space<vmem_shared>>)
      tpu.yield
    }) : () -> ()
    %mul3A_30 = arith.constant 640 : i32
    %mul3A_31 = arith.muli %arg1, %mul3A_30 : i32
    %add3A_32 = arith.constant 320 : i32
    %add3A_33 = arith.addi %mul3A_31, %add3A_32 : i32
    %run_scoped3A_34 = arith.constant 0 : i32
    "tpu.region"() ({
      %run_scoped3A_702 = tpu.sem_alloc : memref<!tpu.dma_semaphore, #tpu.memory_space<semaphore_mem>>
      %dma_start3A_703 = arith.constant 0 : i32
      %dma_start3A_704 = arith.constant 0 : i32
      %dma_start3A_705 = tpu.memref_slice %arg8[%run_scoped3A_34, %dma_start3A_703, %dma_start3A_704] : memref<4x64x128xf32, #tpu.memory_space<vmem>> -> memref<1x64x128xf32, #tpu.memory_space<vmem>>
      %dma_start3A_706 = tpu.memref_squeeze %dma_start3A_705 : memref<1x64x128xf32, #tpu.memory_space<vmem>> -> memref<64x128xf32, #tpu.memory_space<vmem>>
      %dma_start3A_707 = arith.constant 0 : i32
      %dma_start3A_708 = tpu.memref_slice %arg9[%add3A_33, %dma_start3A_707] : memref<10240x128xf32, #tpu.memory_space<vmem_shared>> -> memref<64x128xf32, #tpu.memory_space<vmem_shared>>
      %dma_start3A_709 = arith.constant 0 : i32
      %dma_start3A_710 = tpu.memref_slice %arg9[%add3A_33, %dma_start3A_709] : memref<10240x128xf32, #tpu.memory_space<vmem_shared>> -> memref<64x128xf32, #tpu.memory_space<vmem_shared>>
      %dma_start3A_711 = arith.constant 0 : i32
      %dma_start3A_712 = arith.constant 0 : i32
      %dma_start3A_713 = tpu.memref_slice %arg8[%run_scoped3A_34, %dma_start3A_711, %dma_start3A_712] : memref<4x64x128xf32, #tpu.memory_space<vmem>> -> memref<1x64x128xf32, #tpu.memory_space<vmem>>
      %dma_start3A_714 = tpu.memref_squeeze %dma_start3A_713 : memref<1x64x128xf32, #tpu.memory_space<vmem>> -> memref<64x128xf32, #tpu.memory_space<vmem>>
      tpu.enqueue_dma source(%dma_start3A_714 : memref<64x128xf32, #tpu.memory_space<vmem>>) target(%dma_start3A_710 : memref<64x128xf32, #tpu.memory_space<vmem_shared>>) target_semaphore(%run_scoped3A_702 : memref<!tpu.dma_semaphore, #tpu.memory_space<semaphore_mem>>)
      %dma_wait3A_715 = arith.constant 0 : i32
      %dma_wait3A_716 = arith.constant 0 : i32
      %dma_wait3A_717 = tpu.memref_slice %arg8[%run_scoped3A_34, %dma_wait3A_715, %dma_wait3A_716] : memref<4x64x128xf32, #tpu.memory_space<vmem>> -> memref<1x64x128xf32, #tpu.memory_space<vmem>>
      %dma_wait3A_718 = tpu.memref_squeeze %dma_wait3A_717 : memref<1x64x128xf32, #tpu.memory_space<vmem>> -> memref<64x128xf32, #tpu.memory_space<vmem>>
      %dma_wait3A_719 = arith.constant 0 : i32
      %dma_wait3A_720 = tpu.memref_slice %arg9[%add3A_33, %dma_wait3A_719] : memref<10240x128xf32, #tpu.memory_space<vmem_shared>> -> memref<64x128xf32, #tpu.memory_space<vmem_shared>>
      %dma_wait3A_721 = arith.constant 0 : i32
      %dma_wait3A_722 = tpu.memref_slice %arg9[%add3A_33, %dma_wait3A_721] : memref<10240x128xf32, #tpu.memory_space<vmem_shared>> -> memref<64x128xf32, #tpu.memory_space<vmem_shared>>
      %dma_wait3A_723 = arith.constant 0 : i32
      %dma_wait3A_724 = arith.constant 0 : i32
      %dma_wait3A_725 = tpu.memref_slice %arg8[%run_scoped3A_34, %dma_wait3A_723, %dma_wait3A_724] : memref<4x64x128xf32, #tpu.memory_space<vmem>> -> memref<1x64x128xf32, #tpu.memory_space<vmem>>
      %dma_wait3A_726 = tpu.memref_squeeze %dma_wait3A_725 : memref<1x64x128xf32, #tpu.memory_space<vmem>> -> memref<64x128xf32, #tpu.memory_space<vmem>>
      tpu.wait_dma2 semaphore(%run_scoped3A_702 : memref<!tpu.dma_semaphore, #tpu.memory_space<semaphore_mem>>) src(%dma_wait3A_726 : memref<64x128xf32, #tpu.memory_space<vmem>>) dst(%dma_wait3A_722 : memref<64x128xf32, #tpu.memory_space<vmem_shared>>)
      tpu.yield
    }) : () -> ()
    %mul3A_35 = arith.constant 640 : i32
    %mul3A_36 = arith.muli %arg1, %mul3A_35 : i32
    %add3A_37 = arith.constant 384 : i32
    %add3A_38 = arith.addi %mul3A_36, %add3A_37 : i32
    %run_scoped3A_39 = arith.constant 0 : i32
    "tpu.region"() ({
      %run_scoped3A_702 = tpu.sem_alloc : memref<!tpu.dma_semaphore, #tpu.memory_space<semaphore_mem>>
      %dma_start3A_703 = arith.constant 0 : i32
      %dma_start3A_704 = arith.constant 0 : i32
      %dma_start3A_705 = tpu.memref_slice %arg8[%run_scoped3A_39, %dma_start3A_703, %dma_start3A_704] : memref<4x64x128xf32, #tpu.memory_space<vmem>> -> memref<1x64x128xf32, #tpu.memory_space<vmem>>
      %dma_start3A_706 = tpu.memref_squeeze %dma_start3A_705 : memref<1x64x128xf32, #tpu.memory_space<vmem>> -> memref<64x128xf32, #tpu.memory_space<vmem>>
      %dma_start3A_707 = arith.constant 0 : i32
      %dma_start3A_708 = tpu.memref_slice %arg9[%add3A_38, %dma_start3A_707] : memref<10240x128xf32, #tpu.memory_space<vmem_shared>> -> memref<64x128xf32, #tpu.memory_space<vmem_shared>>
      %dma_start3A_709 = arith.constant 0 : i32
      %dma_start3A_710 = tpu.memref_slice %arg9[%add3A_38, %dma_start3A_709] : memref<10240x128xf32, #tpu.memory_space<vmem_shared>> -> memref<64x128xf32, #tpu.memory_space<vmem_shared>>
      %dma_start3A_711 = arith.constant 0 : i32
      %dma_start3A_712 = arith.constant 0 : i32
      %dma_start3A_713 = tpu.memref_slice %arg8[%run_scoped3A_39, %dma_start3A_711, %dma_start3A_712] : memref<4x64x128xf32, #tpu.memory_space<vmem>> -> memref<1x64x128xf32, #tpu.memory_space<vmem>>
      %dma_start3A_714 = tpu.memref_squeeze %dma_start3A_713 : memref<1x64x128xf32, #tpu.memory_space<vmem>> -> memref<64x128xf32, #tpu.memory_space<vmem>>
      tpu.enqueue_dma source(%dma_start3A_714 : memref<64x128xf32, #tpu.memory_space<vmem>>) target(%dma_start3A_710 : memref<64x128xf32, #tpu.memory_space<vmem_shared>>) target_semaphore(%run_scoped3A_702 : memref<!tpu.dma_semaphore, #tpu.memory_space<semaphore_mem>>)
      %dma_wait3A_715 = arith.constant 0 : i32
      %dma_wait3A_716 = arith.constant 0 : i32
      %dma_wait3A_717 = tpu.memref_slice %arg8[%run_scoped3A_39, %dma_wait3A_715, %dma_wait3A_716] : memref<4x64x128xf32, #tpu.memory_space<vmem>> -> memref<1x64x128xf32, #tpu.memory_space<vmem>>
      %dma_wait3A_718 = tpu.memref_squeeze %dma_wait3A_717 : memref<1x64x128xf32, #tpu.memory_space<vmem>> -> memref<64x128xf32, #tpu.memory_space<vmem>>
      %dma_wait3A_719 = arith.constant 0 : i32
      %dma_wait3A_720 = tpu.memref_slice %arg9[%add3A_38, %dma_wait3A_719] : memref<10240x128xf32, #tpu.memory_space<vmem_shared>> -> memref<64x128xf32, #tpu.memory_space<vmem_shared>>
      %dma_wait3A_721 = arith.constant 0 : i32
      %dma_wait3A_722 = tpu.memref_slice %arg9[%add3A_38, %dma_wait3A_721] : memref<10240x128xf32, #tpu.memory_space<vmem_shared>> -> memref<64x128xf32, #tpu.memory_space<vmem_shared>>
      %dma_wait3A_723 = arith.constant 0 : i32
      %dma_wait3A_724 = arith.constant 0 : i32
      %dma_wait3A_725 = tpu.memref_slice %arg8[%run_scoped3A_39, %dma_wait3A_723, %dma_wait3A_724] : memref<4x64x128xf32, #tpu.memory_space<vmem>> -> memref<1x64x128xf32, #tpu.memory_space<vmem>>
      %dma_wait3A_726 = tpu.memref_squeeze %dma_wait3A_725 : memref<1x64x128xf32, #tpu.memory_space<vmem>> -> memref<64x128xf32, #tpu.memory_space<vmem>>
      tpu.wait_dma2 semaphore(%run_scoped3A_702 : memref<!tpu.dma_semaphore, #tpu.memory_space<semaphore_mem>>) src(%dma_wait3A_726 : memref<64x128xf32, #tpu.memory_space<vmem>>) dst(%dma_wait3A_722 : memref<64x128xf32, #tpu.memory_space<vmem_shared>>)
      tpu.yield
    }) : () -> ()
    %mul3A_40 = arith.constant 640 : i32
    %mul3A_41 = arith.muli %arg1, %mul3A_40 : i32
    %add3A_42 = arith.constant 448 : i32
    %add3A_43 = arith.addi %mul3A_41, %add3A_42 : i32
    %run_scoped3A_44 = arith.constant 0 : i32
    "tpu.region"() ({
      %run_scoped3A_702 = tpu.sem_alloc : memref<!tpu.dma_semaphore, #tpu.memory_space<semaphore_mem>>
      %dma_start3A_703 = arith.constant 0 : i32
      %dma_start3A_704 = arith.constant 0 : i32
      %dma_start3A_705 = tpu.memref_slice %arg8[%run_scoped3A_44, %dma_start3A_703, %dma_start3A_704] : memref<4x64x128xf32, #tpu.memory_space<vmem>> -> memref<1x64x128xf32, #tpu.memory_space<vmem>>
      %dma_start3A_706 = tpu.memref_squeeze %dma_start3A_705 : memref<1x64x128xf32, #tpu.memory_space<vmem>> -> memref<64x128xf32, #tpu.memory_space<vmem>>
      %dma_start3A_707 = arith.constant 0 : i32
      %dma_start3A_708 = tpu.memref_slice %arg9[%add3A_43, %dma_start3A_707] : memref<10240x128xf32, #tpu.memory_space<vmem_shared>> -> memref<64x128xf32, #tpu.memory_space<vmem_shared>>
      %dma_start3A_709 = arith.constant 0 : i32
      %dma_start3A_710 = tpu.memref_slice %arg9[%add3A_43, %dma_start3A_709] : memref<10240x128xf32, #tpu.memory_space<vmem_shared>> -> memref<64x128xf32, #tpu.memory_space<vmem_shared>>
      %dma_start3A_711 = arith.constant 0 : i32
      %dma_start3A_712 = arith.constant 0 : i32
      %dma_start3A_713 = tpu.memref_slice %arg8[%run_scoped3A_44, %dma_start3A_711, %dma_start3A_712] : memref<4x64x128xf32, #tpu.memory_space<vmem>> -> memref<1x64x128xf32, #tpu.memory_space<vmem>>
      %dma_start3A_714 = tpu.memref_squeeze %dma_start3A_713 : memref<1x64x128xf32, #tpu.memory_space<vmem>> -> memref<64x128xf32, #tpu.memory_space<vmem>>
      tpu.enqueue_dma source(%dma_start3A_714 : memref<64x128xf32, #tpu.memory_space<vmem>>) target(%dma_start3A_710 : memref<64x128xf32, #tpu.memory_space<vmem_shared>>) target_semaphore(%run_scoped3A_702 : memref<!tpu.dma_semaphore, #tpu.memory_space<semaphore_mem>>)
      %dma_wait3A_715 = arith.constant 0 : i32
      %dma_wait3A_716 = arith.constant 0 : i32
      %dma_wait3A_717 = tpu.memref_slice %arg8[%run_scoped3A_44, %dma_wait3A_715, %dma_wait3A_716] : memref<4x64x128xf32, #tpu.memory_space<vmem>> -> memref<1x64x128xf32, #tpu.memory_space<vmem>>
      %dma_wait3A_718 = tpu.memref_squeeze %dma_wait3A_717 : memref<1x64x128xf32, #tpu.memory_space<vmem>> -> memref<64x128xf32, #tpu.memory_space<vmem>>
      %dma_wait3A_719 = arith.constant 0 : i32
      %dma_wait3A_720 = tpu.memref_slice %arg9[%add3A_43, %dma_wait3A_719] : memref<10240x128xf32, #tpu.memory_space<vmem_shared>> -> memref<64x128xf32, #tpu.memory_space<vmem_shared>>
      %dma_wait3A_721 = arith.constant 0 : i32
      %dma_wait3A_722 = tpu.memref_slice %arg9[%add3A_43, %dma_wait3A_721] : memref<10240x128xf32, #tpu.memory_space<vmem_shared>> -> memref<64x128xf32, #tpu.memory_space<vmem_shared>>
      %dma_wait3A_723 = arith.constant 0 : i32
      %dma_wait3A_724 = arith.constant 0 : i32
      %dma_wait3A_725 = tpu.memref_slice %arg8[%run_scoped3A_44, %dma_wait3A_723, %dma_wait3A_724] : memref<4x64x128xf32, #tpu.memory_space<vmem>> -> memref<1x64x128xf32, #tpu.memory_space<vmem>>
      %dma_wait3A_726 = tpu.memref_squeeze %dma_wait3A_725 : memref<1x64x128xf32, #tpu.memory_space<vmem>> -> memref<64x128xf32, #tpu.memory_space<vmem>>
      tpu.wait_dma2 semaphore(%run_scoped3A_702 : memref<!tpu.dma_semaphore, #tpu.memory_space<semaphore_mem>>) src(%dma_wait3A_726 : memref<64x128xf32, #tpu.memory_space<vmem>>) dst(%dma_wait3A_722 : memref<64x128xf32, #tpu.memory_space<vmem_shared>>)
      tpu.yield
    }) : () -> ()
    %mul3A_45 = arith.constant 640 : i32
    %mul3A_46 = arith.muli %arg1, %mul3A_45 : i32
    %add3A_47 = arith.constant 512 : i32
    %add3A_48 = arith.addi %mul3A_46, %add3A_47 : i32
    %run_scoped3A_49 = arith.constant 0 : i32
    "tpu.region"() ({
      %run_scoped3A_702 = tpu.sem_alloc : memref<!tpu.dma_semaphore, #tpu.memory_space<semaphore_mem>>
      %dma_start3A_703 = arith.constant 0 : i32
      %dma_start3A_704 = arith.constant 0 : i32
      %dma_start3A_705 = tpu.memref_slice %arg8[%run_scoped3A_49, %dma_start3A_703, %dma_start3A_704] : memref<4x64x128xf32, #tpu.memory_space<vmem>> -> memref<1x64x128xf32, #tpu.memory_space<vmem>>
      %dma_start3A_706 = tpu.memref_squeeze %dma_start3A_705 : memref<1x64x128xf32, #tpu.memory_space<vmem>> -> memref<64x128xf32, #tpu.memory_space<vmem>>
      %dma_start3A_707 = arith.constant 0 : i32
      %dma_start3A_708 = tpu.memref_slice %arg9[%add3A_48, %dma_start3A_707] : memref<10240x128xf32, #tpu.memory_space<vmem_shared>> -> memref<64x128xf32, #tpu.memory_space<vmem_shared>>
      %dma_start3A_709 = arith.constant 0 : i32
      %dma_start3A_710 = tpu.memref_slice %arg9[%add3A_48, %dma_start3A_709] : memref<10240x128xf32, #tpu.memory_space<vmem_shared>> -> memref<64x128xf32, #tpu.memory_space<vmem_shared>>
      %dma_start3A_711 = arith.constant 0 : i32
      %dma_start3A_712 = arith.constant 0 : i32
      %dma_start3A_713 = tpu.memref_slice %arg8[%run_scoped3A_49, %dma_start3A_711, %dma_start3A_712] : memref<4x64x128xf32, #tpu.memory_space<vmem>> -> memref<1x64x128xf32, #tpu.memory_space<vmem>>
      %dma_start3A_714 = tpu.memref_squeeze %dma_start3A_713 : memref<1x64x128xf32, #tpu.memory_space<vmem>> -> memref<64x128xf32, #tpu.memory_space<vmem>>
      tpu.enqueue_dma source(%dma_start3A_714 : memref<64x128xf32, #tpu.memory_space<vmem>>) target(%dma_start3A_710 : memref<64x128xf32, #tpu.memory_space<vmem_shared>>) target_semaphore(%run_scoped3A_702 : memref<!tpu.dma_semaphore, #tpu.memory_space<semaphore_mem>>)
      %dma_wait3A_715 = arith.constant 0 : i32
      %dma_wait3A_716 = arith.constant 0 : i32
      %dma_wait3A_717 = tpu.memref_slice %arg8[%run_scoped3A_49, %dma_wait3A_715, %dma_wait3A_716] : memref<4x64x128xf32, #tpu.memory_space<vmem>> -> memref<1x64x128xf32, #tpu.memory_space<vmem>>
      %dma_wait3A_718 = tpu.memref_squeeze %dma_wait3A_717 : memref<1x64x128xf32, #tpu.memory_space<vmem>> -> memref<64x128xf32, #tpu.memory_space<vmem>>
      %dma_wait3A_719 = arith.constant 0 : i32
      %dma_wait3A_720 = tpu.memref_slice %arg9[%add3A_48, %dma_wait3A_719] : memref<10240x128xf32, #tpu.memory_space<vmem_shared>> -> memref<64x128xf32, #tpu.memory_space<vmem_shared>>
      %dma_wait3A_721 = arith.constant 0 : i32
      %dma_wait3A_722 = tpu.memref_slice %arg9[%add3A_48, %dma_wait3A_721] : memref<10240x128xf32, #tpu.memory_space<vmem_shared>> -> memref<64x128xf32, #tpu.memory_space<vmem_shared>>
      %dma_wait3A_723 = arith.constant 0 : i32
      %dma_wait3A_724 = arith.constant 0 : i32
      %dma_wait3A_725 = tpu.memref_slice %arg8[%run_scoped3A_49, %dma_wait3A_723, %dma_wait3A_724] : memref<4x64x128xf32, #tpu.memory_space<vmem>> -> memref<1x64x128xf32, #tpu.memory_space<vmem>>
      %dma_wait3A_726 = tpu.memref_squeeze %dma_wait3A_725 : memref<1x64x128xf32, #tpu.memory_space<vmem>> -> memref<64x128xf32, #tpu.memory_space<vmem>>
      tpu.wait_dma2 semaphore(%run_scoped3A_702 : memref<!tpu.dma_semaphore, #tpu.memory_space<semaphore_mem>>) src(%dma_wait3A_726 : memref<64x128xf32, #tpu.memory_space<vmem>>) dst(%dma_wait3A_722 : memref<64x128xf32, #tpu.memory_space<vmem_shared>>)
      tpu.yield
    }) : () -> ()
    %mul3A_50 = arith.constant 640 : i32
    %mul3A_51 = arith.muli %arg1, %mul3A_50 : i32
    %add3A_52 = arith.constant 576 : i32
    %add3A_53 = arith.addi %mul3A_51, %add3A_52 : i32
    %run_scoped3A_54 = arith.constant 0 : i32
    "tpu.region"() ({
      %run_scoped3A_702 = tpu.sem_alloc : memref<!tpu.dma_semaphore, #tpu.memory_space<semaphore_mem>>
      %dma_start3A_703 = arith.constant 0 : i32
      %dma_start3A_704 = arith.constant 0 : i32
      %dma_start3A_705 = tpu.memref_slice %arg8[%run_scoped3A_54, %dma_start3A_703, %dma_start3A_704] : memref<4x64x128xf32, #tpu.memory_space<vmem>> -> memref<1x64x128xf32, #tpu.memory_space<vmem>>
      %dma_start3A_706 = tpu.memref_squeeze %dma_start3A_705 : memref<1x64x128xf32, #tpu.memory_space<vmem>> -> memref<64x128xf32, #tpu.memory_space<vmem>>
      %dma_start3A_707 = arith.constant 0 : i32
      %dma_start3A_708 = tpu.memref_slice %arg9[%add3A_53, %dma_start3A_707] : memref<10240x128xf32, #tpu.memory_space<vmem_shared>> -> memref<64x128xf32, #tpu.memory_space<vmem_shared>>
      %dma_start3A_709 = arith.constant 0 : i32
      %dma_start3A_710 = tpu.memref_slice %arg9[%add3A_53, %dma_start3A_709] : memref<10240x128xf32, #tpu.memory_space<vmem_shared>> -> memref<64x128xf32, #tpu.memory_space<vmem_shared>>
      %dma_start3A_711 = arith.constant 0 : i32
      %dma_start3A_712 = arith.constant 0 : i32
      %dma_start3A_713 = tpu.memref_slice %arg8[%run_scoped3A_54, %dma_start3A_711, %dma_start3A_712] : memref<4x64x128xf32, #tpu.memory_space<vmem>> -> memref<1x64x128xf32, #tpu.memory_space<vmem>>
      %dma_start3A_714 = tpu.memref_squeeze %dma_start3A_713 : memref<1x64x128xf32, #tpu.memory_space<vmem>> -> memref<64x128xf32, #tpu.memory_space<vmem>>
      tpu.enqueue_dma source(%dma_start3A_714 : memref<64x128xf32, #tpu.memory_space<vmem>>) target(%dma_start3A_710 : memref<64x128xf32, #tpu.memory_space<vmem_shared>>) target_semaphore(%run_scoped3A_702 : memref<!tpu.dma_semaphore, #tpu.memory_space<semaphore_mem>>)
      %dma_wait3A_715 = arith.constant 0 : i32
      %dma_wait3A_716 = arith.constant 0 : i32
      %dma_wait3A_717 = tpu.memref_slice %arg8[%run_scoped3A_54, %dma_wait3A_715, %dma_wait3A_716] : memref<4x64x128xf32, #tpu.memory_space<vmem>> -> memref<1x64x128xf32, #tpu.memory_space<vmem>>
      %dma_wait3A_718 = tpu.memref_squeeze %dma_wait3A_717 : memref<1x64x128xf32, #tpu.memory_space<vmem>> -> memref<64x128xf32, #tpu.memory_space<vmem>>
      %dma_wait3A_719 = arith.constant 0 : i32
      %dma_wait3A_720 = tpu.memref_slice %arg9[%add3A_53, %dma_wait3A_719] : memref<10240x128xf32, #tpu.memory_space<vmem_shared>> -> memref<64x128xf32, #tpu.memory_space<vmem_shared>>
      %dma_wait3A_721 = arith.constant 0 : i32
      %dma_wait3A_722 = tpu.memref_slice %arg9[%add3A_53, %dma_wait3A_721] : memref<10240x128xf32, #tpu.memory_space<vmem_shared>> -> memref<64x128xf32, #tpu.memory_space<vmem_shared>>
      %dma_wait3A_723 = arith.constant 0 : i32
      %dma_wait3A_724 = arith.constant 0 : i32
      %dma_wait3A_725 = tpu.memref_slice %arg8[%run_scoped3A_54, %dma_wait3A_723, %dma_wait3A_724] : memref<4x64x128xf32, #tpu.memory_space<vmem>> -> memref<1x64x128xf32, #tpu.memory_space<vmem>>
      %dma_wait3A_726 = tpu.memref_squeeze %dma_wait3A_725 : memref<1x64x128xf32, #tpu.memory_space<vmem>> -> memref<64x128xf32, #tpu.memory_space<vmem>>
      tpu.wait_dma2 semaphore(%run_scoped3A_702 : memref<!tpu.dma_semaphore, #tpu.memory_space<semaphore_mem>>) src(%dma_wait3A_726 : memref<64x128xf32, #tpu.memory_space<vmem>>) dst(%dma_wait3A_722 : memref<64x128xf32, #tpu.memory_space<vmem_shared>>)
      tpu.yield
    }) : () -> ()
    %mul3A_55 = arith.constant 80 : i32
    %mul3A_56 = arith.muli %add3A, %mul3A_55 : i32
    "tpu.region"() ({
      %run_scoped3A_702 = tpu.sem_alloc : memref<!tpu.dma_semaphore, #tpu.memory_space<semaphore_mem>>
      %dma_start3A_703 = arith.constant 0 : i32
      %dma_start3A_704 = tpu.memref_slice %arg3[%mul3A_56, %dma_start3A_703] : memref<2560x128xi32, #tpu.memory_space<hbm>> -> memref<80x128xi32, #tpu.memory_space<hbm>>
      %dma_start3A_705 = arith.constant 0 : i32
      %dma_start3A_706 = tpu.memref_slice %arg3[%mul3A_56, %dma_start3A_705] : memref<2560x128xi32, #tpu.memory_space<hbm>> -> memref<80x128xi32, #tpu.memory_space<hbm>>
      tpu.enqueue_dma source(%dma_start3A_706 : memref<80x128xi32, #tpu.memory_space<hbm>>) target(%arg5 : memref<80x128xi32, #tpu.memory_space<vmem>>) target_semaphore(%run_scoped3A_702 : memref<!tpu.dma_semaphore, #tpu.memory_space<semaphore_mem>>)
      %dma_wait3A_707 = arith.constant 0 : i32
      %dma_wait3A_708 = tpu.memref_slice %arg3[%mul3A_56, %dma_wait3A_707] : memref<2560x128xi32, #tpu.memory_space<hbm>> -> memref<80x128xi32, #tpu.memory_space<hbm>>
      %dma_wait3A_709 = arith.constant 0 : i32
      %dma_wait3A_710 = tpu.memref_slice %arg3[%mul3A_56, %dma_wait3A_709] : memref<2560x128xi32, #tpu.memory_space<hbm>> -> memref<80x128xi32, #tpu.memory_space<hbm>>
      tpu.wait_dma2 semaphore(%run_scoped3A_702 : memref<!tpu.dma_semaphore, #tpu.memory_space<semaphore_mem>>) src(%dma_wait3A_710 : memref<80x128xi32, #tpu.memory_space<hbm>>) dst(%arg5 : memref<80x128xi32, #tpu.memory_space<vmem>>)
      tpu.yield
    }) : () -> ()
    %barrier3A = arith.constant 0 : index
    tpu.barrier barrier_id(%barrier3A)
    %get3A = arith.constant 0 : i32
    %get3A_57 = arith.index_cast %get3A : i32 to index
    %get3A_58 = arith.constant 0 : index
    %get3A_59 = tpu.vector_load %arg5[%get3A_57, %get3A_58] {strides = array<i32>} : memref<80x128xi32, #tpu.memory_space<vmem>>, vector<1x16xi32>,
    %get3A_60 = vector.shape_cast %get3A_59 : vector<1x16xi32> to vector<16xi32>
    %shift_right_logical3A = arith.constant 14 : i32
    %shift_right_logical3A_61 = vector.broadcast %shift_right_logical3A : i32 to vector<16xi32>
    %shift_right_logical3A_62 = arith.shrui %get3A_60, %shift_right_logical3A_61 : vector<16xi32>
    %swap3A = arith.constant 0 : i32
    %swap3A_63 = arith.index_cast %swap3A : i32 to index
    %swap3A_64 = arith.constant 0 : index
    %swap3A_65 = tpu.vector_load %arg6[%swap3A_63, %swap3A_64] {strides = array<i32>} : memref<4x64xi32, #tpu.memory_space<vmem>>, vector<1x16xi32>,
    %swap3A_66 = vector.shape_cast %swap3A_65 : vector<1x16xi32> to vector<16xi32>
    %swap3A_67 = vector.shape_cast %shift_right_logical3A_62 : vector<16xi32> to vector<1x16xi32>
    tpu.vector_store %arg6[%swap3A_63, %swap3A_64], %swap3A_67 {strides = array<i32>} : memref<4x64xi32, #tpu.memory_space<vmem>>, vector<1x16xi32>,
    %get3A_68 = arith.constant 0 : i32
    %get3A_69 = arith.index_cast %get3A_68 : i32 to index
    %get3A_70 = arith.constant 16 : index
    %get3A_71 = tpu.vector_load %arg5[%get3A_69, %get3A_70] {strides = array<i32>} : memref<80x128xi32, #tpu.memory_space<vmem>>, vector<1x16xi32>,
    %get3A_72 = vector.shape_cast %get3A_71 : vector<1x16xi32> to vector<16xi32>
    %shift_right_logical3A_73 = arith.constant 14 : i32
    %shift_right_logical3A_74 = vector.broadcast %shift_right_logical3A_73 : i32 to vector<16xi32>
    %shift_right_logical3A_75 = arith.shrui %get3A_72, %shift_right_logical3A_74 : vector<16xi32>
    %swap3A_76 = arith.constant 0 : i32
    %swap3A_77 = arith.index_cast %swap3A_76 : i32 to index
    %swap3A_78 = arith.constant 16 : index
    %swap3A_79 = tpu.vector_load %arg6[%swap3A_77, %swap3A_78] {strides = array<i32>} : memref<4x64xi32, #tpu.memory_space<vmem>>, vector<1x16xi32>,
    %swap3A_80 = vector.shape_cast %swap3A_79 : vector<1x16xi32> to vector<16xi32>
    %swap3A_81 = vector.shape_cast %shift_right_logical3A_75 : vector<16xi32> to vector<1x16xi32>
    tpu.vector_store %arg6[%swap3A_77, %swap3A_78], %swap3A_81 {strides = array<i32>} : memref<4x64xi32, #tpu.memory_space<vmem>>, vector<1x16xi32>,
    %get3A_82 = arith.constant 0 : i32
    %get3A_83 = arith.index_cast %get3A_82 : i32 to index
    %get3A_84 = arith.constant 32 : index
    %get3A_85 = tpu.vector_load %arg5[%get3A_83, %get3A_84] {strides = array<i32>} : memref<80x128xi32, #tpu.memory_space<vmem>>, vector<1x16xi32>,
    %get3A_86 = vector.shape_cast %get3A_85 : vector<1x16xi32> to vector<16xi32>
    %shift_right_logical3A_87 = arith.constant 14 : i32
    %shift_right_logical3A_88 = vector.broadcast %shift_right_logical3A_87 : i32 to vector<16xi32>
    %shift_right_logical3A_89 = arith.shrui %get3A_86, %shift_right_logical3A_88 : vector<16xi32>
    %swap3A_90 = arith.constant 0 : i32
    %swap3A_91 = arith.index_cast %swap3A_90 : i32 to index
    %swap3A_92 = arith.constant 32 : index
    %swap3A_93 = tpu.vector_load %arg6[%swap3A_91, %swap3A_92] {strides = array<i32>} : memref<4x64xi32, #tpu.memory_space<vmem>>, vector<1x16xi32>,
    %swap3A_94 = vector.shape_cast %swap3A_93 : vector<1x16xi32> to vector<16xi32>
    %swap3A_95 = vector.shape_cast %shift_right_logical3A_89 : vector<16xi32> to vector<1x16xi32>
    tpu.vector_store %arg6[%swap3A_91, %swap3A_92], %swap3A_95 {strides = array<i32>} : memref<4x64xi32, #tpu.memory_space<vmem>>, vector<1x16xi32>,
    %get3A_96 = arith.constant 0 : i32
    %get3A_97 = arith.index_cast %get3A_96 : i32 to index
    %get3A_98 = arith.constant 48 : index
    %get3A_99 = tpu.vector_load %arg5[%get3A_97, %get3A_98] {strides = array<i32>} : memref<80x128xi32, #tpu.memory_space<vmem>>, vector<1x16xi32>,
    %get3A_100 = vector.shape_cast %get3A_99 : vector<1x16xi32> to vector<16xi32>
    %shift_right_logical3A_101 = arith.constant 14 : i32
    %shift_right_logical3A_102 = vector.broadcast %shift_right_logical3A_101 : i32 to vector<16xi32>
    %shift_right_logical3A_103 = arith.shrui %get3A_100, %shift_right_logical3A_102 : vector<16xi32>
    %swap3A_104 = arith.constant 0 : i32
    %swap3A_105 = arith.index_cast %swap3A_104 : i32 to index
    %swap3A_106 = arith.constant 48 : index
    %swap3A_107 = tpu.vector_load %arg6[%swap3A_105, %swap3A_106] {strides = array<i32>} : memref<4x64xi32, #tpu.memory_space<vmem>>, vector<1x16xi32>,
    %swap3A_108 = vector.shape_cast %swap3A_107 : vector<1x16xi32> to vector<16xi32>
    %swap3A_109 = vector.shape_cast %shift_right_logical3A_103 : vector<16xi32> to vector<1x16xi32>
    tpu.vector_store %arg6[%swap3A_105, %swap3A_106], %swap3A_109 {strides = array<i32>} : memref<4x64xi32, #tpu.memory_space<vmem>>, vector<1x16xi32>,
    %dma_start3A = arith.constant 0 : i32
    %dma_start3A_110 = arith.constant 0 : i32
    %dma_start3A_111 = arith.constant 0 : i32
    %dma_start3A_112 = arith.constant 0 : i32
    %dma_start3A_113 = arith.constant 0 : i32
    %dma_start3A_114 = tpu.memref_slice %arg8[%dma_start3A_110, %dma_start3A_112, %dma_start3A_113] : memref<4x64x128xf32, #tpu.memory_space<vmem>> -> memref<1x64x128xf32, #tpu.memory_space<vmem>>
    %dma_start3A_115 = tpu.memref_squeeze %dma_start3A_114 : memref<1x64x128xf32, #tpu.memory_space<vmem>> -> memref<64x128xf32, #tpu.memory_space<vmem>>
    %dma_start3A_116 = arith.constant 0 : i32
    %dma_start3A_117 = tpu.memref_slice %arg6[%dma_start3A, %dma_start3A_116] : memref<4x64xi32, #tpu.memory_space<vmem>> -> memref<1x64xi32, #tpu.memory_space<vmem>>
    %dma_start3A_118 = tpu.memref_squeeze %dma_start3A_117 : memref<1x64xi32, #tpu.memory_space<vmem>> -> memref<64xi32, #tpu.memory_space<vmem>>
    %dma_start3A_119 = arith.constant 0 : i32
    %dma_start3A_120 = arith.constant 0 : i32
    %dma_start3A_121 = tpu.memref_slice %arg2[%dma_start3A_119, %dma_start3A_120] : memref<10000x128xf32, #tpu.memory_space<hbm>> -> memref<10000x128xf32, #tpu.memory_space<hbm>>
    %dma_start3A_122 = tpu.memref_slice %arg10[%dma_start3A_111] : memref<5x!tpu.dma_semaphore, #tpu.memory_space<semaphore_mem>> -> memref<1x!tpu.dma_semaphore, #tpu.memory_space<semaphore_mem>>
    %dma_start3A_123 = tpu.memref_squeeze %dma_start3A_122 : memref<1x!tpu.dma_semaphore, #tpu.memory_space<semaphore_mem>> -> memref<!tpu.dma_semaphore, #tpu.memory_space<semaphore_mem>>
    tpu.enqueue_indirect_dma source(%dma_start3A_121 : memref<10000x128xf32, #tpu.memory_space<hbm>>) target(%dma_start3A_115 : memref<64x128xf32, #tpu.memory_space<vmem>>) offsets(%dma_start3A_118 : memref<64xi32, #tpu.memory_space<vmem>>) semaphore(%dma_start3A_123 : memref<!tpu.dma_semaphore, #tpu.memory_space<semaphore_mem>>)
    %get3A_124 = arith.constant 0 : i32
    %get3A_125 = arith.index_cast %get3A_124 : i32 to index
    %get3A_126 = arith.constant 64 : index
    %get3A_127 = tpu.vector_load %arg5[%get3A_125, %get3A_126] {strides = array<i32>} : memref<80x128xi32, #tpu.memory_space<vmem>>, vector<1x16xi32>,
    %get3A_128 = vector.shape_cast %get3A_127 : vector<1x16xi32> to vector<16xi32>
    %shift_right_logical3A_129 = arith.constant 14 : i32
    %shift_right_logical3A_130 = vector.broadcast %shift_right_logical3A_129 : i32 to vector<16xi32>
    %shift_right_logical3A_131 = arith.shrui %get3A_128, %shift_right_logical3A_130 : vector<16xi32>
    %swap3A_132 = arith.constant 1 : i32
    %swap3A_133 = arith.index_cast %swap3A_132 : i32 to index
    %swap3A_134 = arith.constant 0 : index
    %swap3A_135 = tpu.vector_load %arg6[%swap3A_133, %swap3A_134] {strides = array<i32>} : memref<4x64xi32, #tpu.memory_space<vmem>>, vector<1x16xi32>,
    %swap3A_136 = vector.shape_cast %swap3A_135 : vector<1x16xi32> to vector<16xi32>
    %swap3A_137 = vector.shape_cast %shift_right_logical3A_131 : vector<16xi32> to vector<1x16xi32>
    tpu.vector_store %arg6[%swap3A_133, %swap3A_134], %swap3A_137 {strides = array<i32>} : memref<4x64xi32, #tpu.memory_space<vmem>>, vector<1x16xi32>,
    %get3A_138 = arith.constant 0 : i32
    %get3A_139 = arith.index_cast %get3A_138 : i32 to index
    %get3A_140 = arith.constant 80 : index
    %get3A_141 = tpu.vector_load %arg5[%get3A_139, %get3A_140] {strides = array<i32>} : memref<80x128xi32, #tpu.memory_space<vmem>>, vector<1x16xi32>,
    %get3A_142 = vector.shape_cast %get3A_141 : vector<1x16xi32> to vector<16xi32>
    %shift_right_logical3A_143 = arith.constant 14 : i32
    %shift_right_logical3A_144 = vector.broadcast %shift_right_logical3A_143 : i32 to vector<16xi32>
    %shift_right_logical3A_145 = arith.shrui %get3A_142, %shift_right_logical3A_144 : vector<16xi32>
    %swap3A_146 = arith.constant 1 : i32
    %swap3A_147 = arith.index_cast %swap3A_146 : i32 to index
    %swap3A_148 = arith.constant 16 : index
    %swap3A_149 = tpu.vector_load %arg6[%swap3A_147, %swap3A_148] {strides = array<i32>} : memref<4x64xi32, #tpu.memory_space<vmem>>, vector<1x16xi32>,
    %swap3A_150 = vector.shape_cast %swap3A_149 : vector<1x16xi32> to vector<16xi32>
    %swap3A_151 = vector.shape_cast %shift_right_logical3A_145 : vector<16xi32> to vector<1x16xi32>
    tpu.vector_store %arg6[%swap3A_147, %swap3A_148], %swap3A_151 {strides = array<i32>} : memref<4x64xi32, #tpu.memory_space<vmem>>, vector<1x16xi32>,
    %get3A_152 = arith.constant 0 : i32
    %get3A_153 = arith.index_cast %get3A_152 : i32 to index
    %get3A_154 = arith.constant 96 : index
    %get3A_155 = tpu.vector_load %arg5[%get3A_153, %get3A_154] {strides = array<i32>} : memref<80x128xi32, #tpu.memory_space<vmem>>, vector<1x16xi32>,
    %get3A_156 = vector.shape_cast %get3A_155 : vector<1x16xi32> to vector<16xi32>
    %shift_right_logical3A_157 = arith.constant 14 : i32
    %shift_right_logical3A_158 = vector.broadcast %shift_right_logical3A_157 : i32 to vector<16xi32>
    %shift_right_logical3A_159 = arith.shrui %get3A_156, %shift_right_logical3A_158 : vector<16xi32>
    %swap3A_160 = arith.constant 1 : i32
    %swap3A_161 = arith.index_cast %swap3A_160 : i32 to index
    %swap3A_162 = arith.constant 32 : index
    %swap3A_163 = tpu.vector_load %arg6[%swap3A_161, %swap3A_162] {strides = array<i32>} : memref<4x64xi32, #tpu.memory_space<vmem>>, vector<1x16xi32>,
    %swap3A_164 = vector.shape_cast %swap3A_163 : vector<1x16xi32> to vector<16xi32>
    %swap3A_165 = vector.shape_cast %shift_right_logical3A_159 : vector<16xi32> to vector<1x16xi32>
    tpu.vector_store %arg6[%swap3A_161, %swap3A_162], %swap3A_165 {strides = array<i32>} : memref<4x64xi32, #tpu.memory_space<vmem>>, vector<1x16xi32>,
    %get3A_166 = arith.constant 0 : i32
    %get3A_167 = arith.index_cast %get3A_166 : i32 to index
    %get3A_168 = arith.constant 112 : index
    %get3A_169 = tpu.vector_load %arg5[%get3A_167, %get3A_168] {strides = array<i32>} : memref<80x128xi32, #tpu.memory_space<vmem>>, vector<1x16xi32>,
    %get3A_170 = vector.shape_cast %get3A_169 : vector<1x16xi32> to vector<16xi32>
    %shift_right_logical3A_171 = arith.constant 14 : i32
    %shift_right_logical3A_172 = vector.broadcast %shift_right_logical3A_171 : i32 to vector<16xi32>
    %shift_right_logical3A_173 = arith.shrui %get3A_170, %shift_right_logical3A_172 : vector<16xi32>
    %swap3A_174 = arith.constant 1 : i32
    %swap3A_175 = arith.index_cast %swap3A_174 : i32 to index
    %swap3A_176 = arith.constant 48 : index
    %swap3A_177 = tpu.vector_load %arg6[%swap3A_175, %swap3A_176] {strides = array<i32>} : memref<4x64xi32, #tpu.memory_space<vmem>>, vector<1x16xi32>,
    %swap3A_178 = vector.shape_cast %swap3A_177 : vector<1x16xi32> to vector<16xi32>
    %swap3A_179 = vector.shape_cast %shift_right_logical3A_173 : vector<16xi32> to vector<1x16xi32>
    tpu.vector_store %arg6[%swap3A_175, %swap3A_176], %swap3A_179 {strides = array<i32>} : memref<4x64xi32, #tpu.memory_space<vmem>>, vector<1x16xi32>,
    %dma_start3A_180 = arith.constant 1 : i32
    %dma_start3A_181 = arith.constant 1 : i32
    %dma_start3A_182 = arith.constant 1 : i32
    %dma_start3A_183 = arith.constant 0 : i32
    %dma_start3A_184 = arith.constant 0 : i32
    %dma_start3A_185 = tpu.memref_slice %arg8[%dma_start3A_181, %dma_start3A_183, %dma_start3A_184] : memref<4x64x128xf32, #tpu.memory_space<vmem>> -> memref<1x64x128xf32, #tpu.memory_space<vmem>>
    %dma_start3A_186 = tpu.memref_squeeze %dma_start3A_185 : memref<1x64x128xf32, #tpu.memory_space<vmem>> -> memref<64x128xf32, #tpu.memory_space<vmem>>
    %dma_start3A_187 = arith.constant 0 : i32
    %dma_start3A_188 = tpu.memref_slice %arg6[%dma_start3A_180, %dma_start3A_187] : memref<4x64xi32, #tpu.memory_space<vmem>> -> memref<1x64xi32, #tpu.memory_space<vmem>>
    %dma_start3A_189 = tpu.memref_squeeze %dma_start3A_188 : memref<1x64xi32, #tpu.memory_space<vmem>> -> memref<64xi32, #tpu.memory_space<vmem>>
    %dma_start3A_190 = arith.constant 0 : i32
    %dma_start3A_191 = arith.constant 0 : i32
    %dma_start3A_192 = tpu.memref_slice %arg2[%dma_start3A_190, %dma_start3A_191] : memref<10000x128xf32, #tpu.memory_space<hbm>> -> memref<10000x128xf32, #tpu.memory_space<hbm>>
    %dma_start3A_193 = tpu.memref_slice %arg10[%dma_start3A_182] : memref<5x!tpu.dma_semaphore, #tpu.memory_space<semaphore_mem>> -> memref<1x!tpu.dma_semaphore, #tpu.memory_space<semaphore_mem>>
    %dma_start3A_194 = tpu.memref_squeeze %dma_start3A_193 : memref<1x!tpu.dma_semaphore, #tpu.memory_space<semaphore_mem>> -> memref<!tpu.dma_semaphore, #tpu.memory_space<semaphore_mem>>
    tpu.enqueue_indirect_dma source(%dma_start3A_192 : memref<10000x128xf32, #tpu.memory_space<hbm>>) target(%dma_start3A_186 : memref<64x128xf32, #tpu.memory_space<vmem>>) offsets(%dma_start3A_189 : memref<64xi32, #tpu.memory_space<vmem>>) semaphore(%dma_start3A_194 : memref<!tpu.dma_semaphore, #tpu.memory_space<semaphore_mem>>)
    %get3A_195 = arith.constant 1 : i32
    %get3A_196 = arith.index_cast %get3A_195 : i32 to index
    %get3A_197 = arith.constant 0 : index
    %get3A_198 = tpu.vector_load %arg5[%get3A_196, %get3A_197] {strides = array<i32>} : memref<80x128xi32, #tpu.memory_space<vmem>>, vector<1x16xi32>,
    %get3A_199 = vector.shape_cast %get3A_198 : vector<1x16xi32> to vector<16xi32>
    %shift_right_logical3A_200 = arith.constant 14 : i32
    %shift_right_logical3A_201 = vector.broadcast %shift_right_logical3A_200 : i32 to vector<16xi32>
    %shift_right_logical3A_202 = arith.shrui %get3A_199, %shift_right_logical3A_201 : vector<16xi32>
    %swap3A_203 = arith.constant 2 : i32
    %swap3A_204 = arith.index_cast %swap3A_203 : i32 to index
    %swap3A_205 = arith.constant 0 : index
    %swap3A_206 = tpu.vector_load %arg6[%swap3A_204, %swap3A_205] {strides = array<i32>} : memref<4x64xi32, #tpu.memory_space<vmem>>, vector<1x16xi32>,
    %swap3A_207 = vector.shape_cast %swap3A_206 : vector<1x16xi32> to vector<16xi32>
    %swap3A_208 = vector.shape_cast %shift_right_logical3A_202 : vector<16xi32> to vector<1x16xi32>
    tpu.vector_store %arg6[%swap3A_204, %swap3A_205], %swap3A_208 {strides = array<i32>} : memref<4x64xi32, #tpu.memory_space<vmem>>, vector<1x16xi32>,
    %get3A_209 = arith.constant 1 : i32
    %get3A_210 = arith.index_cast %get3A_209 : i32 to index
    %get3A_211 = arith.constant 16 : index
    %get3A_212 = tpu.vector_load %arg5[%get3A_210, %get3A_211] {strides = array<i32>} : memref<80x128xi32, #tpu.memory_space<vmem>>, vector<1x16xi32>,
    %get3A_213 = vector.shape_cast %get3A_212 : vector<1x16xi32> to vector<16xi32>
    %shift_right_logical3A_214 = arith.constant 14 : i32
    %shift_right_logical3A_215 = vector.broadcast %shift_right_logical3A_214 : i32 to vector<16xi32>
    %shift_right_logical3A_216 = arith.shrui %get3A_213, %shift_right_logical3A_215 : vector<16xi32>
    %swap3A_217 = arith.constant 2 : i32
    %swap3A_218 = arith.index_cast %swap3A_217 : i32 to index
    %swap3A_219 = arith.constant 16 : index
    %swap3A_220 = tpu.vector_load %arg6[%swap3A_218, %swap3A_219] {strides = array<i32>} : memref<4x64xi32, #tpu.memory_space<vmem>>, vector<1x16xi32>,
    %swap3A_221 = vector.shape_cast %swap3A_220 : vector<1x16xi32> to vector<16xi32>
    %swap3A_222 = vector.shape_cast %shift_right_logical3A_216 : vector<16xi32> to vector<1x16xi32>
    tpu.vector_store %arg6[%swap3A_218, %swap3A_219], %swap3A_222 {strides = array<i32>} : memref<4x64xi32, #tpu.memory_space<vmem>>, vector<1x16xi32>,
    %get3A_223 = arith.constant 1 : i32
    %get3A_224 = arith.index_cast %get3A_223 : i32 to index
    %get3A_225 = arith.constant 32 : index
    %get3A_226 = tpu.vector_load %arg5[%get3A_224, %get3A_225] {strides = array<i32>} : memref<80x128xi32, #tpu.memory_space<vmem>>, vector<1x16xi32>,
    %get3A_227 = vector.shape_cast %get3A_226 : vector<1x16xi32> to vector<16xi32>
    %shift_right_logical3A_228 = arith.constant 14 : i32
    %shift_right_logical3A_229 = vector.broadcast %shift_right_logical3A_228 : i32 to vector<16xi32>
    %shift_right_logical3A_230 = arith.shrui %get3A_227, %shift_right_logical3A_229 : vector<16xi32>
    %swap3A_231 = arith.constant 2 : i32
    %swap3A_232 = arith.index_cast %swap3A_231 : i32 to index
    %swap3A_233 = arith.constant 32 : index
    %swap3A_234 = tpu.vector_load %arg6[%swap3A_232, %swap3A_233] {strides = array<i32>} : memref<4x64xi32, #tpu.memory_space<vmem>>, vector<1x16xi32>,
    %swap3A_235 = vector.shape_cast %swap3A_234 : vector<1x16xi32> to vector<16xi32>
    %swap3A_236 = vector.shape_cast %shift_right_logical3A_230 : vector<16xi32> to vector<1x16xi32>
    tpu.vector_store %arg6[%swap3A_232, %swap3A_233], %swap3A_236 {strides = array<i32>} : memref<4x64xi32, #tpu.memory_space<vmem>>, vector<1x16xi32>,
    %get3A_237 = arith.constant 1 : i32
    %get3A_238 = arith.index_cast %get3A_237 : i32 to index
    %get3A_239 = arith.constant 48 : index
    %get3A_240 = tpu.vector_load %arg5[%get3A_238, %get3A_239] {strides = array<i32>} : memref<80x128xi32, #tpu.memory_space<vmem>>, vector<1x16xi32>,
    %get3A_241 = vector.shape_cast %get3A_240 : vector<1x16xi32> to vector<16xi32>
    %shift_right_logical3A_242 = arith.constant 14 : i32
    %shift_right_logical3A_243 = vector.broadcast %shift_right_logical3A_242 : i32 to vector<16xi32>
    %shift_right_logical3A_244 = arith.shrui %get3A_241, %shift_right_logical3A_243 : vector<16xi32>
    %swap3A_245 = arith.constant 2 : i32
    %swap3A_246 = arith.index_cast %swap3A_245 : i32 to index
    %swap3A_247 = arith.constant 48 : index
    %swap3A_248 = tpu.vector_load %arg6[%swap3A_246, %swap3A_247] {strides = array<i32>} : memref<4x64xi32, #tpu.memory_space<vmem>>, vector<1x16xi32>,
    %swap3A_249 = vector.shape_cast %swap3A_248 : vector<1x16xi32> to vector<16xi32>
    %swap3A_250 = vector.shape_cast %shift_right_logical3A_244 : vector<16xi32> to vector<1x16xi32>
    tpu.vector_store %arg6[%swap3A_246, %swap3A_247], %swap3A_250 {strides = array<i32>} : memref<4x64xi32, #tpu.memory_space<vmem>>, vector<1x16xi32>,
    %dma_start3A_251 = arith.constant 2 : i32
    %dma_start3A_252 = arith.constant 2 : i32
    %dma_start3A_253 = arith.constant 2 : i32
    %dma_start3A_254 = arith.constant 0 : i32
    %dma_start3A_255 = arith.constant 0 : i32
    %dma_start3A_256 = tpu.memref_slice %arg8[%dma_start3A_252, %dma_start3A_254, %dma_start3A_255] : memref<4x64x128xf32, #tpu.memory_space<vmem>> -> memref<1x64x128xf32, #tpu.memory_space<vmem>>
    %dma_start3A_257 = tpu.memref_squeeze %dma_start3A_256 : memref<1x64x128xf32, #tpu.memory_space<vmem>> -> memref<64x128xf32, #tpu.memory_space<vmem>>
    %dma_start3A_258 = arith.constant 0 : i32
    %dma_start3A_259 = tpu.memref_slice %arg6[%dma_start3A_251, %dma_start3A_258] : memref<4x64xi32, #tpu.memory_space<vmem>> -> memref<1x64xi32, #tpu.memory_space<vmem>>
    %dma_start3A_260 = tpu.memref_squeeze %dma_start3A_259 : memref<1x64xi32, #tpu.memory_space<vmem>> -> memref<64xi32, #tpu.memory_space<vmem>>
    %dma_start3A_261 = arith.constant 0 : i32
    %dma_start3A_262 = arith.constant 0 : i32
    %dma_start3A_263 = tpu.memref_slice %arg2[%dma_start3A_261, %dma_start3A_262] : memref<10000x128xf32, #tpu.memory_space<hbm>> -> memref<10000x128xf32, #tpu.memory_space<hbm>>
    %dma_start3A_264 = tpu.memref_slice %arg10[%dma_start3A_253] : memref<5x!tpu.dma_semaphore, #tpu.memory_space<semaphore_mem>> -> memref<1x!tpu.dma_semaphore, #tpu.memory_space<semaphore_mem>>
    %dma_start3A_265 = tpu.memref_squeeze %dma_start3A_264 : memref<1x!tpu.dma_semaphore, #tpu.memory_space<semaphore_mem>> -> memref<!tpu.dma_semaphore, #tpu.memory_space<semaphore_mem>>
    tpu.enqueue_indirect_dma source(%dma_start3A_263 : memref<10000x128xf32, #tpu.memory_space<hbm>>) target(%dma_start3A_257 : memref<64x128xf32, #tpu.memory_space<vmem>>) offsets(%dma_start3A_260 : memref<64xi32, #tpu.memory_space<vmem>>) semaphore(%dma_start3A_265 : memref<!tpu.dma_semaphore, #tpu.memory_space<semaphore_mem>>)
    %scan3A_266 = arith.constant 0 : i32
    %scan3A_267 = arith.constant 0 : i32
    %scan3A_268 = arith.constant 40 : i32
    %scan3A_269 = arith.addi %scan3A_267, %scan3A_268 : i32
    %scan3A_270 = arith.constant 1 : i32
    scf.for %scan3A_702 = %scan3A_267 to %scan3A_269 step %scan3A_270  : i32 {
      %dma_wait3A_703 = arith.constant 0 : i32
      %dma_wait3A_704 = arith.constant 0 : i32
      %dma_wait3A_705 = arith.constant 0 : i32
      %dma_wait3A_706 = arith.constant 0 : i32
      %dma_wait3A_707 = arith.constant 0 : i32
      %dma_wait3A_708 = tpu.memref_slice %arg8[%dma_wait3A_704, %dma_wait3A_706, %dma_wait3A_707] : memref<4x64x128xf32, #tpu.memory_space<vmem>> -> memref<1x64x128xf32, #tpu.memory_space<vmem>>
      %dma_wait3A_709 = tpu.memref_squeeze %dma_wait3A_708 : memref<1x64x128xf32, #tpu.memory_space<vmem>> -> memref<64x128xf32, #tpu.memory_space<vmem>>
      %dma_wait3A_710 = arith.constant 0 : i32
      %dma_wait3A_711 = tpu.memref_slice %arg6[%dma_wait3A_703, %dma_wait3A_710] : memref<4x64xi32, #tpu.memory_space<vmem>> -> memref<1x64xi32, #tpu.memory_space<vmem>>
      %dma_wait3A_712 = tpu.memref_squeeze %dma_wait3A_711 : memref<1x64xi32, #tpu.memory_space<vmem>> -> memref<64xi32, #tpu.memory_space<vmem>>
      %dma_wait3A_713 = arith.constant 0 : i32
      %dma_wait3A_714 = arith.constant 0 : i32
      %dma_wait3A_715 = tpu.memref_slice %arg2[%dma_wait3A_713, %dma_wait3A_714] : memref<10000x128xf32, #tpu.memory_space<hbm>> -> memref<10000x128xf32, #tpu.memory_space<hbm>>
      %dma_wait3A_716 = tpu.memref_slice %arg10[%dma_wait3A_705] : memref<5x!tpu.dma_semaphore, #tpu.memory_space<semaphore_mem>> -> memref<1x!tpu.dma_semaphore, #tpu.memory_space<semaphore_mem>>
      %dma_wait3A_717 = tpu.memref_squeeze %dma_wait3A_716 : memref<1x!tpu.dma_semaphore, #tpu.memory_space<semaphore_mem>> -> memref<!tpu.dma_semaphore, #tpu.memory_space<semaphore_mem>>
      tpu.wait_indirect_dma semaphore(%dma_wait3A_717 : memref<!tpu.dma_semaphore, #tpu.memory_space<semaphore_mem>>) src(%dma_wait3A_715 : memref<10000x128xf32, #tpu.memory_space<hbm>>) dst(%dma_wait3A_709 : memref<64x128xf32, #tpu.memory_space<vmem>>)
      %mul3A_718 = arith.constant 4 : i32
      %mul3A_719 = arith.muli %mul3A_718, %scan3A_702 : i32
      %add3A_720 = arith.constant 0 : i32
      %add3A_721 = arith.addi %mul3A_719, %add3A_720 : i32
      %add3A_722 = arith.constant 3 : i32
      %add3A_723 = arith.addi %add3A_721, %add3A_722 : i32
      %lt3A = arith.constant 160 : i32
      %lt3A_724 = arith.cmpi slt, %add3A_723, %lt3A : i32
      %convert_element_type3A = arith.extui %lt3A_724 : i1 to i32
      %cond3A = arith.constant 0 : i32
      %cond3A_725 = arith.cmpi ne, %convert_element_type3A, %cond3A : i32
      scf.if %cond3A_725 {
        %mul3A_999 = arith.constant 2 : i32
        %mul3A_1000 = arith.muli %mul3A_999, %scan3A_702 : i32
        %add3A_1001 = arith.constant 1 : i32
        %add3A_1002 = arith.addi %mul3A_1000, %add3A_1001 : i32
        %get3A_1003 = arith.index_cast %add3A_1002 : i32 to index
        %get3A_1004 = arith.constant 64 : index
        %get3A_1005 = tpu.vector_load %arg5[%get3A_1003, %get3A_1004] {strides = array<i32>} : memref<80x128xi32, #tpu.memory_space<vmem>>, vector<1x16xi32>,
        %get3A_1006 = vector.shape_cast %get3A_1005 : vector<1x16xi32> to vector<16xi32>
        %shift_right_logical3A_1007 = arith.constant 14 : i32
        %shift_right_logical3A_1008 = vector.broadcast %shift_right_logical3A_1007 : i32 to vector<16xi32>
        %shift_right_logical3A_1009 = arith.shrui %get3A_1006, %shift_right_logical3A_1008 : vector<16xi32>
        %swap3A_1010 = arith.constant 3 : i32
        %swap3A_1011 = arith.index_cast %swap3A_1010 : i32 to index
        %swap3A_1012 = arith.constant 0 : index
        %swap3A_1013 = tpu.vector_load %arg6[%swap3A_1011, %swap3A_1012] {strides = array<i32>} : memref<4x64xi32, #tpu.memory_space<vmem>>, vector<1x16xi32>,
        %swap3A_1014 = vector.shape_cast %swap3A_1013 : vector<1x16xi32> to vector<16xi32>
        %swap3A_1015 = vector.shape_cast %shift_right_logical3A_1009 : vector<16xi32> to vector<1x16xi32>
        tpu.vector_store %arg6[%swap3A_1011, %swap3A_1012], %swap3A_1015 {strides = array<i32>} : memref<4x64xi32, #tpu.memory_space<vmem>>, vector<1x16xi32>,
        %get3A_1016 = arith.index_cast %add3A_1002 : i32 to index
        %get3A_1017 = arith.constant 80 : index
        %get3A_1018 = tpu.vector_load %arg5[%get3A_1016, %get3A_1017] {strides = array<i32>} : memref<80x128xi32, #tpu.memory_space<vmem>>, vector<1x16xi32>,
        %get3A_1019 = vector.shape_cast %get3A_1018 : vector<1x16xi32> to vector<16xi32>
        %shift_right_logical3A_1020 = arith.constant 14 : i32
        %shift_right_logical3A_1021 = vector.broadcast %shift_right_logical3A_1020 : i32 to vector<16xi32>
        %shift_right_logical3A_1022 = arith.shrui %get3A_1019, %shift_right_logical3A_1021 : vector<16xi32>
        %swap3A_1023 = arith.constant 3 : i32
        %swap3A_1024 = arith.index_cast %swap3A_1023 : i32 to index
        %swap3A_1025 = arith.constant 16 : index
        %swap3A_1026 = tpu.vector_load %arg6[%swap3A_1024, %swap3A_1025] {strides = array<i32>} : memref<4x64xi32, #tpu.memory_space<vmem>>, vector<1x16xi32>,
        %swap3A_1027 = vector.shape_cast %swap3A_1026 : vector<1x16xi32> to vector<16xi32>
        %swap3A_1028 = vector.shape_cast %shift_right_logical3A_1022 : vector<16xi32> to vector<1x16xi32>
        tpu.vector_store %arg6[%swap3A_1024, %swap3A_1025], %swap3A_1028 {strides = array<i32>} : memref<4x64xi32, #tpu.memory_space<vmem>>, vector<1x16xi32>,
        %get3A_1029 = arith.index_cast %add3A_1002 : i32 to index
        %get3A_1030 = arith.constant 96 : index
        %get3A_1031 = tpu.vector_load %arg5[%get3A_1029, %get3A_1030] {strides = array<i32>} : memref<80x128xi32, #tpu.memory_space<vmem>>, vector<1x16xi32>,
        %get3A_1032 = vector.shape_cast %get3A_1031 : vector<1x16xi32> to vector<16xi32>
        %shift_right_logical3A_1033 = arith.constant 14 : i32
        %shift_right_logical3A_1034 = vector.broadcast %shift_right_logical3A_1033 : i32 to vector<16xi32>
        %shift_right_logical3A_1035 = arith.shrui %get3A_1032, %shift_right_logical3A_1034 : vector<16xi32>
        %swap3A_1036 = arith.constant 3 : i32
        %swap3A_1037 = arith.index_cast %swap3A_1036 : i32 to index
        %swap3A_1038 = arith.constant 32 : index
        %swap3A_1039 = tpu.vector_load %arg6[%swap3A_1037, %swap3A_1038] {strides = array<i32>} : memref<4x64xi32, #tpu.memory_space<vmem>>, vector<1x16xi32>,
        %swap3A_1040 = vector.shape_cast %swap3A_1039 : vector<1x16xi32> to vector<16xi32>
        %swap3A_1041 = vector.shape_cast %shift_right_logical3A_1035 : vector<16xi32> to vector<1x16xi32>
        tpu.vector_store %arg6[%swap3A_1037, %swap3A_1038], %swap3A_1041 {strides = array<i32>} : memref<4x64xi32, #tpu.memory_space<vmem>>, vector<1x16xi32>,
        %get3A_1042 = arith.index_cast %add3A_1002 : i32 to index
        %get3A_1043 = arith.constant 112 : index
        %get3A_1044 = tpu.vector_load %arg5[%get3A_1042, %get3A_1043] {strides = array<i32>} : memref<80x128xi32, #tpu.memory_space<vmem>>, vector<1x16xi32>,
        %get3A_1045 = vector.shape_cast %get3A_1044 : vector<1x16xi32> to vector<16xi32>
        %shift_right_logical3A_1046 = arith.constant 14 : i32
        %shift_right_logical3A_1047 = vector.broadcast %shift_right_logical3A_1046 : i32 to vector<16xi32>
        %shift_right_logical3A_1048 = arith.shrui %get3A_1045, %shift_right_logical3A_1047 : vector<16xi32>
        %swap3A_1049 = arith.constant 3 : i32
        %swap3A_1050 = arith.index_cast %swap3A_1049 : i32 to index
        %swap3A_1051 = arith.constant 48 : index
        %swap3A_1052 = tpu.vector_load %arg6[%swap3A_1050, %swap3A_1051] {strides = array<i32>} : memref<4x64xi32, #tpu.memory_space<vmem>>, vector<1x16xi32>,
        %swap3A_1053 = vector.shape_cast %swap3A_1052 : vector<1x16xi32> to vector<16xi32>
        %swap3A_1054 = vector.shape_cast %shift_right_logical3A_1048 : vector<16xi32> to vector<1x16xi32>
        tpu.vector_store %arg6[%swap3A_1050, %swap3A_1051], %swap3A_1054 {strides = array<i32>} : memref<4x64xi32, #tpu.memory_space<vmem>>, vector<1x16xi32>,
        %dma_start3A_1055 = arith.constant 3 : i32
        %dma_start3A_1056 = arith.constant 3 : i32
        %dma_start3A_1057 = arith.constant 3 : i32
        %dma_start3A_1058 = arith.constant 0 : i32
        %dma_start3A_1059 = arith.constant 0 : i32
        %dma_start3A_1060 = tpu.memref_slice %arg8[%dma_start3A_1056, %dma_start3A_1058, %dma_start3A_1059] : memref<4x64x128xf32, #tpu.memory_space<vmem>> -> memref<1x64x128xf32, #tpu.memory_space<vmem>>
        %dma_start3A_1061 = tpu.memref_squeeze %dma_start3A_1060 : memref<1x64x128xf32, #tpu.memory_space<vmem>> -> memref<64x128xf32, #tpu.memory_space<vmem>>
        %dma_start3A_1062 = arith.constant 0 : i32
        %dma_start3A_1063 = tpu.memref_slice %arg6[%dma_start3A_1055, %dma_start3A_1062] : memref<4x64xi32, #tpu.memory_space<vmem>> -> memref<1x64xi32, #tpu.memory_space<vmem>>
        %dma_start3A_1064 = tpu.memref_squeeze %dma_start3A_1063 : memref<1x64xi32, #tpu.memory_space<vmem>> -> memref<64xi32, #tpu.memory_space<vmem>>
        %dma_start3A_1065 = arith.constant 0 : i32
        %dma_start3A_1066 = arith.constant 0 : i32
        %dma_start3A_1067 = tpu.memref_slice %arg2[%dma_start3A_1065, %dma_start3A_1066] : memref<10000x128xf32, #tpu.memory_space<hbm>> -> memref<10000x128xf32, #tpu.memory_space<hbm>>
        %dma_start3A_1068 = tpu.memref_slice %arg10[%dma_start3A_1057] : memref<5x!tpu.dma_semaphore, #tpu.memory_space<semaphore_mem>> -> memref<1x!tpu.dma_semaphore, #tpu.memory_space<semaphore_mem>>
        %dma_start3A_1069 = tpu.memref_squeeze %dma_start3A_1068 : memref<1x!tpu.dma_semaphore, #tpu.memory_space<semaphore_mem>> -> memref<!tpu.dma_semaphore, #tpu.memory_space<semaphore_mem>>
        tpu.enqueue_indirect_dma source(%dma_start3A_1067 : memref<10000x128xf32, #tpu.memory_space<hbm>>) target(%dma_start3A_1061 : memref<64x128xf32, #tpu.memory_space<vmem>>) offsets(%dma_start3A_1064 : memref<64xi32, #tpu.memory_space<vmem>>) semaphore(%dma_start3A_1069 : memref<!tpu.dma_semaphore, #tpu.memory_space<semaphore_mem>>)
      } else {
      }
      %mul3A_726 = arith.constant 2 : i32
      %mul3A_727 = arith.muli %mul3A_726, %scan3A_702 : i32
      %add3A_728 = arith.constant 0 : i32
      %add3A_729 = arith.addi %mul3A_727, %add3A_728 : i32
      %get3A_730 = arith.index_cast %add3A_729 : i32 to index
      %get3A_731 = arith.constant 0 : index
      %get3A_732 = tpu.vector_load %arg5[%get3A_730, %get3A_731] {strides = array<i32>} : memref<80x128xi32, #tpu.memory_space<vmem>>, vector<1x16xi32>,
      %get3A_733 = vector.shape_cast %get3A_732 : vector<1x16xi32> to vector<16xi32>
      %and3A = arith.constant 16383 : i32
      %and3A_734 = vector.broadcast %and3A : i32 to vector<16xi32>
      %and3A_735 = arith.andi %get3A_733, %and3A_734 : vector<16xi32>
      %swap3A_736 = arith.constant 0 : index
      %swap3A_737 = tpu.vector_load %arg7[%swap3A_736] {strides = array<i32>} : memref<64xi32, #tpu.memory_space<vmem>>, vector<16xi32>,
      %swap3A_738 = vector.shape_cast %swap3A_737 : vector<16xi32> to vector<16xi32>
      %swap3A_739 = vector.shape_cast %and3A_735 : vector<16xi32> to vector<16xi32>
      tpu.vector_store %arg7[%swap3A_736], %swap3A_739 {strides = array<i32>} : memref<64xi32, #tpu.memory_space<vmem>>, vector<16xi32>,
      %get3A_740 = arith.index_cast %add3A_729 : i32 to index
      %get3A_741 = arith.constant 16 : index
      %get3A_742 = tpu.vector_load %arg5[%get3A_740, %get3A_741] {strides = array<i32>} : memref<80x128xi32, #tpu.memory_space<vmem>>, vector<1x16xi32>,
      %get3A_743 = vector.shape_cast %get3A_742 : vector<1x16xi32> to vector<16xi32>
      %and3A_744 = arith.constant 16383 : i32
      %and3A_745 = vector.broadcast %and3A_744 : i32 to vector<16xi32>
      %and3A_746 = arith.andi %get3A_743, %and3A_745 : vector<16xi32>
      %swap3A_747 = arith.constant 16 : index
      %swap3A_748 = tpu.vector_load %arg7[%swap3A_747] {strides = array<i32>} : memref<64xi32, #tpu.memory_space<vmem>>, vector<16xi32>,
      %swap3A_749 = vector.shape_cast %swap3A_748 : vector<16xi32> to vector<16xi32>
      %swap3A_750 = vector.shape_cast %and3A_746 : vector<16xi32> to vector<16xi32>
      tpu.vector_store %arg7[%swap3A_747], %swap3A_750 {strides = array<i32>} : memref<64xi32, #tpu.memory_space<vmem>>, vector<16xi32>,
      %get3A_751 = arith.index_cast %add3A_729 : i32 to index
      %get3A_752 = arith.constant 32 : index
      %get3A_753 = tpu.vector_load %arg5[%get3A_751, %get3A_752] {strides = array<i32>} : memref<80x128xi32, #tpu.memory_space<vmem>>, vector<1x16xi32>,
      %get3A_754 = vector.shape_cast %get3A_753 : vector<1x16xi32> to vector<16xi32>
      %and3A_755 = arith.constant 16383 : i32
      %and3A_756 = vector.broadcast %and3A_755 : i32 to vector<16xi32>
      %and3A_757 = arith.andi %get3A_754, %and3A_756 : vector<16xi32>
      %swap3A_758 = arith.constant 32 : index
      %swap3A_759 = tpu.vector_load %arg7[%swap3A_758] {strides = array<i32>} : memref<64xi32, #tpu.memory_space<vmem>>, vector<16xi32>,
      %swap3A_760 = vector.shape_cast %swap3A_759 : vector<16xi32> to vector<16xi32>
      %swap3A_761 = vector.shape_cast %and3A_757 : vector<16xi32> to vector<16xi32>
      tpu.vector_store %arg7[%swap3A_758], %swap3A_761 {strides = array<i32>} : memref<64xi32, #tpu.memory_space<vmem>>, vector<16xi32>,
      %get3A_762 = arith.index_cast %add3A_729 : i32 to index
      %get3A_763 = arith.constant 48 : index
      %get3A_764 = tpu.vector_load %arg5[%get3A_762, %get3A_763] {strides = array<i32>} : memref<80x128xi32, #tpu.memory_space<vmem>>, vector<1x16xi32>,
      %get3A_765 = vector.shape_cast %get3A_764 : vector<1x16xi32> to vector<16xi32>
      %and3A_766 = arith.constant 16383 : i32
      %and3A_767 = vector.broadcast %and3A_766 : i32 to vector<16xi32>
      %and3A_768 = arith.andi %get3A_765, %and3A_767 : vector<16xi32>
      %swap3A_769 = arith.constant 48 : index
      %swap3A_770 = tpu.vector_load %arg7[%swap3A_769] {strides = array<i32>} : memref<64xi32, #tpu.memory_space<vmem>>, vector<16xi32>,
      %swap3A_771 = vector.shape_cast %swap3A_770 : vector<16xi32> to vector<16xi32>
      %swap3A_772 = vector.shape_cast %and3A_768 : vector<16xi32> to vector<16xi32>
      tpu.vector_store %arg7[%swap3A_769], %swap3A_772 {strides = array<i32>} : memref<64xi32, #tpu.memory_space<vmem>>, vector<16xi32>,
      %run_scoped3A_773 = arith.constant 0 : i32
      "tpu.region"() ({
        %run_scoped3A_999 = tpu.sem_alloc : memref<!tpu.dma_semaphore, #tpu.memory_space<semaphore_mem>>
        %dma_start3A_1000 = arith.constant 0 : i32
        %dma_start3A_1001 = arith.constant 0 : i32
        %dma_start3A_1002 = tpu.memref_slice %arg8[%run_scoped3A_773, %dma_start3A_1000, %dma_start3A_1001] : memref<4x64x128xf32, #tpu.memory_space<vmem>> -> memref<1x64x128xf32, #tpu.memory_space<vmem>>
        %dma_start3A_1003 = tpu.memref_squeeze %dma_start3A_1002 : memref<1x64x128xf32, #tpu.memory_space<vmem>> -> memref<64x128xf32, #tpu.memory_space<vmem>>
        %dma_start3A_1004 = arith.constant 0 : i32
        %dma_start3A_1005 = arith.constant 0 : i32
        %dma_start3A_1006 = tpu.memref_slice %arg9[%dma_start3A_1004, %dma_start3A_1005] : memref<10240x128xf32, #tpu.memory_space<vmem_shared>> -> memref<10240x128xf32, #tpu.memory_space<vmem_shared>>
        tpu.enqueue_indirect_dma source(%dma_start3A_1003 : memref<64x128xf32, #tpu.memory_space<vmem>>) target(%dma_start3A_1006 : memref<10240x128xf32, #tpu.memory_space<vmem_shared>>) offsets(%arg7 : memref<64xi32, #tpu.memory_space<vmem>>) semaphore(%run_scoped3A_999 : memref<!tpu.dma_semaphore, #tpu.memory_space<semaphore_mem>>) {add = true}
        %dma_wait3A_1007 = arith.constant 0 : i32
        %dma_wait3A_1008 = arith.constant 0 : i32
        %dma_wait3A_1009 = tpu.memref_slice %arg8[%run_scoped3A_773, %dma_wait3A_1007, %dma_wait3A_1008] : memref<4x64x128xf32, #tpu.memory_space<vmem>> -> memref<1x64x128xf32, #tpu.memory_space<vmem>>
        %dma_wait3A_1010 = tpu.memref_squeeze %dma_wait3A_1009 : memref<1x64x128xf32, #tpu.memory_space<vmem>> -> memref<64x128xf32, #tpu.memory_space<vmem>>
        %dma_wait3A_1011 = arith.constant 0 : i32
        %dma_wait3A_1012 = arith.constant 0 : i32
        %dma_wait3A_1013 = tpu.memref_slice %arg9[%dma_wait3A_1011, %dma_wait3A_1012] : memref<10240x128xf32, #tpu.memory_space<vmem_shared>> -> memref<10240x128xf32, #tpu.memory_space<vmem_shared>>
        tpu.wait_indirect_dma semaphore(%run_scoped3A_999 : memref<!tpu.dma_semaphore, #tpu.memory_space<semaphore_mem>>) src(%dma_wait3A_1010 : memref<64x128xf32, #tpu.memory_space<vmem>>) dst(%dma_wait3A_1013 : memref<10240x128xf32, #tpu.memory_space<vmem_shared>>)
        tpu.yield
      }) : () -> ()
      %dma_wait3A_774 = arith.constant 1 : i32
      %dma_wait3A_775 = arith.constant 1 : i32
      %dma_wait3A_776 = arith.constant 1 : i32
      %dma_wait3A_777 = arith.constant 0 : i32
      %dma_wait3A_778 = arith.constant 0 : i32
      %dma_wait3A_779 = tpu.memref_slice %arg8[%dma_wait3A_775, %dma_wait3A_777, %dma_wait3A_778] : memref<4x64x128xf32, #tpu.memory_space<vmem>> -> memref<1x64x128xf32, #tpu.memory_space<vmem>>
      %dma_wait3A_780 = tpu.memref_squeeze %dma_wait3A_779 : memref<1x64x128xf32, #tpu.memory_space<vmem>> -> memref<64x128xf32, #tpu.memory_space<vmem>>
      %dma_wait3A_781 = arith.constant 0 : i32
      %dma_wait3A_782 = tpu.memref_slice %arg6[%dma_wait3A_774, %dma_wait3A_781] : memref<4x64xi32, #tpu.memory_space<vmem>> -> memref<1x64xi32, #tpu.memory_space<vmem>>
      %dma_wait3A_783 = tpu.memref_squeeze %dma_wait3A_782 : memref<1x64xi32, #tpu.memory_space<vmem>> -> memref<64xi32, #tpu.memory_space<vmem>>
      %dma_wait3A_784 = arith.constant 0 : i32
      %dma_wait3A_785 = arith.constant 0 : i32
      %dma_wait3A_786 = tpu.memref_slice %arg2[%dma_wait3A_784, %dma_wait3A_785] : memref<10000x128xf32, #tpu.memory_space<hbm>> -> memref<10000x128xf32, #tpu.memory_space<hbm>>
      %dma_wait3A_787 = tpu.memref_slice %arg10[%dma_wait3A_776] : memref<5x!tpu.dma_semaphore, #tpu.memory_space<semaphore_mem>> -> memref<1x!tpu.dma_semaphore, #tpu.memory_space<semaphore_mem>>
      %dma_wait3A_788 = tpu.memref_squeeze %dma_wait3A_787 : memref<1x!tpu.dma_semaphore, #tpu.memory_space<semaphore_mem>> -> memref<!tpu.dma_semaphore, #tpu.memory_space<semaphore_mem>>
      tpu.wait_indirect_dma semaphore(%dma_wait3A_788 : memref<!tpu.dma_semaphore, #tpu.memory_space<semaphore_mem>>) src(%dma_wait3A_786 : memref<10000x128xf32, #tpu.memory_space<hbm>>) dst(%dma_wait3A_780 : memref<64x128xf32, #tpu.memory_space<vmem>>)
      %mul3A_789 = arith.constant 4 : i32
      %mul3A_790 = arith.muli %mul3A_789, %scan3A_702 : i32
      %add3A_791 = arith.constant 1 : i32
      %add3A_792 = arith.addi %mul3A_790, %add3A_791 : i32
      %add3A_793 = arith.constant 3 : i32
      %add3A_794 = arith.addi %add3A_792, %add3A_793 : i32
      %lt3A_795 = arith.constant 160 : i32
      %lt3A_796 = arith.cmpi slt, %add3A_794, %lt3A_795 : i32
      %convert_element_type3A_797 = arith.extui %lt3A_796 : i1 to i32
      %cond3A_798 = arith.constant 0 : i32
      %cond3A_799 = arith.cmpi ne, %convert_element_type3A_797, %cond3A_798 : i32
      scf.if %cond3A_799 {
        %mul3A_999 = arith.constant 2 : i32
        %mul3A_1000 = arith.muli %mul3A_999, %scan3A_702 : i32
        %add3A_1001 = arith.constant 2 : i32
        %add3A_1002 = arith.addi %mul3A_1000, %add3A_1001 : i32
        %get3A_1003 = arith.index_cast %add3A_1002 : i32 to index
        %get3A_1004 = arith.constant 0 : index
        %get3A_1005 = tpu.vector_load %arg5[%get3A_1003, %get3A_1004] {strides = array<i32>} : memref<80x128xi32, #tpu.memory_space<vmem>>, vector<1x16xi32>,
        %get3A_1006 = vector.shape_cast %get3A_1005 : vector<1x16xi32> to vector<16xi32>
        %shift_right_logical3A_1007 = arith.constant 14 : i32
        %shift_right_logical3A_1008 = vector.broadcast %shift_right_logical3A_1007 : i32 to vector<16xi32>
        %shift_right_logical3A_1009 = arith.shrui %get3A_1006, %shift_right_logical3A_1008 : vector<16xi32>
        %swap3A_1010 = arith.constant 0 : i32
        %swap3A_1011 = arith.index_cast %swap3A_1010 : i32 to index
        %swap3A_1012 = arith.constant 0 : index
        %swap3A_1013 = tpu.vector_load %arg6[%swap3A_1011, %swap3A_1012] {strides = array<i32>} : memref<4x64xi32, #tpu.memory_space<vmem>>, vector<1x16xi32>,
        %swap3A_1014 = vector.shape_cast %swap3A_1013 : vector<1x16xi32> to vector<16xi32>
        %swap3A_1015 = vector.shape_cast %shift_right_logical3A_1009 : vector<16xi32> to vector<1x16xi32>
        tpu.vector_store %arg6[%swap3A_1011, %swap3A_1012], %swap3A_1015 {strides = array<i32>} : memref<4x64xi32, #tpu.memory_space<vmem>>, vector<1x16xi32>,
        %get3A_1016 = arith.index_cast %add3A_1002 : i32 to index
        %get3A_1017 = arith.constant 16 : index
        %get3A_1018 = tpu.vector_load %arg5[%get3A_1016, %get3A_1017] {strides = array<i32>} : memref<80x128xi32, #tpu.memory_space<vmem>>, vector<1x16xi32>,
        %get3A_1019 = vector.shape_cast %get3A_1018 : vector<1x16xi32> to vector<16xi32>
        %shift_right_logical3A_1020 = arith.constant 14 : i32
        %shift_right_logical3A_1021 = vector.broadcast %shift_right_logical3A_1020 : i32 to vector<16xi32>
        %shift_right_logical3A_1022 = arith.shrui %get3A_1019, %shift_right_logical3A_1021 : vector<16xi32>
        %swap3A_1023 = arith.constant 0 : i32
        %swap3A_1024 = arith.index_cast %swap3A_1023 : i32 to index
        %swap3A_1025 = arith.constant 16 : index
        %swap3A_1026 = tpu.vector_load %arg6[%swap3A_1024, %swap3A_1025] {strides = array<i32>} : memref<4x64xi32, #tpu.memory_space<vmem>>, vector<1x16xi32>,
        %swap3A_1027 = vector.shape_cast %swap3A_1026 : vector<1x16xi32> to vector<16xi32>
        %swap3A_1028 = vector.shape_cast %shift_right_logical3A_1022 : vector<16xi32> to vector<1x16xi32>
        tpu.vector_store %arg6[%swap3A_1024, %swap3A_1025], %swap3A_1028 {strides = array<i32>} : memref<4x64xi32, #tpu.memory_space<vmem>>, vector<1x16xi32>,
        %get3A_1029 = arith.index_cast %add3A_1002 : i32 to index
        %get3A_1030 = arith.constant 32 : index
        %get3A_1031 = tpu.vector_load %arg5[%get3A_1029, %get3A_1030] {strides = array<i32>} : memref<80x128xi32, #tpu.memory_space<vmem>>, vector<1x16xi32>,
        %get3A_1032 = vector.shape_cast %get3A_1031 : vector<1x16xi32> to vector<16xi32>
        %shift_right_logical3A_1033 = arith.constant 14 : i32
        %shift_right_logical3A_1034 = vector.broadcast %shift_right_logical3A_1033 : i32 to vector<16xi32>
        %shift_right_logical3A_1035 = arith.shrui %get3A_1032, %shift_right_logical3A_1034 : vector<16xi32>
        %swap3A_1036 = arith.constant 0 : i32
        %swap3A_1037 = arith.index_cast %swap3A_1036 : i32 to index
        %swap3A_1038 = arith.constant 32 : index
        %swap3A_1039 = tpu.vector_load %arg6[%swap3A_1037, %swap3A_1038] {strides = array<i32>} : memref<4x64xi32, #tpu.memory_space<vmem>>, vector<1x16xi32>,
        %swap3A_1040 = vector.shape_cast %swap3A_1039 : vector<1x16xi32> to vector<16xi32>
        %swap3A_1041 = vector.shape_cast %shift_right_logical3A_1035 : vector<16xi32> to vector<1x16xi32>
        tpu.vector_store %arg6[%swap3A_1037, %swap3A_1038], %swap3A_1041 {strides = array<i32>} : memref<4x64xi32, #tpu.memory_space<vmem>>, vector<1x16xi32>,
        %get3A_1042 = arith.index_cast %add3A_1002 : i32 to index
        %get3A_1043 = arith.constant 48 : index
        %get3A_1044 = tpu.vector_load %arg5[%get3A_1042, %get3A_1043] {strides = array<i32>} : memref<80x128xi32, #tpu.memory_space<vmem>>, vector<1x16xi32>,
        %get3A_1045 = vector.shape_cast %get3A_1044 : vector<1x16xi32> to vector<16xi32>
        %shift_right_logical3A_1046 = arith.constant 14 : i32
        %shift_right_logical3A_1047 = vector.broadcast %shift_right_logical3A_1046 : i32 to vector<16xi32>
        %shift_right_logical3A_1048 = arith.shrui %get3A_1045, %shift_right_logical3A_1047 : vector<16xi32>
        %swap3A_1049 = arith.constant 0 : i32
        %swap3A_1050 = arith.index_cast %swap3A_1049 : i32 to index
        %swap3A_1051 = arith.constant 48 : index
        %swap3A_1052 = tpu.vector_load %arg6[%swap3A_1050, %swap3A_1051] {strides = array<i32>} : memref<4x64xi32, #tpu.memory_space<vmem>>, vector<1x16xi32>,
        %swap3A_1053 = vector.shape_cast %swap3A_1052 : vector<1x16xi32> to vector<16xi32>
        %swap3A_1054 = vector.shape_cast %shift_right_logical3A_1048 : vector<16xi32> to vector<1x16xi32>
        tpu.vector_store %arg6[%swap3A_1050, %swap3A_1051], %swap3A_1054 {strides = array<i32>} : memref<4x64xi32, #tpu.memory_space<vmem>>, vector<1x16xi32>,
        %dma_start3A_1055 = arith.constant 0 : i32
        %dma_start3A_1056 = arith.constant 0 : i32
        %dma_start3A_1057 = arith.constant 0 : i32
        %dma_start3A_1058 = arith.constant 0 : i32
        %dma_start3A_1059 = arith.constant 0 : i32
        %dma_start3A_1060 = tpu.memref_slice %arg8[%dma_start3A_1056, %dma_start3A_1058, %dma_start3A_1059] : memref<4x64x128xf32, #tpu.memory_space<vmem>> -> memref<1x64x128xf32, #tpu.memory_space<vmem>>
        %dma_start3A_1061 = tpu.memref_squeeze %dma_start3A_1060 : memref<1x64x128xf32, #tpu.memory_space<vmem>> -> memref<64x128xf32, #tpu.memory_space<vmem>>
        %dma_start3A_1062 = arith.constant 0 : i32
        %dma_start3A_1063 = tpu.memref_slice %arg6[%dma_start3A_1055, %dma_start3A_1062] : memref<4x64xi32, #tpu.memory_space<vmem>> -> memref<1x64xi32, #tpu.memory_space<vmem>>
        %dma_start3A_1064 = tpu.memref_squeeze %dma_start3A_1063 : memref<1x64xi32, #tpu.memory_space<vmem>> -> memref<64xi32, #tpu.memory_space<vmem>>
        %dma_start3A_1065 = arith.constant 0 : i32
        %dma_start3A_1066 = arith.constant 0 : i32
        %dma_start3A_1067 = tpu.memref_slice %arg2[%dma_start3A_1065, %dma_start3A_1066] : memref<10000x128xf32, #tpu.memory_space<hbm>> -> memref<10000x128xf32, #tpu.memory_space<hbm>>
        %dma_start3A_1068 = tpu.memref_slice %arg10[%dma_start3A_1057] : memref<5x!tpu.dma_semaphore, #tpu.memory_space<semaphore_mem>> -> memref<1x!tpu.dma_semaphore, #tpu.memory_space<semaphore_mem>>
        %dma_start3A_1069 = tpu.memref_squeeze %dma_start3A_1068 : memref<1x!tpu.dma_semaphore, #tpu.memory_space<semaphore_mem>> -> memref<!tpu.dma_semaphore, #tpu.memory_space<semaphore_mem>>
        tpu.enqueue_indirect_dma source(%dma_start3A_1067 : memref<10000x128xf32, #tpu.memory_space<hbm>>) target(%dma_start3A_1061 : memref<64x128xf32, #tpu.memory_space<vmem>>) offsets(%dma_start3A_1064 : memref<64xi32, #tpu.memory_space<vmem>>) semaphore(%dma_start3A_1069 : memref<!tpu.dma_semaphore, #tpu.memory_space<semaphore_mem>>)
      } else {
      }
      %mul3A_800 = arith.constant 2 : i32
      %mul3A_801 = arith.muli %mul3A_800, %scan3A_702 : i32
      %add3A_802 = arith.constant 0 : i32
      %add3A_803 = arith.addi %mul3A_801, %add3A_802 : i32
      %get3A_804 = arith.index_cast %add3A_803 : i32 to index
      %get3A_805 = arith.constant 64 : index
      %get3A_806 = tpu.vector_load %arg5[%get3A_804, %get3A_805] {strides = array<i32>} : memref<80x128xi32, #tpu.memory_space<vmem>>, vector<1x16xi32>,
      %get3A_807 = vector.shape_cast %get3A_806 : vector<1x16xi32> to vector<16xi32>
      %and3A_808 = arith.constant 16383 : i32
      %and3A_809 = vector.broadcast %and3A_808 : i32 to vector<16xi32>
      %and3A_810 = arith.andi %get3A_807, %and3A_809 : vector<16xi32>
      %swap3A_811 = arith.constant 0 : index
      %swap3A_812 = tpu.vector_load %arg7[%swap3A_811] {strides = array<i32>} : memref<64xi32, #tpu.memory_space<vmem>>, vector<16xi32>,
      %swap3A_813 = vector.shape_cast %swap3A_812 : vector<16xi32> to vector<16xi32>
      %swap3A_814 = vector.shape_cast %and3A_810 : vector<16xi32> to vector<16xi32>
      tpu.vector_store %arg7[%swap3A_811], %swap3A_814 {strides = array<i32>} : memref<64xi32, #tpu.memory_space<vmem>>, vector<16xi32>,
      %get3A_815 = arith.index_cast %add3A_803 : i32 to index
      %get3A_816 = arith.constant 80 : index
      %get3A_817 = tpu.vector_load %arg5[%get3A_815, %get3A_816] {strides = array<i32>} : memref<80x128xi32, #tpu.memory_space<vmem>>, vector<1x16xi32>,
      %get3A_818 = vector.shape_cast %get3A_817 : vector<1x16xi32> to vector<16xi32>
      %and3A_819 = arith.constant 16383 : i32
      %and3A_820 = vector.broadcast %and3A_819 : i32 to vector<16xi32>
      %and3A_821 = arith.andi %get3A_818, %and3A_820 : vector<16xi32>
      %swap3A_822 = arith.constant 16 : index
      %swap3A_823 = tpu.vector_load %arg7[%swap3A_822] {strides = array<i32>} : memref<64xi32, #tpu.memory_space<vmem>>, vector<16xi32>,
      %swap3A_824 = vector.shape_cast %swap3A_823 : vector<16xi32> to vector<16xi32>
      %swap3A_825 = vector.shape_cast %and3A_821 : vector<16xi32> to vector<16xi32>
      tpu.vector_store %arg7[%swap3A_822], %swap3A_825 {strides = array<i32>} : memref<64xi32, #tpu.memory_space<vmem>>, vector<16xi32>,
      %get3A_826 = arith.index_cast %add3A_803 : i32 to index
      %get3A_827 = arith.constant 96 : index
      %get3A_828 = tpu.vector_load %arg5[%get3A_826, %get3A_827] {strides = array<i32>} : memref<80x128xi32, #tpu.memory_space<vmem>>, vector<1x16xi32>,
      %get3A_829 = vector.shape_cast %get3A_828 : vector<1x16xi32> to vector<16xi32>
      %and3A_830 = arith.constant 16383 : i32
      %and3A_831 = vector.broadcast %and3A_830 : i32 to vector<16xi32>
      %and3A_832 = arith.andi %get3A_829, %and3A_831 : vector<16xi32>
      %swap3A_833 = arith.constant 32 : index
      %swap3A_834 = tpu.vector_load %arg7[%swap3A_833] {strides = array<i32>} : memref<64xi32, #tpu.memory_space<vmem>>, vector<16xi32>,
      %swap3A_835 = vector.shape_cast %swap3A_834 : vector<16xi32> to vector<16xi32>
      %swap3A_836 = vector.shape_cast %and3A_832 : vector<16xi32> to vector<16xi32>
      tpu.vector_store %arg7[%swap3A_833], %swap3A_836 {strides = array<i32>} : memref<64xi32, #tpu.memory_space<vmem>>, vector<16xi32>,
      %get3A_837 = arith.index_cast %add3A_803 : i32 to index
      %get3A_838 = arith.constant 112 : index
      %get3A_839 = tpu.vector_load %arg5[%get3A_837, %get3A_838] {strides = array<i32>} : memref<80x128xi32, #tpu.memory_space<vmem>>, vector<1x16xi32>,
      %get3A_840 = vector.shape_cast %get3A_839 : vector<1x16xi32> to vector<16xi32>
      %and3A_841 = arith.constant 16383 : i32
      %and3A_842 = vector.broadcast %and3A_841 : i32 to vector<16xi32>
      %and3A_843 = arith.andi %get3A_840, %and3A_842 : vector<16xi32>
      %swap3A_844 = arith.constant 48 : index
      %swap3A_845 = tpu.vector_load %arg7[%swap3A_844] {strides = array<i32>} : memref<64xi32, #tpu.memory_space<vmem>>, vector<16xi32>,
      %swap3A_846 = vector.shape_cast %swap3A_845 : vector<16xi32> to vector<16xi32>
      %swap3A_847 = vector.shape_cast %and3A_843 : vector<16xi32> to vector<16xi32>
      tpu.vector_store %arg7[%swap3A_844], %swap3A_847 {strides = array<i32>} : memref<64xi32, #tpu.memory_space<vmem>>, vector<16xi32>,
      %run_scoped3A_848 = arith.constant 1 : i32
      "tpu.region"() ({
        %run_scoped3A_999 = tpu.sem_alloc : memref<!tpu.dma_semaphore, #tpu.memory_space<semaphore_mem>>
        %dma_start3A_1000 = arith.constant 0 : i32
        %dma_start3A_1001 = arith.constant 0 : i32
        %dma_start3A_1002 = tpu.memref_slice %arg8[%run_scoped3A_848, %dma_start3A_1000, %dma_start3A_1001] : memref<4x64x128xf32, #tpu.memory_space<vmem>> -> memref<1x64x128xf32, #tpu.memory_space<vmem>>
        %dma_start3A_1003 = tpu.memref_squeeze %dma_start3A_1002 : memref<1x64x128xf32, #tpu.memory_space<vmem>> -> memref<64x128xf32, #tpu.memory_space<vmem>>
        %dma_start3A_1004 = arith.constant 0 : i32
        %dma_start3A_1005 = arith.constant 0 : i32
        %dma_start3A_1006 = tpu.memref_slice %arg9[%dma_start3A_1004, %dma_start3A_1005] : memref<10240x128xf32, #tpu.memory_space<vmem_shared>> -> memref<10240x128xf32, #tpu.memory_space<vmem_shared>>
        tpu.enqueue_indirect_dma source(%dma_start3A_1003 : memref<64x128xf32, #tpu.memory_space<vmem>>) target(%dma_start3A_1006 : memref<10240x128xf32, #tpu.memory_space<vmem_shared>>) offsets(%arg7 : memref<64xi32, #tpu.memory_space<vmem>>) semaphore(%run_scoped3A_999 : memref<!tpu.dma_semaphore, #tpu.memory_space<semaphore_mem>>) {add = true}
        %dma_wait3A_1007 = arith.constant 0 : i32
        %dma_wait3A_1008 = arith.constant 0 : i32
        %dma_wait3A_1009 = tpu.memref_slice %arg8[%run_scoped3A_848, %dma_wait3A_1007, %dma_wait3A_1008] : memref<4x64x128xf32, #tpu.memory_space<vmem>> -> memref<1x64x128xf32, #tpu.memory_space<vmem>>
        %dma_wait3A_1010 = tpu.memref_squeeze %dma_wait3A_1009 : memref<1x64x128xf32, #tpu.memory_space<vmem>> -> memref<64x128xf32, #tpu.memory_space<vmem>>
        %dma_wait3A_1011 = arith.constant 0 : i32
        %dma_wait3A_1012 = arith.constant 0 : i32
        %dma_wait3A_1013 = tpu.memref_slice %arg9[%dma_wait3A_1011, %dma_wait3A_1012] : memref<10240x128xf32, #tpu.memory_space<vmem_shared>> -> memref<10240x128xf32, #tpu.memory_space<vmem_shared>>
        tpu.wait_indirect_dma semaphore(%run_scoped3A_999 : memref<!tpu.dma_semaphore, #tpu.memory_space<semaphore_mem>>) src(%dma_wait3A_1010 : memref<64x128xf32, #tpu.memory_space<vmem>>) dst(%dma_wait3A_1013 : memref<10240x128xf32, #tpu.memory_space<vmem_shared>>)
        tpu.yield
      }) : () -> ()
      %dma_wait3A_849 = arith.constant 2 : i32
      %dma_wait3A_850 = arith.constant 2 : i32
      %dma_wait3A_851 = arith.constant 2 : i32
      %dma_wait3A_852 = arith.constant 0 : i32
      %dma_wait3A_853 = arith.constant 0 : i32
      %dma_wait3A_854 = tpu.memref_slice %arg8[%dma_wait3A_850, %dma_wait3A_852, %dma_wait3A_853] : memref<4x64x128xf32, #tpu.memory_space<vmem>> -> memref<1x64x128xf32, #tpu.memory_space<vmem>>
      %dma_wait3A_855 = tpu.memref_squeeze %dma_wait3A_854 : memref<1x64x128xf32, #tpu.memory_space<vmem>> -> memref<64x128xf32, #tpu.memory_space<vmem>>
      %dma_wait3A_856 = arith.constant 0 : i32
      %dma_wait3A_857 = tpu.memref_slice %arg6[%dma_wait3A_849, %dma_wait3A_856] : memref<4x64xi32, #tpu.memory_space<vmem>> -> memref<1x64xi32, #tpu.memory_space<vmem>>
      %dma_wait3A_858 = tpu.memref_squeeze %dma_wait3A_857 : memref<1x64xi32, #tpu.memory_space<vmem>> -> memref<64xi32, #tpu.memory_space<vmem>>
      %dma_wait3A_859 = arith.constant 0 : i32
      %dma_wait3A_860 = arith.constant 0 : i32
      %dma_wait3A_861 = tpu.memref_slice %arg2[%dma_wait3A_859, %dma_wait3A_860] : memref<10000x128xf32, #tpu.memory_space<hbm>> -> memref<10000x128xf32, #tpu.memory_space<hbm>>
      %dma_wait3A_862 = tpu.memref_slice %arg10[%dma_wait3A_851] : memref<5x!tpu.dma_semaphore, #tpu.memory_space<semaphore_mem>> -> memref<1x!tpu.dma_semaphore, #tpu.memory_space<semaphore_mem>>
      %dma_wait3A_863 = tpu.memref_squeeze %dma_wait3A_862 : memref<1x!tpu.dma_semaphore, #tpu.memory_space<semaphore_mem>> -> memref<!tpu.dma_semaphore, #tpu.memory_space<semaphore_mem>>
      tpu.wait_indirect_dma semaphore(%dma_wait3A_863 : memref<!tpu.dma_semaphore, #tpu.memory_space<semaphore_mem>>) src(%dma_wait3A_861 : memref<10000x128xf32, #tpu.memory_space<hbm>>) dst(%dma_wait3A_855 : memref<64x128xf32, #tpu.memory_space<vmem>>)
      %mul3A_864 = arith.constant 4 : i32
      %mul3A_865 = arith.muli %mul3A_864, %scan3A_702 : i32
      %add3A_866 = arith.constant 2 : i32
      %add3A_867 = arith.addi %mul3A_865, %add3A_866 : i32
      %add3A_868 = arith.constant 3 : i32
      %add3A_869 = arith.addi %add3A_867, %add3A_868 : i32
      %lt3A_870 = arith.constant 160 : i32
      %lt3A_871 = arith.cmpi slt, %add3A_869, %lt3A_870 : i32
      %convert_element_type3A_872 = arith.extui %lt3A_871 : i1 to i32
      %cond3A_873 = arith.constant 0 : i32
      %cond3A_874 = arith.cmpi ne, %convert_element_type3A_872, %cond3A_873 : i32
      scf.if %cond3A_874 {
        %mul3A_999 = arith.constant 2 : i32
        %mul3A_1000 = arith.muli %mul3A_999, %scan3A_702 : i32
        %add3A_1001 = arith.constant 2 : i32
        %add3A_1002 = arith.addi %mul3A_1000, %add3A_1001 : i32
        %get3A_1003 = arith.index_cast %add3A_1002 : i32 to index
        %get3A_1004 = arith.constant 64 : index
        %get3A_1005 = tpu.vector_load %arg5[%get3A_1003, %get3A_1004] {strides = array<i32>} : memref<80x128xi32, #tpu.memory_space<vmem>>, vector<1x16xi32>,
        %get3A_1006 = vector.shape_cast %get3A_1005 : vector<1x16xi32> to vector<16xi32>
        %shift_right_logical3A_1007 = arith.constant 14 : i32
        %shift_right_logical3A_1008 = vector.broadcast %shift_right_logical3A_1007 : i32 to vector<16xi32>
        %shift_right_logical3A_1009 = arith.shrui %get3A_1006, %shift_right_logical3A_1008 : vector<16xi32>
        %swap3A_1010 = arith.constant 1 : i32
        %swap3A_1011 = arith.index_cast %swap3A_1010 : i32 to index
        %swap3A_1012 = arith.constant 0 : index
        %swap3A_1013 = tpu.vector_load %arg6[%swap3A_1011, %swap3A_1012] {strides = array<i32>} : memref<4x64xi32, #tpu.memory_space<vmem>>, vector<1x16xi32>,
        %swap3A_1014 = vector.shape_cast %swap3A_1013 : vector<1x16xi32> to vector<16xi32>
        %swap3A_1015 = vector.shape_cast %shift_right_logical3A_1009 : vector<16xi32> to vector<1x16xi32>
        tpu.vector_store %arg6[%swap3A_1011, %swap3A_1012], %swap3A_1015 {strides = array<i32>} : memref<4x64xi32, #tpu.memory_space<vmem>>, vector<1x16xi32>,
        %get3A_1016 = arith.index_cast %add3A_1002 : i32 to index
        %get3A_1017 = arith.constant 80 : index
        %get3A_1018 = tpu.vector_load %arg5[%get3A_1016, %get3A_1017] {strides = array<i32>} : memref<80x128xi32, #tpu.memory_space<vmem>>, vector<1x16xi32>,
        %get3A_1019 = vector.shape_cast %get3A_1018 : vector<1x16xi32> to vector<16xi32>
        %shift_right_logical3A_1020 = arith.constant 14 : i32
        %shift_right_logical3A_1021 = vector.broadcast %shift_right_logical3A_1020 : i32 to vector<16xi32>
        %shift_right_logical3A_1022 = arith.shrui %get3A_1019, %shift_right_logical3A_1021 : vector<16xi32>
        %swap3A_1023 = arith.constant 1 : i32
        %swap3A_1024 = arith.index_cast %swap3A_1023 : i32 to index
        %swap3A_1025 = arith.constant 16 : index
        %swap3A_1026 = tpu.vector_load %arg6[%swap3A_1024, %swap3A_1025] {strides = array<i32>} : memref<4x64xi32, #tpu.memory_space<vmem>>, vector<1x16xi32>,
        %swap3A_1027 = vector.shape_cast %swap3A_1026 : vector<1x16xi32> to vector<16xi32>
        %swap3A_1028 = vector.shape_cast %shift_right_logical3A_1022 : vector<16xi32> to vector<1x16xi32>
        tpu.vector_store %arg6[%swap3A_1024, %swap3A_1025], %swap3A_1028 {strides = array<i32>} : memref<4x64xi32, #tpu.memory_space<vmem>>, vector<1x16xi32>,
        %get3A_1029 = arith.index_cast %add3A_1002 : i32 to index
        %get3A_1030 = arith.constant 96 : index
        %get3A_1031 = tpu.vector_load %arg5[%get3A_1029, %get3A_1030] {strides = array<i32>} : memref<80x128xi32, #tpu.memory_space<vmem>>, vector<1x16xi32>,
        %get3A_1032 = vector.shape_cast %get3A_1031 : vector<1x16xi32> to vector<16xi32>
        %shift_right_logical3A_1033 = arith.constant 14 : i32
        %shift_right_logical3A_1034 = vector.broadcast %shift_right_logical3A_1033 : i32 to vector<16xi32>
        %shift_right_logical3A_1035 = arith.shrui %get3A_1032, %shift_right_logical3A_1034 : vector<16xi32>
        %swap3A_1036 = arith.constant 1 : i32
        %swap3A_1037 = arith.index_cast %swap3A_1036 : i32 to index
        %swap3A_1038 = arith.constant 32 : index
        %swap3A_1039 = tpu.vector_load %arg6[%swap3A_1037, %swap3A_1038] {strides = array<i32>} : memref<4x64xi32, #tpu.memory_space<vmem>>, vector<1x16xi32>,
        %swap3A_1040 = vector.shape_cast %swap3A_1039 : vector<1x16xi32> to vector<16xi32>
        %swap3A_1041 = vector.shape_cast %shift_right_logical3A_1035 : vector<16xi32> to vector<1x16xi32>
        tpu.vector_store %arg6[%swap3A_1037, %swap3A_1038], %swap3A_1041 {strides = array<i32>} : memref<4x64xi32, #tpu.memory_space<vmem>>, vector<1x16xi32>,
        %get3A_1042 = arith.index_cast %add3A_1002 : i32 to index
        %get3A_1043 = arith.constant 112 : index
        %get3A_1044 = tpu.vector_load %arg5[%get3A_1042, %get3A_1043] {strides = array<i32>} : memref<80x128xi32, #tpu.memory_space<vmem>>, vector<1x16xi32>,
        %get3A_1045 = vector.shape_cast %get3A_1044 : vector<1x16xi32> to vector<16xi32>
        %shift_right_logical3A_1046 = arith.constant 14 : i32
        %shift_right_logical3A_1047 = vector.broadcast %shift_right_logical3A_1046 : i32 to vector<16xi32>
        %shift_right_logical3A_1048 = arith.shrui %get3A_1045, %shift_right_logical3A_1047 : vector<16xi32>
        %swap3A_1049 = arith.constant 1 : i32
        %swap3A_1050 = arith.index_cast %swap3A_1049 : i32 to index
        %swap3A_1051 = arith.constant 48 : index
        %swap3A_1052 = tpu.vector_load %arg6[%swap3A_1050, %swap3A_1051] {strides = array<i32>} : memref<4x64xi32, #tpu.memory_space<vmem>>, vector<1x16xi32>,
        %swap3A_1053 = vector.shape_cast %swap3A_1052 : vector<1x16xi32> to vector<16xi32>
        %swap3A_1054 = vector.shape_cast %shift_right_logical3A_1048 : vector<16xi32> to vector<1x16xi32>
        tpu.vector_store %arg6[%swap3A_1050, %swap3A_1051], %swap3A_1054 {strides = array<i32>} : memref<4x64xi32, #tpu.memory_space<vmem>>, vector<1x16xi32>,
        %dma_start3A_1055 = arith.constant 1 : i32
        %dma_start3A_1056 = arith.constant 1 : i32
        %dma_start3A_1057 = arith.constant 1 : i32
        %dma_start3A_1058 = arith.constant 0 : i32
        %dma_start3A_1059 = arith.constant 0 : i32
        %dma_start3A_1060 = tpu.memref_slice %arg8[%dma_start3A_1056, %dma_start3A_1058, %dma_start3A_1059] : memref<4x64x128xf32, #tpu.memory_space<vmem>> -> memref<1x64x128xf32, #tpu.memory_space<vmem>>
        %dma_start3A_1061 = tpu.memref_squeeze %dma_start3A_1060 : memref<1x64x128xf32, #tpu.memory_space<vmem>> -> memref<64x128xf32, #tpu.memory_space<vmem>>
        %dma_start3A_1062 = arith.constant 0 : i32
        %dma_start3A_1063 = tpu.memref_slice %arg6[%dma_start3A_1055, %dma_start3A_1062] : memref<4x64xi32, #tpu.memory_space<vmem>> -> memref<1x64xi32, #tpu.memory_space<vmem>>
        %dma_start3A_1064 = tpu.memref_squeeze %dma_start3A_1063 : memref<1x64xi32, #tpu.memory_space<vmem>> -> memref<64xi32, #tpu.memory_space<vmem>>
        %dma_start3A_1065 = arith.constant 0 : i32
        %dma_start3A_1066 = arith.constant 0 : i32
        %dma_start3A_1067 = tpu.memref_slice %arg2[%dma_start3A_1065, %dma_start3A_1066] : memref<10000x128xf32, #tpu.memory_space<hbm>> -> memref<10000x128xf32, #tpu.memory_space<hbm>>
        %dma_start3A_1068 = tpu.memref_slice %arg10[%dma_start3A_1057] : memref<5x!tpu.dma_semaphore, #tpu.memory_space<semaphore_mem>> -> memref<1x!tpu.dma_semaphore, #tpu.memory_space<semaphore_mem>>
        %dma_start3A_1069 = tpu.memref_squeeze %dma_start3A_1068 : memref<1x!tpu.dma_semaphore, #tpu.memory_space<semaphore_mem>> -> memref<!tpu.dma_semaphore, #tpu.memory_space<semaphore_mem>>
        tpu.enqueue_indirect_dma source(%dma_start3A_1067 : memref<10000x128xf32, #tpu.memory_space<hbm>>) target(%dma_start3A_1061 : memref<64x128xf32, #tpu.memory_space<vmem>>) offsets(%dma_start3A_1064 : memref<64xi32, #tpu.memory_space<vmem>>) semaphore(%dma_start3A_1069 : memref<!tpu.dma_semaphore, #tpu.memory_space<semaphore_mem>>)
      } else {
      }
      %mul3A_875 = arith.constant 2 : i32
      %mul3A_876 = arith.muli %mul3A_875, %scan3A_702 : i32
      %add3A_877 = arith.constant 1 : i32
      %add3A_878 = arith.addi %mul3A_876, %add3A_877 : i32
      %get3A_879 = arith.index_cast %add3A_878 : i32 to index
      %get3A_880 = arith.constant 0 : index
      %get3A_881 = tpu.vector_load %arg5[%get3A_879, %get3A_880] {strides = array<i32>} : memref<80x128xi32, #tpu.memory_space<vmem>>, vector<1x16xi32>,
      %get3A_882 = vector.shape_cast %get3A_881 : vector<1x16xi32> to vector<16xi32>
      %and3A_883 = arith.constant 16383 : i32
      %and3A_884 = vector.broadcast %and3A_883 : i32 to vector<16xi32>
      %and3A_885 = arith.andi %get3A_882, %and3A_884 : vector<16xi32>
      %swap3A_886 = arith.constant 0 : index
      %swap3A_887 = tpu.vector_load %arg7[%swap3A_886] {strides = array<i32>} : memref<64xi32, #tpu.memory_space<vmem>>, vector<16xi32>,
      %swap3A_888 = vector.shape_cast %swap3A_887 : vector<16xi32> to vector<16xi32>
      %swap3A_889 = vector.shape_cast %and3A_885 : vector<16xi32> to vector<16xi32>
      tpu.vector_store %arg7[%swap3A_886], %swap3A_889 {strides = array<i32>} : memref<64xi32, #tpu.memory_space<vmem>>, vector<16xi32>,
      %get3A_890 = arith.index_cast %add3A_878 : i32 to index
      %get3A_891 = arith.constant 16 : index
      %get3A_892 = tpu.vector_load %arg5[%get3A_890, %get3A_891] {strides = array<i32>} : memref<80x128xi32, #tpu.memory_space<vmem>>, vector<1x16xi32>,
      %get3A_893 = vector.shape_cast %get3A_892 : vector<1x16xi32> to vector<16xi32>
      %and3A_894 = arith.constant 16383 : i32
      %and3A_895 = vector.broadcast %and3A_894 : i32 to vector<16xi32>
      %and3A_896 = arith.andi %get3A_893, %and3A_895 : vector<16xi32>
      %swap3A_897 = arith.constant 16 : index
      %swap3A_898 = tpu.vector_load %arg7[%swap3A_897] {strides = array<i32>} : memref<64xi32, #tpu.memory_space<vmem>>, vector<16xi32>,
      %swap3A_899 = vector.shape_cast %swap3A_898 : vector<16xi32> to vector<16xi32>
      %swap3A_900 = vector.shape_cast %and3A_896 : vector<16xi32> to vector<16xi32>
      tpu.vector_store %arg7[%swap3A_897], %swap3A_900 {strides = array<i32>} : memref<64xi32, #tpu.memory_space<vmem>>, vector<16xi32>,
      %get3A_901 = arith.index_cast %add3A_878 : i32 to index
      %get3A_902 = arith.constant 32 : index
      %get3A_903 = tpu.vector_load %arg5[%get3A_901, %get3A_902] {strides = array<i32>} : memref<80x128xi32, #tpu.memory_space<vmem>>, vector<1x16xi32>,
      %get3A_904 = vector.shape_cast %get3A_903 : vector<1x16xi32> to vector<16xi32>
      %and3A_905 = arith.constant 16383 : i32
      %and3A_906 = vector.broadcast %and3A_905 : i32 to vector<16xi32>
      %and3A_907 = arith.andi %get3A_904, %and3A_906 : vector<16xi32>
      %swap3A_908 = arith.constant 32 : index
      %swap3A_909 = tpu.vector_load %arg7[%swap3A_908] {strides = array<i32>} : memref<64xi32, #tpu.memory_space<vmem>>, vector<16xi32>,
      %swap3A_910 = vector.shape_cast %swap3A_909 : vector<16xi32> to vector<16xi32>
      %swap3A_911 = vector.shape_cast %and3A_907 : vector<16xi32> to vector<16xi32>
      tpu.vector_store %arg7[%swap3A_908], %swap3A_911 {strides = array<i32>} : memref<64xi32, #tpu.memory_space<vmem>>, vector<16xi32>,
      %get3A_912 = arith.index_cast %add3A_878 : i32 to index
      %get3A_913 = arith.constant 48 : index
      %get3A_914 = tpu.vector_load %arg5[%get3A_912, %get3A_913] {strides = array<i32>} : memref<80x128xi32, #tpu.memory_space<vmem>>, vector<1x16xi32>,
      %get3A_915 = vector.shape_cast %get3A_914 : vector<1x16xi32> to vector<16xi32>
      %and3A_916 = arith.constant 16383 : i32
      %and3A_917 = vector.broadcast %and3A_916 : i32 to vector<16xi32>
      %and3A_918 = arith.andi %get3A_915, %and3A_917 : vector<16xi32>
      %swap3A_919 = arith.constant 48 : index
      %swap3A_920 = tpu.vector_load %arg7[%swap3A_919] {strides = array<i32>} : memref<64xi32, #tpu.memory_space<vmem>>, vector<16xi32>,
      %swap3A_921 = vector.shape_cast %swap3A_920 : vector<16xi32> to vector<16xi32>
      %swap3A_922 = vector.shape_cast %and3A_918 : vector<16xi32> to vector<16xi32>
      tpu.vector_store %arg7[%swap3A_919], %swap3A_922 {strides = array<i32>} : memref<64xi32, #tpu.memory_space<vmem>>, vector<16xi32>,
      %run_scoped3A_923 = arith.constant 2 : i32
      "tpu.region"() ({
        %run_scoped3A_999 = tpu.sem_alloc : memref<!tpu.dma_semaphore, #tpu.memory_space<semaphore_mem>>
        %dma_start3A_1000 = arith.constant 0 : i32
        %dma_start3A_1001 = arith.constant 0 : i32
        %dma_start3A_1002 = tpu.memref_slice %arg8[%run_scoped3A_923, %dma_start3A_1000, %dma_start3A_1001] : memref<4x64x128xf32, #tpu.memory_space<vmem>> -> memref<1x64x128xf32, #tpu.memory_space<vmem>>
        %dma_start3A_1003 = tpu.memref_squeeze %dma_start3A_1002 : memref<1x64x128xf32, #tpu.memory_space<vmem>> -> memref<64x128xf32, #tpu.memory_space<vmem>>
        %dma_start3A_1004 = arith.constant 0 : i32
        %dma_start3A_1005 = arith.constant 0 : i32
        %dma_start3A_1006 = tpu.memref_slice %arg9[%dma_start3A_1004, %dma_start3A_1005] : memref<10240x128xf32, #tpu.memory_space<vmem_shared>> -> memref<10240x128xf32, #tpu.memory_space<vmem_shared>>
        tpu.enqueue_indirect_dma source(%dma_start3A_1003 : memref<64x128xf32, #tpu.memory_space<vmem>>) target(%dma_start3A_1006 : memref<10240x128xf32, #tpu.memory_space<vmem_shared>>) offsets(%arg7 : memref<64xi32, #tpu.memory_space<vmem>>) semaphore(%run_scoped3A_999 : memref<!tpu.dma_semaphore, #tpu.memory_space<semaphore_mem>>) {add = true}
        %dma_wait3A_1007 = arith.constant 0 : i32
        %dma_wait3A_1008 = arith.constant 0 : i32
        %dma_wait3A_1009 = tpu.memref_slice %arg8[%run_scoped3A_923, %dma_wait3A_1007, %dma_wait3A_1008] : memref<4x64x128xf32, #tpu.memory_space<vmem>> -> memref<1x64x128xf32, #tpu.memory_space<vmem>>
        %dma_wait3A_1010 = tpu.memref_squeeze %dma_wait3A_1009 : memref<1x64x128xf32, #tpu.memory_space<vmem>> -> memref<64x128xf32, #tpu.memory_space<vmem>>
        %dma_wait3A_1011 = arith.constant 0 : i32
        %dma_wait3A_1012 = arith.constant 0 : i32
        %dma_wait3A_1013 = tpu.memref_slice %arg9[%dma_wait3A_1011, %dma_wait3A_1012] : memref<10240x128xf32, #tpu.memory_space<vmem_shared>> -> memref<10240x128xf32, #tpu.memory_space<vmem_shared>>
        tpu.wait_indirect_dma semaphore(%run_scoped3A_999 : memref<!tpu.dma_semaphore, #tpu.memory_space<semaphore_mem>>) src(%dma_wait3A_1010 : memref<64x128xf32, #tpu.memory_space<vmem>>) dst(%dma_wait3A_1013 : memref<10240x128xf32, #tpu.memory_space<vmem_shared>>)
        tpu.yield
      }) : () -> ()
      %dma_wait3A_924 = arith.constant 3 : i32
      %dma_wait3A_925 = arith.constant 3 : i32
      %dma_wait3A_926 = arith.constant 3 : i32
      %dma_wait3A_927 = arith.constant 0 : i32
      %dma_wait3A_928 = arith.constant 0 : i32
      %dma_wait3A_929 = tpu.memref_slice %arg8[%dma_wait3A_925, %dma_wait3A_927, %dma_wait3A_928] : memref<4x64x128xf32, #tpu.memory_space<vmem>> -> memref<1x64x128xf32, #tpu.memory_space<vmem>>
      %dma_wait3A_930 = tpu.memref_squeeze %dma_wait3A_929 : memref<1x64x128xf32, #tpu.memory_space<vmem>> -> memref<64x128xf32, #tpu.memory_space<vmem>>
      %dma_wait3A_931 = arith.constant 0 : i32
      %dma_wait3A_932 = tpu.memref_slice %arg6[%dma_wait3A_924, %dma_wait3A_931] : memref<4x64xi32, #tpu.memory_space<vmem>> -> memref<1x64xi32, #tpu.memory_space<vmem>>
      %dma_wait3A_933 = tpu.memref_squeeze %dma_wait3A_932 : memref<1x64xi32, #tpu.memory_space<vmem>> -> memref<64xi32, #tpu.memory_space<vmem>>
      %dma_wait3A_934 = arith.constant 0 : i32
      %dma_wait3A_935 = arith.constant 0 : i32
      %dma_wait3A_936 = tpu.memref_slice %arg2[%dma_wait3A_934, %dma_wait3A_935] : memref<10000x128xf32, #tpu.memory_space<hbm>> -> memref<10000x128xf32, #tpu.memory_space<hbm>>
      %dma_wait3A_937 = tpu.memref_slice %arg10[%dma_wait3A_926] : memref<5x!tpu.dma_semaphore, #tpu.memory_space<semaphore_mem>> -> memref<1x!tpu.dma_semaphore, #tpu.memory_space<semaphore_mem>>
      %dma_wait3A_938 = tpu.memref_squeeze %dma_wait3A_937 : memref<1x!tpu.dma_semaphore, #tpu.memory_space<semaphore_mem>> -> memref<!tpu.dma_semaphore, #tpu.memory_space<semaphore_mem>>
      tpu.wait_indirect_dma semaphore(%dma_wait3A_938 : memref<!tpu.dma_semaphore, #tpu.memory_space<semaphore_mem>>) src(%dma_wait3A_936 : memref<10000x128xf32, #tpu.memory_space<hbm>>) dst(%dma_wait3A_930 : memref<64x128xf32, #tpu.memory_space<vmem>>)
      %mul3A_939 = arith.constant 4 : i32
      %mul3A_940 = arith.muli %mul3A_939, %scan3A_702 : i32
      %add3A_941 = arith.constant 3 : i32
      %add3A_942 = arith.addi %mul3A_940, %add3A_941 : i32
      %add3A_943 = arith.constant 3 : i32
      %add3A_944 = arith.addi %add3A_942, %add3A_943 : i32
      %lt3A_945 = arith.constant 160 : i32
      %lt3A_946 = arith.cmpi slt, %add3A_944, %lt3A_945 : i32
      %convert_element_type3A_947 = arith.extui %lt3A_946 : i1 to i32
      %cond3A_948 = arith.constant 0 : i32
      %cond3A_949 = arith.cmpi ne, %convert_element_type3A_947, %cond3A_948 : i32
      scf.if %cond3A_949 {
        %mul3A_999 = arith.constant 2 : i32
        %mul3A_1000 = arith.muli %mul3A_999, %scan3A_702 : i32
        %add3A_1001 = arith.constant 3 : i32
        %add3A_1002 = arith.addi %mul3A_1000, %add3A_1001 : i32
        %get3A_1003 = arith.index_cast %add3A_1002 : i32 to index
        %get3A_1004 = arith.constant 0 : index
        %get3A_1005 = tpu.vector_load %arg5[%get3A_1003, %get3A_1004] {strides = array<i32>} : memref<80x128xi32, #tpu.memory_space<vmem>>, vector<1x16xi32>,
        %get3A_1006 = vector.shape_cast %get3A_1005 : vector<1x16xi32> to vector<16xi32>
        %shift_right_logical3A_1007 = arith.constant 14 : i32
        %shift_right_logical3A_1008 = vector.broadcast %shift_right_logical3A_1007 : i32 to vector<16xi32>
        %shift_right_logical3A_1009 = arith.shrui %get3A_1006, %shift_right_logical3A_1008 : vector<16xi32>
        %swap3A_1010 = arith.constant 2 : i32
        %swap3A_1011 = arith.index_cast %swap3A_1010 : i32 to index
        %swap3A_1012 = arith.constant 0 : index
        %swap3A_1013 = tpu.vector_load %arg6[%swap3A_1011, %swap3A_1012] {strides = array<i32>} : memref<4x64xi32, #tpu.memory_space<vmem>>, vector<1x16xi32>,
        %swap3A_1014 = vector.shape_cast %swap3A_1013 : vector<1x16xi32> to vector<16xi32>
        %swap3A_1015 = vector.shape_cast %shift_right_logical3A_1009 : vector<16xi32> to vector<1x16xi32>
        tpu.vector_store %arg6[%swap3A_1011, %swap3A_1012], %swap3A_1015 {strides = array<i32>} : memref<4x64xi32, #tpu.memory_space<vmem>>, vector<1x16xi32>,
        %get3A_1016 = arith.index_cast %add3A_1002 : i32 to index
        %get3A_1017 = arith.constant 16 : index
        %get3A_1018 = tpu.vector_load %arg5[%get3A_1016, %get3A_1017] {strides = array<i32>} : memref<80x128xi32, #tpu.memory_space<vmem>>, vector<1x16xi32>,
        %get3A_1019 = vector.shape_cast %get3A_1018 : vector<1x16xi32> to vector<16xi32>
        %shift_right_logical3A_1020 = arith.constant 14 : i32
        %shift_right_logical3A_1021 = vector.broadcast %shift_right_logical3A_1020 : i32 to vector<16xi32>
        %shift_right_logical3A_1022 = arith.shrui %get3A_1019, %shift_right_logical3A_1021 : vector<16xi32>
        %swap3A_1023 = arith.constant 2 : i32
        %swap3A_1024 = arith.index_cast %swap3A_1023 : i32 to index
        %swap3A_1025 = arith.constant 16 : index
        %swap3A_1026 = tpu.vector_load %arg6[%swap3A_1024, %swap3A_1025] {strides = array<i32>} : memref<4x64xi32, #tpu.memory_space<vmem>>, vector<1x16xi32>,
        %swap3A_1027 = vector.shape_cast %swap3A_1026 : vector<1x16xi32> to vector<16xi32>
        %swap3A_1028 = vector.shape_cast %shift_right_logical3A_1022 : vector<16xi32> to vector<1x16xi32>
        tpu.vector_store %arg6[%swap3A_1024, %swap3A_1025], %swap3A_1028 {strides = array<i32>} : memref<4x64xi32, #tpu.memory_space<vmem>>, vector<1x16xi32>,
        %get3A_1029 = arith.index_cast %add3A_1002 : i32 to index
        %get3A_1030 = arith.constant 32 : index
        %get3A_1031 = tpu.vector_load %arg5[%get3A_1029, %get3A_1030] {strides = array<i32>} : memref<80x128xi32, #tpu.memory_space<vmem>>, vector<1x16xi32>,
        %get3A_1032 = vector.shape_cast %get3A_1031 : vector<1x16xi32> to vector<16xi32>
        %shift_right_logical3A_1033 = arith.constant 14 : i32
        %shift_right_logical3A_1034 = vector.broadcast %shift_right_logical3A_1033 : i32 to vector<16xi32>
        %shift_right_logical3A_1035 = arith.shrui %get3A_1032, %shift_right_logical3A_1034 : vector<16xi32>
        %swap3A_1036 = arith.constant 2 : i32
        %swap3A_1037 = arith.index_cast %swap3A_1036 : i32 to index
        %swap3A_1038 = arith.constant 32 : index
        %swap3A_1039 = tpu.vector_load %arg6[%swap3A_1037, %swap3A_1038] {strides = array<i32>} : memref<4x64xi32, #tpu.memory_space<vmem>>, vector<1x16xi32>,
        %swap3A_1040 = vector.shape_cast %swap3A_1039 : vector<1x16xi32> to vector<16xi32>
        %swap3A_1041 = vector.shape_cast %shift_right_logical3A_1035 : vector<16xi32> to vector<1x16xi32>
        tpu.vector_store %arg6[%swap3A_1037, %swap3A_1038], %swap3A_1041 {strides = array<i32>} : memref<4x64xi32, #tpu.memory_space<vmem>>, vector<1x16xi32>,
        %get3A_1042 = arith.index_cast %add3A_1002 : i32 to index
        %get3A_1043 = arith.constant 48 : index
        %get3A_1044 = tpu.vector_load %arg5[%get3A_1042, %get3A_1043] {strides = array<i32>} : memref<80x128xi32, #tpu.memory_space<vmem>>, vector<1x16xi32>,
        %get3A_1045 = vector.shape_cast %get3A_1044 : vector<1x16xi32> to vector<16xi32>
        %shift_right_logical3A_1046 = arith.constant 14 : i32
        %shift_right_logical3A_1047 = vector.broadcast %shift_right_logical3A_1046 : i32 to vector<16xi32>
        %shift_right_logical3A_1048 = arith.shrui %get3A_1045, %shift_right_logical3A_1047 : vector<16xi32>
        %swap3A_1049 = arith.constant 2 : i32
        %swap3A_1050 = arith.index_cast %swap3A_1049 : i32 to index
        %swap3A_1051 = arith.constant 48 : index
        %swap3A_1052 = tpu.vector_load %arg6[%swap3A_1050, %swap3A_1051] {strides = array<i32>} : memref<4x64xi32, #tpu.memory_space<vmem>>, vector<1x16xi32>,
        %swap3A_1053 = vector.shape_cast %swap3A_1052 : vector<1x16xi32> to vector<16xi32>
        %swap3A_1054 = vector.shape_cast %shift_right_logical3A_1048 : vector<16xi32> to vector<1x16xi32>
        tpu.vector_store %arg6[%swap3A_1050, %swap3A_1051], %swap3A_1054 {strides = array<i32>} : memref<4x64xi32, #tpu.memory_space<vmem>>, vector<1x16xi32>,
        %dma_start3A_1055 = arith.constant 2 : i32
        %dma_start3A_1056 = arith.constant 2 : i32
        %dma_start3A_1057 = arith.constant 2 : i32
        %dma_start3A_1058 = arith.constant 0 : i32
        %dma_start3A_1059 = arith.constant 0 : i32
        %dma_start3A_1060 = tpu.memref_slice %arg8[%dma_start3A_1056, %dma_start3A_1058, %dma_start3A_1059] : memref<4x64x128xf32, #tpu.memory_space<vmem>> -> memref<1x64x128xf32, #tpu.memory_space<vmem>>
        %dma_start3A_1061 = tpu.memref_squeeze %dma_start3A_1060 : memref<1x64x128xf32, #tpu.memory_space<vmem>> -> memref<64x128xf32, #tpu.memory_space<vmem>>
        %dma_start3A_1062 = arith.constant 0 : i32
        %dma_start3A_1063 = tpu.memref_slice %arg6[%dma_start3A_1055, %dma_start3A_1062] : memref<4x64xi32, #tpu.memory_space<vmem>> -> memref<1x64xi32, #tpu.memory_space<vmem>>
        %dma_start3A_1064 = tpu.memref_squeeze %dma_start3A_1063 : memref<1x64xi32, #tpu.memory_space<vmem>> -> memref<64xi32, #tpu.memory_space<vmem>>
        %dma_start3A_1065 = arith.constant 0 : i32
        %dma_start3A_1066 = arith.constant 0 : i32
        %dma_start3A_1067 = tpu.memref_slice %arg2[%dma_start3A_1065, %dma_start3A_1066] : memref<10000x128xf32, #tpu.memory_space<hbm>> -> memref<10000x128xf32, #tpu.memory_space<hbm>>
        %dma_start3A_1068 = tpu.memref_slice %arg10[%dma_start3A_1057] : memref<5x!tpu.dma_semaphore, #tpu.memory_space<semaphore_mem>> -> memref<1x!tpu.dma_semaphore, #tpu.memory_space<semaphore_mem>>
        %dma_start3A_1069 = tpu.memref_squeeze %dma_start3A_1068 : memref<1x!tpu.dma_semaphore, #tpu.memory_space<semaphore_mem>> -> memref<!tpu.dma_semaphore, #tpu.memory_space<semaphore_mem>>
        tpu.enqueue_indirect_dma source(%dma_start3A_1067 : memref<10000x128xf32, #tpu.memory_space<hbm>>) target(%dma_start3A_1061 : memref<64x128xf32, #tpu.memory_space<vmem>>) offsets(%dma_start3A_1064 : memref<64xi32, #tpu.memory_space<vmem>>) semaphore(%dma_start3A_1069 : memref<!tpu.dma_semaphore, #tpu.memory_space<semaphore_mem>>)
      } else {
      }
      %mul3A_950 = arith.constant 2 : i32
      %mul3A_951 = arith.muli %mul3A_950, %scan3A_702 : i32
      %add3A_952 = arith.constant 1 : i32
      %add3A_953 = arith.addi %mul3A_951, %add3A_952 : i32
      %get3A_954 = arith.index_cast %add3A_953 : i32 to index
      %get3A_955 = arith.constant 64 : index
      %get3A_956 = tpu.vector_load %arg5[%get3A_954, %get3A_955] {strides = array<i32>} : memref<80x128xi32, #tpu.memory_space<vmem>>, vector<1x16xi32>,
      %get3A_957 = vector.shape_cast %get3A_956 : vector<1x16xi32> to vector<16xi32>
      %and3A_958 = arith.constant 16383 : i32
      %and3A_959 = vector.broadcast %and3A_958 : i32 to vector<16xi32>
      %and3A_960 = arith.andi %get3A_957, %and3A_959 : vector<16xi32>
      %swap3A_961 = arith.constant 0 : index
      %swap3A_962 = tpu.vector_load %arg7[%swap3A_961] {strides = array<i32>} : memref<64xi32, #tpu.memory_space<vmem>>, vector<16xi32>,
      %swap3A_963 = vector.shape_cast %swap3A_962 : vector<16xi32> to vector<16xi32>
      %swap3A_964 = vector.shape_cast %and3A_960 : vector<16xi32> to vector<16xi32>
      tpu.vector_store %arg7[%swap3A_961], %swap3A_964 {strides = array<i32>} : memref<64xi32, #tpu.memory_space<vmem>>, vector<16xi32>,
      %get3A_965 = arith.index_cast %add3A_953 : i32 to index
      %get3A_966 = arith.constant 80 : index
      %get3A_967 = tpu.vector_load %arg5[%get3A_965, %get3A_966] {strides = array<i32>} : memref<80x128xi32, #tpu.memory_space<vmem>>, vector<1x16xi32>,
      %get3A_968 = vector.shape_cast %get3A_967 : vector<1x16xi32> to vector<16xi32>
      %and3A_969 = arith.constant 16383 : i32
      %and3A_970 = vector.broadcast %and3A_969 : i32 to vector<16xi32>
      %and3A_971 = arith.andi %get3A_968, %and3A_970 : vector<16xi32>
      %swap3A_972 = arith.constant 16 : index
      %swap3A_973 = tpu.vector_load %arg7[%swap3A_972] {strides = array<i32>} : memref<64xi32, #tpu.memory_space<vmem>>, vector<16xi32>,
      %swap3A_974 = vector.shape_cast %swap3A_973 : vector<16xi32> to vector<16xi32>
      %swap3A_975 = vector.shape_cast %and3A_971 : vector<16xi32> to vector<16xi32>
      tpu.vector_store %arg7[%swap3A_972], %swap3A_975 {strides = array<i32>} : memref<64xi32, #tpu.memory_space<vmem>>, vector<16xi32>,
      %get3A_976 = arith.index_cast %add3A_953 : i32 to index
      %get3A_977 = arith.constant 96 : index
      %get3A_978 = tpu.vector_load %arg5[%get3A_976, %get3A_977] {strides = array<i32>} : memref<80x128xi32, #tpu.memory_space<vmem>>, vector<1x16xi32>,
      %get3A_979 = vector.shape_cast %get3A_978 : vector<1x16xi32> to vector<16xi32>
      %and3A_980 = arith.constant 16383 : i32
      %and3A_981 = vector.broadcast %and3A_980 : i32 to vector<16xi32>
      %and3A_982 = arith.andi %get3A_979, %and3A_981 : vector<16xi32>
      %swap3A_983 = arith.constant 32 : index
      %swap3A_984 = tpu.vector_load %arg7[%swap3A_983] {strides = array<i32>} : memref<64xi32, #tpu.memory_space<vmem>>, vector<16xi32>,
      %swap3A_985 = vector.shape_cast %swap3A_984 : vector<16xi32> to vector<16xi32>
      %swap3A_986 = vector.shape_cast %and3A_982 : vector<16xi32> to vector<16xi32>
      tpu.vector_store %arg7[%swap3A_983], %swap3A_986 {strides = array<i32>} : memref<64xi32, #tpu.memory_space<vmem>>, vector<16xi32>,
      %get3A_987 = arith.index_cast %add3A_953 : i32 to index
      %get3A_988 = arith.constant 112 : index
      %get3A_989 = tpu.vector_load %arg5[%get3A_987, %get3A_988] {strides = array<i32>} : memref<80x128xi32, #tpu.memory_space<vmem>>, vector<1x16xi32>,
      %get3A_990 = vector.shape_cast %get3A_989 : vector<1x16xi32> to vector<16xi32>
      %and3A_991 = arith.constant 16383 : i32
      %and3A_992 = vector.broadcast %and3A_991 : i32 to vector<16xi32>
      %and3A_993 = arith.andi %get3A_990, %and3A_992 : vector<16xi32>
      %swap3A_994 = arith.constant 48 : index
      %swap3A_995 = tpu.vector_load %arg7[%swap3A_994] {strides = array<i32>} : memref<64xi32, #tpu.memory_space<vmem>>, vector<16xi32>,
      %swap3A_996 = vector.shape_cast %swap3A_995 : vector<16xi32> to vector<16xi32>
      %swap3A_997 = vector.shape_cast %and3A_993 : vector<16xi32> to vector<16xi32>
      tpu.vector_store %arg7[%swap3A_994], %swap3A_997 {strides = array<i32>} : memref<64xi32, #tpu.memory_space<vmem>>, vector<16xi32>,
      %run_scoped3A_998 = arith.constant 3 : i32
      "tpu.region"() ({
        %run_scoped3A_999 = tpu.sem_alloc : memref<!tpu.dma_semaphore, #tpu.memory_space<semaphore_mem>>
        %dma_start3A_1000 = arith.constant 0 : i32
        %dma_start3A_1001 = arith.constant 0 : i32
        %dma_start3A_1002 = tpu.memref_slice %arg8[%run_scoped3A_998, %dma_start3A_1000, %dma_start3A_1001] : memref<4x64x128xf32, #tpu.memory_space<vmem>> -> memref<1x64x128xf32, #tpu.memory_space<vmem>>
        %dma_start3A_1003 = tpu.memref_squeeze %dma_start3A_1002 : memref<1x64x128xf32, #tpu.memory_space<vmem>> -> memref<64x128xf32, #tpu.memory_space<vmem>>
        %dma_start3A_1004 = arith.constant 0 : i32
        %dma_start3A_1005 = arith.constant 0 : i32
        %dma_start3A_1006 = tpu.memref_slice %arg9[%dma_start3A_1004, %dma_start3A_1005] : memref<10240x128xf32, #tpu.memory_space<vmem_shared>> -> memref<10240x128xf32, #tpu.memory_space<vmem_shared>>
        tpu.enqueue_indirect_dma source(%dma_start3A_1003 : memref<64x128xf32, #tpu.memory_space<vmem>>) target(%dma_start3A_1006 : memref<10240x128xf32, #tpu.memory_space<vmem_shared>>) offsets(%arg7 : memref<64xi32, #tpu.memory_space<vmem>>) semaphore(%run_scoped3A_999 : memref<!tpu.dma_semaphore, #tpu.memory_space<semaphore_mem>>) {add = true}
        %dma_wait3A_1007 = arith.constant 0 : i32
        %dma_wait3A_1008 = arith.constant 0 : i32
        %dma_wait3A_1009 = tpu.memref_slice %arg8[%run_scoped3A_998, %dma_wait3A_1007, %dma_wait3A_1008] : memref<4x64x128xf32, #tpu.memory_space<vmem>> -> memref<1x64x128xf32, #tpu.memory_space<vmem>>
        %dma_wait3A_1010 = tpu.memref_squeeze %dma_wait3A_1009 : memref<1x64x128xf32, #tpu.memory_space<vmem>> -> memref<64x128xf32, #tpu.memory_space<vmem>>
        %dma_wait3A_1011 = arith.constant 0 : i32
        %dma_wait3A_1012 = arith.constant 0 : i32
        %dma_wait3A_1013 = tpu.memref_slice %arg9[%dma_wait3A_1011, %dma_wait3A_1012] : memref<10240x128xf32, #tpu.memory_space<vmem_shared>> -> memref<10240x128xf32, #tpu.memory_space<vmem_shared>>
        tpu.wait_indirect_dma semaphore(%run_scoped3A_999 : memref<!tpu.dma_semaphore, #tpu.memory_space<semaphore_mem>>) src(%dma_wait3A_1010 : memref<64x128xf32, #tpu.memory_space<vmem>>) dst(%dma_wait3A_1013 : memref<10240x128xf32, #tpu.memory_space<vmem_shared>>)
        tpu.yield
      }) : () -> ()
    }
    %scan3A_271 = arith.constant 40 : i32
    %barrier3A_272 = arith.constant 0 : index
    tpu.barrier barrier_id(%barrier3A_272)
    %mul3A_273 = arith.constant 640 : i32
    %mul3A_274 = arith.muli %arg1, %mul3A_273 : i32
    %run_scoped3A_275 = arith.constant 0 : i32
    "tpu.region"() ({
      %run_scoped3A_702 = tpu.sem_alloc : memref<!tpu.dma_semaphore, #tpu.memory_space<semaphore_mem>>
      %dma_start3A_703 = arith.constant 0 : i32
      %dma_start3A_704 = arith.constant 0 : i32
      %dma_start3A_705 = tpu.memref_slice %arg8[%run_scoped3A_275, %dma_start3A_703, %dma_start3A_704] : memref<4x64x128xf32, #tpu.memory_space<vmem>> -> memref<1x64x128xf32, #tpu.memory_space<vmem>>
      %dma_start3A_706 = tpu.memref_squeeze %dma_start3A_705 : memref<1x64x128xf32, #tpu.memory_space<vmem>> -> memref<64x128xf32, #tpu.memory_space<vmem>>
      %dma_start3A_707 = arith.constant 0 : i32
      %dma_start3A_708 = tpu.memref_slice %arg9[%mul3A_274, %dma_start3A_707] : memref<10240x128xf32, #tpu.memory_space<vmem_shared>> -> memref<64x128xf32, #tpu.memory_space<vmem_shared>>
      %dma_start3A_709 = arith.constant 0 : i32
      %dma_start3A_710 = arith.constant 0 : i32
      %dma_start3A_711 = tpu.memref_slice %arg8[%run_scoped3A_275, %dma_start3A_709, %dma_start3A_710] : memref<4x64x128xf32, #tpu.memory_space<vmem>> -> memref<1x64x128xf32, #tpu.memory_space<vmem>>
      %dma_start3A_712 = tpu.memref_squeeze %dma_start3A_711 : memref<1x64x128xf32, #tpu.memory_space<vmem>> -> memref<64x128xf32, #tpu.memory_space<vmem>>
      %dma_start3A_713 = arith.constant 0 : i32
      %dma_start3A_714 = tpu.memref_slice %arg9[%mul3A_274, %dma_start3A_713] : memref<10240x128xf32, #tpu.memory_space<vmem_shared>> -> memref<64x128xf32, #tpu.memory_space<vmem_shared>>
      tpu.enqueue_dma source(%dma_start3A_714 : memref<64x128xf32, #tpu.memory_space<vmem_shared>>) target(%dma_start3A_712 : memref<64x128xf32, #tpu.memory_space<vmem>>) target_semaphore(%run_scoped3A_702 : memref<!tpu.dma_semaphore, #tpu.memory_space<semaphore_mem>>)
      %dma_wait3A_715 = arith.constant 0 : i32
      %dma_wait3A_716 = arith.constant 0 : i32
      %dma_wait3A_717 = tpu.memref_slice %arg8[%run_scoped3A_275, %dma_wait3A_715, %dma_wait3A_716] : memref<4x64x128xf32, #tpu.memory_space<vmem>> -> memref<1x64x128xf32, #tpu.memory_space<vmem>>
      %dma_wait3A_718 = tpu.memref_squeeze %dma_wait3A_717 : memref<1x64x128xf32, #tpu.memory_space<vmem>> -> memref<64x128xf32, #tpu.memory_space<vmem>>
      %dma_wait3A_719 = arith.constant 0 : i32
      %dma_wait3A_720 = tpu.memref_slice %arg9[%mul3A_274, %dma_wait3A_719] : memref<10240x128xf32, #tpu.memory_space<vmem_shared>> -> memref<64x128xf32, #tpu.memory_space<vmem_shared>>
      %dma_wait3A_721 = arith.constant 0 : i32
      %dma_wait3A_722 = arith.constant 0 : i32
      %dma_wait3A_723 = tpu.memref_slice %arg8[%run_scoped3A_275, %dma_wait3A_721, %dma_wait3A_722] : memref<4x64x128xf32, #tpu.memory_space<vmem>> -> memref<1x64x128xf32, #tpu.memory_space<vmem>>
      %dma_wait3A_724 = tpu.memref_squeeze %dma_wait3A_723 : memref<1x64x128xf32, #tpu.memory_space<vmem>> -> memref<64x128xf32, #tpu.memory_space<vmem>>
      %dma_wait3A_725 = arith.constant 0 : i32
      %dma_wait3A_726 = tpu.memref_slice %arg9[%mul3A_274, %dma_wait3A_725] : memref<10240x128xf32, #tpu.memory_space<vmem_shared>> -> memref<64x128xf32, #tpu.memory_space<vmem_shared>>
      tpu.wait_dma2 semaphore(%run_scoped3A_702 : memref<!tpu.dma_semaphore, #tpu.memory_space<semaphore_mem>>) src(%dma_wait3A_726 : memref<64x128xf32, #tpu.memory_space<vmem_shared>>) dst(%dma_wait3A_724 : memref<64x128xf32, #tpu.memory_space<vmem>>)
      tpu.yield
    }) : () -> ()
    %mul3A_276 = arith.constant 640 : i32
    %mul3A_277 = arith.muli %arg1, %mul3A_276 : i32
    %add3A_278 = arith.constant 0 : i32
    %add3A_279 = arith.addi %mul3A_277, %add3A_278 : i32
    %dma_start3A_280 = arith.constant 0 : i32
    %dma_start3A_281 = arith.constant 4 : i32
    %dma_start3A_282 = arith.constant 0 : i32
    %dma_start3A_283 = arith.constant 0 : i32
    %dma_start3A_284 = tpu.memref_slice %arg8[%dma_start3A_280, %dma_start3A_282, %dma_start3A_283] : memref<4x64x128xf32, #tpu.memory_space<vmem>> -> memref<1x64x128xf32, #tpu.memory_space<vmem>>
    %dma_start3A_285 = tpu.memref_squeeze %dma_start3A_284 : memref<1x64x128xf32, #tpu.memory_space<vmem>> -> memref<64x128xf32, #tpu.memory_space<vmem>>
    %dma_start3A_286 = arith.constant 0 : i32
    %dma_start3A_287 = tpu.memref_slice %arg4[%arg0, %add3A_279, %dma_start3A_286] : memref<2x10240x128xf32, #tpu.memory_space<hbm>> -> memref<1x64x128xf32, #tpu.memory_space<hbm>>
    %dma_start3A_288 = tpu.memref_squeeze %dma_start3A_287 : memref<1x64x128xf32, #tpu.memory_space<hbm>> -> memref<64x128xf32, #tpu.memory_space<hbm>>
    %dma_start3A_289 = tpu.memref_slice %arg10[%dma_start3A_281] : memref<5x!tpu.dma_semaphore, #tpu.memory_space<semaphore_mem>> -> memref<1x!tpu.dma_semaphore, #tpu.memory_space<semaphore_mem>>
    %dma_start3A_290 = tpu.memref_squeeze %dma_start3A_289 : memref<1x!tpu.dma_semaphore, #tpu.memory_space<semaphore_mem>> -> memref<!tpu.dma_semaphore, #tpu.memory_space<semaphore_mem>>
    %dma_start3A_291 = arith.constant 0 : i32
    %dma_start3A_292 = tpu.memref_slice %arg4[%arg0, %add3A_279, %dma_start3A_291] : memref<2x10240x128xf32, #tpu.memory_space<hbm>> -> memref<1x64x128xf32, #tpu.memory_space<hbm>>
    %dma_start3A_293 = tpu.memref_squeeze %dma_start3A_292 : memref<1x64x128xf32, #tpu.memory_space<hbm>> -> memref<64x128xf32, #tpu.memory_space<hbm>>
    %dma_start3A_294 = arith.constant 0 : i32
    %dma_start3A_295 = arith.constant 0 : i32
    %dma_start3A_296 = tpu.memref_slice %arg8[%dma_start3A_280, %dma_start3A_294, %dma_start3A_295] : memref<4x64x128xf32, #tpu.memory_space<vmem>> -> memref<1x64x128xf32, #tpu.memory_space<vmem>>
    %dma_start3A_297 = tpu.memref_squeeze %dma_start3A_296 : memref<1x64x128xf32, #tpu.memory_space<vmem>> -> memref<64x128xf32, #tpu.memory_space<vmem>>
    tpu.enqueue_dma source(%dma_start3A_297 : memref<64x128xf32, #tpu.memory_space<vmem>>) target(%dma_start3A_293 : memref<64x128xf32, #tpu.memory_space<hbm>>) target_semaphore(%dma_start3A_290 : memref<!tpu.dma_semaphore, #tpu.memory_space<semaphore_mem>>)
    %add3A_298 = arith.constant 64 : i32
    %add3A_299 = arith.addi %add3A_279, %add3A_298 : i32
    %run_scoped3A_300 = arith.constant 1 : i32
    "tpu.region"() ({
      %run_scoped3A_702 = tpu.sem_alloc : memref<!tpu.dma_semaphore, #tpu.memory_space<semaphore_mem>>
      %dma_start3A_703 = arith.constant 0 : i32
      %dma_start3A_704 = arith.constant 0 : i32
      %dma_start3A_705 = tpu.memref_slice %arg8[%run_scoped3A_300, %dma_start3A_703, %dma_start3A_704] : memref<4x64x128xf32, #tpu.memory_space<vmem>> -> memref<1x64x128xf32, #tpu.memory_space<vmem>>
      %dma_start3A_706 = tpu.memref_squeeze %dma_start3A_705 : memref<1x64x128xf32, #tpu.memory_space<vmem>> -> memref<64x128xf32, #tpu.memory_space<vmem>>
      %dma_start3A_707 = arith.constant 0 : i32
      %dma_start3A_708 = tpu.memref_slice %arg9[%add3A_299, %dma_start3A_707] : memref<10240x128xf32, #tpu.memory_space<vmem_shared>> -> memref<64x128xf32, #tpu.memory_space<vmem_shared>>
      %dma_start3A_709 = arith.constant 0 : i32
      %dma_start3A_710 = arith.constant 0 : i32
      %dma_start3A_711 = tpu.memref_slice %arg8[%run_scoped3A_300, %dma_start3A_709, %dma_start3A_710] : memref<4x64x128xf32, #tpu.memory_space<vmem>> -> memref<1x64x128xf32, #tpu.memory_space<vmem>>
      %dma_start3A_712 = tpu.memref_squeeze %dma_start3A_711 : memref<1x64x128xf32, #tpu.memory_space<vmem>> -> memref<64x128xf32, #tpu.memory_space<vmem>>
      %dma_start3A_713 = arith.constant 0 : i32
      %dma_start3A_714 = tpu.memref_slice %arg9[%add3A_299, %dma_start3A_713] : memref<10240x128xf32, #tpu.memory_space<vmem_shared>> -> memref<64x128xf32, #tpu.memory_space<vmem_shared>>
      tpu.enqueue_dma source(%dma_start3A_714 : memref<64x128xf32, #tpu.memory_space<vmem_shared>>) target(%dma_start3A_712 : memref<64x128xf32, #tpu.memory_space<vmem>>) target_semaphore(%run_scoped3A_702 : memref<!tpu.dma_semaphore, #tpu.memory_space<semaphore_mem>>)
      %dma_wait3A_715 = arith.constant 0 : i32
      %dma_wait3A_716 = arith.constant 0 : i32
      %dma_wait3A_717 = tpu.memref_slice %arg8[%run_scoped3A_300, %dma_wait3A_715, %dma_wait3A_716] : memref<4x64x128xf32, #tpu.memory_space<vmem>> -> memref<1x64x128xf32, #tpu.memory_space<vmem>>
      %dma_wait3A_718 = tpu.memref_squeeze %dma_wait3A_717 : memref<1x64x128xf32, #tpu.memory_space<vmem>> -> memref<64x128xf32, #tpu.memory_space<vmem>>
      %dma_wait3A_719 = arith.constant 0 : i32
      %dma_wait3A_720 = tpu.memref_slice %arg9[%add3A_299, %dma_wait3A_719] : memref<10240x128xf32, #tpu.memory_space<vmem_shared>> -> memref<64x128xf32, #tpu.memory_space<vmem_shared>>
      %dma_wait3A_721 = arith.constant 0 : i32
      %dma_wait3A_722 = arith.constant 0 : i32
      %dma_wait3A_723 = tpu.memref_slice %arg8[%run_scoped3A_300, %dma_wait3A_721, %dma_wait3A_722] : memref<4x64x128xf32, #tpu.memory_space<vmem>> -> memref<1x64x128xf32, #tpu.memory_space<vmem>>
      %dma_wait3A_724 = tpu.memref_squeeze %dma_wait3A_723 : memref<1x64x128xf32, #tpu.memory_space<vmem>> -> memref<64x128xf32, #tpu.memory_space<vmem>>
      %dma_wait3A_725 = arith.constant 0 : i32
      %dma_wait3A_726 = tpu.memref_slice %arg9[%add3A_299, %dma_wait3A_725] : memref<10240x128xf32, #tpu.memory_space<vmem_shared>> -> memref<64x128xf32, #tpu.memory_space<vmem_shared>>
      tpu.wait_dma2 semaphore(%run_scoped3A_702 : memref<!tpu.dma_semaphore, #tpu.memory_space<semaphore_mem>>) src(%dma_wait3A_726 : memref<64x128xf32, #tpu.memory_space<vmem_shared>>) dst(%dma_wait3A_724 : memref<64x128xf32, #tpu.memory_space<vmem>>)
      tpu.yield
    }) : () -> ()
    %dma_wait3A = arith.constant 0 : i32
    %dma_wait3A_301 = arith.constant 4 : i32
    %dma_wait3A_302 = arith.constant 0 : i32
    %dma_wait3A_303 = arith.constant 0 : i32
    %dma_wait3A_304 = tpu.memref_slice %arg8[%dma_wait3A, %dma_wait3A_302, %dma_wait3A_303] : memref<4x64x128xf32, #tpu.memory_space<vmem>> -> memref<1x64x128xf32, #tpu.memory_space<vmem>>
    %dma_wait3A_305 = tpu.memref_squeeze %dma_wait3A_304 : memref<1x64x128xf32, #tpu.memory_space<vmem>> -> memref<64x128xf32, #tpu.memory_space<vmem>>
    %dma_wait3A_306 = arith.constant 0 : i32
    %dma_wait3A_307 = tpu.memref_slice %arg4[%arg0, %add3A_279, %dma_wait3A_306] : memref<2x10240x128xf32, #tpu.memory_space<hbm>> -> memref<1x64x128xf32, #tpu.memory_space<hbm>>
    %dma_wait3A_308 = tpu.memref_squeeze %dma_wait3A_307 : memref<1x64x128xf32, #tpu.memory_space<hbm>> -> memref<64x128xf32, #tpu.memory_space<hbm>>
    %dma_wait3A_309 = tpu.memref_slice %arg10[%dma_wait3A_301] : memref<5x!tpu.dma_semaphore, #tpu.memory_space<semaphore_mem>> -> memref<1x!tpu.dma_semaphore, #tpu.memory_space<semaphore_mem>>
    %dma_wait3A_310 = tpu.memref_squeeze %dma_wait3A_309 : memref<1x!tpu.dma_semaphore, #tpu.memory_space<semaphore_mem>> -> memref<!tpu.dma_semaphore, #tpu.memory_space<semaphore_mem>>
    %dma_wait3A_311 = arith.constant 0 : i32
    %dma_wait3A_312 = tpu.memref_slice %arg4[%arg0, %add3A_279, %dma_wait3A_311] : memref<2x10240x128xf32, #tpu.memory_space<hbm>> -> memref<1x64x128xf32, #tpu.memory_space<hbm>>
    %dma_wait3A_313 = tpu.memref_squeeze %dma_wait3A_312 : memref<1x64x128xf32, #tpu.memory_space<hbm>> -> memref<64x128xf32, #tpu.memory_space<hbm>>
    %dma_wait3A_314 = arith.constant 0 : i32
    %dma_wait3A_315 = arith.constant 0 : i32
    %dma_wait3A_316 = tpu.memref_slice %arg8[%dma_wait3A, %dma_wait3A_314, %dma_wait3A_315] : memref<4x64x128xf32, #tpu.memory_space<vmem>> -> memref<1x64x128xf32, #tpu.memory_space<vmem>>
    %dma_wait3A_317 = tpu.memref_squeeze %dma_wait3A_316 : memref<1x64x128xf32, #tpu.memory_space<vmem>> -> memref<64x128xf32, #tpu.memory_space<vmem>>
    tpu.wait_dma2 semaphore(%dma_wait3A_310 : memref<!tpu.dma_semaphore, #tpu.memory_space<semaphore_mem>>) src(%dma_wait3A_317 : memref<64x128xf32, #tpu.memory_space<vmem>>) dst(%dma_wait3A_313 : memref<64x128xf32, #tpu.memory_space<hbm>>)
    %mul3A_318 = arith.constant 640 : i32
    %mul3A_319 = arith.muli %arg1, %mul3A_318 : i32
    %add3A_320 = arith.constant 64 : i32
    %add3A_321 = arith.addi %mul3A_319, %add3A_320 : i32
    %dma_start3A_322 = arith.constant 1 : i32
    %dma_start3A_323 = arith.constant 4 : i32
    %dma_start3A_324 = arith.constant 0 : i32
    %dma_start3A_325 = arith.constant 0 : i32
    %dma_start3A_326 = tpu.memref_slice %arg8[%dma_start3A_322, %dma_start3A_324, %dma_start3A_325] : memref<4x64x128xf32, #tpu.memory_space<vmem>> -> memref<1x64x128xf32, #tpu.memory_space<vmem>>
    %dma_start3A_327 = tpu.memref_squeeze %dma_start3A_326 : memref<1x64x128xf32, #tpu.memory_space<vmem>> -> memref<64x128xf32, #tpu.memory_space<vmem>>
    %dma_start3A_328 = arith.constant 0 : i32
    %dma_start3A_329 = tpu.memref_slice %arg4[%arg0, %add3A_321, %dma_start3A_328] : memref<2x10240x128xf32, #tpu.memory_space<hbm>> -> memref<1x64x128xf32, #tpu.memory_space<hbm>>
    %dma_start3A_330 = tpu.memref_squeeze %dma_start3A_329 : memref<1x64x128xf32, #tpu.memory_space<hbm>> -> memref<64x128xf32, #tpu.memory_space<hbm>>
    %dma_start3A_331 = tpu.memref_slice %arg10[%dma_start3A_323] : memref<5x!tpu.dma_semaphore, #tpu.memory_space<semaphore_mem>> -> memref<1x!tpu.dma_semaphore, #tpu.memory_space<semaphore_mem>>
    %dma_start3A_332 = tpu.memref_squeeze %dma_start3A_331 : memref<1x!tpu.dma_semaphore, #tpu.memory_space<semaphore_mem>> -> memref<!tpu.dma_semaphore, #tpu.memory_space<semaphore_mem>>
    %dma_start3A_333 = arith.constant 0 : i32
    %dma_start3A_334 = tpu.memref_slice %arg4[%arg0, %add3A_321, %dma_start3A_333] : memref<2x10240x128xf32, #tpu.memory_space<hbm>> -> memref<1x64x128xf32, #tpu.memory_space<hbm>>
    %dma_start3A_335 = tpu.memref_squeeze %dma_start3A_334 : memref<1x64x128xf32, #tpu.memory_space<hbm>> -> memref<64x128xf32, #tpu.memory_space<hbm>>
    %dma_start3A_336 = arith.constant 0 : i32
    %dma_start3A_337 = arith.constant 0 : i32
    %dma_start3A_338 = tpu.memref_slice %arg8[%dma_start3A_322, %dma_start3A_336, %dma_start3A_337] : memref<4x64x128xf32, #tpu.memory_space<vmem>> -> memref<1x64x128xf32, #tpu.memory_space<vmem>>
    %dma_start3A_339 = tpu.memref_squeeze %dma_start3A_338 : memref<1x64x128xf32, #tpu.memory_space<vmem>> -> memref<64x128xf32, #tpu.memory_space<vmem>>
    tpu.enqueue_dma source(%dma_start3A_339 : memref<64x128xf32, #tpu.memory_space<vmem>>) target(%dma_start3A_335 : memref<64x128xf32, #tpu.memory_space<hbm>>) target_semaphore(%dma_start3A_332 : memref<!tpu.dma_semaphore, #tpu.memory_space<semaphore_mem>>)
    %add3A_340 = arith.constant 64 : i32
    %add3A_341 = arith.addi %add3A_321, %add3A_340 : i32
    %run_scoped3A_342 = arith.constant 0 : i32
    "tpu.region"() ({
      %run_scoped3A_702 = tpu.sem_alloc : memref<!tpu.dma_semaphore, #tpu.memory_space<semaphore_mem>>
      %dma_start3A_703 = arith.constant 0 : i32
      %dma_start3A_704 = arith.constant 0 : i32
      %dma_start3A_705 = tpu.memref_slice %arg8[%run_scoped3A_342, %dma_start3A_703, %dma_start3A_704] : memref<4x64x128xf32, #tpu.memory_space<vmem>> -> memref<1x64x128xf32, #tpu.memory_space<vmem>>
      %dma_start3A_706 = tpu.memref_squeeze %dma_start3A_705 : memref<1x64x128xf32, #tpu.memory_space<vmem>> -> memref<64x128xf32, #tpu.memory_space<vmem>>
      %dma_start3A_707 = arith.constant 0 : i32
      %dma_start3A_708 = tpu.memref_slice %arg9[%add3A_341, %dma_start3A_707] : memref<10240x128xf32, #tpu.memory_space<vmem_shared>> -> memref<64x128xf32, #tpu.memory_space<vmem_shared>>
      %dma_start3A_709 = arith.constant 0 : i32
      %dma_start3A_710 = arith.constant 0 : i32
      %dma_start3A_711 = tpu.memref_slice %arg8[%run_scoped3A_342, %dma_start3A_709, %dma_start3A_710] : memref<4x64x128xf32, #tpu.memory_space<vmem>> -> memref<1x64x128xf32, #tpu.memory_space<vmem>>
      %dma_start3A_712 = tpu.memref_squeeze %dma_start3A_711 : memref<1x64x128xf32, #tpu.memory_space<vmem>> -> memref<64x128xf32, #tpu.memory_space<vmem>>
      %dma_start3A_713 = arith.constant 0 : i32
      %dma_start3A_714 = tpu.memref_slice %arg9[%add3A_341, %dma_start3A_713] : memref<10240x128xf32, #tpu.memory_space<vmem_shared>> -> memref<64x128xf32, #tpu.memory_space<vmem_shared>>
      tpu.enqueue_dma source(%dma_start3A_714 : memref<64x128xf32, #tpu.memory_space<vmem_shared>>) target(%dma_start3A_712 : memref<64x128xf32, #tpu.memory_space<vmem>>) target_semaphore(%run_scoped3A_702 : memref<!tpu.dma_semaphore, #tpu.memory_space<semaphore_mem>>)
      %dma_wait3A_715 = arith.constant 0 : i32
      %dma_wait3A_716 = arith.constant 0 : i32
      %dma_wait3A_717 = tpu.memref_slice %arg8[%run_scoped3A_342, %dma_wait3A_715, %dma_wait3A_716] : memref<4x64x128xf32, #tpu.memory_space<vmem>> -> memref<1x64x128xf32, #tpu.memory_space<vmem>>
      %dma_wait3A_718 = tpu.memref_squeeze %dma_wait3A_717 : memref<1x64x128xf32, #tpu.memory_space<vmem>> -> memref<64x128xf32, #tpu.memory_space<vmem>>
      %dma_wait3A_719 = arith.constant 0 : i32
      %dma_wait3A_720 = tpu.memref_slice %arg9[%add3A_341, %dma_wait3A_719] : memref<10240x128xf32, #tpu.memory_space<vmem_shared>> -> memref<64x128xf32, #tpu.memory_space<vmem_shared>>
      %dma_wait3A_721 = arith.constant 0 : i32
      %dma_wait3A_722 = arith.constant 0 : i32
      %dma_wait3A_723 = tpu.memref_slice %arg8[%run_scoped3A_342, %dma_wait3A_721, %dma_wait3A_722] : memref<4x64x128xf32, #tpu.memory_space<vmem>> -> memref<1x64x128xf32, #tpu.memory_space<vmem>>
      %dma_wait3A_724 = tpu.memref_squeeze %dma_wait3A_723 : memref<1x64x128xf32, #tpu.memory_space<vmem>> -> memref<64x128xf32, #tpu.memory_space<vmem>>
      %dma_wait3A_725 = arith.constant 0 : i32
      %dma_wait3A_726 = tpu.memref_slice %arg9[%add3A_341, %dma_wait3A_725] : memref<10240x128xf32, #tpu.memory_space<vmem_shared>> -> memref<64x128xf32, #tpu.memory_space<vmem_shared>>
      tpu.wait_dma2 semaphore(%run_scoped3A_702 : memref<!tpu.dma_semaphore, #tpu.memory_space<semaphore_mem>>) src(%dma_wait3A_726 : memref<64x128xf32, #tpu.memory_space<vmem_shared>>) dst(%dma_wait3A_724 : memref<64x128xf32, #tpu.memory_space<vmem>>)
      tpu.yield
    }) : () -> ()
    %dma_wait3A_343 = arith.constant 1 : i32
    %dma_wait3A_344 = arith.constant 4 : i32
    %dma_wait3A_345 = arith.constant 0 : i32
    %dma_wait3A_346 = arith.constant 0 : i32
    %dma_wait3A_347 = tpu.memref_slice %arg8[%dma_wait3A_343, %dma_wait3A_345, %dma_wait3A_346] : memref<4x64x128xf32, #tpu.memory_space<vmem>> -> memref<1x64x128xf32, #tpu.memory_space<vmem>>
    %dma_wait3A_348 = tpu.memref_squeeze %dma_wait3A_347 : memref<1x64x128xf32, #tpu.memory_space<vmem>> -> memref<64x128xf32, #tpu.memory_space<vmem>>
    %dma_wait3A_349 = arith.constant 0 : i32
    %dma_wait3A_350 = tpu.memref_slice %arg4[%arg0, %add3A_321, %dma_wait3A_349] : memref<2x10240x128xf32, #tpu.memory_space<hbm>> -> memref<1x64x128xf32, #tpu.memory_space<hbm>>
    %dma_wait3A_351 = tpu.memref_squeeze %dma_wait3A_350 : memref<1x64x128xf32, #tpu.memory_space<hbm>> -> memref<64x128xf32, #tpu.memory_space<hbm>>
    %dma_wait3A_352 = tpu.memref_slice %arg10[%dma_wait3A_344] : memref<5x!tpu.dma_semaphore, #tpu.memory_space<semaphore_mem>> -> memref<1x!tpu.dma_semaphore, #tpu.memory_space<semaphore_mem>>
    %dma_wait3A_353 = tpu.memref_squeeze %dma_wait3A_352 : memref<1x!tpu.dma_semaphore, #tpu.memory_space<semaphore_mem>> -> memref<!tpu.dma_semaphore, #tpu.memory_space<semaphore_mem>>
    %dma_wait3A_354 = arith.constant 0 : i32
    %dma_wait3A_355 = tpu.memref_slice %arg4[%arg0, %add3A_321, %dma_wait3A_354] : memref<2x10240x128xf32, #tpu.memory_space<hbm>> -> memref<1x64x128xf32, #tpu.memory_space<hbm>>
    %dma_wait3A_356 = tpu.memref_squeeze %dma_wait3A_355 : memref<1x64x128xf32, #tpu.memory_space<hbm>> -> memref<64x128xf32, #tpu.memory_space<hbm>>
    %dma_wait3A_357 = arith.constant 0 : i32
    %dma_wait3A_358 = arith.constant 0 : i32
    %dma_wait3A_359 = tpu.memref_slice %arg8[%dma_wait3A_343, %dma_wait3A_357, %dma_wait3A_358] : memref<4x64x128xf32, #tpu.memory_space<vmem>> -> memref<1x64x128xf32, #tpu.memory_space<vmem>>
    %dma_wait3A_360 = tpu.memref_squeeze %dma_wait3A_359 : memref<1x64x128xf32, #tpu.memory_space<vmem>> -> memref<64x128xf32, #tpu.memory_space<vmem>>
    tpu.wait_dma2 semaphore(%dma_wait3A_353 : memref<!tpu.dma_semaphore, #tpu.memory_space<semaphore_mem>>) src(%dma_wait3A_360 : memref<64x128xf32, #tpu.memory_space<vmem>>) dst(%dma_wait3A_356 : memref<64x128xf32, #tpu.memory_space<hbm>>)
    %mul3A_361 = arith.constant 640 : i32
    %mul3A_362 = arith.muli %arg1, %mul3A_361 : i32
    %add3A_363 = arith.constant 128 : i32
    %add3A_364 = arith.addi %mul3A_362, %add3A_363 : i32
    %dma_start3A_365 = arith.constant 0 : i32
    %dma_start3A_366 = arith.constant 4 : i32
    %dma_start3A_367 = arith.constant 0 : i32
    %dma_start3A_368 = arith.constant 0 : i32
    %dma_start3A_369 = tpu.memref_slice %arg8[%dma_start3A_365, %dma_start3A_367, %dma_start3A_368] : memref<4x64x128xf32, #tpu.memory_space<vmem>> -> memref<1x64x128xf32, #tpu.memory_space<vmem>>
    %dma_start3A_370 = tpu.memref_squeeze %dma_start3A_369 : memref<1x64x128xf32, #tpu.memory_space<vmem>> -> memref<64x128xf32, #tpu.memory_space<vmem>>
    %dma_start3A_371 = arith.constant 0 : i32
    %dma_start3A_372 = tpu.memref_slice %arg4[%arg0, %add3A_364, %dma_start3A_371] : memref<2x10240x128xf32, #tpu.memory_space<hbm>> -> memref<1x64x128xf32, #tpu.memory_space<hbm>>
    %dma_start3A_373 = tpu.memref_squeeze %dma_start3A_372 : memref<1x64x128xf32, #tpu.memory_space<hbm>> -> memref<64x128xf32, #tpu.memory_space<hbm>>
    %dma_start3A_374 = tpu.memref_slice %arg10[%dma_start3A_366] : memref<5x!tpu.dma_semaphore, #tpu.memory_space<semaphore_mem>> -> memref<1x!tpu.dma_semaphore, #tpu.memory_space<semaphore_mem>>
    %dma_start3A_375 = tpu.memref_squeeze %dma_start3A_374 : memref<1x!tpu.dma_semaphore, #tpu.memory_space<semaphore_mem>> -> memref<!tpu.dma_semaphore, #tpu.memory_space<semaphore_mem>>
    %dma_start3A_376 = arith.constant 0 : i32
    %dma_start3A_377 = tpu.memref_slice %arg4[%arg0, %add3A_364, %dma_start3A_376] : memref<2x10240x128xf32, #tpu.memory_space<hbm>> -> memref<1x64x128xf32, #tpu.memory_space<hbm>>
    %dma_start3A_378 = tpu.memref_squeeze %dma_start3A_377 : memref<1x64x128xf32, #tpu.memory_space<hbm>> -> memref<64x128xf32, #tpu.memory_space<hbm>>
    %dma_start3A_379 = arith.constant 0 : i32
    %dma_start3A_380 = arith.constant 0 : i32
    %dma_start3A_381 = tpu.memref_slice %arg8[%dma_start3A_365, %dma_start3A_379, %dma_start3A_380] : memref<4x64x128xf32, #tpu.memory_space<vmem>> -> memref<1x64x128xf32, #tpu.memory_space<vmem>>
    %dma_start3A_382 = tpu.memref_squeeze %dma_start3A_381 : memref<1x64x128xf32, #tpu.memory_space<vmem>> -> memref<64x128xf32, #tpu.memory_space<vmem>>
    tpu.enqueue_dma source(%dma_start3A_382 : memref<64x128xf32, #tpu.memory_space<vmem>>) target(%dma_start3A_378 : memref<64x128xf32, #tpu.memory_space<hbm>>) target_semaphore(%dma_start3A_375 : memref<!tpu.dma_semaphore, #tpu.memory_space<semaphore_mem>>)
    %add3A_383 = arith.constant 64 : i32
    %add3A_384 = arith.addi %add3A_364, %add3A_383 : i32
    %run_scoped3A_385 = arith.constant 1 : i32
    "tpu.region"() ({
      %run_scoped3A_702 = tpu.sem_alloc : memref<!tpu.dma_semaphore, #tpu.memory_space<semaphore_mem>>
      %dma_start3A_703 = arith.constant 0 : i32
      %dma_start3A_704 = arith.constant 0 : i32
      %dma_start3A_705 = tpu.memref_slice %arg8[%run_scoped3A_385, %dma_start3A_703, %dma_start3A_704] : memref<4x64x128xf32, #tpu.memory_space<vmem>> -> memref<1x64x128xf32, #tpu.memory_space<vmem>>
      %dma_start3A_706 = tpu.memref_squeeze %dma_start3A_705 : memref<1x64x128xf32, #tpu.memory_space<vmem>> -> memref<64x128xf32, #tpu.memory_space<vmem>>
      %dma_start3A_707 = arith.constant 0 : i32
      %dma_start3A_708 = tpu.memref_slice %arg9[%add3A_384, %dma_start3A_707] : memref<10240x128xf32, #tpu.memory_space<vmem_shared>> -> memref<64x128xf32, #tpu.memory_space<vmem_shared>>
      %dma_start3A_709 = arith.constant 0 : i32
      %dma_start3A_710 = arith.constant 0 : i32
      %dma_start3A_711 = tpu.memref_slice %arg8[%run_scoped3A_385, %dma_start3A_709, %dma_start3A_710] : memref<4x64x128xf32, #tpu.memory_space<vmem>> -> memref<1x64x128xf32, #tpu.memory_space<vmem>>
      %dma_start3A_712 = tpu.memref_squeeze %dma_start3A_711 : memref<1x64x128xf32, #tpu.memory_space<vmem>> -> memref<64x128xf32, #tpu.memory_space<vmem>>
      %dma_start3A_713 = arith.constant 0 : i32
      %dma_start3A_714 = tpu.memref_slice %arg9[%add3A_384, %dma_start3A_713] : memref<10240x128xf32, #tpu.memory_space<vmem_shared>> -> memref<64x128xf32, #tpu.memory_space<vmem_shared>>
      tpu.enqueue_dma source(%dma_start3A_714 : memref<64x128xf32, #tpu.memory_space<vmem_shared>>) target(%dma_start3A_712 : memref<64x128xf32, #tpu.memory_space<vmem>>) target_semaphore(%run_scoped3A_702 : memref<!tpu.dma_semaphore, #tpu.memory_space<semaphore_mem>>)
      %dma_wait3A_715 = arith.constant 0 : i32
      %dma_wait3A_716 = arith.constant 0 : i32
      %dma_wait3A_717 = tpu.memref_slice %arg8[%run_scoped3A_385, %dma_wait3A_715, %dma_wait3A_716] : memref<4x64x128xf32, #tpu.memory_space<vmem>> -> memref<1x64x128xf32, #tpu.memory_space<vmem>>
      %dma_wait3A_718 = tpu.memref_squeeze %dma_wait3A_717 : memref<1x64x128xf32, #tpu.memory_space<vmem>> -> memref<64x128xf32, #tpu.memory_space<vmem>>
      %dma_wait3A_719 = arith.constant 0 : i32
      %dma_wait3A_720 = tpu.memref_slice %arg9[%add3A_384, %dma_wait3A_719] : memref<10240x128xf32, #tpu.memory_space<vmem_shared>> -> memref<64x128xf32, #tpu.memory_space<vmem_shared>>
      %dma_wait3A_721 = arith.constant 0 : i32
      %dma_wait3A_722 = arith.constant 0 : i32
      %dma_wait3A_723 = tpu.memref_slice %arg8[%run_scoped3A_385, %dma_wait3A_721, %dma_wait3A_722] : memref<4x64x128xf32, #tpu.memory_space<vmem>> -> memref<1x64x128xf32, #tpu.memory_space<vmem>>
      %dma_wait3A_724 = tpu.memref_squeeze %dma_wait3A_723 : memref<1x64x128xf32, #tpu.memory_space<vmem>> -> memref<64x128xf32, #tpu.memory_space<vmem>>
      %dma_wait3A_725 = arith.constant 0 : i32
      %dma_wait3A_726 = tpu.memref_slice %arg9[%add3A_384, %dma_wait3A_725] : memref<10240x128xf32, #tpu.memory_space<vmem_shared>> -> memref<64x128xf32, #tpu.memory_space<vmem_shared>>
      tpu.wait_dma2 semaphore(%run_scoped3A_702 : memref<!tpu.dma_semaphore, #tpu.memory_space<semaphore_mem>>) src(%dma_wait3A_726 : memref<64x128xf32, #tpu.memory_space<vmem_shared>>) dst(%dma_wait3A_724 : memref<64x128xf32, #tpu.memory_space<vmem>>)
      tpu.yield
    }) : () -> ()
    %dma_wait3A_386 = arith.constant 0 : i32
    %dma_wait3A_387 = arith.constant 4 : i32
    %dma_wait3A_388 = arith.constant 0 : i32
    %dma_wait3A_389 = arith.constant 0 : i32
    %dma_wait3A_390 = tpu.memref_slice %arg8[%dma_wait3A_386, %dma_wait3A_388, %dma_wait3A_389] : memref<4x64x128xf32, #tpu.memory_space<vmem>> -> memref<1x64x128xf32, #tpu.memory_space<vmem>>
    %dma_wait3A_391 = tpu.memref_squeeze %dma_wait3A_390 : memref<1x64x128xf32, #tpu.memory_space<vmem>> -> memref<64x128xf32, #tpu.memory_space<vmem>>
    %dma_wait3A_392 = arith.constant 0 : i32
    %dma_wait3A_393 = tpu.memref_slice %arg4[%arg0, %add3A_364, %dma_wait3A_392] : memref<2x10240x128xf32, #tpu.memory_space<hbm>> -> memref<1x64x128xf32, #tpu.memory_space<hbm>>
    %dma_wait3A_394 = tpu.memref_squeeze %dma_wait3A_393 : memref<1x64x128xf32, #tpu.memory_space<hbm>> -> memref<64x128xf32, #tpu.memory_space<hbm>>
    %dma_wait3A_395 = tpu.memref_slice %arg10[%dma_wait3A_387] : memref<5x!tpu.dma_semaphore, #tpu.memory_space<semaphore_mem>> -> memref<1x!tpu.dma_semaphore, #tpu.memory_space<semaphore_mem>>
    %dma_wait3A_396 = tpu.memref_squeeze %dma_wait3A_395 : memref<1x!tpu.dma_semaphore, #tpu.memory_space<semaphore_mem>> -> memref<!tpu.dma_semaphore, #tpu.memory_space<semaphore_mem>>
    %dma_wait3A_397 = arith.constant 0 : i32
    %dma_wait3A_398 = tpu.memref_slice %arg4[%arg0, %add3A_364, %dma_wait3A_397] : memref<2x10240x128xf32, #tpu.memory_space<hbm>> -> memref<1x64x128xf32, #tpu.memory_space<hbm>>
    %dma_wait3A_399 = tpu.memref_squeeze %dma_wait3A_398 : memref<1x64x128xf32, #tpu.memory_space<hbm>> -> memref<64x128xf32, #tpu.memory_space<hbm>>
    %dma_wait3A_400 = arith.constant 0 : i32
    %dma_wait3A_401 = arith.constant 0 : i32
    %dma_wait3A_402 = tpu.memref_slice %arg8[%dma_wait3A_386, %dma_wait3A_400, %dma_wait3A_401] : memref<4x64x128xf32, #tpu.memory_space<vmem>> -> memref<1x64x128xf32, #tpu.memory_space<vmem>>
    %dma_wait3A_403 = tpu.memref_squeeze %dma_wait3A_402 : memref<1x64x128xf32, #tpu.memory_space<vmem>> -> memref<64x128xf32, #tpu.memory_space<vmem>>
    tpu.wait_dma2 semaphore(%dma_wait3A_396 : memref<!tpu.dma_semaphore, #tpu.memory_space<semaphore_mem>>) src(%dma_wait3A_403 : memref<64x128xf32, #tpu.memory_space<vmem>>) dst(%dma_wait3A_399 : memref<64x128xf32, #tpu.memory_space<hbm>>)
    %mul3A_404 = arith.constant 640 : i32
    %mul3A_405 = arith.muli %arg1, %mul3A_404 : i32
    %add3A_406 = arith.constant 192 : i32
    %add3A_407 = arith.addi %mul3A_405, %add3A_406 : i32
    %dma_start3A_408 = arith.constant 1 : i32
    %dma_start3A_409 = arith.constant 4 : i32
    %dma_start3A_410 = arith.constant 0 : i32
    %dma_start3A_411 = arith.constant 0 : i32
    %dma_start3A_412 = tpu.memref_slice %arg8[%dma_start3A_408, %dma_start3A_410, %dma_start3A_411] : memref<4x64x128xf32, #tpu.memory_space<vmem>> -> memref<1x64x128xf32, #tpu.memory_space<vmem>>
    %dma_start3A_413 = tpu.memref_squeeze %dma_start3A_412 : memref<1x64x128xf32, #tpu.memory_space<vmem>> -> memref<64x128xf32, #tpu.memory_space<vmem>>
    %dma_start3A_414 = arith.constant 0 : i32
    %dma_start3A_415 = tpu.memref_slice %arg4[%arg0, %add3A_407, %dma_start3A_414] : memref<2x10240x128xf32, #tpu.memory_space<hbm>> -> memref<1x64x128xf32, #tpu.memory_space<hbm>>
    %dma_start3A_416 = tpu.memref_squeeze %dma_start3A_415 : memref<1x64x128xf32, #tpu.memory_space<hbm>> -> memref<64x128xf32, #tpu.memory_space<hbm>>
    %dma_start3A_417 = tpu.memref_slice %arg10[%dma_start3A_409] : memref<5x!tpu.dma_semaphore, #tpu.memory_space<semaphore_mem>> -> memref<1x!tpu.dma_semaphore, #tpu.memory_space<semaphore_mem>>
    %dma_start3A_418 = tpu.memref_squeeze %dma_start3A_417 : memref<1x!tpu.dma_semaphore, #tpu.memory_space<semaphore_mem>> -> memref<!tpu.dma_semaphore, #tpu.memory_space<semaphore_mem>>
    %dma_start3A_419 = arith.constant 0 : i32
    %dma_start3A_420 = tpu.memref_slice %arg4[%arg0, %add3A_407, %dma_start3A_419] : memref<2x10240x128xf32, #tpu.memory_space<hbm>> -> memref<1x64x128xf32, #tpu.memory_space<hbm>>
    %dma_start3A_421 = tpu.memref_squeeze %dma_start3A_420 : memref<1x64x128xf32, #tpu.memory_space<hbm>> -> memref<64x128xf32, #tpu.memory_space<hbm>>
    %dma_start3A_422 = arith.constant 0 : i32
    %dma_start3A_423 = arith.constant 0 : i32
    %dma_start3A_424 = tpu.memref_slice %arg8[%dma_start3A_408, %dma_start3A_422, %dma_start3A_423] : memref<4x64x128xf32, #tpu.memory_space<vmem>> -> memref<1x64x128xf32, #tpu.memory_space<vmem>>
    %dma_start3A_425 = tpu.memref_squeeze %dma_start3A_424 : memref<1x64x128xf32, #tpu.memory_space<vmem>> -> memref<64x128xf32, #tpu.memory_space<vmem>>
    tpu.enqueue_dma source(%dma_start3A_425 : memref<64x128xf32, #tpu.memory_space<vmem>>) target(%dma_start3A_421 : memref<64x128xf32, #tpu.memory_space<hbm>>) target_semaphore(%dma_start3A_418 : memref<!tpu.dma_semaphore, #tpu.memory_space<semaphore_mem>>)
    %add3A_426 = arith.constant 64 : i32
    %add3A_427 = arith.addi %add3A_407, %add3A_426 : i32
    %run_scoped3A_428 = arith.constant 0 : i32
    "tpu.region"() ({
      %run_scoped3A_702 = tpu.sem_alloc : memref<!tpu.dma_semaphore, #tpu.memory_space<semaphore_mem>>
      %dma_start3A_703 = arith.constant 0 : i32
      %dma_start3A_704 = arith.constant 0 : i32
      %dma_start3A_705 = tpu.memref_slice %arg8[%run_scoped3A_428, %dma_start3A_703, %dma_start3A_704] : memref<4x64x128xf32, #tpu.memory_space<vmem>> -> memref<1x64x128xf32, #tpu.memory_space<vmem>>
      %dma_start3A_706 = tpu.memref_squeeze %dma_start3A_705 : memref<1x64x128xf32, #tpu.memory_space<vmem>> -> memref<64x128xf32, #tpu.memory_space<vmem>>
      %dma_start3A_707 = arith.constant 0 : i32
      %dma_start3A_708 = tpu.memref_slice %arg9[%add3A_427, %dma_start3A_707] : memref<10240x128xf32, #tpu.memory_space<vmem_shared>> -> memref<64x128xf32, #tpu.memory_space<vmem_shared>>
      %dma_start3A_709 = arith.constant 0 : i32
      %dma_start3A_710 = arith.constant 0 : i32
      %dma_start3A_711 = tpu.memref_slice %arg8[%run_scoped3A_428, %dma_start3A_709, %dma_start3A_710] : memref<4x64x128xf32, #tpu.memory_space<vmem>> -> memref<1x64x128xf32, #tpu.memory_space<vmem>>
      %dma_start3A_712 = tpu.memref_squeeze %dma_start3A_711 : memref<1x64x128xf32, #tpu.memory_space<vmem>> -> memref<64x128xf32, #tpu.memory_space<vmem>>
      %dma_start3A_713 = arith.constant 0 : i32
      %dma_start3A_714 = tpu.memref_slice %arg9[%add3A_427, %dma_start3A_713] : memref<10240x128xf32, #tpu.memory_space<vmem_shared>> -> memref<64x128xf32, #tpu.memory_space<vmem_shared>>
      tpu.enqueue_dma source(%dma_start3A_714 : memref<64x128xf32, #tpu.memory_space<vmem_shared>>) target(%dma_start3A_712 : memref<64x128xf32, #tpu.memory_space<vmem>>) target_semaphore(%run_scoped3A_702 : memref<!tpu.dma_semaphore, #tpu.memory_space<semaphore_mem>>)
      %dma_wait3A_715 = arith.constant 0 : i32
      %dma_wait3A_716 = arith.constant 0 : i32
      %dma_wait3A_717 = tpu.memref_slice %arg8[%run_scoped3A_428, %dma_wait3A_715, %dma_wait3A_716] : memref<4x64x128xf32, #tpu.memory_space<vmem>> -> memref<1x64x128xf32, #tpu.memory_space<vmem>>
      %dma_wait3A_718 = tpu.memref_squeeze %dma_wait3A_717 : memref<1x64x128xf32, #tpu.memory_space<vmem>> -> memref<64x128xf32, #tpu.memory_space<vmem>>
      %dma_wait3A_719 = arith.constant 0 : i32
      %dma_wait3A_720 = tpu.memref_slice %arg9[%add3A_427, %dma_wait3A_719] : memref<10240x128xf32, #tpu.memory_space<vmem_shared>> -> memref<64x128xf32, #tpu.memory_space<vmem_shared>>
      %dma_wait3A_721 = arith.constant 0 : i32
      %dma_wait3A_722 = arith.constant 0 : i32
      %dma_wait3A_723 = tpu.memref_slice %arg8[%run_scoped3A_428, %dma_wait3A_721, %dma_wait3A_722] : memref<4x64x128xf32, #tpu.memory_space<vmem>> -> memref<1x64x128xf32, #tpu.memory_space<vmem>>
      %dma_wait3A_724 = tpu.memref_squeeze %dma_wait3A_723 : memref<1x64x128xf32, #tpu.memory_space<vmem>> -> memref<64x128xf32, #tpu.memory_space<vmem>>
      %dma_wait3A_725 = arith.constant 0 : i32
      %dma_wait3A_726 = tpu.memref_slice %arg9[%add3A_427, %dma_wait3A_725] : memref<10240x128xf32, #tpu.memory_space<vmem_shared>> -> memref<64x128xf32, #tpu.memory_space<vmem_shared>>
      tpu.wait_dma2 semaphore(%run_scoped3A_702 : memref<!tpu.dma_semaphore, #tpu.memory_space<semaphore_mem>>) src(%dma_wait3A_726 : memref<64x128xf32, #tpu.memory_space<vmem_shared>>) dst(%dma_wait3A_724 : memref<64x128xf32, #tpu.memory_space<vmem>>)
      tpu.yield
    }) : () -> ()
    %dma_wait3A_429 = arith.constant 1 : i32
    %dma_wait3A_430 = arith.constant 4 : i32
    %dma_wait3A_431 = arith.constant 0 : i32
    %dma_wait3A_432 = arith.constant 0 : i32
    %dma_wait3A_433 = tpu.memref_slice %arg8[%dma_wait3A_429, %dma_wait3A_431, %dma_wait3A_432] : memref<4x64x128xf32, #tpu.memory_space<vmem>> -> memref<1x64x128xf32, #tpu.memory_space<vmem>>
    %dma_wait3A_434 = tpu.memref_squeeze %dma_wait3A_433 : memref<1x64x128xf32, #tpu.memory_space<vmem>> -> memref<64x128xf32, #tpu.memory_space<vmem>>
    %dma_wait3A_435 = arith.constant 0 : i32
    %dma_wait3A_436 = tpu.memref_slice %arg4[%arg0, %add3A_407, %dma_wait3A_435] : memref<2x10240x128xf32, #tpu.memory_space<hbm>> -> memref<1x64x128xf32, #tpu.memory_space<hbm>>
    %dma_wait3A_437 = tpu.memref_squeeze %dma_wait3A_436 : memref<1x64x128xf32, #tpu.memory_space<hbm>> -> memref<64x128xf32, #tpu.memory_space<hbm>>
    %dma_wait3A_438 = tpu.memref_slice %arg10[%dma_wait3A_430] : memref<5x!tpu.dma_semaphore, #tpu.memory_space<semaphore_mem>> -> memref<1x!tpu.dma_semaphore, #tpu.memory_space<semaphore_mem>>
    %dma_wait3A_439 = tpu.memref_squeeze %dma_wait3A_438 : memref<1x!tpu.dma_semaphore, #tpu.memory_space<semaphore_mem>> -> memref<!tpu.dma_semaphore, #tpu.memory_space<semaphore_mem>>
    %dma_wait3A_440 = arith.constant 0 : i32
    %dma_wait3A_441 = tpu.memref_slice %arg4[%arg0, %add3A_407, %dma_wait3A_440] : memref<2x10240x128xf32, #tpu.memory_space<hbm>> -> memref<1x64x128xf32, #tpu.memory_space<hbm>>
    %dma_wait3A_442 = tpu.memref_squeeze %dma_wait3A_441 : memref<1x64x128xf32, #tpu.memory_space<hbm>> -> memref<64x128xf32, #tpu.memory_space<hbm>>
    %dma_wait3A_443 = arith.constant 0 : i32
    %dma_wait3A_444 = arith.constant 0 : i32
    %dma_wait3A_445 = tpu.memref_slice %arg8[%dma_wait3A_429, %dma_wait3A_443, %dma_wait3A_444] : memref<4x64x128xf32, #tpu.memory_space<vmem>> -> memref<1x64x128xf32, #tpu.memory_space<vmem>>
    %dma_wait3A_446 = tpu.memref_squeeze %dma_wait3A_445 : memref<1x64x128xf32, #tpu.memory_space<vmem>> -> memref<64x128xf32, #tpu.memory_space<vmem>>
    tpu.wait_dma2 semaphore(%dma_wait3A_439 : memref<!tpu.dma_semaphore, #tpu.memory_space<semaphore_mem>>) src(%dma_wait3A_446 : memref<64x128xf32, #tpu.memory_space<vmem>>) dst(%dma_wait3A_442 : memref<64x128xf32, #tpu.memory_space<hbm>>)
    %mul3A_447 = arith.constant 640 : i32
    %mul3A_448 = arith.muli %arg1, %mul3A_447 : i32
    %add3A_449 = arith.constant 256 : i32
    %add3A_450 = arith.addi %mul3A_448, %add3A_449 : i32
    %dma_start3A_451 = arith.constant 0 : i32
    %dma_start3A_452 = arith.constant 4 : i32
    %dma_start3A_453 = arith.constant 0 : i32
    %dma_start3A_454 = arith.constant 0 : i32
    %dma_start3A_455 = tpu.memref_slice %arg8[%dma_start3A_451, %dma_start3A_453, %dma_start3A_454] : memref<4x64x128xf32, #tpu.memory_space<vmem>> -> memref<1x64x128xf32, #tpu.memory_space<vmem>>
    %dma_start3A_456 = tpu.memref_squeeze %dma_start3A_455 : memref<1x64x128xf32, #tpu.memory_space<vmem>> -> memref<64x128xf32, #tpu.memory_space<vmem>>
    %dma_start3A_457 = arith.constant 0 : i32
    %dma_start3A_458 = tpu.memref_slice %arg4[%arg0, %add3A_450, %dma_start3A_457] : memref<2x10240x128xf32, #tpu.memory_space<hbm>> -> memref<1x64x128xf32, #tpu.memory_space<hbm>>
    %dma_start3A_459 = tpu.memref_squeeze %dma_start3A_458 : memref<1x64x128xf32, #tpu.memory_space<hbm>> -> memref<64x128xf32, #tpu.memory_space<hbm>>
    %dma_start3A_460 = tpu.memref_slice %arg10[%dma_start3A_452] : memref<5x!tpu.dma_semaphore, #tpu.memory_space<semaphore_mem>> -> memref<1x!tpu.dma_semaphore, #tpu.memory_space<semaphore_mem>>
    %dma_start3A_461 = tpu.memref_squeeze %dma_start3A_460 : memref<1x!tpu.dma_semaphore, #tpu.memory_space<semaphore_mem>> -> memref<!tpu.dma_semaphore, #tpu.memory_space<semaphore_mem>>
    %dma_start3A_462 = arith.constant 0 : i32
    %dma_start3A_463 = tpu.memref_slice %arg4[%arg0, %add3A_450, %dma_start3A_462] : memref<2x10240x128xf32, #tpu.memory_space<hbm>> -> memref<1x64x128xf32, #tpu.memory_space<hbm>>
    %dma_start3A_464 = tpu.memref_squeeze %dma_start3A_463 : memref<1x64x128xf32, #tpu.memory_space<hbm>> -> memref<64x128xf32, #tpu.memory_space<hbm>>
    %dma_start3A_465 = arith.constant 0 : i32
    %dma_start3A_466 = arith.constant 0 : i32
    %dma_start3A_467 = tpu.memref_slice %arg8[%dma_start3A_451, %dma_start3A_465, %dma_start3A_466] : memref<4x64x128xf32, #tpu.memory_space<vmem>> -> memref<1x64x128xf32, #tpu.memory_space<vmem>>
    %dma_start3A_468 = tpu.memref_squeeze %dma_start3A_467 : memref<1x64x128xf32, #tpu.memory_space<vmem>> -> memref<64x128xf32, #tpu.memory_space<vmem>>
    tpu.enqueue_dma source(%dma_start3A_468 : memref<64x128xf32, #tpu.memory_space<vmem>>) target(%dma_start3A_464 : memref<64x128xf32, #tpu.memory_space<hbm>>) target_semaphore(%dma_start3A_461 : memref<!tpu.dma_semaphore, #tpu.memory_space<semaphore_mem>>)
    %add3A_469 = arith.constant 64 : i32
    %add3A_470 = arith.addi %add3A_450, %add3A_469 : i32
    %run_scoped3A_471 = arith.constant 1 : i32
    "tpu.region"() ({
      %run_scoped3A_702 = tpu.sem_alloc : memref<!tpu.dma_semaphore, #tpu.memory_space<semaphore_mem>>
      %dma_start3A_703 = arith.constant 0 : i32
      %dma_start3A_704 = arith.constant 0 : i32
      %dma_start3A_705 = tpu.memref_slice %arg8[%run_scoped3A_471, %dma_start3A_703, %dma_start3A_704] : memref<4x64x128xf32, #tpu.memory_space<vmem>> -> memref<1x64x128xf32, #tpu.memory_space<vmem>>
      %dma_start3A_706 = tpu.memref_squeeze %dma_start3A_705 : memref<1x64x128xf32, #tpu.memory_space<vmem>> -> memref<64x128xf32, #tpu.memory_space<vmem>>
      %dma_start3A_707 = arith.constant 0 : i32
      %dma_start3A_708 = tpu.memref_slice %arg9[%add3A_470, %dma_start3A_707] : memref<10240x128xf32, #tpu.memory_space<vmem_shared>> -> memref<64x128xf32, #tpu.memory_space<vmem_shared>>
      %dma_start3A_709 = arith.constant 0 : i32
      %dma_start3A_710 = arith.constant 0 : i32
      %dma_start3A_711 = tpu.memref_slice %arg8[%run_scoped3A_471, %dma_start3A_709, %dma_start3A_710] : memref<4x64x128xf32, #tpu.memory_space<vmem>> -> memref<1x64x128xf32, #tpu.memory_space<vmem>>
      %dma_start3A_712 = tpu.memref_squeeze %dma_start3A_711 : memref<1x64x128xf32, #tpu.memory_space<vmem>> -> memref<64x128xf32, #tpu.memory_space<vmem>>
      %dma_start3A_713 = arith.constant 0 : i32
      %dma_start3A_714 = tpu.memref_slice %arg9[%add3A_470, %dma_start3A_713] : memref<10240x128xf32, #tpu.memory_space<vmem_shared>> -> memref<64x128xf32, #tpu.memory_space<vmem_shared>>
      tpu.enqueue_dma source(%dma_start3A_714 : memref<64x128xf32, #tpu.memory_space<vmem_shared>>) target(%dma_start3A_712 : memref<64x128xf32, #tpu.memory_space<vmem>>) target_semaphore(%run_scoped3A_702 : memref<!tpu.dma_semaphore, #tpu.memory_space<semaphore_mem>>)
      %dma_wait3A_715 = arith.constant 0 : i32
      %dma_wait3A_716 = arith.constant 0 : i32
      %dma_wait3A_717 = tpu.memref_slice %arg8[%run_scoped3A_471, %dma_wait3A_715, %dma_wait3A_716] : memref<4x64x128xf32, #tpu.memory_space<vmem>> -> memref<1x64x128xf32, #tpu.memory_space<vmem>>
      %dma_wait3A_718 = tpu.memref_squeeze %dma_wait3A_717 : memref<1x64x128xf32, #tpu.memory_space<vmem>> -> memref<64x128xf32, #tpu.memory_space<vmem>>
      %dma_wait3A_719 = arith.constant 0 : i32
      %dma_wait3A_720 = tpu.memref_slice %arg9[%add3A_470, %dma_wait3A_719] : memref<10240x128xf32, #tpu.memory_space<vmem_shared>> -> memref<64x128xf32, #tpu.memory_space<vmem_shared>>
      %dma_wait3A_721 = arith.constant 0 : i32
      %dma_wait3A_722 = arith.constant 0 : i32
      %dma_wait3A_723 = tpu.memref_slice %arg8[%run_scoped3A_471, %dma_wait3A_721, %dma_wait3A_722] : memref<4x64x128xf32, #tpu.memory_space<vmem>> -> memref<1x64x128xf32, #tpu.memory_space<vmem>>
      %dma_wait3A_724 = tpu.memref_squeeze %dma_wait3A_723 : memref<1x64x128xf32, #tpu.memory_space<vmem>> -> memref<64x128xf32, #tpu.memory_space<vmem>>
      %dma_wait3A_725 = arith.constant 0 : i32
      %dma_wait3A_726 = tpu.memref_slice %arg9[%add3A_470, %dma_wait3A_725] : memref<10240x128xf32, #tpu.memory_space<vmem_shared>> -> memref<64x128xf32, #tpu.memory_space<vmem_shared>>
      tpu.wait_dma2 semaphore(%run_scoped3A_702 : memref<!tpu.dma_semaphore, #tpu.memory_space<semaphore_mem>>) src(%dma_wait3A_726 : memref<64x128xf32, #tpu.memory_space<vmem_shared>>) dst(%dma_wait3A_724 : memref<64x128xf32, #tpu.memory_space<vmem>>)
      tpu.yield
    }) : () -> ()
    %dma_wait3A_472 = arith.constant 0 : i32
    %dma_wait3A_473 = arith.constant 4 : i32
    %dma_wait3A_474 = arith.constant 0 : i32
    %dma_wait3A_475 = arith.constant 0 : i32
    %dma_wait3A_476 = tpu.memref_slice %arg8[%dma_wait3A_472, %dma_wait3A_474, %dma_wait3A_475] : memref<4x64x128xf32, #tpu.memory_space<vmem>> -> memref<1x64x128xf32, #tpu.memory_space<vmem>>
    %dma_wait3A_477 = tpu.memref_squeeze %dma_wait3A_476 : memref<1x64x128xf32, #tpu.memory_space<vmem>> -> memref<64x128xf32, #tpu.memory_space<vmem>>
    %dma_wait3A_478 = arith.constant 0 : i32
    %dma_wait3A_479 = tpu.memref_slice %arg4[%arg0, %add3A_450, %dma_wait3A_478] : memref<2x10240x128xf32, #tpu.memory_space<hbm>> -> memref<1x64x128xf32, #tpu.memory_space<hbm>>
    %dma_wait3A_480 = tpu.memref_squeeze %dma_wait3A_479 : memref<1x64x128xf32, #tpu.memory_space<hbm>> -> memref<64x128xf32, #tpu.memory_space<hbm>>
    %dma_wait3A_481 = tpu.memref_slice %arg10[%dma_wait3A_473] : memref<5x!tpu.dma_semaphore, #tpu.memory_space<semaphore_mem>> -> memref<1x!tpu.dma_semaphore, #tpu.memory_space<semaphore_mem>>
    %dma_wait3A_482 = tpu.memref_squeeze %dma_wait3A_481 : memref<1x!tpu.dma_semaphore, #tpu.memory_space<semaphore_mem>> -> memref<!tpu.dma_semaphore, #tpu.memory_space<semaphore_mem>>
    %dma_wait3A_483 = arith.constant 0 : i32
    %dma_wait3A_484 = tpu.memref_slice %arg4[%arg0, %add3A_450, %dma_wait3A_483] : memref<2x10240x128xf32, #tpu.memory_space<hbm>> -> memref<1x64x128xf32, #tpu.memory_space<hbm>>
    %dma_wait3A_485 = tpu.memref_squeeze %dma_wait3A_484 : memref<1x64x128xf32, #tpu.memory_space<hbm>> -> memref<64x128xf32, #tpu.memory_space<hbm>>
    %dma_wait3A_486 = arith.constant 0 : i32
    %dma_wait3A_487 = arith.constant 0 : i32
    %dma_wait3A_488 = tpu.memref_slice %arg8[%dma_wait3A_472, %dma_wait3A_486, %dma_wait3A_487] : memref<4x64x128xf32, #tpu.memory_space<vmem>> -> memref<1x64x128xf32, #tpu.memory_space<vmem>>
    %dma_wait3A_489 = tpu.memref_squeeze %dma_wait3A_488 : memref<1x64x128xf32, #tpu.memory_space<vmem>> -> memref<64x128xf32, #tpu.memory_space<vmem>>
    tpu.wait_dma2 semaphore(%dma_wait3A_482 : memref<!tpu.dma_semaphore, #tpu.memory_space<semaphore_mem>>) src(%dma_wait3A_489 : memref<64x128xf32, #tpu.memory_space<vmem>>) dst(%dma_wait3A_485 : memref<64x128xf32, #tpu.memory_space<hbm>>)
    %mul3A_490 = arith.constant 640 : i32
    %mul3A_491 = arith.muli %arg1, %mul3A_490 : i32
    %add3A_492 = arith.constant 320 : i32
    %add3A_493 = arith.addi %mul3A_491, %add3A_492 : i32
    %dma_start3A_494 = arith.constant 1 : i32
    %dma_start3A_495 = arith.constant 4 : i32
    %dma_start3A_496 = arith.constant 0 : i32
    %dma_start3A_497 = arith.constant 0 : i32
    %dma_start3A_498 = tpu.memref_slice %arg8[%dma_start3A_494, %dma_start3A_496, %dma_start3A_497] : memref<4x64x128xf32, #tpu.memory_space<vmem>> -> memref<1x64x128xf32, #tpu.memory_space<vmem>>
    %dma_start3A_499 = tpu.memref_squeeze %dma_start3A_498 : memref<1x64x128xf32, #tpu.memory_space<vmem>> -> memref<64x128xf32, #tpu.memory_space<vmem>>
    %dma_start3A_500 = arith.constant 0 : i32
    %dma_start3A_501 = tpu.memref_slice %arg4[%arg0, %add3A_493, %dma_start3A_500] : memref<2x10240x128xf32, #tpu.memory_space<hbm>> -> memref<1x64x128xf32, #tpu.memory_space<hbm>>
    %dma_start3A_502 = tpu.memref_squeeze %dma_start3A_501 : memref<1x64x128xf32, #tpu.memory_space<hbm>> -> memref<64x128xf32, #tpu.memory_space<hbm>>
    %dma_start3A_503 = tpu.memref_slice %arg10[%dma_start3A_495] : memref<5x!tpu.dma_semaphore, #tpu.memory_space<semaphore_mem>> -> memref<1x!tpu.dma_semaphore, #tpu.memory_space<semaphore_mem>>
    %dma_start3A_504 = tpu.memref_squeeze %dma_start3A_503 : memref<1x!tpu.dma_semaphore, #tpu.memory_space<semaphore_mem>> -> memref<!tpu.dma_semaphore, #tpu.memory_space<semaphore_mem>>
    %dma_start3A_505 = arith.constant 0 : i32
    %dma_start3A_506 = tpu.memref_slice %arg4[%arg0, %add3A_493, %dma_start3A_505] : memref<2x10240x128xf32, #tpu.memory_space<hbm>> -> memref<1x64x128xf32, #tpu.memory_space<hbm>>
    %dma_start3A_507 = tpu.memref_squeeze %dma_start3A_506 : memref<1x64x128xf32, #tpu.memory_space<hbm>> -> memref<64x128xf32, #tpu.memory_space<hbm>>
    %dma_start3A_508 = arith.constant 0 : i32
    %dma_start3A_509 = arith.constant 0 : i32
    %dma_start3A_510 = tpu.memref_slice %arg8[%dma_start3A_494, %dma_start3A_508, %dma_start3A_509] : memref<4x64x128xf32, #tpu.memory_space<vmem>> -> memref<1x64x128xf32, #tpu.memory_space<vmem>>
    %dma_start3A_511 = tpu.memref_squeeze %dma_start3A_510 : memref<1x64x128xf32, #tpu.memory_space<vmem>> -> memref<64x128xf32, #tpu.memory_space<vmem>>
    tpu.enqueue_dma source(%dma_start3A_511 : memref<64x128xf32, #tpu.memory_space<vmem>>) target(%dma_start3A_507 : memref<64x128xf32, #tpu.memory_space<hbm>>) target_semaphore(%dma_start3A_504 : memref<!tpu.dma_semaphore, #tpu.memory_space<semaphore_mem>>)
    %add3A_512 = arith.constant 64 : i32
    %add3A_513 = arith.addi %add3A_493, %add3A_512 : i32
    %run_scoped3A_514 = arith.constant 0 : i32
    "tpu.region"() ({
      %run_scoped3A_702 = tpu.sem_alloc : memref<!tpu.dma_semaphore, #tpu.memory_space<semaphore_mem>>
      %dma_start3A_703 = arith.constant 0 : i32
      %dma_start3A_704 = arith.constant 0 : i32
      %dma_start3A_705 = tpu.memref_slice %arg8[%run_scoped3A_514, %dma_start3A_703, %dma_start3A_704] : memref<4x64x128xf32, #tpu.memory_space<vmem>> -> memref<1x64x128xf32, #tpu.memory_space<vmem>>
      %dma_start3A_706 = tpu.memref_squeeze %dma_start3A_705 : memref<1x64x128xf32, #tpu.memory_space<vmem>> -> memref<64x128xf32, #tpu.memory_space<vmem>>
      %dma_start3A_707 = arith.constant 0 : i32
      %dma_start3A_708 = tpu.memref_slice %arg9[%add3A_513, %dma_start3A_707] : memref<10240x128xf32, #tpu.memory_space<vmem_shared>> -> memref<64x128xf32, #tpu.memory_space<vmem_shared>>
      %dma_start3A_709 = arith.constant 0 : i32
      %dma_start3A_710 = arith.constant 0 : i32
      %dma_start3A_711 = tpu.memref_slice %arg8[%run_scoped3A_514, %dma_start3A_709, %dma_start3A_710] : memref<4x64x128xf32, #tpu.memory_space<vmem>> -> memref<1x64x128xf32, #tpu.memory_space<vmem>>
      %dma_start3A_712 = tpu.memref_squeeze %dma_start3A_711 : memref<1x64x128xf32, #tpu.memory_space<vmem>> -> memref<64x128xf32, #tpu.memory_space<vmem>>
      %dma_start3A_713 = arith.constant 0 : i32
      %dma_start3A_714 = tpu.memref_slice %arg9[%add3A_513, %dma_start3A_713] : memref<10240x128xf32, #tpu.memory_space<vmem_shared>> -> memref<64x128xf32, #tpu.memory_space<vmem_shared>>
      tpu.enqueue_dma source(%dma_start3A_714 : memref<64x128xf32, #tpu.memory_space<vmem_shared>>) target(%dma_start3A_712 : memref<64x128xf32, #tpu.memory_space<vmem>>) target_semaphore(%run_scoped3A_702 : memref<!tpu.dma_semaphore, #tpu.memory_space<semaphore_mem>>)
      %dma_wait3A_715 = arith.constant 0 : i32
      %dma_wait3A_716 = arith.constant 0 : i32
      %dma_wait3A_717 = tpu.memref_slice %arg8[%run_scoped3A_514, %dma_wait3A_715, %dma_wait3A_716] : memref<4x64x128xf32, #tpu.memory_space<vmem>> -> memref<1x64x128xf32, #tpu.memory_space<vmem>>
      %dma_wait3A_718 = tpu.memref_squeeze %dma_wait3A_717 : memref<1x64x128xf32, #tpu.memory_space<vmem>> -> memref<64x128xf32, #tpu.memory_space<vmem>>
      %dma_wait3A_719 = arith.constant 0 : i32
      %dma_wait3A_720 = tpu.memref_slice %arg9[%add3A_513, %dma_wait3A_719] : memref<10240x128xf32, #tpu.memory_space<vmem_shared>> -> memref<64x128xf32, #tpu.memory_space<vmem_shared>>
      %dma_wait3A_721 = arith.constant 0 : i32
      %dma_wait3A_722 = arith.constant 0 : i32
      %dma_wait3A_723 = tpu.memref_slice %arg8[%run_scoped3A_514, %dma_wait3A_721, %dma_wait3A_722] : memref<4x64x128xf32, #tpu.memory_space<vmem>> -> memref<1x64x128xf32, #tpu.memory_space<vmem>>
      %dma_wait3A_724 = tpu.memref_squeeze %dma_wait3A_723 : memref<1x64x128xf32, #tpu.memory_space<vmem>> -> memref<64x128xf32, #tpu.memory_space<vmem>>
      %dma_wait3A_725 = arith.constant 0 : i32
      %dma_wait3A_726 = tpu.memref_slice %arg9[%add3A_513, %dma_wait3A_725] : memref<10240x128xf32, #tpu.memory_space<vmem_shared>> -> memref<64x128xf32, #tpu.memory_space<vmem_shared>>
      tpu.wait_dma2 semaphore(%run_scoped3A_702 : memref<!tpu.dma_semaphore, #tpu.memory_space<semaphore_mem>>) src(%dma_wait3A_726 : memref<64x128xf32, #tpu.memory_space<vmem_shared>>) dst(%dma_wait3A_724 : memref<64x128xf32, #tpu.memory_space<vmem>>)
      tpu.yield
    }) : () -> ()
    %dma_wait3A_515 = arith.constant 1 : i32
    %dma_wait3A_516 = arith.constant 4 : i32
    %dma_wait3A_517 = arith.constant 0 : i32
    %dma_wait3A_518 = arith.constant 0 : i32
    %dma_wait3A_519 = tpu.memref_slice %arg8[%dma_wait3A_515, %dma_wait3A_517, %dma_wait3A_518] : memref<4x64x128xf32, #tpu.memory_space<vmem>> -> memref<1x64x128xf32, #tpu.memory_space<vmem>>
    %dma_wait3A_520 = tpu.memref_squeeze %dma_wait3A_519 : memref<1x64x128xf32, #tpu.memory_space<vmem>> -> memref<64x128xf32, #tpu.memory_space<vmem>>
    %dma_wait3A_521 = arith.constant 0 : i32
    %dma_wait3A_522 = tpu.memref_slice %arg4[%arg0, %add3A_493, %dma_wait3A_521] : memref<2x10240x128xf32, #tpu.memory_space<hbm>> -> memref<1x64x128xf32, #tpu.memory_space<hbm>>
    %dma_wait3A_523 = tpu.memref_squeeze %dma_wait3A_522 : memref<1x64x128xf32, #tpu.memory_space<hbm>> -> memref<64x128xf32, #tpu.memory_space<hbm>>
    %dma_wait3A_524 = tpu.memref_slice %arg10[%dma_wait3A_516] : memref<5x!tpu.dma_semaphore, #tpu.memory_space<semaphore_mem>> -> memref<1x!tpu.dma_semaphore, #tpu.memory_space<semaphore_mem>>
    %dma_wait3A_525 = tpu.memref_squeeze %dma_wait3A_524 : memref<1x!tpu.dma_semaphore, #tpu.memory_space<semaphore_mem>> -> memref<!tpu.dma_semaphore, #tpu.memory_space<semaphore_mem>>
    %dma_wait3A_526 = arith.constant 0 : i32
    %dma_wait3A_527 = tpu.memref_slice %arg4[%arg0, %add3A_493, %dma_wait3A_526] : memref<2x10240x128xf32, #tpu.memory_space<hbm>> -> memref<1x64x128xf32, #tpu.memory_space<hbm>>
    %dma_wait3A_528 = tpu.memref_squeeze %dma_wait3A_527 : memref<1x64x128xf32, #tpu.memory_space<hbm>> -> memref<64x128xf32, #tpu.memory_space<hbm>>
    %dma_wait3A_529 = arith.constant 0 : i32
    %dma_wait3A_530 = arith.constant 0 : i32
    %dma_wait3A_531 = tpu.memref_slice %arg8[%dma_wait3A_515, %dma_wait3A_529, %dma_wait3A_530] : memref<4x64x128xf32, #tpu.memory_space<vmem>> -> memref<1x64x128xf32, #tpu.memory_space<vmem>>
    %dma_wait3A_532 = tpu.memref_squeeze %dma_wait3A_531 : memref<1x64x128xf32, #tpu.memory_space<vmem>> -> memref<64x128xf32, #tpu.memory_space<vmem>>
    tpu.wait_dma2 semaphore(%dma_wait3A_525 : memref<!tpu.dma_semaphore, #tpu.memory_space<semaphore_mem>>) src(%dma_wait3A_532 : memref<64x128xf32, #tpu.memory_space<vmem>>) dst(%dma_wait3A_528 : memref<64x128xf32, #tpu.memory_space<hbm>>)
    %mul3A_533 = arith.constant 640 : i32
    %mul3A_534 = arith.muli %arg1, %mul3A_533 : i32
    %add3A_535 = arith.constant 384 : i32
    %add3A_536 = arith.addi %mul3A_534, %add3A_535 : i32
    %dma_start3A_537 = arith.constant 0 : i32
    %dma_start3A_538 = arith.constant 4 : i32
    %dma_start3A_539 = arith.constant 0 : i32
    %dma_start3A_540 = arith.constant 0 : i32
    %dma_start3A_541 = tpu.memref_slice %arg8[%dma_start3A_537, %dma_start3A_539, %dma_start3A_540] : memref<4x64x128xf32, #tpu.memory_space<vmem>> -> memref<1x64x128xf32, #tpu.memory_space<vmem>>
    %dma_start3A_542 = tpu.memref_squeeze %dma_start3A_541 : memref<1x64x128xf32, #tpu.memory_space<vmem>> -> memref<64x128xf32, #tpu.memory_space<vmem>>
    %dma_start3A_543 = arith.constant 0 : i32
    %dma_start3A_544 = tpu.memref_slice %arg4[%arg0, %add3A_536, %dma_start3A_543] : memref<2x10240x128xf32, #tpu.memory_space<hbm>> -> memref<1x64x128xf32, #tpu.memory_space<hbm>>
    %dma_start3A_545 = tpu.memref_squeeze %dma_start3A_544 : memref<1x64x128xf32, #tpu.memory_space<hbm>> -> memref<64x128xf32, #tpu.memory_space<hbm>>
    %dma_start3A_546 = tpu.memref_slice %arg10[%dma_start3A_538] : memref<5x!tpu.dma_semaphore, #tpu.memory_space<semaphore_mem>> -> memref<1x!tpu.dma_semaphore, #tpu.memory_space<semaphore_mem>>
    %dma_start3A_547 = tpu.memref_squeeze %dma_start3A_546 : memref<1x!tpu.dma_semaphore, #tpu.memory_space<semaphore_mem>> -> memref<!tpu.dma_semaphore, #tpu.memory_space<semaphore_mem>>
    %dma_start3A_548 = arith.constant 0 : i32
    %dma_start3A_549 = tpu.memref_slice %arg4[%arg0, %add3A_536, %dma_start3A_548] : memref<2x10240x128xf32, #tpu.memory_space<hbm>> -> memref<1x64x128xf32, #tpu.memory_space<hbm>>
    %dma_start3A_550 = tpu.memref_squeeze %dma_start3A_549 : memref<1x64x128xf32, #tpu.memory_space<hbm>> -> memref<64x128xf32, #tpu.memory_space<hbm>>
    %dma_start3A_551 = arith.constant 0 : i32
    %dma_start3A_552 = arith.constant 0 : i32
    %dma_start3A_553 = tpu.memref_slice %arg8[%dma_start3A_537, %dma_start3A_551, %dma_start3A_552] : memref<4x64x128xf32, #tpu.memory_space<vmem>> -> memref<1x64x128xf32, #tpu.memory_space<vmem>>
    %dma_start3A_554 = tpu.memref_squeeze %dma_start3A_553 : memref<1x64x128xf32, #tpu.memory_space<vmem>> -> memref<64x128xf32, #tpu.memory_space<vmem>>
    tpu.enqueue_dma source(%dma_start3A_554 : memref<64x128xf32, #tpu.memory_space<vmem>>) target(%dma_start3A_550 : memref<64x128xf32, #tpu.memory_space<hbm>>) target_semaphore(%dma_start3A_547 : memref<!tpu.dma_semaphore, #tpu.memory_space<semaphore_mem>>)
    %add3A_555 = arith.constant 64 : i32
    %add3A_556 = arith.addi %add3A_536, %add3A_555 : i32
    %run_scoped3A_557 = arith.constant 1 : i32
    "tpu.region"() ({
      %run_scoped3A_702 = tpu.sem_alloc : memref<!tpu.dma_semaphore, #tpu.memory_space<semaphore_mem>>
      %dma_start3A_703 = arith.constant 0 : i32
      %dma_start3A_704 = arith.constant 0 : i32
      %dma_start3A_705 = tpu.memref_slice %arg8[%run_scoped3A_557, %dma_start3A_703, %dma_start3A_704] : memref<4x64x128xf32, #tpu.memory_space<vmem>> -> memref<1x64x128xf32, #tpu.memory_space<vmem>>
      %dma_start3A_706 = tpu.memref_squeeze %dma_start3A_705 : memref<1x64x128xf32, #tpu.memory_space<vmem>> -> memref<64x128xf32, #tpu.memory_space<vmem>>
      %dma_start3A_707 = arith.constant 0 : i32
      %dma_start3A_708 = tpu.memref_slice %arg9[%add3A_556, %dma_start3A_707] : memref<10240x128xf32, #tpu.memory_space<vmem_shared>> -> memref<64x128xf32, #tpu.memory_space<vmem_shared>>
      %dma_start3A_709 = arith.constant 0 : i32
      %dma_start3A_710 = arith.constant 0 : i32
      %dma_start3A_711 = tpu.memref_slice %arg8[%run_scoped3A_557, %dma_start3A_709, %dma_start3A_710] : memref<4x64x128xf32, #tpu.memory_space<vmem>> -> memref<1x64x128xf32, #tpu.memory_space<vmem>>
      %dma_start3A_712 = tpu.memref_squeeze %dma_start3A_711 : memref<1x64x128xf32, #tpu.memory_space<vmem>> -> memref<64x128xf32, #tpu.memory_space<vmem>>
      %dma_start3A_713 = arith.constant 0 : i32
      %dma_start3A_714 = tpu.memref_slice %arg9[%add3A_556, %dma_start3A_713] : memref<10240x128xf32, #tpu.memory_space<vmem_shared>> -> memref<64x128xf32, #tpu.memory_space<vmem_shared>>
      tpu.enqueue_dma source(%dma_start3A_714 : memref<64x128xf32, #tpu.memory_space<vmem_shared>>) target(%dma_start3A_712 : memref<64x128xf32, #tpu.memory_space<vmem>>) target_semaphore(%run_scoped3A_702 : memref<!tpu.dma_semaphore, #tpu.memory_space<semaphore_mem>>)
      %dma_wait3A_715 = arith.constant 0 : i32
      %dma_wait3A_716 = arith.constant 0 : i32
      %dma_wait3A_717 = tpu.memref_slice %arg8[%run_scoped3A_557, %dma_wait3A_715, %dma_wait3A_716] : memref<4x64x128xf32, #tpu.memory_space<vmem>> -> memref<1x64x128xf32, #tpu.memory_space<vmem>>
      %dma_wait3A_718 = tpu.memref_squeeze %dma_wait3A_717 : memref<1x64x128xf32, #tpu.memory_space<vmem>> -> memref<64x128xf32, #tpu.memory_space<vmem>>
      %dma_wait3A_719 = arith.constant 0 : i32
      %dma_wait3A_720 = tpu.memref_slice %arg9[%add3A_556, %dma_wait3A_719] : memref<10240x128xf32, #tpu.memory_space<vmem_shared>> -> memref<64x128xf32, #tpu.memory_space<vmem_shared>>
      %dma_wait3A_721 = arith.constant 0 : i32
      %dma_wait3A_722 = arith.constant 0 : i32
      %dma_wait3A_723 = tpu.memref_slice %arg8[%run_scoped3A_557, %dma_wait3A_721, %dma_wait3A_722] : memref<4x64x128xf32, #tpu.memory_space<vmem>> -> memref<1x64x128xf32, #tpu.memory_space<vmem>>
      %dma_wait3A_724 = tpu.memref_squeeze %dma_wait3A_723 : memref<1x64x128xf32, #tpu.memory_space<vmem>> -> memref<64x128xf32, #tpu.memory_space<vmem>>
      %dma_wait3A_725 = arith.constant 0 : i32
      %dma_wait3A_726 = tpu.memref_slice %arg9[%add3A_556, %dma_wait3A_725] : memref<10240x128xf32, #tpu.memory_space<vmem_shared>> -> memref<64x128xf32, #tpu.memory_space<vmem_shared>>
      tpu.wait_dma2 semaphore(%run_scoped3A_702 : memref<!tpu.dma_semaphore, #tpu.memory_space<semaphore_mem>>) src(%dma_wait3A_726 : memref<64x128xf32, #tpu.memory_space<vmem_shared>>) dst(%dma_wait3A_724 : memref<64x128xf32, #tpu.memory_space<vmem>>)
      tpu.yield
    }) : () -> ()
    %dma_wait3A_558 = arith.constant 0 : i32
    %dma_wait3A_559 = arith.constant 4 : i32
    %dma_wait3A_560 = arith.constant 0 : i32
    %dma_wait3A_561 = arith.constant 0 : i32
    %dma_wait3A_562 = tpu.memref_slice %arg8[%dma_wait3A_558, %dma_wait3A_560, %dma_wait3A_561] : memref<4x64x128xf32, #tpu.memory_space<vmem>> -> memref<1x64x128xf32, #tpu.memory_space<vmem>>
    %dma_wait3A_563 = tpu.memref_squeeze %dma_wait3A_562 : memref<1x64x128xf32, #tpu.memory_space<vmem>> -> memref<64x128xf32, #tpu.memory_space<vmem>>
    %dma_wait3A_564 = arith.constant 0 : i32
    %dma_wait3A_565 = tpu.memref_slice %arg4[%arg0, %add3A_536, %dma_wait3A_564] : memref<2x10240x128xf32, #tpu.memory_space<hbm>> -> memref<1x64x128xf32, #tpu.memory_space<hbm>>
    %dma_wait3A_566 = tpu.memref_squeeze %dma_wait3A_565 : memref<1x64x128xf32, #tpu.memory_space<hbm>> -> memref<64x128xf32, #tpu.memory_space<hbm>>
    %dma_wait3A_567 = tpu.memref_slice %arg10[%dma_wait3A_559] : memref<5x!tpu.dma_semaphore, #tpu.memory_space<semaphore_mem>> -> memref<1x!tpu.dma_semaphore, #tpu.memory_space<semaphore_mem>>
    %dma_wait3A_568 = tpu.memref_squeeze %dma_wait3A_567 : memref<1x!tpu.dma_semaphore, #tpu.memory_space<semaphore_mem>> -> memref<!tpu.dma_semaphore, #tpu.memory_space<semaphore_mem>>
    %dma_wait3A_569 = arith.constant 0 : i32
    %dma_wait3A_570 = tpu.memref_slice %arg4[%arg0, %add3A_536, %dma_wait3A_569] : memref<2x10240x128xf32, #tpu.memory_space<hbm>> -> memref<1x64x128xf32, #tpu.memory_space<hbm>>
    %dma_wait3A_571 = tpu.memref_squeeze %dma_wait3A_570 : memref<1x64x128xf32, #tpu.memory_space<hbm>> -> memref<64x128xf32, #tpu.memory_space<hbm>>
    %dma_wait3A_572 = arith.constant 0 : i32
    %dma_wait3A_573 = arith.constant 0 : i32
    %dma_wait3A_574 = tpu.memref_slice %arg8[%dma_wait3A_558, %dma_wait3A_572, %dma_wait3A_573] : memref<4x64x128xf32, #tpu.memory_space<vmem>> -> memref<1x64x128xf32, #tpu.memory_space<vmem>>
    %dma_wait3A_575 = tpu.memref_squeeze %dma_wait3A_574 : memref<1x64x128xf32, #tpu.memory_space<vmem>> -> memref<64x128xf32, #tpu.memory_space<vmem>>
    tpu.wait_dma2 semaphore(%dma_wait3A_568 : memref<!tpu.dma_semaphore, #tpu.memory_space<semaphore_mem>>) src(%dma_wait3A_575 : memref<64x128xf32, #tpu.memory_space<vmem>>) dst(%dma_wait3A_571 : memref<64x128xf32, #tpu.memory_space<hbm>>)
    %mul3A_576 = arith.constant 640 : i32
    %mul3A_577 = arith.muli %arg1, %mul3A_576 : i32
    %add3A_578 = arith.constant 448 : i32
    %add3A_579 = arith.addi %mul3A_577, %add3A_578 : i32
    %dma_start3A_580 = arith.constant 1 : i32
    %dma_start3A_581 = arith.constant 4 : i32
    %dma_start3A_582 = arith.constant 0 : i32
    %dma_start3A_583 = arith.constant 0 : i32
    %dma_start3A_584 = tpu.memref_slice %arg8[%dma_start3A_580, %dma_start3A_582, %dma_start3A_583] : memref<4x64x128xf32, #tpu.memory_space<vmem>> -> memref<1x64x128xf32, #tpu.memory_space<vmem>>
    %dma_start3A_585 = tpu.memref_squeeze %dma_start3A_584 : memref<1x64x128xf32, #tpu.memory_space<vmem>> -> memref<64x128xf32, #tpu.memory_space<vmem>>
    %dma_start3A_586 = arith.constant 0 : i32
    %dma_start3A_587 = tpu.memref_slice %arg4[%arg0, %add3A_579, %dma_start3A_586] : memref<2x10240x128xf32, #tpu.memory_space<hbm>> -> memref<1x64x128xf32, #tpu.memory_space<hbm>>
    %dma_start3A_588 = tpu.memref_squeeze %dma_start3A_587 : memref<1x64x128xf32, #tpu.memory_space<hbm>> -> memref<64x128xf32, #tpu.memory_space<hbm>>
    %dma_start3A_589 = tpu.memref_slice %arg10[%dma_start3A_581] : memref<5x!tpu.dma_semaphore, #tpu.memory_space<semaphore_mem>> -> memref<1x!tpu.dma_semaphore, #tpu.memory_space<semaphore_mem>>
    %dma_start3A_590 = tpu.memref_squeeze %dma_start3A_589 : memref<1x!tpu.dma_semaphore, #tpu.memory_space<semaphore_mem>> -> memref<!tpu.dma_semaphore, #tpu.memory_space<semaphore_mem>>
    %dma_start3A_591 = arith.constant 0 : i32
    %dma_start3A_592 = tpu.memref_slice %arg4[%arg0, %add3A_579, %dma_start3A_591] : memref<2x10240x128xf32, #tpu.memory_space<hbm>> -> memref<1x64x128xf32, #tpu.memory_space<hbm>>
    %dma_start3A_593 = tpu.memref_squeeze %dma_start3A_592 : memref<1x64x128xf32, #tpu.memory_space<hbm>> -> memref<64x128xf32, #tpu.memory_space<hbm>>
    %dma_start3A_594 = arith.constant 0 : i32
    %dma_start3A_595 = arith.constant 0 : i32
    %dma_start3A_596 = tpu.memref_slice %arg8[%dma_start3A_580, %dma_start3A_594, %dma_start3A_595] : memref<4x64x128xf32, #tpu.memory_space<vmem>> -> memref<1x64x128xf32, #tpu.memory_space<vmem>>
    %dma_start3A_597 = tpu.memref_squeeze %dma_start3A_596 : memref<1x64x128xf32, #tpu.memory_space<vmem>> -> memref<64x128xf32, #tpu.memory_space<vmem>>
    tpu.enqueue_dma source(%dma_start3A_597 : memref<64x128xf32, #tpu.memory_space<vmem>>) target(%dma_start3A_593 : memref<64x128xf32, #tpu.memory_space<hbm>>) target_semaphore(%dma_start3A_590 : memref<!tpu.dma_semaphore, #tpu.memory_space<semaphore_mem>>)
    %add3A_598 = arith.constant 64 : i32
    %add3A_599 = arith.addi %add3A_579, %add3A_598 : i32
    %run_scoped3A_600 = arith.constant 0 : i32
    "tpu.region"() ({
      %run_scoped3A_702 = tpu.sem_alloc : memref<!tpu.dma_semaphore, #tpu.memory_space<semaphore_mem>>
      %dma_start3A_703 = arith.constant 0 : i32
      %dma_start3A_704 = arith.constant 0 : i32
      %dma_start3A_705 = tpu.memref_slice %arg8[%run_scoped3A_600, %dma_start3A_703, %dma_start3A_704] : memref<4x64x128xf32, #tpu.memory_space<vmem>> -> memref<1x64x128xf32, #tpu.memory_space<vmem>>
      %dma_start3A_706 = tpu.memref_squeeze %dma_start3A_705 : memref<1x64x128xf32, #tpu.memory_space<vmem>> -> memref<64x128xf32, #tpu.memory_space<vmem>>
      %dma_start3A_707 = arith.constant 0 : i32
      %dma_start3A_708 = tpu.memref_slice %arg9[%add3A_599, %dma_start3A_707] : memref<10240x128xf32, #tpu.memory_space<vmem_shared>> -> memref<64x128xf32, #tpu.memory_space<vmem_shared>>
      %dma_start3A_709 = arith.constant 0 : i32
      %dma_start3A_710 = arith.constant 0 : i32
      %dma_start3A_711 = tpu.memref_slice %arg8[%run_scoped3A_600, %dma_start3A_709, %dma_start3A_710] : memref<4x64x128xf32, #tpu.memory_space<vmem>> -> memref<1x64x128xf32, #tpu.memory_space<vmem>>
      %dma_start3A_712 = tpu.memref_squeeze %dma_start3A_711 : memref<1x64x128xf32, #tpu.memory_space<vmem>> -> memref<64x128xf32, #tpu.memory_space<vmem>>
      %dma_start3A_713 = arith.constant 0 : i32
      %dma_start3A_714 = tpu.memref_slice %arg9[%add3A_599, %dma_start3A_713] : memref<10240x128xf32, #tpu.memory_space<vmem_shared>> -> memref<64x128xf32, #tpu.memory_space<vmem_shared>>
      tpu.enqueue_dma source(%dma_start3A_714 : memref<64x128xf32, #tpu.memory_space<vmem_shared>>) target(%dma_start3A_712 : memref<64x128xf32, #tpu.memory_space<vmem>>) target_semaphore(%run_scoped3A_702 : memref<!tpu.dma_semaphore, #tpu.memory_space<semaphore_mem>>)
      %dma_wait3A_715 = arith.constant 0 : i32
      %dma_wait3A_716 = arith.constant 0 : i32
      %dma_wait3A_717 = tpu.memref_slice %arg8[%run_scoped3A_600, %dma_wait3A_715, %dma_wait3A_716] : memref<4x64x128xf32, #tpu.memory_space<vmem>> -> memref<1x64x128xf32, #tpu.memory_space<vmem>>
      %dma_wait3A_718 = tpu.memref_squeeze %dma_wait3A_717 : memref<1x64x128xf32, #tpu.memory_space<vmem>> -> memref<64x128xf32, #tpu.memory_space<vmem>>
      %dma_wait3A_719 = arith.constant 0 : i32
      %dma_wait3A_720 = tpu.memref_slice %arg9[%add3A_599, %dma_wait3A_719] : memref<10240x128xf32, #tpu.memory_space<vmem_shared>> -> memref<64x128xf32, #tpu.memory_space<vmem_shared>>
      %dma_wait3A_721 = arith.constant 0 : i32
      %dma_wait3A_722 = arith.constant 0 : i32
      %dma_wait3A_723 = tpu.memref_slice %arg8[%run_scoped3A_600, %dma_wait3A_721, %dma_wait3A_722] : memref<4x64x128xf32, #tpu.memory_space<vmem>> -> memref<1x64x128xf32, #tpu.memory_space<vmem>>
      %dma_wait3A_724 = tpu.memref_squeeze %dma_wait3A_723 : memref<1x64x128xf32, #tpu.memory_space<vmem>> -> memref<64x128xf32, #tpu.memory_space<vmem>>
      %dma_wait3A_725 = arith.constant 0 : i32
      %dma_wait3A_726 = tpu.memref_slice %arg9[%add3A_599, %dma_wait3A_725] : memref<10240x128xf32, #tpu.memory_space<vmem_shared>> -> memref<64x128xf32, #tpu.memory_space<vmem_shared>>
      tpu.wait_dma2 semaphore(%run_scoped3A_702 : memref<!tpu.dma_semaphore, #tpu.memory_space<semaphore_mem>>) src(%dma_wait3A_726 : memref<64x128xf32, #tpu.memory_space<vmem_shared>>) dst(%dma_wait3A_724 : memref<64x128xf32, #tpu.memory_space<vmem>>)
      tpu.yield
    }) : () -> ()
    %dma_wait3A_601 = arith.constant 1 : i32
    %dma_wait3A_602 = arith.constant 4 : i32
    %dma_wait3A_603 = arith.constant 0 : i32
    %dma_wait3A_604 = arith.constant 0 : i32
    %dma_wait3A_605 = tpu.memref_slice %arg8[%dma_wait3A_601, %dma_wait3A_603, %dma_wait3A_604] : memref<4x64x128xf32, #tpu.memory_space<vmem>> -> memref<1x64x128xf32, #tpu.memory_space<vmem>>
    %dma_wait3A_606 = tpu.memref_squeeze %dma_wait3A_605 : memref<1x64x128xf32, #tpu.memory_space<vmem>> -> memref<64x128xf32, #tpu.memory_space<vmem>>
    %dma_wait3A_607 = arith.constant 0 : i32
    %dma_wait3A_608 = tpu.memref_slice %arg4[%arg0, %add3A_579, %dma_wait3A_607] : memref<2x10240x128xf32, #tpu.memory_space<hbm>> -> memref<1x64x128xf32, #tpu.memory_space<hbm>>
    %dma_wait3A_609 = tpu.memref_squeeze %dma_wait3A_608 : memref<1x64x128xf32, #tpu.memory_space<hbm>> -> memref<64x128xf32, #tpu.memory_space<hbm>>
    %dma_wait3A_610 = tpu.memref_slice %arg10[%dma_wait3A_602] : memref<5x!tpu.dma_semaphore, #tpu.memory_space<semaphore_mem>> -> memref<1x!tpu.dma_semaphore, #tpu.memory_space<semaphore_mem>>
    %dma_wait3A_611 = tpu.memref_squeeze %dma_wait3A_610 : memref<1x!tpu.dma_semaphore, #tpu.memory_space<semaphore_mem>> -> memref<!tpu.dma_semaphore, #tpu.memory_space<semaphore_mem>>
    %dma_wait3A_612 = arith.constant 0 : i32
    %dma_wait3A_613 = tpu.memref_slice %arg4[%arg0, %add3A_579, %dma_wait3A_612] : memref<2x10240x128xf32, #tpu.memory_space<hbm>> -> memref<1x64x128xf32, #tpu.memory_space<hbm>>
    %dma_wait3A_614 = tpu.memref_squeeze %dma_wait3A_613 : memref<1x64x128xf32, #tpu.memory_space<hbm>> -> memref<64x128xf32, #tpu.memory_space<hbm>>
    %dma_wait3A_615 = arith.constant 0 : i32
    %dma_wait3A_616 = arith.constant 0 : i32
    %dma_wait3A_617 = tpu.memref_slice %arg8[%dma_wait3A_601, %dma_wait3A_615, %dma_wait3A_616] : memref<4x64x128xf32, #tpu.memory_space<vmem>> -> memref<1x64x128xf32, #tpu.memory_space<vmem>>
    %dma_wait3A_618 = tpu.memref_squeeze %dma_wait3A_617 : memref<1x64x128xf32, #tpu.memory_space<vmem>> -> memref<64x128xf32, #tpu.memory_space<vmem>>
    tpu.wait_dma2 semaphore(%dma_wait3A_611 : memref<!tpu.dma_semaphore, #tpu.memory_space<semaphore_mem>>) src(%dma_wait3A_618 : memref<64x128xf32, #tpu.memory_space<vmem>>) dst(%dma_wait3A_614 : memref<64x128xf32, #tpu.memory_space<hbm>>)
    %mul3A_619 = arith.constant 640 : i32
    %mul3A_620 = arith.muli %arg1, %mul3A_619 : i32
    %add3A_621 = arith.constant 512 : i32
    %add3A_622 = arith.addi %mul3A_620, %add3A_621 : i32
    %dma_start3A_623 = arith.constant 0 : i32
    %dma_start3A_624 = arith.constant 4 : i32
    %dma_start3A_625 = arith.constant 0 : i32
    %dma_start3A_626 = arith.constant 0 : i32
    %dma_start3A_627 = tpu.memref_slice %arg8[%dma_start3A_623, %dma_start3A_625, %dma_start3A_626] : memref<4x64x128xf32, #tpu.memory_space<vmem>> -> memref<1x64x128xf32, #tpu.memory_space<vmem>>
    %dma_start3A_628 = tpu.memref_squeeze %dma_start3A_627 : memref<1x64x128xf32, #tpu.memory_space<vmem>> -> memref<64x128xf32, #tpu.memory_space<vmem>>
    %dma_start3A_629 = arith.constant 0 : i32
    %dma_start3A_630 = tpu.memref_slice %arg4[%arg0, %add3A_622, %dma_start3A_629] : memref<2x10240x128xf32, #tpu.memory_space<hbm>> -> memref<1x64x128xf32, #tpu.memory_space<hbm>>
    %dma_start3A_631 = tpu.memref_squeeze %dma_start3A_630 : memref<1x64x128xf32, #tpu.memory_space<hbm>> -> memref<64x128xf32, #tpu.memory_space<hbm>>
    %dma_start3A_632 = tpu.memref_slice %arg10[%dma_start3A_624] : memref<5x!tpu.dma_semaphore, #tpu.memory_space<semaphore_mem>> -> memref<1x!tpu.dma_semaphore, #tpu.memory_space<semaphore_mem>>
    %dma_start3A_633 = tpu.memref_squeeze %dma_start3A_632 : memref<1x!tpu.dma_semaphore, #tpu.memory_space<semaphore_mem>> -> memref<!tpu.dma_semaphore, #tpu.memory_space<semaphore_mem>>
    %dma_start3A_634 = arith.constant 0 : i32
    %dma_start3A_635 = tpu.memref_slice %arg4[%arg0, %add3A_622, %dma_start3A_634] : memref<2x10240x128xf32, #tpu.memory_space<hbm>> -> memref<1x64x128xf32, #tpu.memory_space<hbm>>
    %dma_start3A_636 = tpu.memref_squeeze %dma_start3A_635 : memref<1x64x128xf32, #tpu.memory_space<hbm>> -> memref<64x128xf32, #tpu.memory_space<hbm>>
    %dma_start3A_637 = arith.constant 0 : i32
    %dma_start3A_638 = arith.constant 0 : i32
    %dma_start3A_639 = tpu.memref_slice %arg8[%dma_start3A_623, %dma_start3A_637, %dma_start3A_638] : memref<4x64x128xf32, #tpu.memory_space<vmem>> -> memref<1x64x128xf32, #tpu.memory_space<vmem>>
    %dma_start3A_640 = tpu.memref_squeeze %dma_start3A_639 : memref<1x64x128xf32, #tpu.memory_space<vmem>> -> memref<64x128xf32, #tpu.memory_space<vmem>>
    tpu.enqueue_dma source(%dma_start3A_640 : memref<64x128xf32, #tpu.memory_space<vmem>>) target(%dma_start3A_636 : memref<64x128xf32, #tpu.memory_space<hbm>>) target_semaphore(%dma_start3A_633 : memref<!tpu.dma_semaphore, #tpu.memory_space<semaphore_mem>>)
    %add3A_641 = arith.constant 64 : i32
    %add3A_642 = arith.addi %add3A_622, %add3A_641 : i32
    %run_scoped3A_643 = arith.constant 1 : i32
    "tpu.region"() ({
      %run_scoped3A_702 = tpu.sem_alloc : memref<!tpu.dma_semaphore, #tpu.memory_space<semaphore_mem>>
      %dma_start3A_703 = arith.constant 0 : i32
      %dma_start3A_704 = arith.constant 0 : i32
      %dma_start3A_705 = tpu.memref_slice %arg8[%run_scoped3A_643, %dma_start3A_703, %dma_start3A_704] : memref<4x64x128xf32, #tpu.memory_space<vmem>> -> memref<1x64x128xf32, #tpu.memory_space<vmem>>
      %dma_start3A_706 = tpu.memref_squeeze %dma_start3A_705 : memref<1x64x128xf32, #tpu.memory_space<vmem>> -> memref<64x128xf32, #tpu.memory_space<vmem>>
      %dma_start3A_707 = arith.constant 0 : i32
      %dma_start3A_708 = tpu.memref_slice %arg9[%add3A_642, %dma_start3A_707] : memref<10240x128xf32, #tpu.memory_space<vmem_shared>> -> memref<64x128xf32, #tpu.memory_space<vmem_shared>>
      %dma_start3A_709 = arith.constant 0 : i32
      %dma_start3A_710 = arith.constant 0 : i32
      %dma_start3A_711 = tpu.memref_slice %arg8[%run_scoped3A_643, %dma_start3A_709, %dma_start3A_710] : memref<4x64x128xf32, #tpu.memory_space<vmem>> -> memref<1x64x128xf32, #tpu.memory_space<vmem>>
      %dma_start3A_712 = tpu.memref_squeeze %dma_start3A_711 : memref<1x64x128xf32, #tpu.memory_space<vmem>> -> memref<64x128xf32, #tpu.memory_space<vmem>>
      %dma_start3A_713 = arith.constant 0 : i32
      %dma_start3A_714 = tpu.memref_slice %arg9[%add3A_642, %dma_start3A_713] : memref<10240x128xf32, #tpu.memory_space<vmem_shared>> -> memref<64x128xf32, #tpu.memory_space<vmem_shared>>
      tpu.enqueue_dma source(%dma_start3A_714 : memref<64x128xf32, #tpu.memory_space<vmem_shared>>) target(%dma_start3A_712 : memref<64x128xf32, #tpu.memory_space<vmem>>) target_semaphore(%run_scoped3A_702 : memref<!tpu.dma_semaphore, #tpu.memory_space<semaphore_mem>>)
      %dma_wait3A_715 = arith.constant 0 : i32
      %dma_wait3A_716 = arith.constant 0 : i32
      %dma_wait3A_717 = tpu.memref_slice %arg8[%run_scoped3A_643, %dma_wait3A_715, %dma_wait3A_716] : memref<4x64x128xf32, #tpu.memory_space<vmem>> -> memref<1x64x128xf32, #tpu.memory_space<vmem>>
      %dma_wait3A_718 = tpu.memref_squeeze %dma_wait3A_717 : memref<1x64x128xf32, #tpu.memory_space<vmem>> -> memref<64x128xf32, #tpu.memory_space<vmem>>
      %dma_wait3A_719 = arith.constant 0 : i32
      %dma_wait3A_720 = tpu.memref_slice %arg9[%add3A_642, %dma_wait3A_719] : memref<10240x128xf32, #tpu.memory_space<vmem_shared>> -> memref<64x128xf32, #tpu.memory_space<vmem_shared>>
      %dma_wait3A_721 = arith.constant 0 : i32
      %dma_wait3A_722 = arith.constant 0 : i32
      %dma_wait3A_723 = tpu.memref_slice %arg8[%run_scoped3A_643, %dma_wait3A_721, %dma_wait3A_722] : memref<4x64x128xf32, #tpu.memory_space<vmem>> -> memref<1x64x128xf32, #tpu.memory_space<vmem>>
      %dma_wait3A_724 = tpu.memref_squeeze %dma_wait3A_723 : memref<1x64x128xf32, #tpu.memory_space<vmem>> -> memref<64x128xf32, #tpu.memory_space<vmem>>
      %dma_wait3A_725 = arith.constant 0 : i32
      %dma_wait3A_726 = tpu.memref_slice %arg9[%add3A_642, %dma_wait3A_725] : memref<10240x128xf32, #tpu.memory_space<vmem_shared>> -> memref<64x128xf32, #tpu.memory_space<vmem_shared>>
      tpu.wait_dma2 semaphore(%run_scoped3A_702 : memref<!tpu.dma_semaphore, #tpu.memory_space<semaphore_mem>>) src(%dma_wait3A_726 : memref<64x128xf32, #tpu.memory_space<vmem_shared>>) dst(%dma_wait3A_724 : memref<64x128xf32, #tpu.memory_space<vmem>>)
      tpu.yield
    }) : () -> ()
    %dma_wait3A_644 = arith.constant 0 : i32
    %dma_wait3A_645 = arith.constant 4 : i32
    %dma_wait3A_646 = arith.constant 0 : i32
    %dma_wait3A_647 = arith.constant 0 : i32
    %dma_wait3A_648 = tpu.memref_slice %arg8[%dma_wait3A_644, %dma_wait3A_646, %dma_wait3A_647] : memref<4x64x128xf32, #tpu.memory_space<vmem>> -> memref<1x64x128xf32, #tpu.memory_space<vmem>>
    %dma_wait3A_649 = tpu.memref_squeeze %dma_wait3A_648 : memref<1x64x128xf32, #tpu.memory_space<vmem>> -> memref<64x128xf32, #tpu.memory_space<vmem>>
    %dma_wait3A_650 = arith.constant 0 : i32
    %dma_wait3A_651 = tpu.memref_slice %arg4[%arg0, %add3A_622, %dma_wait3A_650] : memref<2x10240x128xf32, #tpu.memory_space<hbm>> -> memref<1x64x128xf32, #tpu.memory_space<hbm>>
    %dma_wait3A_652 = tpu.memref_squeeze %dma_wait3A_651 : memref<1x64x128xf32, #tpu.memory_space<hbm>> -> memref<64x128xf32, #tpu.memory_space<hbm>>
    %dma_wait3A_653 = tpu.memref_slice %arg10[%dma_wait3A_645] : memref<5x!tpu.dma_semaphore, #tpu.memory_space<semaphore_mem>> -> memref<1x!tpu.dma_semaphore, #tpu.memory_space<semaphore_mem>>
    %dma_wait3A_654 = tpu.memref_squeeze %dma_wait3A_653 : memref<1x!tpu.dma_semaphore, #tpu.memory_space<semaphore_mem>> -> memref<!tpu.dma_semaphore, #tpu.memory_space<semaphore_mem>>
    %dma_wait3A_655 = arith.constant 0 : i32
    %dma_wait3A_656 = tpu.memref_slice %arg4[%arg0, %add3A_622, %dma_wait3A_655] : memref<2x10240x128xf32, #tpu.memory_space<hbm>> -> memref<1x64x128xf32, #tpu.memory_space<hbm>>
    %dma_wait3A_657 = tpu.memref_squeeze %dma_wait3A_656 : memref<1x64x128xf32, #tpu.memory_space<hbm>> -> memref<64x128xf32, #tpu.memory_space<hbm>>
    %dma_wait3A_658 = arith.constant 0 : i32
    %dma_wait3A_659 = arith.constant 0 : i32
    %dma_wait3A_660 = tpu.memref_slice %arg8[%dma_wait3A_644, %dma_wait3A_658, %dma_wait3A_659] : memref<4x64x128xf32, #tpu.memory_space<vmem>> -> memref<1x64x128xf32, #tpu.memory_space<vmem>>
    %dma_wait3A_661 = tpu.memref_squeeze %dma_wait3A_660 : memref<1x64x128xf32, #tpu.memory_space<vmem>> -> memref<64x128xf32, #tpu.memory_space<vmem>>
    tpu.wait_dma2 semaphore(%dma_wait3A_654 : memref<!tpu.dma_semaphore, #tpu.memory_space<semaphore_mem>>) src(%dma_wait3A_661 : memref<64x128xf32, #tpu.memory_space<vmem>>) dst(%dma_wait3A_657 : memref<64x128xf32, #tpu.memory_space<hbm>>)
    %mul3A_662 = arith.constant 640 : i32
    %mul3A_663 = arith.muli %arg1, %mul3A_662 : i32
    %add3A_664 = arith.constant 576 : i32
    %add3A_665 = arith.addi %mul3A_663, %add3A_664 : i32
    %dma_start3A_666 = arith.constant 1 : i32
    %dma_start3A_667 = arith.constant 4 : i32
    %dma_start3A_668 = arith.constant 0 : i32
    %dma_start3A_669 = arith.constant 0 : i32
    %dma_start3A_670 = tpu.memref_slice %arg8[%dma_start3A_666, %dma_start3A_668, %dma_start3A_669] : memref<4x64x128xf32, #tpu.memory_space<vmem>> -> memref<1x64x128xf32, #tpu.memory_space<vmem>>
    %dma_start3A_671 = tpu.memref_squeeze %dma_start3A_670 : memref<1x64x128xf32, #tpu.memory_space<vmem>> -> memref<64x128xf32, #tpu.memory_space<vmem>>
    %dma_start3A_672 = arith.constant 0 : i32
    %dma_start3A_673 = tpu.memref_slice %arg4[%arg0, %add3A_665, %dma_start3A_672] : memref<2x10240x128xf32, #tpu.memory_space<hbm>> -> memref<1x64x128xf32, #tpu.memory_space<hbm>>
    %dma_start3A_674 = tpu.memref_squeeze %dma_start3A_673 : memref<1x64x128xf32, #tpu.memory_space<hbm>> -> memref<64x128xf32, #tpu.memory_space<hbm>>
    %dma_start3A_675 = tpu.memref_slice %arg10[%dma_start3A_667] : memref<5x!tpu.dma_semaphore, #tpu.memory_space<semaphore_mem>> -> memref<1x!tpu.dma_semaphore, #tpu.memory_space<semaphore_mem>>
    %dma_start3A_676 = tpu.memref_squeeze %dma_start3A_675 : memref<1x!tpu.dma_semaphore, #tpu.memory_space<semaphore_mem>> -> memref<!tpu.dma_semaphore, #tpu.memory_space<semaphore_mem>>
    %dma_start3A_677 = arith.constant 0 : i32
    %dma_start3A_678 = tpu.memref_slice %arg4[%arg0, %add3A_665, %dma_start3A_677] : memref<2x10240x128xf32, #tpu.memory_space<hbm>> -> memref<1x64x128xf32, #tpu.memory_space<hbm>>
    %dma_start3A_679 = tpu.memref_squeeze %dma_start3A_678 : memref<1x64x128xf32, #tpu.memory_space<hbm>> -> memref<64x128xf32, #tpu.memory_space<hbm>>
    %dma_start3A_680 = arith.constant 0 : i32
    %dma_start3A_681 = arith.constant 0 : i32
    %dma_start3A_682 = tpu.memref_slice %arg8[%dma_start3A_666, %dma_start3A_680, %dma_start3A_681] : memref<4x64x128xf32, #tpu.memory_space<vmem>> -> memref<1x64x128xf32, #tpu.memory_space<vmem>>
    %dma_start3A_683 = tpu.memref_squeeze %dma_start3A_682 : memref<1x64x128xf32, #tpu.memory_space<vmem>> -> memref<64x128xf32, #tpu.memory_space<vmem>>
    tpu.enqueue_dma source(%dma_start3A_683 : memref<64x128xf32, #tpu.memory_space<vmem>>) target(%dma_start3A_679 : memref<64x128xf32, #tpu.memory_space<hbm>>) target_semaphore(%dma_start3A_676 : memref<!tpu.dma_semaphore, #tpu.memory_space<semaphore_mem>>)
    %dma_wait3A_684 = arith.constant 1 : i32
    %dma_wait3A_685 = arith.constant 4 : i32
    %dma_wait3A_686 = arith.constant 0 : i32
    %dma_wait3A_687 = arith.constant 0 : i32
    %dma_wait3A_688 = tpu.memref_slice %arg8[%dma_wait3A_684, %dma_wait3A_686, %dma_wait3A_687] : memref<4x64x128xf32, #tpu.memory_space<vmem>> -> memref<1x64x128xf32, #tpu.memory_space<vmem>>
    %dma_wait3A_689 = tpu.memref_squeeze %dma_wait3A_688 : memref<1x64x128xf32, #tpu.memory_space<vmem>> -> memref<64x128xf32, #tpu.memory_space<vmem>>
    %dma_wait3A_690 = arith.constant 0 : i32
    %dma_wait3A_691 = tpu.memref_slice %arg4[%arg0, %add3A_665, %dma_wait3A_690] : memref<2x10240x128xf32, #tpu.memory_space<hbm>> -> memref<1x64x128xf32, #tpu.memory_space<hbm>>
    %dma_wait3A_692 = tpu.memref_squeeze %dma_wait3A_691 : memref<1x64x128xf32, #tpu.memory_space<hbm>> -> memref<64x128xf32, #tpu.memory_space<hbm>>
    %dma_wait3A_693 = tpu.memref_slice %arg10[%dma_wait3A_685] : memref<5x!tpu.dma_semaphore, #tpu.memory_space<semaphore_mem>> -> memref<1x!tpu.dma_semaphore, #tpu.memory_space<semaphore_mem>>
    %dma_wait3A_694 = tpu.memref_squeeze %dma_wait3A_693 : memref<1x!tpu.dma_semaphore, #tpu.memory_space<semaphore_mem>> -> memref<!tpu.dma_semaphore, #tpu.memory_space<semaphore_mem>>
    %dma_wait3A_695 = arith.constant 0 : i32
    %dma_wait3A_696 = tpu.memref_slice %arg4[%arg0, %add3A_665, %dma_wait3A_695] : memref<2x10240x128xf32, #tpu.memory_space<hbm>> -> memref<1x64x128xf32, #tpu.memory_space<hbm>>
    %dma_wait3A_697 = tpu.memref_squeeze %dma_wait3A_696 : memref<1x64x128xf32, #tpu.memory_space<hbm>> -> memref<64x128xf32, #tpu.memory_space<hbm>>
    %dma_wait3A_698 = arith.constant 0 : i32
    %dma_wait3A_699 = arith.constant 0 : i32
    %dma_wait3A_700 = tpu.memref_slice %arg8[%dma_wait3A_684, %dma_wait3A_698, %dma_wait3A_699] : memref<4x64x128xf32, #tpu.memory_space<vmem>> -> memref<1x64x128xf32, #tpu.memory_space<vmem>>
    %dma_wait3A_701 = tpu.memref_squeeze %dma_wait3A_700 : memref<1x64x128xf32, #tpu.memory_space<vmem>> -> memref<64x128xf32, #tpu.memory_space<vmem>>
    tpu.wait_dma2 semaphore(%dma_wait3A_694 : memref<!tpu.dma_semaphore, #tpu.memory_space<semaphore_mem>>) src(%dma_wait3A_701 : memref<64x128xf32, #tpu.memory_space<vmem>>) dst(%dma_wait3A_697 : memref<64x128xf32, #tpu.memory_space<hbm>>)
    return
  }
}

module attributes {stable_mosaic.version = 14 : i64} {
  func.func @_prep_body(%arg0: i32, %arg1: memref<2000x128xf32, #tpu.memory_space<vmem>>, %arg2: memref<2000x1xf32, #tpu.memory_space<vmem>>, %arg3: memref<2000x128xf32, #tpu.memory_space<vmem>>) attributes {dimension_semantics = [#tpu.dimension_semantics<arbitrary>], iteration_bounds = array<i64: 5>, scalar_prefetch = 0 : i64, scratch_operands = 0 : i64, tpu.core_type = #tpu.core_type<tc>, window_params = [{transform_indices = @transform_0, window_bounds = array<i64: 2000, 128>}, {transform_indices = @transform_1, window_bounds = array<i64: 2000, 1>}, {transform_indices = @transform_2, window_bounds = array<i64: 2000, 128>}]} {
    %get3A = arith.constant 0 : index
    %get3A_0 = arith.constant 0 : index
    %get3A_1 = vector.load %arg1[%get3A, %get3A_0] : memref<2000x128xf32, #tpu.memory_space<vmem>>, vector<2000x128xf32>
    %get3A_2 = arith.constant 0 : index
    %get3A_3 = arith.constant 0 : index
    %get3A_4 = vector.load %arg2[%get3A_2, %get3A_3] : memref<2000x1xf32, #tpu.memory_space<vmem>>, vector<2000x1xf32>
    %mul3A = vector.broadcast %get3A_4 : vector<2000x1xf32> to vector<2000x128xf32>
    %mul3A_5 = arith.mulf %get3A_1, %mul3A : vector<2000x128xf32>
    %swap3A = arith.constant 0 : index
    %swap3A_6 = arith.constant 0 : index
    %swap3A_7 = vector.load %arg3[%swap3A, %swap3A_6] : memref<2000x128xf32, #tpu.memory_space<vmem>>, vector<2000x128xf32>
    tpu.vector_store %arg3[%swap3A, %swap3A_6], %mul3A_5 {strides = array<i32>} : memref<2000x128xf32, #tpu.memory_space<vmem>>, vector<2000x128xf32>,
    return
  }
  func.func @transform_0(%arg0: i32) -> (i32, i32) {
    %c0_i32 = arith.constant 0 : i32
    %c0_i32_0 = arith.constant 0 : i32
    return %arg0, %c0_i32 : i32, i32
  }
  func.func @transform_1(%arg0: i32) -> (i32, i32) {
    %c0_i32 = arith.constant 0 : i32
    %c0_i32_0 = arith.constant 0 : i32
    return %arg0, %c0_i32 : i32, i32
  }
  func.func @transform_2(%arg0: i32) -> (i32, i32) {
    %c0_i32 = arith.constant 0 : i32
    %c0_i32_0 = arith.constant 0 : i32
    return %arg0, %c0_i32 : i32, i32
  }
}

module attributes {stable_mosaic.version = 14 : i64} {
  func.func @_final_body(%arg0: i32, %arg1: memref<2x2000x128xf32, #tpu.memory_space<vmem>>, %arg2: memref<2000x1xf32, #tpu.memory_space<vmem>>, %arg3: memref<128x128xf32, #tpu.memory_space<vmem>>, %arg4: memref<1x128xf32, #tpu.memory_space<vmem>>, %arg5: memref<2000x128xf32, #tpu.memory_space<vmem>>) attributes {dimension_semantics = [#tpu.dimension_semantics<arbitrary>], iteration_bounds = array<i64: 5>, scalar_prefetch = 0 : i64, scratch_operands = 0 : i64, tpu.core_type = #tpu.core_type<tc>, window_params = [{transform_indices = @transform_0, window_bounds = array<i64: 2, 2000, 128>}, {transform_indices = @transform_1, window_bounds = array<i64: 2000, 1>}, {pipeline_mode = #tpu.pipeline_mode<synchronous>, transform_indices = @transform_2, window_bounds = array<i64: 128, 128>}, {pipeline_mode = #tpu.pipeline_mode<synchronous>, transform_indices = @transform_3, window_bounds = array<i64: 1, 128>}, {transform_indices = @transform_4, window_bounds = array<i64: 2000, 128>}]} {
    %get3A = arith.constant 0 : index
    %get3A_0 = arith.constant 0 : index
    %get3A_1 = arith.constant 0 : index
    %get3A_2 = vector.load %arg1[%get3A, %get3A_0, %get3A_1] : memref<2x2000x128xf32, #tpu.memory_space<vmem>>, vector<1x2000x128xf32>
    %get3A_3 = vector.shape_cast %get3A_2 : vector<1x2000x128xf32> to vector<2000x128xf32>
    %get3A_4 = arith.constant 1 : index
    %get3A_5 = arith.constant 0 : index
    %get3A_6 = arith.constant 0 : index
    %get3A_7 = vector.load %arg1[%get3A_4, %get3A_5, %get3A_6] : memref<2x2000x128xf32, #tpu.memory_space<vmem>>, vector<1x2000x128xf32>
    %get3A_8 = vector.shape_cast %get3A_7 : vector<1x2000x128xf32> to vector<2000x128xf32>
    %add3A = arith.addf %get3A_3, %get3A_8 : vector<2000x128xf32>
    %get3A_9 = arith.constant 0 : index
    %get3A_10 = arith.constant 0 : index
    %get3A_11 = vector.load %arg2[%get3A_9, %get3A_10] : memref<2000x1xf32, #tpu.memory_space<vmem>>, vector<2000x1xf32>
    %mul3A = vector.broadcast %get3A_11 : vector<2000x1xf32> to vector<2000x128xf32>
    %mul3A_12 = arith.mulf %add3A, %mul3A : vector<2000x128xf32>
    %get3A_13 = arith.constant 0 : index
    %get3A_14 = arith.constant 0 : index
    %get3A_15 = vector.load %arg3[%get3A_13, %get3A_14] : memref<128x128xf32, #tpu.memory_space<vmem>>, vector<128x128xf32>
    %dot_general3A = arith.constant dense<0.000000e+00> : vector<2000x128xf32>
    %dot_general3A_16 = tpu.matmul %mul3A_12, %get3A_15, %dot_general3A {dimension_numbers = #tpu.dot_dimension_numbers<[1], [0], [0], [1], [0, 0, 1, 1], [], []>, transpose_lhs_hint = false} : vector<2000x128xf32>, vector<128x128xf32>, vector<2000x128xf32> -> vector<2000x128xf32>
    %get3A_17 = arith.constant 0 : index
    %get3A_18 = arith.constant 0 : index
    %get3A_19 = vector.load %arg4[%get3A_17, %get3A_18] : memref<1x128xf32, #tpu.memory_space<vmem>>, vector<1x128xf32>
    %add3A_20 = vector.broadcast %get3A_19 : vector<1x128xf32> to vector<2000x128xf32>
    %add3A_21 = arith.addf %dot_general3A_16, %add3A_20 : vector<2000x128xf32>
    %swap3A = arith.constant 0 : index
    %swap3A_22 = arith.constant 0 : index
    %swap3A_23 = vector.load %arg5[%swap3A, %swap3A_22] : memref<2000x128xf32, #tpu.memory_space<vmem>>, vector<2000x128xf32>
    tpu.vector_store %arg5[%swap3A, %swap3A_22], %add3A_21 {strides = array<i32>} : memref<2000x128xf32, #tpu.memory_space<vmem>>, vector<2000x128xf32>,
    return
  }
  func.func @transform_0(%arg0: i32) -> (i32, i32, i32) {
    %c0_i32 = arith.constant 0 : i32
    %c0_i32_0 = arith.constant 0 : i32
    %c0_i32_1 = arith.constant 0 : i32
    return %c0_i32, %arg0, %c0_i32_0 : i32, i32, i32
  }
  func.func @transform_1(%arg0: i32) -> (i32, i32) {
    %c0_i32 = arith.constant 0 : i32
    %c0_i32_0 = arith.constant 0 : i32
    return %arg0, %c0_i32 : i32, i32
  }
  func.func @transform_2(%arg0: i32) -> (i32, i32) {
    %c0_i32 = arith.constant 0 : i32
    %c0_i32_0 = arith.constant 0 : i32
    %c0_i32_1 = arith.constant 0 : i32
    return %c0_i32, %c0_i32_0 : i32, i32
  }
  func.func @transform_3(%arg0: i32) -> (i32, i32) {
    %c0_i32 = arith.constant 0 : i32
    %c0_i32_0 = arith.constant 0 : i32
    %c0_i32_1 = arith.constant 0 : i32
    return %c0_i32, %c0_i32_0 : i32, i32
  }
  func.func @transform_4(%arg0: i32) -> (i32, i32) {
    %c0_i32 = arith.constant 0 : i32
    %c0_i32_0 = arith.constant 0 : i32
    return %arg0, %c0_i32 : i32, i32
  }
}

</mosaic_0001>

<sc_bundles>
// kernel: kernel.6.cloned.1.call-start
scs
__scs_entry_jumppad:
0x0: {  	(pc) =	sbr.rel $0x88, $3  }
0x1: {  	(tag) =	ssettag $0x0;
	lr =	simm.s32 $0x1  }
0x2: {  	[smem:$0x3F9D] =	sst lr;
	_ =	strace $0xD0000000  }
0x3: {  	_ = 	snop  }
0x4: {  	_ = 	snop  }
0x5: {  	_ = 	snop  }
0x6: {  	_ = 	snop  }
0x7: {  	_ = 	snop  }
__scs_overlays_trampoline_lowered:
0x8: {  	[smem:$0x3FAC] =	sst s0  }
0x9: {  	[smem:$0x3FAD] =	sst s1  }
0xa: {  	[smem:$0x3FAE] =	sst s2  }
0xb: {  	[smem:$0x3FAF] =	sst s3  }
0xc: {  	[smem:$0x3FB0] =	sst s4  }
0xd: {  	[smem:$0x3FB1] =	sst s5  }
0xe: {  	[smem:$0x3FB2] =	sst s6  }
0xf: {  	[smem:$0x3FB3] =	sst s7  }
0x10: {  	[smem:$0x3FB4] =	sst s8  }
0x11: {  	[smem:$0x3FB5] =	sst s9;
	s0 =	simm.s32 @!p0 $0x0  }
0x12: {  	s1 =	sld [smem:$0x3F9B];
	s0 =	simm.s32 @p0 $0x1  }
0x13: {  	[smem:$0x3FB6] =	sst s0;
	s0 =	simm.s32 @!p1 $0x0  }
0x14: {  	s2 =	sld [smem:$0x3F9A];
	s0 =	simm.s32 @p1 $0x1  }
0x15: {  	[smem:$0x3FB7] =	sst s0;
	s0 =	simm.s32 @!p2 $0x0  }
0x16: {  	s3 =	sld [smem:$0x3FDB];
	s0 =	simm.s32 @p2 $0x1  }
0x17: {  	s4 =	simm.s32 $0x1BF5;
	[smem:$0x3FB9] =	sst s0  }
0x18: {  	s0 =	sld [smem:$0x3F9C];
	_ =	swait.ge [sflag:s4], $0x0  }
0x19: {  	s7 =	sld [smem:$0x3F9D]  }
0x1a: {  	s8 =	sadd.s32 $0xFFFFE003, lr  }
0x1b: {  	s9 =	sadd.s32 $0xFFFFFEF7, lr;
	s5 =	simm.s32 $0xFFFFFFFF;
	p2 =	slt.u32 s8, $0xFFFFF086  }
0x1c: {  	p1 =	slt.u32 s9, $0xF7A;
	s5 =	simm.s32 @!p2 $0x0  }
0x1d: {  	s5 =	simm.s32 @p1 $0x1;
	p0 =	seq.s32 s7, s2  }
0x1e: {  	s7 =	smul.u32 @!p0 $0xF7A, s2;
	p2 =	seq.s32 @!p0 s5, $0x0  }
0x1f: {  	s9 =	smul.u32 $0xF7A, s1;
	s8 =	simm.s32 @!p0 $0x1BF5;
	p2 =	por !p2, p0  }
0x20: {  	[sflag:s8] =	ssyncset.s32 @!p0 $0xFFFFF086;
	s6 =	sadd.s32 @!p0 s3, s7;
	s7 =	simm.s32 @!p0 $0x108  }
0x21: {  	s3 =	sadd.s32 s3, s9;
	s6 =	sadd.s32 @!p0 $0x88, s6;
	s7 =	simm.s32 @p2 $0x1082  }
0x22: {  	[simem:s7], [sflag:s8] =	dma.local @!p0 [hbm:s6], $0xF7A  }
0x23: {  	s9 =	sor.u32 $0xD0000000, s2;
	s6 =	simm.s32 $0x108;
	_ =	swait.ge @!p0 [sflag:s8], $0x0  }
0x24: {  	s3 =	sadd.s32 $0x88, s3;
	s6 =	simm.s32 @!p1 $0x1082;
	[sflag:s4] =	ssyncset.s32 $0xFFFFF086  }
0x25: {  	[simem:s6], [sflag:s4] =	dma.local [hbm:s3], $0xF7A  }
0x26: {  	[smem:$0x3F9D] =	sst s1;
	(tag) =	ssettag s2;
	_ =	strace s9  }
0x27: {  	s1 =	sld [smem:$0x3FAD]  }
0x28: {  	s2 =	sld [smem:$0x3FAE]  }
0x29: {  	s4 =	sld [smem:$0x3FB0]  }
0x2a: {  	p0 =	seq.s32 s5, $0x0;
	s5 =	sld [smem:$0x3FB1]  }
0x2b: {  	s6 =	sld [smem:$0x3FB2]  }
0x2c: {  	s7 =	sld [smem:$0x3FB3]  }
0x2d: {  	s3 =	simm.s32 $0x108;
	s8 =	sld [smem:$0x3FB4]  }
0x2e: {  	s3 =	simm.s32 @!p0 $0x1082;
	s9 =	sld [smem:$0x3FB5]  }
0x2f: {  	lr =	sadd.s32 s0, s3;
	s0 =	sld [smem:$0x3FAC]  }
0x30: {  	s3 =	sld [smem:$0x3FAF]  }
0x31: {  	[smem:$0x3FB8] =	sst s10  }
0x32: {  	s10 =	sld [smem:$0x3FB6];
	_ =	sdelay $0x3  }
0x33: {  	p0 =	seq.s32 s10, $0x1;
	s10 =	sld [smem:$0x3FB8];
	_ =	sdelay $0x3  }
0x34: {  	[smem:$0x3FB8] =	sst s10  }
0x35: {  	s10 =	sld [smem:$0x3FB7];
	_ =	sdelay $0x3  }
0x36: {  	p1 =	seq.s32 s10, $0x1;
	s10 =	sld [smem:$0x3FB8];
	_ =	sdelay $0x3  }
0x37: {  	[smem:$0x3FB8] =	sst s10  }
0x38: {  	s10 =	sld [smem:$0x3FB9]  }
0x39: {  	_ = 	snop;
	(pc) =	sbr.ind lr, $3  }
0x3a: {  	_ = 	snop  }
0x3b: {  	_ = 	snop  }
0x3c: {  	p2 =	seq.s32 s10, $0x1;
	s10 =	sld [smem:$0x3FB8]  }
0x3d: {  	_ =	shalt  }
0x3e: {  	_ =	shalt  }
0x3f: {  	_ =	shalt  }
0x40: {  	_ =	shalt  }
0x41: {  	_ =	shalt  }
0x42: {  	_ =	shalt  }
0x43: {  	_ =	shalt  }
0x44: {  	_ =	shalt  }
0x45: {  	_ =	shalt  }
0x46: {  	_ =	shalt  }
0x47: {  	_ =	shalt  }
0x48: {  	_ =	shalt  }
0x49: {  	_ =	shalt  }
0x4a: {  	_ =	shalt  }
0x4b: {  	_ =	shalt  }
0x4c: {  	_ =	shalt  }
0x4d: {  	_ =	shalt  }
0x4e: {  	_ =	shalt  }
0x4f: {  	_ =	shalt  }
0x50: {  	_ =	shalt  }
0x51: {  	_ =	shalt  }
0x52: {  	_ =	shalt  }
0x53: {  	_ =	shalt  }
0x54: {  	_ =	shalt  }
0x55: {  	_ =	shalt  }
0x56: {  	_ =	shalt  }
0x57: {  	_ =	shalt  }
0x58: {  	_ =	shalt  }
0x59: {  	_ =	shalt  }
0x5a: {  	_ =	shalt  }
0x5b: {  	_ =	shalt  }
0x5c: {  	_ =	shalt  }
0x5d: {  	_ =	shalt  }
0x5e: {  	_ =	shalt  }
0x5f: {  	_ =	shalt  }
0x60: {  	_ =	shalt  }
0x61: {  	_ =	shalt  }
0x62: {  	_ =	shalt  }
0x63: {  	_ =	shalt  }
0x64: {  	_ =	shalt  }
0x65: {  	_ =	shalt  }
0x66: {  	_ =	shalt  }
0x67: {  	_ =	shalt  }
0x68: {  	_ =	shalt  }
0x69: {  	_ =	shalt  }
0x6a: {  	_ =	shalt  }
0x6b: {  	_ =	shalt  }
0x6c: {  	_ =	shalt  }
0x6d: {  	_ =	shalt  }
0x6e: {  	_ =	shalt  }
0x6f: {  	_ =	shalt  }
0x70: {  	_ =	shalt  }
0x71: {  	_ =	shalt  }
0x72: {  	_ =	shalt  }
0x73: {  	_ =	shalt  }
0x74: {  	_ =	shalt  }
0x75: {  	_ =	shalt  }
0x76: {  	_ =	shalt  }
0x77: {  	_ =	shalt  }
0x78: {  	_ =	shalt  }
0x79: {  	_ =	shalt  }
0x7a: {  	_ =	shalt  }
0x7b: {  	_ =	shalt  }
0x7c: {  	_ =	shalt  }
0x7d: {  	_ =	shalt  }
0x7e: {  	_ =	shalt  }
0x7f: {  	_ =	shalt  }
0x80: {  	_ =	shalt  }
0x81: {  	_ =	shalt  }
0x82: {  	_ =	shalt  }
0x83: {  	_ =	shalt  }
0x84: {  	_ =	shalt  }
0x85: {  	_ =	shalt  }
0x86: {  	_ =	shalt  }
0x87: {  	_ =	shalt  }
.Lfunc_end0:
.L_simem_size_0:
called_computation_lowered:
.L_overlay_start_0:
0x88: {  	s2 =	sld [smem:$0x3FD9]  }
0x89: {  	s3 =	sld [smem:$0x3FFE];
	_ =	sdelay $0x1  }
0x8a: {  	s1 =	srdreg.scid  }
0x8b: {  	s0 =	sand.u32 $0x1, s1  }
0x8c: {  	s17 =	sshll.u32 s0, $0xA;
	s2 =	sadd.s32 s3, s2  }
0x8d: {  	s2 =	sadd.s32 s2, s17  }
0x8e: {  	[smem:$0x3FC4] =	sst s2  }
0x8f: {  	_ = 	snop  }
0x90: {  	s2 =	sld [smem:$0x3FD0];
	(tm) =	ssettm $0x1  }
0x91: {  	s18 =	sld [smem:$0x3FFB];
	_ =	sdelay $0x3  }
0x92: {  	_ =	strace s18  }
0x93: {  	s3 =	sld [smem:$0x3FFC];
	_ =	sdelay $0x3  }
0x94: {  	_ =	strace s3  }
0x95: {  	s3 =	sld [smem:$0x3FFD];
	_ =	sdelay $0x3  }
0x96: {  	_ =	strace s3  }
0x97: {  	_ =	strace $0x8FFFFFFF  }
0x98: {  	s19 =	sld [smem:$0x3FDB];
	_ =	sdelay $0x1  }
0x99: {  	s4 =	simm.s32 $_scs_section_size  }
0x9a: {  	s5 =	simm.s32 $_size__tile_overlayer_lowered;
	s6 =	simm.s32 $_tile_overlayer_lowered  }
0x9b: {  	s22 =	simm.s32 $0x1BFF;
	s21 =	sshll.u32 s6, $0x1;
	s3 =	sadd.s32 s4, s19  }
0x9c: {  	s7 =	simm.s32 $0x0;
	s20 =	sshll.u32 s5, $0x1;
	s5 =	sadd.s32 s21, s3  }
0x9d: {  	[timem:s7], [sflag:s22] =	dma.local [hbm:s5], s20  }
0x9e: {  	_ =	swait.ge [sflag:s22], s20  }
0x9f: {  	s4 =	ssub.s32 $0x0, s20;
	[sflag:s22] =	ssyncset.done $0x0  }
0xa0: {  	[sflag:s22] =	ssyncadd.s32 s4;
	_ =	sdelay $0x1  }
0xa1: {  	s23 =	simm.s32 $0x1B8B  }
0xa2: {  	_ =	swait.ge [sflag:s23], $0x1  }
0xa3: {  	[sflag:s23] =	ssyncset.done $0x0  }
0xa4: {  	s25 =	simm.s32 $0x1B8E;
	s24 =	sld [smem:$0x3FFE];
	[sflag:s23] =	ssyncadd.s32 $0xFFFFFFFF  }
0xa5: {  	s26 =	simm.s32 $execute0_lowered;
	[smem:$0x3FD2] =	sst s25  }
0xa6: {  	s5 =	sshll.u32 s26, $0x1;
	_ =	strace $0x80000046;
	[dreg:$0x1] =	wrdreg $0xFFFFFFFF  }
0xa7: {  	s28 =	simm.s32 $_size_execute0_lowered;
	s3 =	sadd.s32 s3, s5;
	[dreg:$0x0] =	wrdreg $0x0  }
0xa8: {  	s5 =	sshll.u32 s28, $0x1;
	[dreg:$0x2] =	wrdreg s3  }
0xa9: {  	[dreg:$0x3] =	wrdreg s5  }
0xaa: {  	[dreg:$0x4] =	wrdreg $0xC0  }
0xab: {  	_ =	task [dreg:s7], $0x5FFFF  }
0xac: {  	[dreg:$0x1] =	wrdreg $0xFFFFFFFF  }
0xad: {  	[dreg:$0x0] =	wrdreg $0x60  }
0xae: {  	[dreg:$0x2] =	wrdreg s24  }
0xaf: {  	[dreg:$0x3] =	wrdreg s2  }
0xb0: {  	[dreg:$0x4] =	wrdreg $0xA3000  }
0xb1: {  	[dreg:$0x5] =	wrdreg $0x9  }
0xb2: {  	_ =	task.clear_ibuf [dreg:s7], $0x6FFFF;
	_ =	strace $0x90000046  }
0xb3: {  	s29 =	simm.s32 $0x9;
	_ =	strace $0x80000048  }
0xb4: {  	_ =	swait.ge [sflag:s29], $0x1  }
0xb5: {  	[sflag:s29] =	ssyncadd.s32 $0xFFFFFFFF  }
0xb6: {  	_ =	strace $0x90000048  }
0xb7: {  	_ =	sfence  }
0xb8: {  	s30 =	sld [smem:$0x0];
	_ =	sdelay $0x2  }
0xb9: {  	s31 =	sshll.u32 s1, $0xD;
	s1 =	sshrl.u32 s1, $0x2  }
0xba: {  	s3 =	sand.u32 $0x4000, s31;
	s1 =	sadd.s32 s1, s30  }
0xbb: {  	s0 =	sor.u32 s3, s0;
	s1 =	sshll.u32 s1, $0x11  }
0xbc: {  	s0 =	sor.u32 s1, s0  }
0xbd: {  	s0 =	sadd.s32 $0x8F2B, s0  }
0xbe: {  	[sflag:s0] =	ssyncadd.remote.s32 $0x1  }
0xbf: {  	_ =	sfence.sel $0xFFFF  }
0xc0: {  	[dreg:$0x0] =	wrdreg $0xFFFFFFFF;
	(pc) =	sbr.abs _section_cstart, $3  }
0xc1: {  	[dreg:$0x1] =	wrdreg $0xFFFFFFFF  }
0xc2: {  	_ =	task.clear_ibuf [dreg:s7], $0x2FFFF;
	_ =	strace $0x9FFFFFFF  }
0xc3: {  	(tm) =	ssettm $0x7FFFFFFF  }
tec
execute0_lowered:
.L_overlay_start_1:
0x0: {  	(tag) =	ssettag $0x1  }
0x1: {  	s4 =	rddreg [dreg:$0x0]  }
0x2: {  	s7 =	rddreg [dreg:$0x1]  }
0x3: {  	s2 =	rddreg [dreg:$0x2]  }
0x4: {  	s1 =	stileid.u32;
	s3 =	srdreg.scid  }
0x5: {  	s0 =	rddreg [dreg:$0x3];
	s5 =	smul.u32 $0xA00, s1;
	s6 =	sand.u32 $0x1, s3  }
0x6: {  	s3 =	simm.s32 $0x0;
	s9 =	smul.u32 $0x280, s1;
	s8 =	ssub.s32 $0x2, s6  }
0x7: {  	[smem:$0x7FF] =	sst s3;
	s11 =	smul.u32 $0x2800, s6;
	s6 =	sxor.u32 $0x1, s6  }
0x8: {  	s10 =	sshrl.u32 s8, $0x1;
	s12 =	sadd.s32 s5, s4;
	s4 =	smul.u32 $0xA0, s1  }
0x9: {  	_ =	strace $0x80000047;
	s5 =	sadd.s32 s9, s2;
	s31 =	smul.u32 $0xE, s6  }
0xa: {  	s8 =	ssub.s32 s8, s10;
	s30 =	sadd.s32 s9, s11;
	s6 =	sadd.s32 $0x1200, s12  }
0xb: {  	s9 =	simm.s32 $0xA080;
	s11 =	simm.s32 $0x0;
	s10 =	sshrl.u32 s30, $0x3  }
0xc: {  	v1 =	vimm.f32 $1.000000000e+00;
	v2 =	vimm.f32 $0.0e+00;
	s8 =	smax.u32 s8, $0x1;
	v0 =	vmov s31;
	s7 =	sadd.s32 s7, s10;
	s10 =	simm.s32 $0x2  }
.LBB2_1:
0xd: {  	[tilespmem:$0xA000] =	vst v1  }
0xe: {  	[tilespmem:$0xA010] =	vst v1  }
0xf: {  	[tilespmem:$0xA020] =	vst v1  }
0x10: {  	[tilespmem:$0xA030] =	vst v1  }
0x11: {  	[tilespmem:$0xA040] =	vst v1  }
0x12: {  	[tilespmem:$0xA050] =	vst v1  }
0x13: {  	[tilespmem:$0xA060] =	vst v1  }
0x14: {  	[tilespmem:$0xA070] =	vst v1  }
0x15: {  	[tilespmem:$0xA080] =	vst v2  }
0x16: {  	[tilespmem:$0xA090] =	vst v2  }
0x17: {  	[tilespmem:$0xA0A0] =	vst v2  }
0x18: {  	[tilespmem:$0xA0B0] =	vst v2  }
0x19: {  	[tilespmem:$0xA0C0] =	vst v2  }
0x1a: {  	[tilespmem:$0xA0D0] =	vst v2  }
0x1b: {  	[tilespmem:$0xA0E0] =	vst v2  }
0x1c: {  	[tilespmem:$0xA0F0] =	vst v2  }
0x1d: {  	[tilespmem:$0xA100] =	vst v2  }
0x1e: {  	[tilespmem:$0xA110] =	vst v2  }
0x1f: {  	[tilespmem:$0xA120] =	vst v2  }
0x20: {  	[tilespmem:$0xA130] =	vst v2  }
0x21: {  	[tilespmem:$0xA140] =	vst v2  }
0x22: {  	[tilespmem:$0xA150] =	vst v2  }
0x23: {  	[tilespmem:$0xA160] =	vst v2  }
0x24: {  	[tilespmem:$0xA170] =	vst v2  }
0x25: {  	[tilespmem:$0xA180] =	vst v2  }
0x26: {  	[tilespmem:$0xA190] =	vst v2  }
0x27: {  	[tilespmem:$0xA1A0] =	vst v2  }
0x28: {  	[tilespmem:$0xA1B0] =	vst v2  }
0x29: {  	[tilespmem:$0xA1C0] =	vst v2  }
0x2a: {  	[tilespmem:$0xA1D0] =	vst v2  }
0x2b: {  	[tilespmem:$0xA1E0] =	vst v2  }
0x2c: {  	[tilespmem:$0xA1F0] =	vst v2  }
0x2d: {  	[tilespmem:$0xA200] =	vst v2  }
0x2e: {  	[tilespmem:$0xA210] =	vst v2  }
0x2f: {  	[tilespmem:$0xA220] =	vst v2  }
0x30: {  	[tilespmem:$0xA230] =	vst v2  }
0x31: {  	[tilespmem:$0xA240] =	vst v2  }
0x32: {  	[tilespmem:$0xA250] =	vst v2  }
0x33: {  	[tilespmem:$0xA260] =	vst v2  }
0x34: {  	[tilespmem:$0xA270] =	vst v2  }
0x35: {  	[tilespmem:$0xA280] =	vst v2  }
0x36: {  	[tilespmem:$0xA290] =	vst v2  }
0x37: {  	[tilespmem:$0xA2A0] =	vst v2  }
0x38: {  	[tilespmem:$0xA2B0] =	vst v2  }
0x39: {  	[tilespmem:$0xA2C0] =	vst v2  }
0x3a: {  	[tilespmem:$0xA2D0] =	vst v2  }
0x3b: {  	[tilespmem:$0xA2E0] =	vst v2  }
0x3c: {  	[tilespmem:$0xA2F0] =	vst v2  }
0x3d: {  	[spmem:s5] =	stream.linear.scatter [tilespmem:s9], [sflag:$0x2], $0x280, $0x38;
	[tilespmem:$0xA580] =	vst v63  }
0x3e: {  	_ =	swait.ge [sflag:s10], $0x280  }
0x3f: {  	[sflag:s10] =	ssyncset.done $0x0  }
0x40: {  	[sflag:s10] =	ssyncadd.s32 $0xFFFFFD80  }
0x41: {  	[tilespmem:s3], [sflag:$0x2] =	stream.linear.gather [hbm4b:s6+s3], $0x5000, $0x38;
	[tilespmem:$0xA580] =	vst v63  }
0x42: {  	_ =	swait.ge [sflag:s10], $0x5000  }
0x43: {  	[sflag:s10] =	ssyncset.done $0x0  }
0x44: {  	s13 =	simm.s32 $0x0;
	[sflag:s10] =	ssyncadd.s32 $0xFFFFB000  }
0x45: {  	v3 =	vld [tilespmem:s13+$0x70]  }
0x46: {  	v5 =	vld [tilespmem:s13+$0x0]  }
0x47: {  	v9 =	vld [tilespmem:s13+$0x10]  }
0x48: {  	v7 =	vld [tilespmem:s13+$0x20]  }
0x49: {  	v6 =	vld [tilespmem:s13+$0x30]  }
0x4a: {  	v4 =	vld [tilespmem:s13+$0x40];
	v8 =	vshrl.u32 v3, v0  }
0x4b: {  	v3 =	vld [tilespmem:s13+$0x50];
	v10 =	vshrl.u32 v5, v0;
	v11 =	vand.u32 $0x3FFF, v8  }
0x4c: {  	s12 =	simm.s32 $0x80;
	s14 =	simm.s32 $0x400;
	v5 =	vld [tilespmem:s13+$0x60];
	v9 =	vshrl.u32 v9, v0;
	v8 =	vand.u32 $0x3FFF, v10;
	[tilespmem:s13+$0x5070] =	vst v11  }
.LBB2_2:
0x4d: {  	p0 =	sne.s32 s14, $0x13E00;
	v10 =	vld [tilespmem:s12+$0x70];
	[tilespmem:s13+$0x5000] =	vst v8;
	v8 =	vand.u32 $0x3FFF, v9;
	v7 =	vshrl.u32 v7, v0  }
0x4e: {  	v9 =	vld [tilespmem:s12+$0x0];
	[tilespmem:s13+$0x5010] =	vst v8;
	v7 =	vand.u32 $0x3FFF, v7;
	v6 =	vshrl.u32 v6, v0  }
0x4f: {  	v11 =	vld [tilespmem:s12+$0x10];
	[tilespmem:s13+$0x5020] =	vst v7;
	v6 =	vand.u32 $0x3FFF, v6;
	v4 =	vshrl.u32 v4, v0  }
.Ltmp0:
0x50: {  	v7 =	vld [tilespmem:s12+$0x20];
	[tilespmem:s13+$0x5030] =	vst v6;
	v4 =	vand.u32 $0x3FFF, v4;
	v3 =	vshrl.u32 v3, v0;
	(pc) =	sbr.rel @p0 .LBB2_2-.Ltmp0, $4  }
0x51: {  	v6 =	vld [tilespmem:s12+$0x30];
	[tilespmem:s13+$0x5040] =	vst v4;
	v3 =	vand.u32 $0x3FFF, v3;
	v5 =	vshrl.u32 v5, v0  }
0x52: {  	v4 =	vld [tilespmem:s12+$0x40];
	v8 =	vshrl.u32 v10, v0;
	[tilespmem:s13+$0x5050] =	vst v3;
	v5 =	vand.u32 $0x3FFF, v5  }
0x53: {  	v9 =	vshrl.u32 v9, v0;
	v3 =	vld [tilespmem:s12+$0x50];
	v10 =	vand.u32 $0x3FFF, v8;
	[tilespmem:s13+$0x5060] =	vst v5;
	s13 =	smov.u32 s12  }
0x54: {  	s12 =	sshra.s32 s14, $0x2;
	s14 =	sadd.s32 $0x200, s14;
	v8 =	vand.u32 $0x3FFF, v9;
	v9 =	vshrl.u32 v11, v0;
	v5 =	vld [tilespmem:s13+$0x60];
	[tilespmem:s13+$0x5070] =	vst v10  }
0x55: {  	v10 =	vld [tilespmem:s12+$0x70];
	[tilespmem:s13+$0x5000] =	vst v8;
	v57 =	vand.u32 $0x3FFF, v9;
	v7 =	vshrl.u32 v7, v0  }
0x56: {  	v58 =	vld [tilespmem:s12+$0x0];
	[tilespmem:s13+$0x5010] =	vst v57;
	v7 =	vand.u32 $0x3FFF, v7;
	v6 =	vshrl.u32 v6, v0  }
0x57: {  	v8 =	vld [tilespmem:s12+$0x10];
	[tilespmem:s13+$0x5020] =	vst v7;
	v6 =	vand.u32 $0x3FFF, v6;
	v4 =	vshrl.u32 v4, v0  }
0x58: {  	v7 =	vld [tilespmem:s12+$0x20];
	[tilespmem:s13+$0x5030] =	vst v6;
	v4 =	vand.u32 $0x3FFF, v4;
	v3 =	vshrl.u32 v3, v0  }
0x59: {  	v6 =	vld [tilespmem:s12+$0x30];
	[tilespmem:s13+$0x5040] =	vst v4;
	v3 =	vand.u32 $0x3FFF, v3;
	v5 =	vshrl.u32 v5, v0  }
0x5a: {  	v4 =	vld [tilespmem:s12+$0x40];
	[tilespmem:s13+$0x5050] =	vst v3;
	v3 =	vand.u32 $0x3FFF, v5;
	v10 =	vshrl.u32 v10, v0  }
0x5b: {  	v59 =	vld [tilespmem:s12+$0x50];
	[tilespmem:s13+$0x5060] =	vst v3;
	v3 =	vshrl.u32 v58, v0;
	v60 =	vand.u32 $0x3FFF, v10  }
0x5c: {  	v61 =	vld [tilespmem:s12+$0x60];
	v3 =	vand.u32 $0x3FFF, v3;
	v8 =	vshrl.u32 v8, v0;
	[tilespmem:s12+$0x5070] =	vst v60  }
0x5d: {  	[tilespmem:s12+$0x5000] =	vst v3;
	v3 =	vand.u32 $0x3FFF, v8;
	v7 =	vshrl.u32 v7, v0  }
0x5e: {  	[tilespmem:s12+$0x5010] =	vst v3;
	v3 =	vand.u32 $0x3FFF, v7;
	v6 =	vshrl.u32 v6, v0  }
0x5f: {  	[tilespmem:s12+$0x5020] =	vst v3;
	v3 =	vand.u32 $0x3FFF, v6;
	v4 =	vshrl.u32 v4, v0  }
0x60: {  	[tilespmem:s12+$0x5030] =	vst v3;
	v3 =	vand.u32 $0x3FFF, v4;
	v62 =	vshrl.u32 v59, v0  }
0x61: {  	[tilespmem:s12+$0x5040] =	vst v3;
	v3 =	vand.u32 $0x3FFF, v62;
	v63 =	vshrl.u32 v61, v0  }
0x62: {  	p1 =	sgt.u32 s4, $0x9C3;
	[tilespmem:s12+$0x5050] =	vst v3;
	v3 =	vand.u32 $0x3FFF, v63  }
0x63: {  	s14 =	simm.s32 @!p1 $0xA000;
	[tilespmem:s12+$0x5060] =	vst v3  }
0x64: {  	s13 =	simm.s32 @!p1 $0x5000;
	s12 =	simm.s32 @!p1 $0x80;
	[bflag:$0x0] =	sbarrier.arrive $0xFFFF  }
0x65: {  	[spmem:s2] =	stream.indirect.scatter.add.f32 @!p1 [tilespmem:s14], [sflag:$0x1], $0x1, s13, s12, $0xb8;
	[tilespmem:$0xA580] =	vst v63  }
0x66: {  	s13 =	simm.s32 @!p1 $0x5080  }
0x67: {  	[spmem:s2] =	stream.indirect.scatter.add.f32 @!p1 [tilespmem:s14], [sflag:$0x1], $0x1, s13, s12, $0xb8;
	[tilespmem:$0xA580] =	vst v63  }
0x68: {  	p0 =	sgt.u32 @!p1 s4, $0x9BF;
	s13 =	simm.s32 @!p1 $0x5100  }
0x69: {  	[spmem:s2] =	stream.indirect.scatter.add.f32 @!p1 [tilespmem:s14], [sflag:$0x1], $0x1, s13, s12, $0xb8;
	[tilespmem:$0xA580] =	vst v63  }
0x6a: {  	p0 =	por p0, p1;
	s13 =	simm.s32 @!p1 $0x5180  }
0x6b: {  	[spmem:s2] =	stream.indirect.scatter.add.f32 @!p1 [tilespmem:s14], [sflag:$0x1], $0x1, s13, s12, $0xb8;
	[tilespmem:$0xA580] =	vst v63  }
0x6c: {  	s12 =	simm.s32 @!p0 $0x5200;
	s13 =	simm.s32 @!p0 $0x80;
	s14 =	simm.s32 @!p0 $0xA000  }
0x6d: {  	[spmem:s2] =	stream.indirect.scatter.add.f32 @!p0 [tilespmem:s14], [sflag:$0x1], $0x1, s12, s13, $0xb8;
	[tilespmem:$0xA580] =	vst v63  }
0x6e: {  	s12 =	simm.s32 @!p0 $0x5280  }
0x6f: {  	[spmem:s2] =	stream.indirect.scatter.add.f32 @!p0 [tilespmem:s14], [sflag:$0x1], $0x1, s12, s13, $0xb8;
	[tilespmem:$0xA580] =	vst v63  }
0x70: {  	s12 =	simm.s32 @!p0 $0x5300  }
0x71: {  	[spmem:s2] =	stream.indirect.scatter.add.f32 @!p0 [tilespmem:s14], [sflag:$0x1], $0x1, s12, s13, $0xb8;
	[tilespmem:$0xA580] =	vst v63  }
0x72: {  	s15 =	simm.s32 @!p1 $0x1;
	s12 =	simm.s32 @!p0 $0x5380  }
0x73: {  	[spmem:s2] =	stream.indirect.scatter.add.f32 @!p0 [tilespmem:s14], [sflag:$0x1], $0x1, s12, s13, $0xb8;
	[tilespmem:$0xA580] =	vst v63  }
0x74: {  	_ =	swait.ge @!p1 [sflag:s15], $0x80  }
0x75: {  	[sflag:s15] =	ssyncset.done @!p1 $0x0  }
0x76: {  	[sflag:s15] =	ssyncadd.s32 @!p1 $0xFFFFFF80  }
0x77: {  	_ =	swait.ge @!p1 [sflag:s15], $0x80  }
0x78: {  	[sflag:s15] =	ssyncset.done @!p1 $0x0  }
0x79: {  	[sflag:s15] =	ssyncadd.s32 @!p1 $0xFFFFFF80  }
0x7a: {  	_ =	swait.ge @!p1 [sflag:s15], $0x80  }
0x7b: {  	[sflag:s15] =	ssyncset.done @!p1 $0x0  }
0x7c: {  	[sflag:s15] =	ssyncadd.s32 @!p1 $0xFFFFFF80  }
0x7d: {  	_ =	swait.ge @!p1 [sflag:s15], $0x80  }
0x7e: {  	[sflag:s15] =	ssyncset.done @!p1 $0x0  }
0x7f: {  	[sflag:s15] =	ssyncadd.s32 @!p1 $0xFFFFFF80;
	s15 =	simm.s32 @!p0 $0x1  }
0x80: {  	_ =	swait.ge @!p0 [sflag:s15], $0x80  }
0x81: {  	[sflag:s15] =	ssyncset.done @!p0 $0x0  }
0x82: {  	[sflag:s15] =	ssyncadd.s32 @!p0 $0xFFFFFF80  }
0x83: {  	_ =	swait.ge @!p0 [sflag:s15], $0x80  }
0x84: {  	[sflag:s15] =	ssyncset.done @!p0 $0x0  }
0x85: {  	s12 =	simm.s32 $0x1000;
	s13 =	sadd.s32 $0x8, s4;
	[sflag:s15] =	ssyncadd.s32 @!p0 $0xFFFFFF80  }
0x86: {  	s14 =	simm.s32 $0x2000;
	p1 =	sgt.u32 s13, $0x9C3;
	_ =	swait.ge @!p0 [sflag:s15], $0x80  }
0x87: {  	s17 =	simm.s32 @!p1 $0x400;
	s16 =	simm.s32 @!p1 $0x80;
	[sflag:s15] =	ssyncset.done @!p0 $0x0  }
.LBB2_4:
0x88: {  	s18 =	sadd.s32 @!p1 $0x5000, s17  }
0x89: {  	s19 =	simm.s32 @!p1 $0xA000;
	[sflag:s15] =	ssyncadd.s32 @!p0 $0xFFFFFF80;
	s20 =	smov.u32 s14  }
0x8a: {  	s14 =	sadd.s32 $0x1000, s14;
	p3 =	sgt.u32 @!p1 s13, $0x9BF;
	_ =	swait.ge @!p0 [sflag:s15], $0x80  }
0x8b: {  	p2 =	sne.s32 s14, $0x14000;
	[sflag:s15] =	ssyncset.done @!p0 $0x0  }
0x8c: {  	[sflag:s15] =	ssyncadd.s32 @!p0 $0xFFFFFF80  }
0x8d: {  	[spmem:s2] =	stream.indirect.scatter.add.f32 @!p1 [tilespmem:s19], [sflag:$0x1], $0x1, s18, s16, $0xb8;
	[tilespmem:$0xA580] =	vst v63  }
0x8e: {  	s15 =	sadd.s32 @!p1 $0x5080, s17  }
0x8f: {  	[spmem:s2] =	stream.indirect.scatter.add.f32 @!p1 [tilespmem:s19], [sflag:$0x1], $0x1, s15, s16, $0xb8;
	[tilespmem:$0xA580] =	vst v63  }
0x90: {  	p0 =	por p3, p1;
	s15 =	sadd.s32 @!p1 $0x5100, s17  }
0x91: {  	[spmem:s2] =	stream.indirect.scatter.add.f32 @!p1 [tilespmem:s19], [sflag:$0x1], $0x1, s15, s16, $0xb8;
	[tilespmem:$0xA580] =	vst v63  }
0x92: {  	s15 =	sadd.s32 @!p1 $0x5180, s17;
	s17 =	sshra.s32 @!p0 s12, $0x2;
	s12 =	smov.u32 s20  }
0x93: {  	[spmem:s2] =	stream.indirect.scatter.add.f32 @!p1 [tilespmem:s19], [sflag:$0x1], $0x1, s15, s16, $0xb8;
	[tilespmem:$0xA580] =	vst v63  }
0x94: {  	s18 =	simm.s32 @!p0 $0xA000;
	s15 =	sadd.s32 @!p0 $0x5200, s17;
	s16 =	simm.s32 @!p0 $0x80  }
0x95: {  	[spmem:s2] =	stream.indirect.scatter.add.f32 @!p0 [tilespmem:s18], [sflag:$0x1], $0x1, s15, s16, $0xb8;
	[tilespmem:$0xA580] =	vst v63  }
0x96: {  	s19 =	sadd.s32 @!p0 $0x5300, s17;
	s15 =	sadd.s32 @!p0 $0x5280, s17;
	s17 =	sadd.s32 @!p0 $0x5380, s17  }
0x97: {  	[spmem:s2] =	stream.indirect.scatter.add.f32 @!p0 [tilespmem:s18], [sflag:$0x1], $0x1, s15, s16, $0xb8;
	[tilespmem:$0xA580] =	vst v63  }
0x98: {  	_ = 	snop  }
0x99: {  	[spmem:s2] =	stream.indirect.scatter.add.f32 @!p0 [tilespmem:s18], [sflag:$0x1], $0x1, s19, s16, $0xb8;
	[tilespmem:$0xA580] =	vst v63  }
0x9a: {  	s15 =	simm.s32 @!p1 $0x1  }
0x9b: {  	[spmem:s2] =	stream.indirect.scatter.add.f32 @!p0 [tilespmem:s18], [sflag:$0x1], $0x1, s17, s16, $0xb8;
	[tilespmem:$0xA580] =	vst v63  }
0x9c: {  	_ =	swait.ge @!p1 [sflag:s15], $0x80  }
0x9d: {  	[sflag:s15] =	ssyncset.done @!p1 $0x0  }
0x9e: {  	[sflag:s15] =	ssyncadd.s32 @!p1 $0xFFFFFF80  }
0x9f: {  	_ =	swait.ge @!p1 [sflag:s15], $0x80  }
0xa0: {  	[sflag:s15] =	ssyncset.done @!p1 $0x0  }
0xa1: {  	[sflag:s15] =	ssyncadd.s32 @!p1 $0xFFFFFF80  }
0xa2: {  	_ =	swait.ge @!p1 [sflag:s15], $0x80  }
0xa3: {  	[sflag:s15] =	ssyncset.done @!p1 $0x0  }
0xa4: {  	[sflag:s15] =	ssyncadd.s32 @!p1 $0xFFFFFF80  }
0xa5: {  	_ =	swait.ge @!p1 [sflag:s15], $0x80  }
0xa6: {  	[sflag:s15] =	ssyncset.done @!p1 $0x0  }
0xa7: {  	[sflag:s15] =	ssyncadd.s32 @!p1 $0xFFFFFF80;
	s15 =	simm.s32 @!p0 $0x1  }
0xa8: {  	_ =	swait.ge @!p0 [sflag:s15], $0x80  }
0xa9: {  	[sflag:s15] =	ssyncset.done @!p0 $0x0  }
0xaa: {  	[sflag:s15] =	ssyncadd.s32 @!p0 $0xFFFFFF80  }
.Ltmp1:
0xab: {  	_ =	swait.ge @!p0 [sflag:s15], $0x80;
	(pc) =	sbr.rel @p2 .LBB2_4-.Ltmp1, $4  }
0xac: {  	[sflag:s15] =	ssyncset.done @!p0 $0x0  }
0xad: {  	s13 =	sadd.s32 $0x8, s13;
	[sflag:s15] =	ssyncadd.s32 @!p0 $0xFFFFFF80  }
0xae: {  	p1 =	sgt.u32 s13, $0x9C3;
	_ =	swait.ge @!p0 [sflag:s15], $0x80  }
0xaf: {  	s17 =	sshra.s32 @!p1 s12, $0x2;
	s16 =	simm.s32 @!p1 $0x80;
	[sflag:s15] =	ssyncset.done @!p0 $0x0  }
0xb0: {  	[sflag:s15] =	ssyncadd.s32 @!p0 $0xFFFFFF80  }
0xb1: {  	_ =	swait.ge @!p0 [sflag:s15], $0x80  }
0xb2: {  	[sflag:s15] =	ssyncset.done @!p0 $0x0  }
0xb3: {  	s14 =	sadd.s32 @!p1 $0x5000, s17;
	s18 =	simm.s32 @!p1 $0xA000;
	[sflag:s15] =	ssyncadd.s32 @!p0 $0xFFFFFF80  }
0xb4: {  	[spmem:s2] =	stream.indirect.scatter.add.f32 @!p1 [tilespmem:s18], [sflag:$0x1], $0x1, s14, s16, $0xb8;
	[tilespmem:$0xA580] =	vst v63  }
0xb5: {  	p0 =	sgt.u32 @!p1 s13, $0x9BF;
	s13 =	sadd.s32 @!p1 $0x5080, s17  }
0xb6: {  	[spmem:s2] =	stream.indirect.scatter.add.f32 @!p1 [tilespmem:s18], [sflag:$0x1], $0x1, s13, s16, $0xb8;
	[tilespmem:$0xA580] =	vst v63  }
0xb7: {  	p0 =	por p0, p1;
	s13 =	sadd.s32 @!p1 $0x5100, s17  }
0xb8: {  	[spmem:s2] =	stream.indirect.scatter.add.f32 @!p1 [tilespmem:s18], [sflag:$0x1], $0x1, s13, s16, $0xb8;
	[tilespmem:$0xA580] =	vst v63  }
0xb9: {  	s12 =	sshra.s32 @!p0 s12, $0x2;
	s13 =	sadd.s32 @!p1 $0x5180, s17  }
0xba: {  	[spmem:s2] =	stream.indirect.scatter.add.f32 @!p1 [tilespmem:s18], [sflag:$0x1], $0x1, s13, s16, $0xb8;
	[tilespmem:$0xA580] =	vst v63  }
0xbb: {  	s14 =	simm.s32 @!p0 $0x80;
	s15 =	simm.s32 @!p0 $0xA000;
	s13 =	sadd.s32 @!p0 $0x5200, s12  }
0xbc: {  	[spmem:s2] =	stream.indirect.scatter.add.f32 @!p0 [tilespmem:s15], [sflag:$0x1], $0x1, s13, s14, $0xb8;
	[tilespmem:$0xA580] =	vst v63  }
0xbd: {  	s13 =	sadd.s32 @!p0 $0x5280, s12  }
0xbe: {  	[spmem:s2] =	stream.indirect.scatter.add.f32 @!p0 [tilespmem:s15], [sflag:$0x1], $0x1, s13, s14, $0xb8;
	[tilespmem:$0xA580] =	vst v63  }
0xbf: {  	s13 =	sadd.s32 @!p0 $0x5300, s12  }
0xc0: {  	[spmem:s2] =	stream.indirect.scatter.add.f32 @!p0 [tilespmem:s15], [sflag:$0x1], $0x1, s13, s14, $0xb8;
	[tilespmem:$0xA580] =	vst v63  }
0xc1: {  	s12 =	sadd.s32 @!p0 $0x5380, s12;
	s13 =	simm.s32 @!p1 $0x1  }
0xc2: {  	[spmem:s2] =	stream.indirect.scatter.add.f32 @!p0 [tilespmem:s15], [sflag:$0x1], $0x1, s12, s14, $0xb8;
	[tilespmem:$0xA580] =	vst v63  }
0xc3: {  	_ =	swait.ge @!p1 [sflag:s13], $0x80  }
0xc4: {  	[sflag:s13] =	ssyncset.done @!p1 $0x0  }
0xc5: {  	[sflag:s13] =	ssyncadd.s32 @!p1 $0xFFFFFF80  }
0xc6: {  	_ =	swait.ge @!p1 [sflag:s13], $0x80  }
0xc7: {  	[sflag:s13] =	ssyncset.done @!p1 $0x0  }
0xc8: {  	[sflag:s13] =	ssyncadd.s32 @!p1 $0xFFFFFF80  }
0xc9: {  	_ =	swait.ge @!p1 [sflag:s13], $0x80  }
0xca: {  	[sflag:s13] =	ssyncset.done @!p1 $0x0  }
0xcb: {  	[sflag:s13] =	ssyncadd.s32 @!p1 $0xFFFFFF80  }
0xcc: {  	_ =	swait.ge @!p1 [sflag:s13], $0x80  }
0xcd: {  	[sflag:s13] =	ssyncset.done @!p1 $0x0  }
0xce: {  	s12 =	simm.s32 @!p0 $0x1;
	[sflag:s13] =	ssyncadd.s32 @!p1 $0xFFFFFF80  }
0xcf: {  	_ =	swait.ge @!p0 [sflag:s12], $0x80  }
0xd0: {  	[sflag:s12] =	ssyncset.done @!p0 $0x0  }
0xd1: {  	[sflag:s12] =	ssyncadd.s32 @!p0 $0xFFFFFF80  }
0xd2: {  	_ =	swait.ge @!p0 [sflag:s12], $0x80  }
0xd3: {  	[sflag:s12] =	ssyncset.done @!p0 $0x0  }
0xd4: {  	[sflag:s12] =	ssyncadd.s32 @!p0 $0xFFFFFF80  }
0xd5: {  	_ =	swait.ge @!p0 [sflag:s12], $0x80  }
0xd6: {  	[sflag:s12] =	ssyncset.done @!p0 $0x0  }
0xd7: {  	[sflag:s12] =	ssyncadd.s32 @!p0 $0xFFFFFF80  }
0xd8: {  	_ =	swait.ge @!p0 [sflag:s12], $0x80  }
0xd9: {  	[sflag:s12] =	ssyncset.done @!p0 $0x0  }
0xda: {  	[sflag:s12] =	ssyncadd.s32 @!p0 $0xFFFFFF80  }
0xdb: {  	[bflag:$0x0] =	sbarrier.arrive $0xFFFF  }
0xdc: {  	[tilespmem:s9], [sflag:$0x2] =	stream.linear.gather [spmem:s5], $0x280, $0x38;
	[tilespmem:$0xA580] =	vst v63  }
0xdd: {  	_ =	swait.ge [sflag:s10], $0x280  }
0xde: {  	[sflag:s10] =	ssyncset.done $0x0  }
0xdf: {  	s13 =	simm.s32 $0x40;
	s12 =	simm.s32 $0x0;
	[sflag:s10] =	ssyncadd.s32 $0xFFFFFD80  }
.LBB2_6:
0xe0: {  	p0 =	sne.s32 s13, $0x9C0;
	v3 =	vld [tilespmem:s12+$0xA080];
	_ =	sdelay $0x4  }
0xe1: {  	v3 =	vmax.f32 v3, $1.000000000e+00  }
0xe2: {  	v4 =	vshrl.u32 v3, $0x1;
	v3 =	vmul.f32 $5.000000000e-01, v3  }
0xe3: {  	v4 =	vsub.s32 $0x5F3759DF, v4  }
0xe4: {  	v5 =	vmul.f32 v4, v3;
	_ =	sdelay $0x1  }
0xe5: {  	v5 =	vmul.f32 v4, v5;
	_ =	sdelay $0x1  }
0xe6: {  	v5 =	vsub.f32 $1.500000000e+00, v5;
	_ =	sdelay $0x1  }
0xe7: {  	v4 =	vmul.f32 v4, v5;
	_ =	sdelay $0x1  }
0xe8: {  	v5 =	vmul.f32 v4, v3;
	_ =	sdelay $0x1  }
0xe9: {  	v5 =	vmul.f32 v5, v4;
	_ =	sdelay $0x1  }
0xea: {  	v5 =	vsub.f32 $1.500000000e+00, v5;
	_ =	sdelay $0x1  }
0xeb: {  	v4 =	vmul.f32 v5, v4;
	_ =	sdelay $0x1  }
0xec: {  	v3 =	vmul.f32 v4, v3;
	_ =	sdelay $0x1  }
0xed: {  	v3 =	vmul.f32 v3, v4;
	_ =	sdelay $0x1  }
.Ltmp2:
0xee: {  	v3 =	vsub.f32 $1.500000000e+00, v3;
	(pc) =	sbr.rel @p0 .LBB2_6-.Ltmp2, $3  }
0xef: {  	_ = 	snop  }
0xf0: {  	v3 =	vmul.f32 v3, v4;
	_ =	sdelay $0x1  }
0xf1: {  	[tilespmem:s12+$0xA080] =	vst v3;
	s12 =	sshra.s32 s13, $0x2;
	s13 =	sadd.s32 $0x40, s13  }
0xf2: {  	v3 =	vld [tilespmem:s12+$0xA080];
	_ =	sdelay $0x4  }
0xf3: {  	v3 =	vmax.f32 v3, $1.000000000e+00  }
0xf4: {  	v4 =	vshrl.u32 v3, $0x1;
	v3 =	vmul.f32 $5.000000000e-01, v3  }
0xf5: {  	v4 =	vsub.s32 $0x5F3759DF, v4  }
0xf6: {  	v5 =	vmul.f32 v4, v3;
	_ =	sdelay $0x1  }
0xf7: {  	v5 =	vmul.f32 v4, v5;
	_ =	sdelay $0x1  }
0xf8: {  	v5 =	vsub.f32 $1.500000000e+00, v5;
	_ =	sdelay $0x1  }
0xf9: {  	v4 =	vmul.f32 v4, v5;
	_ =	sdelay $0x1  }
0xfa: {  	v5 =	vmul.f32 v4, v3;
	_ =	sdelay $0x1  }
0xfb: {  	v5 =	vmul.f32 v5, v4;
	_ =	sdelay $0x1  }
0xfc: {  	v5 =	vsub.f32 $1.500000000e+00, v5;
	_ =	sdelay $0x1  }
0xfd: {  	v4 =	vmul.f32 v5, v4;
	_ =	sdelay $0x1  }
0xfe: {  	v3 =	vmul.f32 v4, v3;
	_ =	sdelay $0x1  }
0xff: {  	v3 =	vmul.f32 v3, v4;
	_ =	sdelay $0x1  }
0x100: {  	v3 =	vsub.f32 $1.500000000e+00, v3;
	_ =	sdelay $0x1  }
0x101: {  	s11 =	sadd.s32 $0x1, s11;
	v3 =	vmul.f32 v3, v4  }
0x102: {  	p0 =	sne.s32 s11, s8  }
.Ltmp3:
0x103: {  	[tilespmem:s12+$0xA080] =	vst v3;
	(pc) =	sbr.rel @p0 .LBB2_1-.Ltmp3, $4  }
0x104: {  	[hbm4b:s7+s3] =	stream.linear.scatter [tilespmem:s9], [sflag:$0x2], $0x280, $0x38;
	[tilespmem:$0xA580] =	vst v63  }
0x105: {  	_ =	swait.ge [sflag:s10], $0x280  }
0x106: {  	[sflag:s10] =	ssyncset.done $0x0  }
0x107: {  	[sflag:s10] =	ssyncadd.s32 $0xFFFFFD80  }
0x108: {  	_ =	sfence.sel $0x180000  }
0x109: {  	[bflag:$0x0] =	sbarrier.arrive $0xFFFF  }
0x10a: {  	p0 =	sne.s32 s1, $0x0;
	_ =	strace $0x90000047  }
0x10b: {  	s0 =	sadd.s32 @!p0 $0x100000, s0;
	[bflag:$0x2] =	sbarrier.arrive $0xFFFF  }
0x10c: {  	[sflag:s0] =	ssyncadd.tile.s32 @!p0 $0x1;
	_ =	shalt  }
.Lfunc_end2:
_tile_overlayer_lowered:
.L_overlay_start_2:
0x10d: {  	(tag) =	ssettag $0x2  }
0x10e: {  	s0 =	rddreg [dreg:$0x0];
	s2 =	stileid.u32  }
0x10f: {  	s1 =	rddreg [dreg:$0x1];
	p0 =	sne.s32 s2, $0x0  }
0x110: {  	s3 =	rddreg [dreg:$0x2];
	[bflag:$0x3] =	sbarrier.arrive $0xFFFF;
	s2 =	simm.s32 @!p0 $0x1C02  }
0x111: {  	[timem:s3], [sflag:s2] =	dma.local @!p0 [hbm:s0], s1  }
0x112: {  	s0 =	simm.s32 @!p0 $0x2  }
0x113: {  	_ =	swait.ge @!p0 [sflag:s0], s1  }
0x114: {  	s1 =	ssub.s32 @!p0 $0x0, s1;
	[sflag:s0] =	ssyncset.done @!p0 $0x0  }
0x115: {  	[sflag:s0] =	ssyncadd.s32 @!p0 s1  }
0x116: {  	[bflag:$0x3] =	sbarrier.arrive $0xFFFF  }
0x117: {  	_ =	shalt  }

// kernel: kernel.9.cloned.1.call-start
scs
__scs_entry_jumppad:
0x0: {  	(pc) =	sbr.rel $0x88, $3  }
0x1: {  	(tag) =	ssettag $0x0;
	lr =	simm.s32 $0x1  }
0x2: {  	[smem:$0x3F9D] =	sst lr;
	_ =	strace $0xD0000000  }
0x3: {  	_ = 	snop  }
0x4: {  	_ = 	snop  }
0x5: {  	_ = 	snop  }
0x6: {  	_ = 	snop  }
0x7: {  	_ = 	snop  }
__scs_overlays_trampoline_lowered:
0x8: {  	[smem:$0x3FAC] =	sst s0  }
0x9: {  	[smem:$0x3FAD] =	sst s1  }
0xa: {  	[smem:$0x3FAE] =	sst s2  }
0xb: {  	[smem:$0x3FAF] =	sst s3  }
0xc: {  	[smem:$0x3FB0] =	sst s4  }
0xd: {  	[smem:$0x3FB1] =	sst s5  }
0xe: {  	[smem:$0x3FB2] =	sst s6  }
0xf: {  	[smem:$0x3FB3] =	sst s7  }
0x10: {  	[smem:$0x3FB4] =	sst s8  }
0x11: {  	[smem:$0x3FB5] =	sst s9;
	s0 =	simm.s32 @!p0 $0x0  }
0x12: {  	s1 =	sld [smem:$0x3F9B];
	s0 =	simm.s32 @p0 $0x1  }
0x13: {  	[smem:$0x3FB6] =	sst s0;
	s0 =	simm.s32 @!p1 $0x0  }
0x14: {  	s2 =	sld [smem:$0x3F9A];
	s0 =	simm.s32 @p1 $0x1  }
0x15: {  	[smem:$0x3FB7] =	sst s0;
	s0 =	simm.s32 @!p2 $0x0  }
0x16: {  	s3 =	sld [smem:$0x3FDB];
	s0 =	simm.s32 @p2 $0x1  }
0x17: {  	s4 =	simm.s32 $0x1BF5;
	[smem:$0x3FB9] =	sst s0  }
0x18: {  	s0 =	sld [smem:$0x3F9C];
	_ =	swait.ge [sflag:s4], $0x0  }
0x19: {  	s7 =	sld [smem:$0x3F9D]  }
0x1a: {  	s8 =	sadd.s32 $0xFFFFE003, lr  }
0x1b: {  	s9 =	sadd.s32 $0xFFFFFEF7, lr;
	s5 =	simm.s32 $0xFFFFFFFF;
	p2 =	slt.u32 s8, $0xFFFFF086  }
0x1c: {  	p1 =	slt.u32 s9, $0xF7A;
	s5 =	simm.s32 @!p2 $0x0  }
0x1d: {  	s5 =	simm.s32 @p1 $0x1;
	p0 =	seq.s32 s7, s2  }
0x1e: {  	s7 =	smul.u32 @!p0 $0xF7A, s2;
	p2 =	seq.s32 @!p0 s5, $0x0  }
0x1f: {  	s9 =	smul.u32 $0xF7A, s1;
	s8 =	simm.s32 @!p0 $0x1BF5;
	p2 =	por !p2, p0  }
0x20: {  	[sflag:s8] =	ssyncset.s32 @!p0 $0xFFFFF086;
	s6 =	sadd.s32 @!p0 s3, s7;
	s7 =	simm.s32 @!p0 $0x108  }
0x21: {  	s3 =	sadd.s32 s3, s9;
	s6 =	sadd.s32 @!p0 $0x88, s6;
	s7 =	simm.s32 @p2 $0x1082  }
0x22: {  	[simem:s7], [sflag:s8] =	dma.local @!p0 [hbm:s6], $0xF7A  }
0x23: {  	s9 =	sor.u32 $0xD0000000, s2;
	s6 =	simm.s32 $0x108;
	_ =	swait.ge @!p0 [sflag:s8], $0x0  }
0x24: {  	s3 =	sadd.s32 $0x88, s3;
	s6 =	simm.s32 @!p1 $0x1082;
	[sflag:s4] =	ssyncset.s32 $0xFFFFF086  }
0x25: {  	[simem:s6], [sflag:s4] =	dma.local [hbm:s3], $0xF7A  }
0x26: {  	[smem:$0x3F9D] =	sst s1;
	(tag) =	ssettag s2;
	_ =	strace s9  }
0x27: {  	s1 =	sld [smem:$0x3FAD]  }
0x28: {  	s2 =	sld [smem:$0x3FAE]  }
0x29: {  	s4 =	sld [smem:$0x3FB0]  }
0x2a: {  	p0 =	seq.s32 s5, $0x0;
	s5 =	sld [smem:$0x3FB1]  }
0x2b: {  	s6 =	sld [smem:$0x3FB2]  }
0x2c: {  	s7 =	sld [smem:$0x3FB3]  }
0x2d: {  	s3 =	simm.s32 $0x108;
	s8 =	sld [smem:$0x3FB4]  }
0x2e: {  	s3 =	simm.s32 @!p0 $0x1082;
	s9 =	sld [smem:$0x3FB5]  }
0x2f: {  	lr =	sadd.s32 s0, s3;
	s0 =	sld [smem:$0x3FAC]  }
0x30: {  	s3 =	sld [smem:$0x3FAF]  }
0x31: {  	[smem:$0x3FB8] =	sst s10  }
0x32: {  	s10 =	sld [smem:$0x3FB6];
	_ =	sdelay $0x3  }
0x33: {  	p0 =	seq.s32 s10, $0x1;
	s10 =	sld [smem:$0x3FB8];
	_ =	sdelay $0x3  }
0x34: {  	[smem:$0x3FB8] =	sst s10  }
0x35: {  	s10 =	sld [smem:$0x3FB7];
	_ =	sdelay $0x3  }
0x36: {  	p1 =	seq.s32 s10, $0x1;
	s10 =	sld [smem:$0x3FB8];
	_ =	sdelay $0x3  }
0x37: {  	[smem:$0x3FB8] =	sst s10  }
0x38: {  	s10 =	sld [smem:$0x3FB9]  }
0x39: {  	_ = 	snop;
	(pc) =	sbr.ind lr, $3  }
0x3a: {  	_ = 	snop  }
0x3b: {  	_ = 	snop  }
0x3c: {  	p2 =	seq.s32 s10, $0x1;
	s10 =	sld [smem:$0x3FB8]  }
0x3d: {  	_ =	shalt  }
0x3e: {  	_ =	shalt  }
0x3f: {  	_ =	shalt  }
0x40: {  	_ =	shalt  }
0x41: {  	_ =	shalt  }
0x42: {  	_ =	shalt  }
0x43: {  	_ =	shalt  }
0x44: {  	_ =	shalt  }
0x45: {  	_ =	shalt  }
0x46: {  	_ =	shalt  }
0x47: {  	_ =	shalt  }
0x48: {  	_ =	shalt  }
0x49: {  	_ =	shalt  }
0x4a: {  	_ =	shalt  }
0x4b: {  	_ =	shalt  }
0x4c: {  	_ =	shalt  }
0x4d: {  	_ =	shalt  }
0x4e: {  	_ =	shalt  }
0x4f: {  	_ =	shalt  }
0x50: {  	_ =	shalt  }
0x51: {  	_ =	shalt  }
0x52: {  	_ =	shalt  }
0x53: {  	_ =	shalt  }
0x54: {  	_ =	shalt  }
0x55: {  	_ =	shalt  }
0x56: {  	_ =	shalt  }
0x57: {  	_ =	shalt  }
0x58: {  	_ =	shalt  }
0x59: {  	_ =	shalt  }
0x5a: {  	_ =	shalt  }
0x5b: {  	_ =	shalt  }
0x5c: {  	_ =	shalt  }
0x5d: {  	_ =	shalt  }
0x5e: {  	_ =	shalt  }
0x5f: {  	_ =	shalt  }
0x60: {  	_ =	shalt  }
0x61: {  	_ =	shalt  }
0x62: {  	_ =	shalt  }
0x63: {  	_ =	shalt  }
0x64: {  	_ =	shalt  }
0x65: {  	_ =	shalt  }
0x66: {  	_ =	shalt  }
0x67: {  	_ =	shalt  }
0x68: {  	_ =	shalt  }
0x69: {  	_ =	shalt  }
0x6a: {  	_ =	shalt  }
0x6b: {  	_ =	shalt  }
0x6c: {  	_ =	shalt  }
0x6d: {  	_ =	shalt  }
0x6e: {  	_ =	shalt  }
0x6f: {  	_ =	shalt  }
0x70: {  	_ =	shalt  }
0x71: {  	_ =	shalt  }
0x72: {  	_ =	shalt  }
0x73: {  	_ =	shalt  }
0x74: {  	_ =	shalt  }
0x75: {  	_ =	shalt  }
0x76: {  	_ =	shalt  }
0x77: {  	_ =	shalt  }
0x78: {  	_ =	shalt  }
0x79: {  	_ =	shalt  }
0x7a: {  	_ =	shalt  }
0x7b: {  	_ =	shalt  }
0x7c: {  	_ =	shalt  }
0x7d: {  	_ =	shalt  }
0x7e: {  	_ =	shalt  }
0x7f: {  	_ =	shalt  }
0x80: {  	_ =	shalt  }
0x81: {  	_ =	shalt  }
0x82: {  	_ =	shalt  }
0x83: {  	_ =	shalt  }
0x84: {  	_ =	shalt  }
0x85: {  	_ =	shalt  }
0x86: {  	_ =	shalt  }
0x87: {  	_ =	shalt  }
.Lfunc_end0:
.L_simem_size_0:
called_computation.1_lowered:
.L_overlay_start_0:
0x88: {  	s2 =	sld [smem:$0x3FD9]  }
0x89: {  	s3 =	sld [smem:$0x3FFE];
	_ =	sdelay $0x1  }
0x8a: {  	s1 =	srdreg.scid  }
0x8b: {  	s0 =	sand.u32 $0x1, s1  }
0x8c: {  	s17 =	sshll.u32 s0, $0xA;
	s2 =	sadd.s32 s3, s2  }
0x8d: {  	s2 =	sadd.s32 s2, s17  }
0x8e: {  	[smem:$0x3FC4] =	sst s2  }
0x8f: {  	_ = 	snop  }
0x90: {  	s2 =	sld [smem:$0x3FD0];
	(tm) =	ssettm $0x1  }
0x91: {  	s18 =	sld [smem:$0x3FFB];
	_ =	sdelay $0x3  }
0x92: {  	_ =	strace s18  }
0x93: {  	s3 =	sld [smem:$0x3FFC];
	_ =	sdelay $0x3  }
0x94: {  	_ =	strace s3  }
0x95: {  	s3 =	sld [smem:$0x3FFD];
	_ =	sdelay $0x3  }
0x96: {  	_ =	strace s3  }
0x97: {  	_ =	strace $0x8FFFFFFF  }
0x98: {  	s19 =	sld [smem:$0x3FDB];
	_ =	sdelay $0x1  }
0x99: {  	s4 =	simm.s32 $_scs_section_size  }
0x9a: {  	s5 =	simm.s32 $_size__tile_overlayer_lowered;
	s6 =	simm.s32 $_tile_overlayer_lowered  }
0x9b: {  	s22 =	simm.s32 $0x1BFF;
	s21 =	sshll.u32 s6, $0x1;
	s3 =	sadd.s32 s4, s19  }
0x9c: {  	s7 =	simm.s32 $0x0;
	s20 =	sshll.u32 s5, $0x1;
	s5 =	sadd.s32 s21, s3  }
0x9d: {  	[timem:s7], [sflag:s22] =	dma.local [hbm:s5], s20  }
0x9e: {  	_ =	swait.ge [sflag:s22], s20  }
0x9f: {  	s4 =	ssub.s32 $0x0, s20;
	[sflag:s22] =	ssyncset.done $0x0  }
0xa0: {  	[sflag:s22] =	ssyncadd.s32 s4;
	_ =	sdelay $0x1  }
0xa1: {  	s23 =	simm.s32 $0x1B8B  }
0xa2: {  	_ =	swait.ge [sflag:s23], $0x1  }
0xa3: {  	[sflag:s23] =	ssyncset.done $0x0  }
0xa4: {  	s25 =	simm.s32 $0x1B8E;
	s24 =	sld [smem:$0x3FFE];
	[sflag:s23] =	ssyncadd.s32 $0xFFFFFFFF  }
0xa5: {  	s26 =	simm.s32 $execute0_lowered;
	[smem:$0x3FD2] =	sst s25  }
0xa6: {  	s5 =	sshll.u32 s26, $0x1;
	_ =	strace $0x80000049;
	[dreg:$0x1] =	wrdreg $0xFFFFFFFF  }
0xa7: {  	s28 =	simm.s32 $_size_execute0_lowered;
	s3 =	sadd.s32 s3, s5;
	[dreg:$0x0] =	wrdreg $0x0  }
0xa8: {  	s5 =	sshll.u32 s28, $0x1;
	[dreg:$0x2] =	wrdreg s3  }
0xa9: {  	[dreg:$0x3] =	wrdreg s5  }
0xaa: {  	[dreg:$0x4] =	wrdreg $0xC0  }
0xab: {  	_ =	task [dreg:s7], $0x5FFFF  }
0xac: {  	[dreg:$0x1] =	wrdreg $0xFFFFFFFF  }
0xad: {  	[dreg:$0x0] =	wrdreg $0x60  }
0xae: {  	[dreg:$0x2] =	wrdreg s2  }
0xaf: {  	[dreg:$0x3] =	wrdreg s24  }
0xb0: {  	[dreg:$0x4] =	wrdreg $0xAA800  }
0xb1: {  	[dreg:$0x5] =	wrdreg $0x9  }
0xb2: {  	_ =	task.clear_ibuf [dreg:s7], $0x6FFFF;
	_ =	strace $0x90000049  }
0xb3: {  	s29 =	simm.s32 $0x9;
	_ =	strace $0x8000004B  }
0xb4: {  	_ =	swait.ge [sflag:s29], $0x1  }
0xb5: {  	[sflag:s29] =	ssyncadd.s32 $0xFFFFFFFF  }
0xb6: {  	_ =	strace $0x9000004B  }
0xb7: {  	_ =	sfence  }
0xb8: {  	s30 =	sld [smem:$0x0];
	_ =	sdelay $0x2  }
0xb9: {  	s31 =	sshll.u32 s1, $0xD;
	s1 =	sshrl.u32 s1, $0x2  }
0xba: {  	s3 =	sand.u32 $0x4000, s31;
	s1 =	sadd.s32 s1, s30  }
0xbb: {  	s0 =	sor.u32 s3, s0;
	s1 =	sshll.u32 s1, $0x11  }
0xbc: {  	s0 =	sor.u32 s1, s0  }
0xbd: {  	s0 =	sadd.s32 $0x8F2B, s0  }
0xbe: {  	[sflag:s0] =	ssyncadd.remote.s32 $0x1  }
0xbf: {  	_ =	sfence.sel $0xFFFF  }
0xc0: {  	[dreg:$0x0] =	wrdreg $0xFFFFFFFF;
	(pc) =	sbr.abs _section_cstart, $3  }
0xc1: {  	[dreg:$0x1] =	wrdreg $0xFFFFFFFF  }
0xc2: {  	_ =	task.clear_ibuf [dreg:s7], $0x2FFFF;
	_ =	strace $0x9FFFFFFF  }
0xc3: {  	(tm) =	ssettm $0x7FFFFFFF  }
tec
execute0_lowered:
.L_overlay_start_1:
0x0: {  	(tag) =	ssettag $0x1  }
0x1: {  	s0 =	srdreg.scid;
	s1 =	rddreg [dreg:$0x0]  }
0x2: {  	s8 =	stileid.u32;
	s4 =	rddreg [dreg:$0x1]  }
0x3: {  	s28 =	simm.s32 $0x2A80;
	s29 =	simm.s32 $0x6;
	s30 =	simm.s32 $0x40  }
0x4: {  	s31 =	simm.s32 $0x1;
	s0 =	sand.u32 $0x1, s0;
	s6 =	smul.u32 $0x14000, s8  }
0x5: {  	s2 =	sshll.u32 s0, $0x4;
	s5 =	ssub.s32 $0x2, s0;
	s0 =	smul.u32 $0x140000, s0  }
0x6: {  	s3 =	sor.u32 s8, s2;
	s2 =	simm.s32 $0x0;
	s7 =	sshrl.u32 s5, $0x1  }
0x7: {  	s9 =	sadd.s32 $0x4000, s6;
	s10 =	sadd.s32 $0x6000, s6;
	s11 =	sadd.s32 $0x8000, s6  }
0x8: {  	s12 =	sadd.s32 $0xA000, s6;
	s14 =	sadd.s32 $0xC000, s6;
	s22 =	sadd.s32 $0xE000, s6  }
0x9: {  	s23 =	sadd.s32 $0x10000, s6;
	s3 =	smul.u32 $0x500, s3;
	[smem:$0x7FF] =	sst s2  }
0xa: {  	s5 =	ssub.s32 s5, s7;
	s7 =	smul.u32 $0x50000, s8;
	s8 =	sor.u32 $0x2000, s6  }
0xb: {  	s13 =	sadd.s32 s6, s0;
	s6 =	sadd.s32 $0x12000, s6;
	s24 =	sadd.s32 s0, s9  }
0xc: {  	s26 =	sadd.s32 s0, s10;
	s16 =	sadd.s32 s0, s11;
	s18 =	sadd.s32 s0, s12  }
0xd: {  	s20 =	sadd.s32 s0, s14;
	s13 =	sshrl.u32 s13, $0x3;
	s15 =	sadd.s32 s0, s8  }
0xe: {  	s25 =	sshrl.u32 s24, $0x3;
	s24 =	sadd.s32 s0, s22;
	s3 =	sadd.s32 s3, s4  }
0xf: {  	s4 =	sadd.s32 $0xB200, s4;
	s21 =	sshrl.u32 s15, $0x3;
	s15 =	sshrl.u32 s26, $0x3  }
0x10: {  	s26 =	sadd.s32 s0, s23;
	s0 =	sadd.s32 s0, s6;
	s13 =	sadd.s32 s4, s13  }
0x11: {  	s0 =	sshrl.u32 s0, $0x3;
	[dreg:$0x4] =	wrdreg s13;
	s13 =	sadd.s32 s4, s21  }
0x12: {  	s17 =	sshrl.u32 s16, $0x3;
	s0 =	sadd.s32 s4, s0;
	[dreg:$0x5] =	wrdreg s13  }
0x13: {  	s19 =	sshrl.u32 s18, $0x3;
	s13 =	sadd.s32 s4, s25;
	[dreg:$0xd] =	wrdreg s0  }
0x14: {  	s16 =	sshrl.u32 s7, $0x2;
	[dreg:$0x6] =	wrdreg s13;
	s13 =	sadd.s32 s4, s15  }
0x15: {  	s7 =	simm.s32 $0x3;
	[dreg:$0x7] =	wrdreg s13;
	s13 =	sadd.s32 s4, s17  }
0x16: {  	s21 =	sshrl.u32 s20, $0x3;
	[dreg:$0x8] =	wrdreg s13;
	s13 =	sadd.s32 s4, s19  }
0x17: {  	s25 =	sshrl.u32 s24, $0x3;
	[dreg:$0x9] =	wrdreg s13;
	s13 =	sadd.s32 s4, s21  }
0x18: {  	s15 =	sshrl.u32 s26, $0x3;
	[dreg:$0xa] =	wrdreg s13;
	s13 =	sadd.s32 s4, s25  }
0x19: {  	s20 =	smax.u32 s5, $0x1;
	[dreg:$0xb] =	wrdreg s13;
	s13 =	sadd.s32 s4, s15  }
0x1a: {  	s5 =	simm.s32 $0x2A00;
	s0 =	simm.s32 $0x4A80;
	[dreg:$0xc] =	wrdreg s13  }
0x1b: {  	s19 =	sadd.s32 $0x1200, s3;
	s3 =	simm.s32 $0x2980;
	s13 =	rddreg [dreg:$0x2]  }
0x1c: {  	s4 =	simm.s32 $0x8A80;
	_ =	strace $0x8000004A;
	s15 =	sadd.s32 s16, s13  }
0x1d: {  	s16 =	sadd.s32 s8, s13;
	s25 =	sadd.s32 s9, s13;
	s26 =	sadd.s32 s10, s13  }
0x1e: {  	s17 =	sadd.s32 s11, s13;
	s18 =	sadd.s32 s12, s13;
	s21 =	sadd.s32 s14, s13  }
0x1f: {  	s22 =	sadd.s32 s22, s13;
	s23 =	sadd.s32 s23, s13;
	[dreg:$0x10] =	wrdreg s19  }
0x20: {  	s24 =	sadd.s32 s6, s13;
	[dreg:$0x11] =	wrdreg s20;
	s11 =	simm.s32 $0x6A80  }
0x21: {  	s6 =	simm.s32 $0x2;
	s8 =	simm.s32 $0x4;
	[dreg:$0xe] =	wrdreg s17  }
0x22: {  	v0 =	vimm.f32 $0.0e+00;
	s9 =	simm.s32 $0x5;
	s10 =	simm.s32 $0x0;
	[dreg:$0xf] =	wrdreg s18  }
.LBB2_1:
0x23: {  	s12 =	simm.s32 $0x0;
	s14 =	simm.s32 $0x200  }
.LBB2_2:
0x24: {  	p0 =	sne.s32 s14, $0x7E00;
	[tilespmem:s12+$0x2AF0] =	vst v0  }
0x25: {  	[tilespmem:s12+$0x2A80] =	vst v0  }
0x26: {  	[tilespmem:s12+$0x2A90] =	vst v0  }
.Ltmp0:
0x27: {  	[tilespmem:s12+$0x2AA0] =	vst v0;
	(pc) =	sbr.rel @p0 .LBB2_2-.Ltmp0, $4  }
0x28: {  	[tilespmem:s12+$0x2AB0] =	vst v0  }
0x29: {  	[tilespmem:s12+$0x2AC0] =	vst v0  }
0x2a: {  	[tilespmem:s12+$0x2AD0] =	vst v0  }
0x2b: {  	[tilespmem:s12+$0x2AE0] =	vst v0;
	s12 =	sshra.s32 s14, $0x2;
	s14 =	sadd.s32 $0x200, s14  }
0x2c: {  	[tilespmem:s12+$0x2AF0] =	vst v0  }
0x2d: {  	[tilespmem:s12+$0x2A80] =	vst v0  }
0x2e: {  	[tilespmem:s12+$0x2A90] =	vst v0  }
0x2f: {  	[tilespmem:s12+$0x2AA0] =	vst v0  }
0x30: {  	[tilespmem:s12+$0x2AB0] =	vst v0  }
0x31: {  	[tilespmem:s12+$0x2AC0] =	vst v0  }
0x32: {  	[tilespmem:s12+$0x2AD0] =	vst v0  }
0x33: {  	[tilespmem:s12+$0x2AE0] =	vst v0  }
0x34: {  	[spmem:s15] =	stream.linear.scatter [tilespmem:s28], [sflag:$0x6], $0x2000, $0x38;
	[tilespmem:$0x1EA80] =	vst v63  }
0x35: {  	_ =	swait.ge [sflag:s29], $0x2000  }
0x36: {  	[sflag:s29] =	ssyncset.done $0x0  }
0x37: {  	[sflag:s29] =	ssyncadd.s32 $0xFFFFE000  }
0x38: {  	[spmem:s16] =	stream.linear.scatter [tilespmem:s28], [sflag:$0x6], $0x2000, $0x38;
	[tilespmem:$0x1EA80] =	vst v63  }
0x39: {  	_ =	swait.ge [sflag:s29], $0x2000  }
0x3a: {  	[sflag:s29] =	ssyncset.done $0x0  }
0x3b: {  	[sflag:s29] =	ssyncadd.s32 $0xFFFFE000  }
0x3c: {  	[spmem:s25] =	stream.linear.scatter [tilespmem:s28], [sflag:$0x6], $0x2000, $0x38;
	[tilespmem:$0x1EA80] =	vst v63  }
0x3d: {  	_ =	swait.ge [sflag:s29], $0x2000  }
0x3e: {  	[sflag:s29] =	ssyncset.done $0x0  }
0x3f: {  	[sflag:s29] =	ssyncadd.s32 $0xFFFFE000  }
0x40: {  	[spmem:s26] =	stream.linear.scatter [tilespmem:s28], [sflag:$0x6], $0x2000, $0x38;
	[tilespmem:$0x1EA80] =	vst v63  }
0x41: {  	_ =	swait.ge [sflag:s29], $0x2000  }
0x42: {  	[sflag:s29] =	ssyncset.done $0x0  }
0x43: {  	s17 =	smov.u32 s15;
	s15 =	rddreg [dreg:$0xe];
	[sflag:s29] =	ssyncadd.s32 $0xFFFFE000  }
0x44: {  	[spmem:s15] =	stream.linear.scatter [tilespmem:s28], [sflag:$0x6], $0x2000, $0x38;
	[tilespmem:$0x1EA80] =	vst v63  }
0x45: {  	_ =	swait.ge [sflag:s29], $0x2000  }
0x46: {  	[sflag:s29] =	ssyncset.done $0x0  }
0x47: {  	s18 =	smov.u32 s16;
	s16 =	rddreg [dreg:$0xf];
	[sflag:s29] =	ssyncadd.s32 $0xFFFFE000  }
0x48: {  	[spmem:s16] =	stream.linear.scatter [tilespmem:s28], [sflag:$0x6], $0x2000, $0x38;
	[tilespmem:$0x1EA80] =	vst v63  }
0x49: {  	_ =	swait.ge [sflag:s29], $0x2000  }
0x4a: {  	[sflag:s29] =	ssyncset.done $0x0  }
0x4b: {  	[sflag:s29] =	ssyncadd.s32 $0xFFFFE000  }
0x4c: {  	[spmem:s21] =	stream.linear.scatter [tilespmem:s28], [sflag:$0x6], $0x2000, $0x38;
	[tilespmem:$0x1EA80] =	vst v63  }
0x4d: {  	_ =	swait.ge [sflag:s29], $0x2000  }
0x4e: {  	[sflag:s29] =	ssyncset.done $0x0  }
0x4f: {  	[sflag:s29] =	ssyncadd.s32 $0xFFFFE000  }
0x50: {  	[spmem:s22] =	stream.linear.scatter [tilespmem:s28], [sflag:$0x6], $0x2000, $0x38;
	[tilespmem:$0x1EA80] =	vst v63  }
0x51: {  	_ =	swait.ge [sflag:s29], $0x2000  }
0x52: {  	[sflag:s29] =	ssyncset.done $0x0  }
0x53: {  	[sflag:s29] =	ssyncadd.s32 $0xFFFFE000  }
0x54: {  	[spmem:s23] =	stream.linear.scatter [tilespmem:s28], [sflag:$0x6], $0x2000, $0x38;
	[tilespmem:$0x1EA80] =	vst v63  }
0x55: {  	_ =	swait.ge [sflag:s29], $0x2000  }
0x56: {  	[sflag:s29] =	ssyncset.done $0x0  }
0x57: {  	[sflag:s29] =	ssyncadd.s32 $0xFFFFE000  }
0x58: {  	[spmem:s24] =	stream.linear.scatter [tilespmem:s28], [sflag:$0x6], $0x2000, $0x38;
	[tilespmem:$0x1EA80] =	vst v63  }
0x59: {  	_ =	swait.ge [sflag:s29], $0x2000  }
0x5a: {  	s19 =	smov.u32 s25;
	[sflag:s29] =	ssyncset.done $0x0  }
0x5b: {  	s25 =	simm.s32 $0x0;
	s14 =	rddreg [dreg:$0x10];
	[sflag:s29] =	ssyncadd.s32 $0xFFFFE000  }
0x5c: {  	[tilespmem:s25], [sflag:$0x6] =	stream.linear.gather [hbm4b:s14+s25], $0x2800, $0x38;
	[tilespmem:$0x1EA80] =	vst v63  }
0x5d: {  	_ =	swait.ge [sflag:s29], $0x2800  }
0x5e: {  	[sflag:s29] =	ssyncset.done $0x0  }
0x5f: {  	[sflag:s29] =	ssyncadd.s32 $0xFFFFD800  }
0x60: {  	[bflag:$0x0] =	sbarrier.arrive $0xFFFF  }
0x61: {  	v1 =	vld [tilespmem:$0x0]  }
0x62: {  	v2 =	vld [tilespmem:$0x10]  }
0x63: {  	v3 =	vld [tilespmem:$0x20]  }
0x64: {  	v4 =	vld [tilespmem:$0x30];
	_ =	sdelay $0x1  }
0x65: {  	v1 =	vshrl.u32 v1, $0xE  }
0x66: {  	[tilespmem:$0x2800] =	vst v1;
	v1 =	vshrl.u32 v2, $0xE  }
0x67: {  	[tilespmem:$0x2810] =	vst v1;
	v1 =	vshrl.u32 v3, $0xE  }
0x68: {  	[tilespmem:$0x2820] =	vst v1;
	v1 =	vshrl.u32 v4, $0xE  }
0x69: {  	s20 =	smov.u32 s26;
	s26 =	simm.s32 $0x2800;
	[tilespmem:$0x2830] =	vst v1  }
0x6a: {  	[tilespmem:s28], [sflag:$0x1] =	stream.indirect.gather [hbm4b:s1+s30], $0x80, s26, s30, $0xb8;
	[tilespmem:$0x1EA80] =	vst v63  }
0x6b: {  	v1 =	vld [tilespmem:$0x40]  }
0x6c: {  	v2 =	vld [tilespmem:$0x50]  }
0x6d: {  	v3 =	vld [tilespmem:$0x60]  }
0x6e: {  	v62 =	vld [tilespmem:$0x70];
	_ =	sdelay $0x1  }
0x6f: {  	v1 =	vshrl.u32 v1, $0xE  }
0x70: {  	[tilespmem:$0x2880] =	vst v1;
	v1 =	vshrl.u32 v2, $0xE  }
0x71: {  	[tilespmem:$0x2890] =	vst v1;
	v1 =	vshrl.u32 v3, $0xE  }
0x72: {  	[tilespmem:$0x28A0] =	vst v1;
	v1 =	vshrl.u32 v62, $0xE  }
0x73: {  	s14 =	simm.s32 $0x2880;
	[tilespmem:$0x28B0] =	vst v1  }
0x74: {  	[tilespmem:s0], [sflag:$0x2] =	stream.indirect.gather [hbm4b:s1+s30], $0x80, s14, s30, $0xb8;
	[tilespmem:$0x1EA80] =	vst v63  }
0x75: {  	v1 =	vld [tilespmem:$0x80]  }
0x76: {  	v2 =	vld [tilespmem:$0x90]  }
0x77: {  	v3 =	vld [tilespmem:$0xA0]  }
0x78: {  	v63 =	vld [tilespmem:$0xB0];
	_ =	sdelay $0x1  }
0x79: {  	v1 =	vshrl.u32 v1, $0xE  }
0x7a: {  	[tilespmem:$0x2900] =	vst v1;
	v1 =	vshrl.u32 v2, $0xE  }
0x7b: {  	[tilespmem:$0x2910] =	vst v1;
	v1 =	vshrl.u32 v3, $0xE  }
0x7c: {  	[tilespmem:$0x2920] =	vst v1;
	v1 =	vshrl.u32 v63, $0xE  }
0x7d: {  	s15 =	simm.s32 $0x2900;
	[tilespmem:$0x2930] =	vst v1  }
0x7e: {  	[tilespmem:s11], [sflag:$0x3] =	stream.indirect.gather [hbm4b:s1+s30], $0x80, s15, s30, $0xb8;
	[tilespmem:$0x1EA80] =	vst v63  }
0x7f: {  	_ =	swait.ge [sflag:s31], $0x2000  }
0x80: {  	[sflag:s31] =	ssyncset.done $0x0  }
0x81: {  	s16 =	simm.s32 $0x0;
	[sflag:s31] =	ssyncadd.s32 $0xFFFFE000  }
0x82: {  	v1 =	vld [tilespmem:s16+$0xC0];
	_ =	sdelay $0x4  }
0x83: {  	v1 =	vshrl.u32 v1, $0xE  }
0x84: {  	[tilespmem:$0x2980] =	vst v1  }
0x85: {  	v1 =	vld [tilespmem:s16+$0xD0];
	_ =	sdelay $0x4  }
0x86: {  	v1 =	vshrl.u32 v1, $0xE  }
0x87: {  	[tilespmem:$0x2990] =	vst v1  }
0x88: {  	v1 =	vld [tilespmem:s16+$0xE0];
	_ =	sdelay $0x4  }
0x89: {  	v1 =	vshrl.u32 v1, $0xE  }
0x8a: {  	[tilespmem:$0x29A0] =	vst v1  }
0x8b: {  	v1 =	vld [tilespmem:s16+$0xF0];
	_ =	sdelay $0x4  }
0x8c: {  	v1 =	vshrl.u32 v1, $0xE  }
0x8d: {  	[tilespmem:$0x29B0] =	vst v1  }
0x8e: {  	[tilespmem:s4], [sflag:$0x4] =	stream.indirect.gather [hbm4b:s1+s30], $0x80, s3, s30, $0xb8;
	[tilespmem:$0x1EA80] =	vst v63  }
0x8f: {  	v1 =	vld [tilespmem:s16+$0x0];
	_ =	sdelay $0x4  }
0x90: {  	v1 =	vand.u32 $0x3FFF, v1  }
0x91: {  	[tilespmem:$0x2A00] =	vst v1  }
0x92: {  	v1 =	vld [tilespmem:s16+$0x10];
	_ =	sdelay $0x4  }
0x93: {  	v1 =	vand.u32 $0x3FFF, v1  }
0x94: {  	[tilespmem:$0x2A10] =	vst v1  }
0x95: {  	v1 =	vld [tilespmem:s16+$0x20];
	_ =	sdelay $0x4  }
0x96: {  	v1 =	vand.u32 $0x3FFF, v1  }
0x97: {  	[tilespmem:$0x2A20] =	vst v1  }
0x98: {  	v1 =	vld [tilespmem:s16+$0x30];
	_ =	sdelay $0x4  }
0x99: {  	v1 =	vand.u32 $0x3FFF, v1  }
0x9a: {  	[tilespmem:$0x2A30] =	vst v1  }
0x9b: {  	[spmem:s13] =	stream.indirect.scatter.add.f32 [tilespmem:s28], [sflag:$0x6], $0x80, s5, s30, $0xb8;
	[tilespmem:$0x1EA80] =	vst v63  }
0x9c: {  	_ =	swait.ge [sflag:s29], $0x2000  }
0x9d: {  	[sflag:s29] =	ssyncset.done $0x0  }
0x9e: {  	[sflag:s29] =	ssyncadd.s32 $0xFFFFE000  }
0x9f: {  	_ =	swait.ge [sflag:s6], $0x2000  }
0xa0: {  	p0 =	por $0x0, $0x0;
	[sflag:s6] =	ssyncset.done $0x0  }
0xa1: {  	s14 =	simm.s32 @!p0 $0x0;
	[sflag:s6] =	ssyncadd.s32 $0xFFFFE000  }
0xa2: {  	v1 =	vld @!p0 [tilespmem:s14+$0x100];
	_ =	sdelay $0x4  }
0xa3: {  	v1 =	vshrl.u32 @!p0 v1, $0xE  }
0xa4: {  	[tilespmem:$0x2800] =	vst @!p0 v1  }
0xa5: {  	v1 =	vld @!p0 [tilespmem:s14+$0x110];
	_ =	sdelay $0x4  }
0xa6: {  	v1 =	vshrl.u32 @!p0 v1, $0xE  }
0xa7: {  	[tilespmem:$0x2810] =	vst @!p0 v1  }
0xa8: {  	v1 =	vld @!p0 [tilespmem:s14+$0x120];
	_ =	sdelay $0x4  }
0xa9: {  	v1 =	vshrl.u32 @!p0 v1, $0xE  }
0xaa: {  	[tilespmem:$0x2820] =	vst @!p0 v1  }
0xab: {  	v1 =	vld @!p0 [tilespmem:s14+$0x130];
	_ =	sdelay $0x4  }
0xac: {  	v1 =	vshrl.u32 @!p0 v1, $0xE  }
0xad: {  	s25 =	simm.s32 @!p0 $0x40;
	s26 =	simm.s32 @!p0 $0x2800;
	s15 =	simm.s32 @!p0 $0x2A80;
	[tilespmem:$0x2830] =	vst @!p0 v1  }
0xae: {  	[tilespmem:s15], [sflag:$0x1] =	stream.indirect.gather @!p0 [hbm4b:s1+s25], $0x80, s26, s25, $0xb8;
	[tilespmem:$0x1EA80] =	vst v63  }
0xaf: {  	v1 =	vld [tilespmem:s16+$0x40];
	_ =	sdelay $0x4  }
0xb0: {  	v1 =	vand.u32 $0x3FFF, v1  }
0xb1: {  	[tilespmem:$0x2A00] =	vst v1  }
0xb2: {  	v1 =	vld [tilespmem:s16+$0x50];
	_ =	sdelay $0x4  }
0xb3: {  	v1 =	vand.u32 $0x3FFF, v1  }
0xb4: {  	[tilespmem:$0x2A10] =	vst v1  }
0xb5: {  	v1 =	vld [tilespmem:s16+$0x60];
	_ =	sdelay $0x4  }
0xb6: {  	v1 =	vand.u32 $0x3FFF, v1  }
0xb7: {  	[tilespmem:$0x2A20] =	vst v1  }
0xb8: {  	v1 =	vld [tilespmem:s16+$0x70];
	_ =	sdelay $0x4  }
0xb9: {  	v1 =	vand.u32 $0x3FFF, v1  }
0xba: {  	[tilespmem:$0x2A30] =	vst v1  }
0xbb: {  	[spmem:s13] =	stream.indirect.scatter.add.f32 [tilespmem:s0], [sflag:$0x6], $0x80, s5, s30, $0xb8;
	[tilespmem:$0x1EA80] =	vst v63  }
0xbc: {  	_ =	swait.ge [sflag:s29], $0x2000  }
0xbd: {  	[sflag:s29] =	ssyncset.done $0x0  }
0xbe: {  	[sflag:s29] =	ssyncadd.s32 $0xFFFFE000  }
0xbf: {  	_ =	swait.ge [sflag:s7], $0x2000  }
0xc0: {  	[sflag:s7] =	ssyncset.done $0x0  }
0xc1: {  	[sflag:s7] =	ssyncadd.s32 $0xFFFFE000  }
0xc2: {  	v1 =	vld @!p0 [tilespmem:s14+$0x140];
	_ =	sdelay $0x4  }
0xc3: {  	v1 =	vshrl.u32 @!p0 v1, $0xE  }
0xc4: {  	[tilespmem:$0x2880] =	vst @!p0 v1  }
0xc5: {  	v1 =	vld @!p0 [tilespmem:s14+$0x150];
	_ =	sdelay $0x4  }
0xc6: {  	v1 =	vshrl.u32 @!p0 v1, $0xE  }
0xc7: {  	[tilespmem:$0x2890] =	vst @!p0 v1  }
0xc8: {  	v1 =	vld @!p0 [tilespmem:s14+$0x160];
	_ =	sdelay $0x4  }
0xc9: {  	v1 =	vshrl.u32 @!p0 v1, $0xE  }
0xca: {  	[tilespmem:$0x28A0] =	vst @!p0 v1  }
0xcb: {  	v1 =	vld @!p0 [tilespmem:s14+$0x170];
	_ =	sdelay $0x4  }
0xcc: {  	v1 =	vshrl.u32 @!p0 v1, $0xE  }
0xcd: {  	s15 =	simm.s32 @!p0 $0x2880;
	s26 =	simm.s32 @!p0 $0x4A80;
	[tilespmem:$0x28B0] =	vst @!p0 v1  }
0xce: {  	[tilespmem:s26], [sflag:$0x2] =	stream.indirect.gather @!p0 [hbm4b:s1+s25], $0x80, s15, s25, $0xb8;
	[tilespmem:$0x1EA80] =	vst v63  }
0xcf: {  	v1 =	vld [tilespmem:s16+$0x80];
	_ =	sdelay $0x4  }
0xd0: {  	v1 =	vand.u32 $0x3FFF, v1  }
0xd1: {  	[tilespmem:$0x2A00] =	vst v1  }
0xd2: {  	v1 =	vld [tilespmem:s16+$0x90];
	_ =	sdelay $0x4  }
0xd3: {  	v1 =	vand.u32 $0x3FFF, v1  }
0xd4: {  	[tilespmem:$0x2A10] =	vst v1  }
0xd5: {  	v1 =	vld [tilespmem:s16+$0xA0];
	_ =	sdelay $0x4  }
0xd6: {  	v1 =	vand.u32 $0x3FFF, v1  }
0xd7: {  	[tilespmem:$0x2A20] =	vst v1  }
0xd8: {  	v1 =	vld [tilespmem:s16+$0xB0];
	_ =	sdelay $0x4  }
0xd9: {  	v1 =	vand.u32 $0x3FFF, v1  }
0xda: {  	[tilespmem:$0x2A30] =	vst v1  }
0xdb: {  	[spmem:s13] =	stream.indirect.scatter.add.f32 [tilespmem:s11], [sflag:$0x6], $0x80, s5, s30, $0xb8;
	[tilespmem:$0x1EA80] =	vst v63  }
0xdc: {  	_ =	swait.ge [sflag:s29], $0x2000  }
0xdd: {  	[sflag:s29] =	ssyncset.done $0x0  }
0xde: {  	[sflag:s29] =	ssyncadd.s32 $0xFFFFE000  }
0xdf: {  	_ =	swait.ge [sflag:s8], $0x2000  }
0xe0: {  	[sflag:s8] =	ssyncset.done $0x0  }
0xe1: {  	[sflag:s8] =	ssyncadd.s32 $0xFFFFE000  }
0xe2: {  	v1 =	vld @!p0 [tilespmem:s14+$0x180];
	_ =	sdelay $0x4  }
0xe3: {  	v1 =	vshrl.u32 @!p0 v1, $0xE  }
0xe4: {  	[tilespmem:$0x2900] =	vst @!p0 v1  }
0xe5: {  	v1 =	vld @!p0 [tilespmem:s14+$0x190];
	_ =	sdelay $0x4  }
0xe6: {  	v1 =	vshrl.u32 @!p0 v1, $0xE  }
0xe7: {  	[tilespmem:$0x2910] =	vst @!p0 v1  }
0xe8: {  	v1 =	vld @!p0 [tilespmem:s14+$0x1A0];
	_ =	sdelay $0x4  }
0xe9: {  	v1 =	vshrl.u32 @!p0 v1, $0xE  }
0xea: {  	[tilespmem:$0x2920] =	vst @!p0 v1  }
0xeb: {  	v1 =	vld @!p0 [tilespmem:s14+$0x1B0];
	_ =	sdelay $0x4  }
0xec: {  	v1 =	vshrl.u32 @!p0 v1, $0xE  }
0xed: {  	s15 =	simm.s32 @!p0 $0x6A80;
	s14 =	simm.s32 @!p0 $0x2900;
	[tilespmem:$0x2930] =	vst @!p0 v1  }
0xee: {  	[tilespmem:s15], [sflag:$0x3] =	stream.indirect.gather @!p0 [hbm4b:s1+s25], $0x80, s14, s25, $0xb8;
	[tilespmem:$0x1EA80] =	vst v63  }
0xef: {  	v1 =	vld [tilespmem:s16+$0xC0];
	_ =	sdelay $0x4  }
0xf0: {  	v1 =	vand.u32 $0x3FFF, v1  }
0xf1: {  	[tilespmem:$0x2A00] =	vst v1  }
0xf2: {  	v1 =	vld [tilespmem:s16+$0xD0];
	_ =	sdelay $0x4  }
0xf3: {  	v1 =	vand.u32 $0x3FFF, v1  }
0xf4: {  	[tilespmem:$0x2A10] =	vst v1  }
0xf5: {  	v1 =	vld [tilespmem:s16+$0xE0];
	_ =	sdelay $0x4  }
0xf6: {  	v1 =	vand.u32 $0x3FFF, v1  }
0xf7: {  	[tilespmem:$0x2A20] =	vst v1  }
0xf8: {  	v1 =	vld [tilespmem:s16+$0xF0];
	_ =	sdelay $0x4  }
0xf9: {  	v1 =	vand.u32 $0x3FFF, v1  }
0xfa: {  	[tilespmem:$0x2A30] =	vst v1  }
0xfb: {  	[spmem:s13] =	stream.indirect.scatter.add.f32 [tilespmem:s4], [sflag:$0x6], $0x80, s5, s30, $0xb8;
	[tilespmem:$0x1EA80] =	vst v63  }
0xfc: {  	_ =	swait.ge [sflag:s29], $0x2000  }
0xfd: {  	s12 =	simm.s32 $0x400;
	[sflag:s29] =	ssyncset.done $0x0  }
.LBB2_4:
0xfe: {  	[sflag:s29] =	ssyncadd.s32 $0xFFFFE000;
	s25 =	smov.u32 s12;
	s12 =	sadd.s32 $0x400, s12  }
0xff: {  	_ =	swait.ge [sflag:s31], $0x2000;
	p0 =	sne.s32 s12, $0xA000  }
0x100: {  	[sflag:s31] =	ssyncset.done $0x0  }
0x101: {  	s14 =	sshra.s32 s25, $0x2;
	[sflag:s31] =	ssyncadd.s32 $0xFFFFE000  }
0x102: {  	v1 =	vld [tilespmem:s14+$0xC0];
	_ =	sdelay $0x4  }
0x103: {  	v1 =	vshrl.u32 v1, $0xE  }
0x104: {  	[tilespmem:$0x2980] =	vst v1  }
0x105: {  	v1 =	vld [tilespmem:s14+$0xD0];
	_ =	sdelay $0x4  }
0x106: {  	v1 =	vshrl.u32 v1, $0xE  }
0x107: {  	[tilespmem:$0x2990] =	vst v1  }
0x108: {  	v1 =	vld [tilespmem:s14+$0xE0];
	_ =	sdelay $0x4  }
0x109: {  	v1 =	vshrl.u32 v1, $0xE  }
0x10a: {  	[tilespmem:$0x29A0] =	vst v1  }
0x10b: {  	v1 =	vld [tilespmem:s14+$0xF0];
	_ =	sdelay $0x4  }
0x10c: {  	v1 =	vshrl.u32 v1, $0xE  }
0x10d: {  	[tilespmem:$0x29B0] =	vst v1  }
0x10e: {  	[tilespmem:s4], [sflag:$0x4] =	stream.indirect.gather [hbm4b:s1+s30], $0x80, s3, s30, $0xb8;
	[tilespmem:$0x1EA80] =	vst v63  }
0x10f: {  	v1 =	vld [tilespmem:s14+$0x0];
	_ =	sdelay $0x4  }
0x110: {  	v1 =	vand.u32 $0x3FFF, v1  }
0x111: {  	[tilespmem:$0x2A00] =	vst v1  }
0x112: {  	v1 =	vld [tilespmem:s14+$0x10];
	_ =	sdelay $0x4  }
0x113: {  	v1 =	vand.u32 $0x3FFF, v1  }
0x114: {  	[tilespmem:$0x2A10] =	vst v1  }
0x115: {  	v1 =	vld [tilespmem:s14+$0x20];
	_ =	sdelay $0x4  }
0x116: {  	v1 =	vand.u32 $0x3FFF, v1  }
0x117: {  	[tilespmem:$0x2A20] =	vst v1  }
0x118: {  	v1 =	vld [tilespmem:s14+$0x30];
	_ =	sdelay $0x4  }
0x119: {  	v1 =	vand.u32 $0x3FFF, v1  }
0x11a: {  	[tilespmem:$0x2A30] =	vst v1  }
0x11b: {  	[spmem:s13] =	stream.indirect.scatter.add.f32 [tilespmem:s28], [sflag:$0x6], $0x80, s5, s30, $0xb8;
	[tilespmem:$0x1EA80] =	vst v63  }
0x11c: {  	_ =	swait.ge [sflag:s29], $0x2000  }
0x11d: {  	[sflag:s29] =	ssyncset.done $0x0  }
0x11e: {  	[sflag:s29] =	ssyncadd.s32 $0xFFFFE000  }
0x11f: {  	_ =	swait.ge [sflag:s6], $0x2000  }
0x120: {  	p1 =	seq.s32 s25, $0x9C00;
	[sflag:s6] =	ssyncset.done $0x0  }
0x121: {  	s25 =	sshra.s32 @!p1 s25, $0x2;
	[sflag:s6] =	ssyncadd.s32 $0xFFFFE000  }
0x122: {  	v1 =	vld @!p1 [tilespmem:s25+$0x100];
	_ =	sdelay $0x4  }
0x123: {  	v1 =	vshrl.u32 @!p1 v1, $0xE  }
0x124: {  	[tilespmem:$0x2800] =	vst @!p1 v1  }
0x125: {  	v1 =	vld @!p1 [tilespmem:s25+$0x110];
	_ =	sdelay $0x4  }
0x126: {  	v1 =	vshrl.u32 @!p1 v1, $0xE  }
0x127: {  	[tilespmem:$0x2810] =	vst @!p1 v1  }
0x128: {  	v1 =	vld @!p1 [tilespmem:s25+$0x120];
	_ =	sdelay $0x4  }
0x129: {  	v1 =	vshrl.u32 @!p1 v1, $0xE  }
0x12a: {  	[tilespmem:$0x2820] =	vst @!p1 v1  }
0x12b: {  	v1 =	vld @!p1 [tilespmem:s25+$0x130];
	_ =	sdelay $0x4  }
0x12c: {  	v1 =	vshrl.u32 @!p1 v1, $0xE  }
0x12d: {  	s26 =	simm.s32 @!p1 $0x40;
	s15 =	simm.s32 @!p1 $0x2800;
	s16 =	simm.s32 @!p1 $0x2A80;
	[tilespmem:$0x2830] =	vst @!p1 v1  }
0x12e: {  	[tilespmem:s16], [sflag:$0x1] =	stream.indirect.gather @!p1 [hbm4b:s1+s26], $0x80, s15, s26, $0xb8;
	[tilespmem:$0x1EA80] =	vst v63  }
0x12f: {  	v1 =	vld [tilespmem:s14+$0x40];
	_ =	sdelay $0x4  }
0x130: {  	v1 =	vand.u32 $0x3FFF, v1  }
0x131: {  	[tilespmem:$0x2A00] =	vst v1  }
0x132: {  	v1 =	vld [tilespmem:s14+$0x50];
	_ =	sdelay $0x4  }
0x133: {  	v1 =	vand.u32 $0x3FFF, v1  }
0x134: {  	[tilespmem:$0x2A10] =	vst v1  }
0x135: {  	v1 =	vld [tilespmem:s14+$0x60];
	_ =	sdelay $0x4  }
0x136: {  	v1 =	vand.u32 $0x3FFF, v1  }
0x137: {  	[tilespmem:$0x2A20] =	vst v1  }
0x138: {  	v1 =	vld [tilespmem:s14+$0x70];
	_ =	sdelay $0x4  }
0x139: {  	v1 =	vand.u32 $0x3FFF, v1  }
0x13a: {  	[tilespmem:$0x2A30] =	vst v1  }
0x13b: {  	[spmem:s13] =	stream.indirect.scatter.add.f32 [tilespmem:s0], [sflag:$0x6], $0x80, s5, s30, $0xb8;
	[tilespmem:$0x1EA80] =	vst v63  }
0x13c: {  	_ =	swait.ge [sflag:s29], $0x2000  }
0x13d: {  	[sflag:s29] =	ssyncset.done $0x0  }
0x13e: {  	[sflag:s29] =	ssyncadd.s32 $0xFFFFE000  }
0x13f: {  	_ =	swait.ge [sflag:s7], $0x2000  }
0x140: {  	[sflag:s7] =	ssyncset.done $0x0  }
0x141: {  	[sflag:s7] =	ssyncadd.s32 $0xFFFFE000  }
0x142: {  	v1 =	vld @!p1 [tilespmem:s25+$0x140];
	_ =	sdelay $0x4  }
0x143: {  	v1 =	vshrl.u32 @!p1 v1, $0xE  }
0x144: {  	[tilespmem:$0x2880] =	vst @!p1 v1  }
0x145: {  	v1 =	vld @!p1 [tilespmem:s25+$0x150];
	_ =	sdelay $0x4  }
0x146: {  	v1 =	vshrl.u32 @!p1 v1, $0xE  }
0x147: {  	[tilespmem:$0x2890] =	vst @!p1 v1  }
0x148: {  	v1 =	vld @!p1 [tilespmem:s25+$0x160];
	_ =	sdelay $0x4  }
0x149: {  	v1 =	vshrl.u32 @!p1 v1, $0xE  }
0x14a: {  	[tilespmem:$0x28A0] =	vst @!p1 v1  }
0x14b: {  	v1 =	vld @!p1 [tilespmem:s25+$0x170];
	_ =	sdelay $0x4  }
0x14c: {  	v1 =	vshrl.u32 @!p1 v1, $0xE  }
0x14d: {  	s15 =	simm.s32 @!p1 $0x2880;
	s16 =	simm.s32 @!p1 $0x4A80;
	[tilespmem:$0x28B0] =	vst @!p1 v1  }
0x14e: {  	[tilespmem:s16], [sflag:$0x2] =	stream.indirect.gather @!p1 [hbm4b:s1+s26], $0x80, s15, s26, $0xb8;
	[tilespmem:$0x1EA80] =	vst v63  }
0x14f: {  	v1 =	vld [tilespmem:s14+$0x80];
	_ =	sdelay $0x4  }
0x150: {  	v1 =	vand.u32 $0x3FFF, v1  }
0x151: {  	[tilespmem:$0x2A00] =	vst v1  }
0x152: {  	v1 =	vld [tilespmem:s14+$0x90];
	_ =	sdelay $0x4  }
0x153: {  	v1 =	vand.u32 $0x3FFF, v1  }
0x154: {  	[tilespmem:$0x2A10] =	vst v1  }
0x155: {  	v1 =	vld [tilespmem:s14+$0xA0];
	_ =	sdelay $0x4  }
0x156: {  	v1 =	vand.u32 $0x3FFF, v1  }
0x157: {  	[tilespmem:$0x2A20] =	vst v1  }
0x158: {  	v1 =	vld [tilespmem:s14+$0xB0];
	_ =	sdelay $0x4  }
0x159: {  	v1 =	vand.u32 $0x3FFF, v1  }
0x15a: {  	[tilespmem:$0x2A30] =	vst v1  }
0x15b: {  	[spmem:s13] =	stream.indirect.scatter.add.f32 [tilespmem:s11], [sflag:$0x6], $0x80, s5, s30, $0xb8;
	[tilespmem:$0x1EA80] =	vst v63  }
0x15c: {  	_ =	swait.ge [sflag:s29], $0x2000  }
0x15d: {  	[sflag:s29] =	ssyncset.done $0x0  }
0x15e: {  	[sflag:s29] =	ssyncadd.s32 $0xFFFFE000  }
0x15f: {  	_ =	swait.ge [sflag:s8], $0x2000  }
0x160: {  	[sflag:s8] =	ssyncset.done $0x0  }
0x161: {  	[sflag:s8] =	ssyncadd.s32 $0xFFFFE000  }
0x162: {  	v1 =	vld @!p1 [tilespmem:s25+$0x180];
	_ =	sdelay $0x4  }
0x163: {  	v1 =	vshrl.u32 @!p1 v1, $0xE  }
0x164: {  	[tilespmem:$0x2900] =	vst @!p1 v1  }
0x165: {  	v1 =	vld @!p1 [tilespmem:s25+$0x190];
	_ =	sdelay $0x4  }
0x166: {  	v1 =	vshrl.u32 @!p1 v1, $0xE  }
0x167: {  	[tilespmem:$0x2910] =	vst @!p1 v1  }
0x168: {  	v1 =	vld @!p1 [tilespmem:s25+$0x1A0];
	_ =	sdelay $0x4  }
0x169: {  	v1 =	vshrl.u32 @!p1 v1, $0xE  }
0x16a: {  	[tilespmem:$0x2920] =	vst @!p1 v1  }
0x16b: {  	v1 =	vld @!p1 [tilespmem:s25+$0x1B0];
	_ =	sdelay $0x4  }
0x16c: {  	v1 =	vshrl.u32 @!p1 v1, $0xE  }
0x16d: {  	s15 =	simm.s32 @!p1 $0x2900;
	s16 =	simm.s32 @!p1 $0x6A80;
	[tilespmem:$0x2930] =	vst @!p1 v1  }
0x16e: {  	[tilespmem:s16], [sflag:$0x3] =	stream.indirect.gather @!p1 [hbm4b:s1+s26], $0x80, s15, s26, $0xb8;
	[tilespmem:$0x1EA80] =	vst v63  }
0x16f: {  	v1 =	vld [tilespmem:s14+$0xC0];
	_ =	sdelay $0x4  }
0x170: {  	v1 =	vand.u32 $0x3FFF, v1  }
0x171: {  	[tilespmem:$0x2A00] =	vst v1  }
0x172: {  	v1 =	vld [tilespmem:s14+$0xD0];
	_ =	sdelay $0x4  }
0x173: {  	v1 =	vand.u32 $0x3FFF, v1  }
0x174: {  	[tilespmem:$0x2A10] =	vst v1  }
0x175: {  	v1 =	vld [tilespmem:s14+$0xE0];
	_ =	sdelay $0x4  }
0x176: {  	v1 =	vand.u32 $0x3FFF, v1  }
0x177: {  	[tilespmem:$0x2A20] =	vst v1  }
0x178: {  	v1 =	vld [tilespmem:s14+$0xF0];
	_ =	sdelay $0x4  }
.Ltmp1:
0x179: {  	v1 =	vand.u32 $0x3FFF, v1;
	(pc) =	sbr.rel @p0 .LBB2_4-.Ltmp1, $4  }
0x17a: {  	[tilespmem:$0x2A30] =	vst v1  }
0x17b: {  	[spmem:s13] =	stream.indirect.scatter.add.f32 [tilespmem:s4], [sflag:$0x6], $0x80, s5, s30, $0xb8;
	[tilespmem:$0x1EA80] =	vst v63  }
0x17c: {  	_ =	swait.ge [sflag:s29], $0x2000  }
0x17d: {  	[sflag:s29] =	ssyncset.done $0x0  }
0x17e: {  	[sflag:s29] =	ssyncadd.s32 $0xFFFFE000  }
0x17f: {  	[bflag:$0x0] =	sbarrier.arrive $0xFFFF  }
0x180: {  	[tilespmem:s28], [sflag:$0x6] =	stream.linear.gather [spmem:s17], $0x2000, $0x38;
	[tilespmem:$0x1EA80] =	vst v63  }
0x181: {  	_ =	swait.ge [sflag:s29], $0x2000  }
0x182: {  	[sflag:s29] =	ssyncset.done $0x0  }
0x183: {  	s12 =	rddreg [dreg:$0x4];
	[sflag:s29] =	ssyncadd.s32 $0xFFFFE000  }
0x184: {  	[hbm4b:s12+s2] =	stream.linear.scatter [tilespmem:s28], [sflag:$0x5], $0x2000, $0x38;
	[tilespmem:$0x1EA80] =	vst v63  }
0x185: {  	_ = 	snop  }
0x186: {  	[tilespmem:s0], [sflag:$0x6] =	stream.linear.gather [spmem:s18], $0x2000, $0x38;
	[tilespmem:$0x1EA80] =	vst v63  }
0x187: {  	_ =	swait.ge [sflag:s29], $0x2000  }
0x188: {  	[sflag:s29] =	ssyncset.done $0x0  }
0x189: {  	[sflag:s29] =	ssyncadd.s32 $0xFFFFE000  }
0x18a: {  	_ =	swait.ge [sflag:s9], $0x2000  }
0x18b: {  	[sflag:s9] =	ssyncset.done $0x0  }
0x18c: {  	s25 =	rddreg [dreg:$0x5];
	[sflag:s9] =	ssyncadd.s32 $0xFFFFE000  }
0x18d: {  	[hbm4b:s25+s2] =	stream.linear.scatter [tilespmem:s0], [sflag:$0x5], $0x2000, $0x38;
	[tilespmem:$0x1EA80] =	vst v63  }
0x18e: {  	_ = 	snop  }
0x18f: {  	[tilespmem:s28], [sflag:$0x6] =	stream.linear.gather [spmem:s19], $0x2000, $0x38;
	[tilespmem:$0x1EA80] =	vst v63  }
0x190: {  	_ =	swait.ge [sflag:s29], $0x2000  }
0x191: {  	[sflag:s29] =	ssyncset.done $0x0  }
0x192: {  	[sflag:s29] =	ssyncadd.s32 $0xFFFFE000  }
0x193: {  	_ =	swait.ge [sflag:s9], $0x2000  }
0x194: {  	[sflag:s9] =	ssyncset.done $0x0  }
0x195: {  	s26 =	rddreg [dreg:$0x6];
	[sflag:s9] =	ssyncadd.s32 $0xFFFFE000  }
0x196: {  	[hbm4b:s26+s2] =	stream.linear.scatter [tilespmem:s28], [sflag:$0x5], $0x2000, $0x38;
	[tilespmem:$0x1EA80] =	vst v63  }
0x197: {  	_ = 	snop  }
0x198: {  	[tilespmem:s0], [sflag:$0x6] =	stream.linear.gather [spmem:s20], $0x2000, $0x38;
	[tilespmem:$0x1EA80] =	vst v63  }
0x199: {  	_ =	swait.ge [sflag:s29], $0x2000  }
0x19a: {  	[sflag:s29] =	ssyncset.done $0x0  }
0x19b: {  	[sflag:s29] =	ssyncadd.s32 $0xFFFFE000  }
0x19c: {  	_ =	swait.ge [sflag:s9], $0x2000  }
0x19d: {  	[sflag:s9] =	ssyncset.done $0x0  }
0x19e: {  	s14 =	rddreg [dreg:$0x7];
	[sflag:s9] =	ssyncadd.s32 $0xFFFFE000  }
0x19f: {  	[hbm4b:s14+s2] =	stream.linear.scatter [tilespmem:s0], [sflag:$0x5], $0x2000, $0x38;
	[tilespmem:$0x1EA80] =	vst v63  }
0x1a0: {  	s15 =	smov.u32 s17;
	s17 =	rddreg [dreg:$0xe]  }
0x1a1: {  	[tilespmem:s28], [sflag:$0x6] =	stream.linear.gather [spmem:s17], $0x2000, $0x38;
	[tilespmem:$0x1EA80] =	vst v63  }
0x1a2: {  	_ =	swait.ge [sflag:s29], $0x2000  }
0x1a3: {  	[sflag:s29] =	ssyncset.done $0x0  }
0x1a4: {  	[sflag:s29] =	ssyncadd.s32 $0xFFFFE000  }
0x1a5: {  	_ =	swait.ge [sflag:s9], $0x2000  }
0x1a6: {  	[sflag:s9] =	ssyncset.done $0x0  }
0x1a7: {  	s16 =	smov.u32 s18;
	s18 =	rddreg [dreg:$0x8];
	[sflag:s9] =	ssyncadd.s32 $0xFFFFE000  }
0x1a8: {  	[hbm4b:s18+s2] =	stream.linear.scatter [tilespmem:s28], [sflag:$0x5], $0x2000, $0x38;
	[tilespmem:$0x1EA80] =	vst v63  }
0x1a9: {  	s25 =	smov.u32 s19;
	s19 =	rddreg [dreg:$0xf]  }
0x1aa: {  	[tilespmem:s0], [sflag:$0x6] =	stream.linear.gather [spmem:s19], $0x2000, $0x38;
	[tilespmem:$0x1EA80] =	vst v63  }
0x1ab: {  	_ =	swait.ge [sflag:s29], $0x2000  }
0x1ac: {  	[sflag:s29] =	ssyncset.done $0x0  }
0x1ad: {  	[sflag:s29] =	ssyncadd.s32 $0xFFFFE000  }
0x1ae: {  	_ =	swait.ge [sflag:s9], $0x2000  }
0x1af: {  	[sflag:s9] =	ssyncset.done $0x0  }
0x1b0: {  	s26 =	smov.u32 s20;
	s20 =	rddreg [dreg:$0x9];
	[sflag:s9] =	ssyncadd.s32 $0xFFFFE000  }
0x1b1: {  	[hbm4b:s20+s2] =	stream.linear.scatter [tilespmem:s0], [sflag:$0x5], $0x2000, $0x38;
	[tilespmem:$0x1EA80] =	vst v63  }
0x1b2: {  	_ = 	snop  }
0x1b3: {  	[tilespmem:s28], [sflag:$0x6] =	stream.linear.gather [spmem:s21], $0x2000, $0x38;
	[tilespmem:$0x1EA80] =	vst v63  }
0x1b4: {  	_ =	swait.ge [sflag:s29], $0x2000  }
0x1b5: {  	[sflag:s29] =	ssyncset.done $0x0  }
0x1b6: {  	[sflag:s29] =	ssyncadd.s32 $0xFFFFE000  }
0x1b7: {  	_ =	swait.ge [sflag:s9], $0x2000  }
0x1b8: {  	[sflag:s9] =	ssyncset.done $0x0  }
0x1b9: {  	s14 =	rddreg [dreg:$0xa];
	[sflag:s9] =	ssyncadd.s32 $0xFFFFE000  }
0x1ba: {  	[hbm4b:s14+s2] =	stream.linear.scatter [tilespmem:s28], [sflag:$0x5], $0x2000, $0x38;
	[tilespmem:$0x1EA80] =	vst v63  }
0x1bb: {  	_ = 	snop  }
0x1bc: {  	[tilespmem:s0], [sflag:$0x6] =	stream.linear.gather [spmem:s22], $0x2000, $0x38;
	[tilespmem:$0x1EA80] =	vst v63  }
0x1bd: {  	_ =	swait.ge [sflag:s29], $0x2000  }
0x1be: {  	[sflag:s29] =	ssyncset.done $0x0  }
0x1bf: {  	[sflag:s29] =	ssyncadd.s32 $0xFFFFE000  }
0x1c0: {  	_ =	swait.ge [sflag:s9], $0x2000  }
0x1c1: {  	[sflag:s9] =	ssyncset.done $0x0  }
0x1c2: {  	s17 =	rddreg [dreg:$0xb];
	[sflag:s9] =	ssyncadd.s32 $0xFFFFE000  }
0x1c3: {  	[hbm4b:s17+s2] =	stream.linear.scatter [tilespmem:s0], [sflag:$0x5], $0x2000, $0x38;
	[tilespmem:$0x1EA80] =	vst v63  }
0x1c4: {  	_ = 	snop  }
0x1c5: {  	[tilespmem:s28], [sflag:$0x6] =	stream.linear.gather [spmem:s23], $0x2000, $0x38;
	[tilespmem:$0x1EA80] =	vst v63  }
0x1c6: {  	_ =	swait.ge [sflag:s29], $0x2000  }
0x1c7: {  	[sflag:s29] =	ssyncset.done $0x0  }
0x1c8: {  	[sflag:s29] =	ssyncadd.s32 $0xFFFFE000  }
0x1c9: {  	_ =	swait.ge [sflag:s9], $0x2000  }
0x1ca: {  	[sflag:s9] =	ssyncset.done $0x0  }
0x1cb: {  	s18 =	rddreg [dreg:$0xc];
	[sflag:s9] =	ssyncadd.s32 $0xFFFFE000  }
0x1cc: {  	[hbm4b:s18+s2] =	stream.linear.scatter [tilespmem:s28], [sflag:$0x5], $0x2000, $0x38;
	[tilespmem:$0x1EA80] =	vst v63  }
0x1cd: {  	_ = 	snop  }
0x1ce: {  	[tilespmem:s0], [sflag:$0x6] =	stream.linear.gather [spmem:s24], $0x2000, $0x38;
	[tilespmem:$0x1EA80] =	vst v63  }
0x1cf: {  	_ =	swait.ge [sflag:s29], $0x2000  }
0x1d0: {  	[sflag:s29] =	ssyncset.done $0x0  }
0x1d1: {  	[sflag:s29] =	ssyncadd.s32 $0xFFFFE000  }
0x1d2: {  	_ =	swait.ge [sflag:s9], $0x2000  }
0x1d3: {  	[sflag:s9] =	ssyncset.done $0x0  }
0x1d4: {  	s19 =	rddreg [dreg:$0xd];
	[sflag:s9] =	ssyncadd.s32 $0xFFFFE000  }
0x1d5: {  	[hbm4b:s19+s2] =	stream.linear.scatter [tilespmem:s0], [sflag:$0x5], $0x2000, $0x38;
	[tilespmem:$0x1EA80] =	vst v63  }
0x1d6: {  	_ =	swait.ge [sflag:s9], $0x2000  }
0x1d7: {  	s10 =	sadd.s32 $0x1, s10;
	s20 =	rddreg [dreg:$0x11]  }
0x1d8: {  	p0 =	sne.s32 s10, s20  }
.Ltmp2:
0x1d9: {  	_ = 	snop;
	(pc) =	sbr.rel @p0 .LBB2_1-.Ltmp2, $3  }
0x1da: {  	_ =	sdelay $0x1  }
0x1db: {  	[sflag:s9] =	ssyncset.done $0x0  }
0x1dc: {  	[sflag:s9] =	ssyncadd.s32 $0xFFFFE000  }
0x1dd: {  	_ =	sfence.sel $0x180000  }
0x1de: {  	[bflag:$0x0] =	sbarrier.arrive $0xFFFF  }
0x1df: {  	_ =	strace $0x9000004A  }
0x1e0: {  	s0 =	stileid.u32;
	[bflag:$0x2] =	sbarrier.arrive $0xFFFF  }
0x1e1: {  	p0 =	sne.s32 s0, $0x0;
	s0 =	rddreg [dreg:$0x3]  }
0x1e2: {  	s0 =	sadd.s32 @!p0 $0x100000, s0  }
0x1e3: {  	[sflag:s0] =	ssyncadd.tile.s32 @!p0 $0x1;
	_ =	shalt  }
.Lfunc_end2:
_tile_overlayer_lowered:
.L_overlay_start_2:
0x1e4: {  	(tag) =	ssettag $0x2  }
0x1e5: {  	s0 =	rddreg [dreg:$0x0];
	s2 =	stileid.u32  }
0x1e6: {  	s1 =	rddreg [dreg:$0x1];
	p0 =	sne.s32 s2, $0x0  }
0x1e7: {  	s3 =	rddreg [dreg:$0x2];
	[bflag:$0x3] =	sbarrier.arrive $0xFFFF;
	s2 =	simm.s32 @!p0 $0x1C06  }
0x1e8: {  	[timem:s3], [sflag:s2] =	dma.local @!p0 [hbm:s0], s1  }
0x1e9: {  	s0 =	simm.s32 @!p0 $0x6  }
0x1ea: {  	_ =	swait.ge @!p0 [sflag:s0], s1  }
0x1eb: {  	s1 =	ssub.s32 @!p0 $0x0, s1;
	[sflag:s0] =	ssyncset.done @!p0 $0x0  }
0x1ec: {  	[sflag:s0] =	ssyncadd.s32 @!p0 s1  }
0x1ed: {  	[bflag:$0x3] =	sbarrier.arrive $0xFFFF  }
0x1ee: {  	_ =	shalt  }

</sc_bundles>
